<compile_context>
chip_gen: v7x
topology: tpu7x:2x2x1
jax: 0.10.2.dev20260603
libtpu: 0.0.44.dev20260713+nightly
codegen_flags: <defaults>
</compile_context>

<pallas_src>
import functools

import jax
import jax.numpy as jnp
from jax import lax
from jax.experimental import pallas as pl
from jax.experimental.pallas import tpu as pltpu
from jax.experimental.pallas import tpu_sc as plsc

PRE_SEQ_LEN = 128
LAYER_NUM = 32
HEAD_NUM_KV = 8
SIZE_PER_HEAD = 128
EMB_DIM = LAYER_NUM * SIZE_PER_HEAD * HEAD_NUM_KV * 2
BATCH = 8

CHUNKS = EMB_DIM // SIZE_PER_HEAD
NUM_TASKS = BATCH * CHUNKS
LANES = 16

PCH = 16
PHASES = (CHUNKS // 2) // PCH
TPP = PCH // 2
NBUF = 4
LAG = 2
NSTAGE = 3
R_PER_TILE = PRE_SEQ_LEN // 16

_mesh = plsc.VectorSubcoreMesh(core_axis_name="core", subcore_axis_name="subcore")


@functools.partial(
    pl.kernel,
    out_type=jax.ShapeDtypeStruct((NUM_TASKS, PRE_SEQ_LEN, SIZE_PER_HEAD), jnp.float32),
    mesh=_mesh,
    scratch_types=[
        pltpu.VMEM((PRE_SEQ_LEN,), jnp.int32),
        pltpu.VMEM((PCH, PRE_SEQ_LEN), jnp.int32),
        pltpu.VMEM((NBUF, PRE_SEQ_LEN, SIZE_PER_HEAD), jnp.float32),
        pltpu.VMEM_SHARED((NSTAGE, PRE_SEQ_LEN * PCH, SIZE_PER_HEAD), jnp.float32),
        pltpu.SemaphoreType.DMA,
    ]
    + [pltpu.SemaphoreType.DMA] * (2 * NBUF),
)
def _gather_kernel(table, prefix, out, base_v, idx_v, rows_v, stage, ssem, *sems):
    gsem = sems[:NBUF]
    osem = sems[NBUF:]
    core = lax.axis_index("core")
    sid = lax.axis_index("subcore")
    b = sid // 2
    half = sid % 2
    c_sc = core * (CHUNKS // 2)

    pltpu.sync_copy(prefix.at[b], base_v)
    for i in range(PRE_SEQ_LEN // LANES):
        sl = pl.ds(i * LANES, LANES)
        base_v[sl] = base_v[sl] * PCH
    for ci in range(PCH):
        for i in range(PRE_SEQ_LEN // LANES):
            sl = pl.ds(i * LANES, LANES)
            idx_v[ci, sl] = base_v[sl] + ci

    def fire_staging(p):
        nb = p % NSTAGE
        cstart = c_sc + p * PCH
        for k in range(R_PER_TILE):
            r = sid * R_PER_TILE + k
            pltpu.async_copy(
                table.at[r, pl.ds(cstart, PCH)], stage.at[nb, pl.ds(r * PCH, PCH)], ssem
            )

    def wait_staging(p):
        nb = p % NSTAGE
        cstart = c_sc + p * PCH
        for k in range(R_PER_TILE):
            r = sid * R_PER_TILE + k
            pltpu.make_async_copy(
                table.at[r, pl.ds(cstart, PCH)], stage.at[nb, pl.ds(r * PCH, PCH)], ssem
            ).wait()

    def out_row(p, k):
        return b * CHUNKS + c_sc + p * PCH + half * TPP + k

    def fire_out(buf, t):
        pltpu.async_copy(rows_v.at[buf], out.at[t], osem[buf])

    def wait_out(buf, t):
        pltpu.make_async_copy(rows_v.at[buf], out.at[t], osem[buf]).wait()

    def fire_gather(p, k):
        bb = k % NBUF
        j = p * TPP + k
        cl = half * TPP + k

        @pl.when(j >= NBUF)
        def _():
            wait_out(bb, out_row(p, k))

        pltpu.async_copy(stage.at[p % NSTAGE].at[idx_v.at[cl]], rows_v.at[bb], gsem[bb])

    def retire(p, k):
        bb = k % NBUF
        cl = half * TPP + k
        pltpu.make_async_copy(
            stage.at[p % NSTAGE].at[idx_v.at[cl]], rows_v.at[bb], gsem[bb]
        ).wait()
        fire_out(bb, out_row(p, k))

    fire_staging(0)
    wait_staging(0)
    plsc.subcore_barrier()

    def phase_body(p, carry):
        @pl.when(p < PHASES - 1)
        def _():
            fire_staging(p + 1)

        for l in range(LAG):
            fire_gather(p, l)

            @pl.when(p > 0)
            def _():
                retire(p - 1, TPP - LAG + l)

        for k in range(TPP - LAG):
            fire_gather(p, k + LAG)
            retire(p, k)

        @pl.when(p < PHASES - 1)
        def _():
            wait_staging(p + 1)

        plsc.subcore_barrier()
        return carry

    lax.fori_loop(0, PHASES, phase_body, 0)

    for l in range(LAG):
        retire(PHASES - 1, TPP - LAG + l)
    for k in range(TPP - NBUF, TPP):
        wait_out(k % NBUF, out_row(PHASES - 1, k))


def kernel(prefix, embedding):
    table = embedding.reshape(PRE_SEQ_LEN, CHUNKS, SIZE_PER_HEAD)
    out = _gather_kernel(table, prefix)
    return out.reshape(BATCH, LAYER_NUM * 2, HEAD_NUM_KV, PRE_SEQ_LEN, SIZE_PER_HEAD)

# --- scband reference (transcript-rebuilt; emitter-appended) ---
"""Pipeline reference for scband-prefix-encoder-541165879445 (READ-ONLY COPY).

The authoritative reference and input builder live on the scoring server;
editing this copy changes nothing except your own understanding.
"""

import jax, jax.numpy as jnp
import numpy as np

PRE_SEQ_LEN = 128
LAYER_NUM = 32
HEAD_NUM_KV = 8
SIZE_PER_HEAD = 128
EMB_DIM = LAYER_NUM * SIZE_PER_HEAD * HEAD_NUM_KV * 2  # 65536
BATCH = 8


def setup_inputs(seed: int = 0) -> dict:
    key = jax.random.key(seed)
    k1, k2 = jax.random.split(key)
    prefix = jax.random.randint(k1, (BATCH, PRE_SEQ_LEN), 0, PRE_SEQ_LEN, dtype=jnp.int32)
    embedding = jax.random.normal(k2, (PRE_SEQ_LEN, EMB_DIM), dtype=jnp.float32) * 0.02
    return {"prefix": prefix, "embedding": embedding}


def reference(prefix, embedding):
    # prefix_projection = False branch: plain embedding lookup
    batch_size = prefix.shape[0]
    past_key_values = jnp.take(embedding, prefix, axis=0)  # [B, pre_seq_len, layer*2*head_kv*dph]
    past_key_values = past_key_values.reshape(
        batch_size, PRE_SEQ_LEN, LAYER_NUM * 2, HEAD_NUM_KV, SIZE_PER_HEAD
    )
    past_key_values = jnp.transpose(past_key_values, (0, 2, 3, 1, 4))
    return past_key_values

if __name__ == "__main__":
    import jax
    _d = setup_inputs()
    print(jax.jit(kernel)(*tuple(_d.values())))

</pallas_src>

<mosaic_0001>
#map = affine_map<(d0, d1) -> (0, 0, 0)>
#map1 = affine_map<(d0, d1) -> (0, 0)>
module attributes {stable_mosaic.version = 14 : i64} {
  func.func @_gather_kernel(%arg0: i32, %arg1: i32, %arg2: memref<128x512x128xf32, #tpu.memory_space<hbm>>, %arg3: memref<8x128xi32, #tpu.memory_space<hbm>>, %arg4: memref<4096x128x128xf32, #tpu.memory_space<hbm>>, %arg5: memref<128xi32, #tpu.memory_space<vmem>>, %arg6: memref<16x128xi32, #tpu.memory_space<vmem>>, %arg7: memref<4x128x128xf32, #tpu.memory_space<vmem>>, %arg8: memref<3x2048x128xf32, #tpu.memory_space<vmem_shared>>, %arg9: memref<!tpu.dma_semaphore, #tpu.memory_space<semaphore_mem>>, %arg10: memref<!tpu.dma_semaphore, #tpu.memory_space<semaphore_mem>>, %arg11: memref<!tpu.dma_semaphore, #tpu.memory_space<semaphore_mem>>, %arg12: memref<!tpu.dma_semaphore, #tpu.memory_space<semaphore_mem>>, %arg13: memref<!tpu.dma_semaphore, #tpu.memory_space<semaphore_mem>>, %arg14: memref<!tpu.dma_semaphore, #tpu.memory_space<semaphore_mem>>, %arg15: memref<!tpu.dma_semaphore, #tpu.memory_space<semaphore_mem>>, %arg16: memref<!tpu.dma_semaphore, #tpu.memory_space<semaphore_mem>>, %arg17: memref<!tpu.dma_semaphore, #tpu.memory_space<semaphore_mem>>) attributes {dimension_semantics = [#tpu.dimension_semantics<core_parallel>, #tpu.dimension_semantics<subcore_parallel>], iteration_bounds = array<i64: 2, 16>, scalar_prefetch = 0 : i64, scratch_operands = 13 : i64, tpu.core_type = #tpu.core_type<sc_vector_subcore>, window_params = [{transform_indices = #map}, {transform_indices = #map1}, {transform_indices = #map}]} {
    %jit3A = arith.constant 2 : i32
    %div3A = arith.divsi %arg1, %jit3A : i32
    %sign3A = arith.constant 0 : i32
    %sign3A_0 = arith.cmpi sgt, %arg1, %sign3A : i32
    %sign3A_1 = arith.extui %sign3A_0 : i1 to i32
    %sign3A_2 = arith.constant 0 : i32
    %sign3A_3 = arith.cmpi slt, %arg1, %sign3A_2 : i32
    %sign3A_4 = arith.extui %sign3A_3 : i1 to i32
    %sign3A_5 = arith.subi %sign3A_1, %sign3A_4 : i32
    %sign3A_6 = arith.constant 0 : i32
    %sign3A_7 = arith.cmpi sgt, %jit3A, %sign3A_6 : i32
    %sign3A_8 = arith.extui %sign3A_7 : i1 to i32
    %sign3A_9 = arith.constant 0 : i32
    %sign3A_10 = arith.cmpi slt, %jit3A, %sign3A_9 : i32
    %sign3A_11 = arith.extui %sign3A_10 : i1 to i32
    %sign3A_12 = arith.subi %sign3A_8, %sign3A_11 : i32
    %ne3A = arith.cmpi ne, %sign3A_5, %sign3A_12 : i32
    %rem3A = arith.remsi %arg1, %jit3A : i32
    %ne3A_13 = arith.constant 0 : i32
    %ne3A_14 = arith.cmpi ne, %rem3A, %ne3A_13 : i32
    %and3A = arith.andi %ne3A, %ne3A_14 : i1
    %sub3A = arith.constant 1 : i32
    %sub3A_15 = arith.subi %div3A, %sub3A : i32
    %select_n3A = arith.select %and3A, %sub3A_15, %div3A : i32
    %jit3A_16 = arith.constant 2 : i32
    %eq3A = arith.constant 0 : i32
    %eq3A_17 = arith.cmpi eq, %jit3A_16, %eq3A : i32
    %jit3A_18 = arith.constant 1 : i32
    %select_n3A_19 = arith.select %eq3A_17, %jit3A_18, %jit3A_16 : i32
    %rem3A_20 = arith.remsi %arg1, %select_n3A_19 : i32
    %ne3A_21 = arith.constant 0 : i32
    %ne3A_22 = arith.cmpi ne, %rem3A_20, %ne3A_21 : i32
    %lt3A = arith.constant 0 : i32
    %lt3A_23 = arith.cmpi slt, %rem3A_20, %lt3A : i32
    %lt3A_24 = arith.constant 0 : i32
    %lt3A_25 = arith.cmpi slt, %select_n3A_19, %lt3A_24 : i32
    %ne3A_26 = arith.xori %lt3A_23, %lt3A_25 : i1
    %and3A_27 = arith.andi %ne3A_26, %ne3A_22 : i1
    %add3A = arith.addi %rem3A_20, %select_n3A_19 : i32
    %select_n3A_28 = arith.select %and3A_27, %add3A, %rem3A_20 : i32
    %mul3A = arith.constant 256 : i32
    %mul3A_29 = arith.muli %arg0, %mul3A : i32
    "tpu.region"() ({
      %run_scoped3A = tpu.sem_alloc : memref<!tpu.dma_semaphore, #tpu.memory_space<semaphore_mem>>
      %dma_start3A_2061 = arith.constant 0 : i32
      %dma_start3A_2062 = tpu.memref_slice %arg3[%select_n3A, %dma_start3A_2061] : memref<8x128xi32, #tpu.memory_space<hbm>> -> memref<1x128xi32, #tpu.memory_space<hbm>>
      %dma_start3A_2063 = tpu.memref_squeeze %dma_start3A_2062 : memref<1x128xi32, #tpu.memory_space<hbm>> -> memref<128xi32, #tpu.memory_space<hbm>>
      %dma_start3A_2064 = arith.constant 0 : i32
      %dma_start3A_2065 = tpu.memref_slice %arg3[%select_n3A, %dma_start3A_2064] : memref<8x128xi32, #tpu.memory_space<hbm>> -> memref<1x128xi32, #tpu.memory_space<hbm>>
      %dma_start3A_2066 = tpu.memref_squeeze %dma_start3A_2065 : memref<1x128xi32, #tpu.memory_space<hbm>> -> memref<128xi32, #tpu.memory_space<hbm>>
      tpu.enqueue_dma source(%dma_start3A_2066 : memref<128xi32, #tpu.memory_space<hbm>>) target(%arg5 : memref<128xi32, #tpu.memory_space<vmem>>) target_semaphore(%run_scoped3A : memref<!tpu.dma_semaphore, #tpu.memory_space<semaphore_mem>>)
      %dma_wait3A_2067 = arith.constant 0 : i32
      %dma_wait3A_2068 = tpu.memref_slice %arg3[%select_n3A, %dma_wait3A_2067] : memref<8x128xi32, #tpu.memory_space<hbm>> -> memref<1x128xi32, #tpu.memory_space<hbm>>
      %dma_wait3A_2069 = tpu.memref_squeeze %dma_wait3A_2068 : memref<1x128xi32, #tpu.memory_space<hbm>> -> memref<128xi32, #tpu.memory_space<hbm>>
      %dma_wait3A_2070 = arith.constant 0 : i32
      %dma_wait3A_2071 = tpu.memref_slice %arg3[%select_n3A, %dma_wait3A_2070] : memref<8x128xi32, #tpu.memory_space<hbm>> -> memref<1x128xi32, #tpu.memory_space<hbm>>
      %dma_wait3A_2072 = tpu.memref_squeeze %dma_wait3A_2071 : memref<1x128xi32, #tpu.memory_space<hbm>> -> memref<128xi32, #tpu.memory_space<hbm>>
      tpu.wait_dma2 semaphore(%run_scoped3A : memref<!tpu.dma_semaphore, #tpu.memory_space<semaphore_mem>>) src(%dma_wait3A_2072 : memref<128xi32, #tpu.memory_space<hbm>>) dst(%arg5 : memref<128xi32, #tpu.memory_space<vmem>>)
      tpu.yield
    }) : () -> ()
    %get3A = arith.constant 0 : index
    %get3A_30 = tpu.vector_load %arg5[%get3A] {strides = array<i32>} : memref<128xi32, #tpu.memory_space<vmem>>, vector<16xi32>,
    %get3A_31 = vector.shape_cast %get3A_30 : vector<16xi32> to vector<16xi32>
    %mul3A_32 = arith.constant 16 : i32
    %mul3A_33 = vector.broadcast %mul3A_32 : i32 to vector<16xi32>
    %mul3A_34 = arith.muli %get3A_31, %mul3A_33 : vector<16xi32>
    %swap3A = arith.constant 0 : index
    %swap3A_35 = tpu.vector_load %arg5[%swap3A] {strides = array<i32>} : memref<128xi32, #tpu.memory_space<vmem>>, vector<16xi32>,
    %swap3A_36 = vector.shape_cast %swap3A_35 : vector<16xi32> to vector<16xi32>
    %swap3A_37 = vector.shape_cast %mul3A_34 : vector<16xi32> to vector<16xi32>
    tpu.vector_store %arg5[%swap3A], %swap3A_37 {strides = array<i32>} : memref<128xi32, #tpu.memory_space<vmem>>, vector<16xi32>,
    %get3A_38 = arith.constant 16 : index
    %get3A_39 = tpu.vector_load %arg5[%get3A_38] {strides = array<i32>} : memref<128xi32, #tpu.memory_space<vmem>>, vector<16xi32>,
    %get3A_40 = vector.shape_cast %get3A_39 : vector<16xi32> to vector<16xi32>
    %mul3A_41 = arith.constant 16 : i32
    %mul3A_42 = vector.broadcast %mul3A_41 : i32 to vector<16xi32>
    %mul3A_43 = arith.muli %get3A_40, %mul3A_42 : vector<16xi32>
    %swap3A_44 = arith.constant 16 : index
    %swap3A_45 = tpu.vector_load %arg5[%swap3A_44] {strides = array<i32>} : memref<128xi32, #tpu.memory_space<vmem>>, vector<16xi32>,
    %swap3A_46 = vector.shape_cast %swap3A_45 : vector<16xi32> to vector<16xi32>
    %swap3A_47 = vector.shape_cast %mul3A_43 : vector<16xi32> to vector<16xi32>
    tpu.vector_store %arg5[%swap3A_44], %swap3A_47 {strides = array<i32>} : memref<128xi32, #tpu.memory_space<vmem>>, vector<16xi32>,
    %get3A_48 = arith.constant 32 : index
    %get3A_49 = tpu.vector_load %arg5[%get3A_48] {strides = array<i32>} : memref<128xi32, #tpu.memory_space<vmem>>, vector<16xi32>,
    %get3A_50 = vector.shape_cast %get3A_49 : vector<16xi32> to vector<16xi32>
    %mul3A_51 = arith.constant 16 : i32
    %mul3A_52 = vector.broadcast %mul3A_51 : i32 to vector<16xi32>
    %mul3A_53 = arith.muli %get3A_50, %mul3A_52 : vector<16xi32>
    %swap3A_54 = arith.constant 32 : index
    %swap3A_55 = tpu.vector_load %arg5[%swap3A_54] {strides = array<i32>} : memref<128xi32, #tpu.memory_space<vmem>>, vector<16xi32>,
    %swap3A_56 = vector.shape_cast %swap3A_55 : vector<16xi32> to vector<16xi32>
    %swap3A_57 = vector.shape_cast %mul3A_53 : vector<16xi32> to vector<16xi32>
    tpu.vector_store %arg5[%swap3A_54], %swap3A_57 {strides = array<i32>} : memref<128xi32, #tpu.memory_space<vmem>>, vector<16xi32>,
    %get3A_58 = arith.constant 48 : index
    %get3A_59 = tpu.vector_load %arg5[%get3A_58] {strides = array<i32>} : memref<128xi32, #tpu.memory_space<vmem>>, vector<16xi32>,
    %get3A_60 = vector.shape_cast %get3A_59 : vector<16xi32> to vector<16xi32>
    %mul3A_61 = arith.constant 16 : i32
    %mul3A_62 = vector.broadcast %mul3A_61 : i32 to vector<16xi32>
    %mul3A_63 = arith.muli %get3A_60, %mul3A_62 : vector<16xi32>
    %swap3A_64 = arith.constant 48 : index
    %swap3A_65 = tpu.vector_load %arg5[%swap3A_64] {strides = array<i32>} : memref<128xi32, #tpu.memory_space<vmem>>, vector<16xi32>,
    %swap3A_66 = vector.shape_cast %swap3A_65 : vector<16xi32> to vector<16xi32>
    %swap3A_67 = vector.shape_cast %mul3A_63 : vector<16xi32> to vector<16xi32>
    tpu.vector_store %arg5[%swap3A_64], %swap3A_67 {strides = array<i32>} : memref<128xi32, #tpu.memory_space<vmem>>, vector<16xi32>,
    %get3A_68 = arith.constant 64 : index
    %get3A_69 = tpu.vector_load %arg5[%get3A_68] {strides = array<i32>} : memref<128xi32, #tpu.memory_space<vmem>>, vector<16xi32>,
    %get3A_70 = vector.shape_cast %get3A_69 : vector<16xi32> to vector<16xi32>
    %mul3A_71 = arith.constant 16 : i32
    %mul3A_72 = vector.broadcast %mul3A_71 : i32 to vector<16xi32>
    %mul3A_73 = arith.muli %get3A_70, %mul3A_72 : vector<16xi32>
    %swap3A_74 = arith.constant 64 : index
    %swap3A_75 = tpu.vector_load %arg5[%swap3A_74] {strides = array<i32>} : memref<128xi32, #tpu.memory_space<vmem>>, vector<16xi32>,
    %swap3A_76 = vector.shape_cast %swap3A_75 : vector<16xi32> to vector<16xi32>
    %swap3A_77 = vector.shape_cast %mul3A_73 : vector<16xi32> to vector<16xi32>
    tpu.vector_store %arg5[%swap3A_74], %swap3A_77 {strides = array<i32>} : memref<128xi32, #tpu.memory_space<vmem>>, vector<16xi32>,
    %get3A_78 = arith.constant 80 : index
    %get3A_79 = tpu.vector_load %arg5[%get3A_78] {strides = array<i32>} : memref<128xi32, #tpu.memory_space<vmem>>, vector<16xi32>,
    %get3A_80 = vector.shape_cast %get3A_79 : vector<16xi32> to vector<16xi32>
    %mul3A_81 = arith.constant 16 : i32
    %mul3A_82 = vector.broadcast %mul3A_81 : i32 to vector<16xi32>
    %mul3A_83 = arith.muli %get3A_80, %mul3A_82 : vector<16xi32>
    %swap3A_84 = arith.constant 80 : index
    %swap3A_85 = tpu.vector_load %arg5[%swap3A_84] {strides = array<i32>} : memref<128xi32, #tpu.memory_space<vmem>>, vector<16xi32>,
    %swap3A_86 = vector.shape_cast %swap3A_85 : vector<16xi32> to vector<16xi32>
    %swap3A_87 = vector.shape_cast %mul3A_83 : vector<16xi32> to vector<16xi32>
    tpu.vector_store %arg5[%swap3A_84], %swap3A_87 {strides = array<i32>} : memref<128xi32, #tpu.memory_space<vmem>>, vector<16xi32>,
    %get3A_88 = arith.constant 96 : index
    %get3A_89 = tpu.vector_load %arg5[%get3A_88] {strides = array<i32>} : memref<128xi32, #tpu.memory_space<vmem>>, vector<16xi32>,
    %get3A_90 = vector.shape_cast %get3A_89 : vector<16xi32> to vector<16xi32>
    %mul3A_91 = arith.constant 16 : i32
    %mul3A_92 = vector.broadcast %mul3A_91 : i32 to vector<16xi32>
    %mul3A_93 = arith.muli %get3A_90, %mul3A_92 : vector<16xi32>
    %swap3A_94 = arith.constant 96 : index
    %swap3A_95 = tpu.vector_load %arg5[%swap3A_94] {strides = array<i32>} : memref<128xi32, #tpu.memory_space<vmem>>, vector<16xi32>,
    %swap3A_96 = vector.shape_cast %swap3A_95 : vector<16xi32> to vector<16xi32>
    %swap3A_97 = vector.shape_cast %mul3A_93 : vector<16xi32> to vector<16xi32>
    tpu.vector_store %arg5[%swap3A_94], %swap3A_97 {strides = array<i32>} : memref<128xi32, #tpu.memory_space<vmem>>, vector<16xi32>,
    %get3A_98 = arith.constant 112 : index
    %get3A_99 = tpu.vector_load %arg5[%get3A_98] {strides = array<i32>} : memref<128xi32, #tpu.memory_space<vmem>>, vector<16xi32>,
    %get3A_100 = vector.shape_cast %get3A_99 : vector<16xi32> to vector<16xi32>
    %mul3A_101 = arith.constant 16 : i32
    %mul3A_102 = vector.broadcast %mul3A_101 : i32 to vector<16xi32>
    %mul3A_103 = arith.muli %get3A_100, %mul3A_102 : vector<16xi32>
    %swap3A_104 = arith.constant 112 : index
    %swap3A_105 = tpu.vector_load %arg5[%swap3A_104] {strides = array<i32>} : memref<128xi32, #tpu.memory_space<vmem>>, vector<16xi32>,
    %swap3A_106 = vector.shape_cast %swap3A_105 : vector<16xi32> to vector<16xi32>
    %swap3A_107 = vector.shape_cast %mul3A_103 : vector<16xi32> to vector<16xi32>
    tpu.vector_store %arg5[%swap3A_104], %swap3A_107 {strides = array<i32>} : memref<128xi32, #tpu.memory_space<vmem>>, vector<16xi32>,
    %get3A_108 = arith.constant 0 : index
    %get3A_109 = tpu.vector_load %arg5[%get3A_108] {strides = array<i32>} : memref<128xi32, #tpu.memory_space<vmem>>, vector<16xi32>,
    %get3A_110 = vector.shape_cast %get3A_109 : vector<16xi32> to vector<16xi32>
    %add3A_111 = arith.constant 0 : i32
    %add3A_112 = vector.broadcast %add3A_111 : i32 to vector<16xi32>
    %add3A_113 = arith.addi %get3A_110, %add3A_112 : vector<16xi32>
    %swap3A_114 = arith.constant 0 : i32
    %swap3A_115 = arith.index_cast %swap3A_114 : i32 to index
    %swap3A_116 = arith.constant 0 : index
    %swap3A_117 = tpu.vector_load %arg6[%swap3A_115, %swap3A_116] {strides = array<i32>} : memref<16x128xi32, #tpu.memory_space<vmem>>, vector<1x16xi32>,
    %swap3A_118 = vector.shape_cast %swap3A_117 : vector<1x16xi32> to vector<16xi32>
    %swap3A_119 = vector.shape_cast %add3A_113 : vector<16xi32> to vector<1x16xi32>
    tpu.vector_store %arg6[%swap3A_115, %swap3A_116], %swap3A_119 {strides = array<i32>} : memref<16x128xi32, #tpu.memory_space<vmem>>, vector<1x16xi32>,
    %get3A_120 = arith.constant 16 : index
    %get3A_121 = tpu.vector_load %arg5[%get3A_120] {strides = array<i32>} : memref<128xi32, #tpu.memory_space<vmem>>, vector<16xi32>,
    %get3A_122 = vector.shape_cast %get3A_121 : vector<16xi32> to vector<16xi32>
    %add3A_123 = arith.constant 0 : i32
    %add3A_124 = vector.broadcast %add3A_123 : i32 to vector<16xi32>
    %add3A_125 = arith.addi %get3A_122, %add3A_124 : vector<16xi32>
    %swap3A_126 = arith.constant 0 : i32
    %swap3A_127 = arith.index_cast %swap3A_126 : i32 to index
    %swap3A_128 = arith.constant 16 : index
    %swap3A_129 = tpu.vector_load %arg6[%swap3A_127, %swap3A_128] {strides = array<i32>} : memref<16x128xi32, #tpu.memory_space<vmem>>, vector<1x16xi32>,
    %swap3A_130 = vector.shape_cast %swap3A_129 : vector<1x16xi32> to vector<16xi32>
    %swap3A_131 = vector.shape_cast %add3A_125 : vector<16xi32> to vector<1x16xi32>
    tpu.vector_store %arg6[%swap3A_127, %swap3A_128], %swap3A_131 {strides = array<i32>} : memref<16x128xi32, #tpu.memory_space<vmem>>, vector<1x16xi32>,
    %get3A_132 = arith.constant 32 : index
    %get3A_133 = tpu.vector_load %arg5[%get3A_132] {strides = array<i32>} : memref<128xi32, #tpu.memory_space<vmem>>, vector<16xi32>,
    %get3A_134 = vector.shape_cast %get3A_133 : vector<16xi32> to vector<16xi32>
    %add3A_135 = arith.constant 0 : i32
    %add3A_136 = vector.broadcast %add3A_135 : i32 to vector<16xi32>
    %add3A_137 = arith.addi %get3A_134, %add3A_136 : vector<16xi32>
    %swap3A_138 = arith.constant 0 : i32
    %swap3A_139 = arith.index_cast %swap3A_138 : i32 to index
    %swap3A_140 = arith.constant 32 : index
    %swap3A_141 = tpu.vector_load %arg6[%swap3A_139, %swap3A_140] {strides = array<i32>} : memref<16x128xi32, #tpu.memory_space<vmem>>, vector<1x16xi32>,
    %swap3A_142 = vector.shape_cast %swap3A_141 : vector<1x16xi32> to vector<16xi32>
    %swap3A_143 = vector.shape_cast %add3A_137 : vector<16xi32> to vector<1x16xi32>
    tpu.vector_store %arg6[%swap3A_139, %swap3A_140], %swap3A_143 {strides = array<i32>} : memref<16x128xi32, #tpu.memory_space<vmem>>, vector<1x16xi32>,
    %get3A_144 = arith.constant 48 : index
    %get3A_145 = tpu.vector_load %arg5[%get3A_144] {strides = array<i32>} : memref<128xi32, #tpu.memory_space<vmem>>, vector<16xi32>,
    %get3A_146 = vector.shape_cast %get3A_145 : vector<16xi32> to vector<16xi32>
    %add3A_147 = arith.constant 0 : i32
    %add3A_148 = vector.broadcast %add3A_147 : i32 to vector<16xi32>
    %add3A_149 = arith.addi %get3A_146, %add3A_148 : vector<16xi32>
    %swap3A_150 = arith.constant 0 : i32
    %swap3A_151 = arith.index_cast %swap3A_150 : i32 to index
    %swap3A_152 = arith.constant 48 : index
    %swap3A_153 = tpu.vector_load %arg6[%swap3A_151, %swap3A_152] {strides = array<i32>} : memref<16x128xi32, #tpu.memory_space<vmem>>, vector<1x16xi32>,
    %swap3A_154 = vector.shape_cast %swap3A_153 : vector<1x16xi32> to vector<16xi32>
    %swap3A_155 = vector.shape_cast %add3A_149 : vector<16xi32> to vector<1x16xi32>
    tpu.vector_store %arg6[%swap3A_151, %swap3A_152], %swap3A_155 {strides = array<i32>} : memref<16x128xi32, #tpu.memory_space<vmem>>, vector<1x16xi32>,
    %get3A_156 = arith.constant 64 : index
    %get3A_157 = tpu.vector_load %arg5[%get3A_156] {strides = array<i32>} : memref<128xi32, #tpu.memory_space<vmem>>, vector<16xi32>,
    %get3A_158 = vector.shape_cast %get3A_157 : vector<16xi32> to vector<16xi32>
    %add3A_159 = arith.constant 0 : i32
    %add3A_160 = vector.broadcast %add3A_159 : i32 to vector<16xi32>
    %add3A_161 = arith.addi %get3A_158, %add3A_160 : vector<16xi32>
    %swap3A_162 = arith.constant 0 : i32
    %swap3A_163 = arith.index_cast %swap3A_162 : i32 to index
    %swap3A_164 = arith.constant 64 : index
    %swap3A_165 = tpu.vector_load %arg6[%swap3A_163, %swap3A_164] {strides = array<i32>} : memref<16x128xi32, #tpu.memory_space<vmem>>, vector<1x16xi32>,
    %swap3A_166 = vector.shape_cast %swap3A_165 : vector<1x16xi32> to vector<16xi32>
    %swap3A_167 = vector.shape_cast %add3A_161 : vector<16xi32> to vector<1x16xi32>
    tpu.vector_store %arg6[%swap3A_163, %swap3A_164], %swap3A_167 {strides = array<i32>} : memref<16x128xi32, #tpu.memory_space<vmem>>, vector<1x16xi32>,
    %get3A_168 = arith.constant 80 : index
    %get3A_169 = tpu.vector_load %arg5[%get3A_168] {strides = array<i32>} : memref<128xi32, #tpu.memory_space<vmem>>, vector<16xi32>,
    %get3A_170 = vector.shape_cast %get3A_169 : vector<16xi32> to vector<16xi32>
    %add3A_171 = arith.constant 0 : i32
    %add3A_172 = vector.broadcast %add3A_171 : i32 to vector<16xi32>
    %add3A_173 = arith.addi %get3A_170, %add3A_172 : vector<16xi32>
    %swap3A_174 = arith.constant 0 : i32
    %swap3A_175 = arith.index_cast %swap3A_174 : i32 to index
    %swap3A_176 = arith.constant 80 : index
    %swap3A_177 = tpu.vector_load %arg6[%swap3A_175, %swap3A_176] {strides = array<i32>} : memref<16x128xi32, #tpu.memory_space<vmem>>, vector<1x16xi32>,
    %swap3A_178 = vector.shape_cast %swap3A_177 : vector<1x16xi32> to vector<16xi32>
    %swap3A_179 = vector.shape_cast %add3A_173 : vector<16xi32> to vector<1x16xi32>
    tpu.vector_store %arg6[%swap3A_175, %swap3A_176], %swap3A_179 {strides = array<i32>} : memref<16x128xi32, #tpu.memory_space<vmem>>, vector<1x16xi32>,
    %get3A_180 = arith.constant 96 : index
    %get3A_181 = tpu.vector_load %arg5[%get3A_180] {strides = array<i32>} : memref<128xi32, #tpu.memory_space<vmem>>, vector<16xi32>,
    %get3A_182 = vector.shape_cast %get3A_181 : vector<16xi32> to vector<16xi32>
    %add3A_183 = arith.constant 0 : i32
    %add3A_184 = vector.broadcast %add3A_183 : i32 to vector<16xi32>
    %add3A_185 = arith.addi %get3A_182, %add3A_184 : vector<16xi32>
    %swap3A_186 = arith.constant 0 : i32
    %swap3A_187 = arith.index_cast %swap3A_186 : i32 to index
    %swap3A_188 = arith.constant 96 : index
    %swap3A_189 = tpu.vector_load %arg6[%swap3A_187, %swap3A_188] {strides = array<i32>} : memref<16x128xi32, #tpu.memory_space<vmem>>, vector<1x16xi32>,
    %swap3A_190 = vector.shape_cast %swap3A_189 : vector<1x16xi32> to vector<16xi32>
    %swap3A_191 = vector.shape_cast %add3A_185 : vector<16xi32> to vector<1x16xi32>
    tpu.vector_store %arg6[%swap3A_187, %swap3A_188], %swap3A_191 {strides = array<i32>} : memref<16x128xi32, #tpu.memory_space<vmem>>, vector<1x16xi32>,
    %get3A_192 = arith.constant 112 : index
    %get3A_193 = tpu.vector_load %arg5[%get3A_192] {strides = array<i32>} : memref<128xi32, #tpu.memory_space<vmem>>, vector<16xi32>,
    %get3A_194 = vector.shape_cast %get3A_193 : vector<16xi32> to vector<16xi32>
    %add3A_195 = arith.constant 0 : i32
    %add3A_196 = vector.broadcast %add3A_195 : i32 to vector<16xi32>
    %add3A_197 = arith.addi %get3A_194, %add3A_196 : vector<16xi32>
    %swap3A_198 = arith.constant 0 : i32
    %swap3A_199 = arith.index_cast %swap3A_198 : i32 to index
    %swap3A_200 = arith.constant 112 : index
    %swap3A_201 = tpu.vector_load %arg6[%swap3A_199, %swap3A_200] {strides = array<i32>} : memref<16x128xi32, #tpu.memory_space<vmem>>, vector<1x16xi32>,
    %swap3A_202 = vector.shape_cast %swap3A_201 : vector<1x16xi32> to vector<16xi32>
    %swap3A_203 = vector.shape_cast %add3A_197 : vector<16xi32> to vector<1x16xi32>
    tpu.vector_store %arg6[%swap3A_199, %swap3A_200], %swap3A_203 {strides = array<i32>} : memref<16x128xi32, #tpu.memory_space<vmem>>, vector<1x16xi32>,
    %get3A_204 = arith.constant 0 : index
    %get3A_205 = tpu.vector_load %arg5[%get3A_204] {strides = array<i32>} : memref<128xi32, #tpu.memory_space<vmem>>, vector<16xi32>,
    %get3A_206 = vector.shape_cast %get3A_205 : vector<16xi32> to vector<16xi32>
    %add3A_207 = arith.constant 1 : i32
    %add3A_208 = vector.broadcast %add3A_207 : i32 to vector<16xi32>
    %add3A_209 = arith.addi %get3A_206, %add3A_208 : vector<16xi32>
    %swap3A_210 = arith.constant 1 : i32
    %swap3A_211 = arith.index_cast %swap3A_210 : i32 to index
    %swap3A_212 = arith.constant 0 : index
    %swap3A_213 = tpu.vector_load %arg6[%swap3A_211, %swap3A_212] {strides = array<i32>} : memref<16x128xi32, #tpu.memory_space<vmem>>, vector<1x16xi32>,
    %swap3A_214 = vector.shape_cast %swap3A_213 : vector<1x16xi32> to vector<16xi32>
    %swap3A_215 = vector.shape_cast %add3A_209 : vector<16xi32> to vector<1x16xi32>
    tpu.vector_store %arg6[%swap3A_211, %swap3A_212], %swap3A_215 {strides = array<i32>} : memref<16x128xi32, #tpu.memory_space<vmem>>, vector<1x16xi32>,
    %get3A_216 = arith.constant 16 : index
    %get3A_217 = tpu.vector_load %arg5[%get3A_216] {strides = array<i32>} : memref<128xi32, #tpu.memory_space<vmem>>, vector<16xi32>,
    %get3A_218 = vector.shape_cast %get3A_217 : vector<16xi32> to vector<16xi32>
    %add3A_219 = arith.constant 1 : i32
    %add3A_220 = vector.broadcast %add3A_219 : i32 to vector<16xi32>
    %add3A_221 = arith.addi %get3A_218, %add3A_220 : vector<16xi32>
    %swap3A_222 = arith.constant 1 : i32
    %swap3A_223 = arith.index_cast %swap3A_222 : i32 to index
    %swap3A_224 = arith.constant 16 : index
    %swap3A_225 = tpu.vector_load %arg6[%swap3A_223, %swap3A_224] {strides = array<i32>} : memref<16x128xi32, #tpu.memory_space<vmem>>, vector<1x16xi32>,
    %swap3A_226 = vector.shape_cast %swap3A_225 : vector<1x16xi32> to vector<16xi32>
    %swap3A_227 = vector.shape_cast %add3A_221 : vector<16xi32> to vector<1x16xi32>
    tpu.vector_store %arg6[%swap3A_223, %swap3A_224], %swap3A_227 {strides = array<i32>} : memref<16x128xi32, #tpu.memory_space<vmem>>, vector<1x16xi32>,
    %get3A_228 = arith.constant 32 : index
    %get3A_229 = tpu.vector_load %arg5[%get3A_228] {strides = array<i32>} : memref<128xi32, #tpu.memory_space<vmem>>, vector<16xi32>,
    %get3A_230 = vector.shape_cast %get3A_229 : vector<16xi32> to vector<16xi32>
    %add3A_231 = arith.constant 1 : i32
    %add3A_232 = vector.broadcast %add3A_231 : i32 to vector<16xi32>
    %add3A_233 = arith.addi %get3A_230, %add3A_232 : vector<16xi32>
    %swap3A_234 = arith.constant 1 : i32
    %swap3A_235 = arith.index_cast %swap3A_234 : i32 to index
    %swap3A_236 = arith.constant 32 : index
    %swap3A_237 = tpu.vector_load %arg6[%swap3A_235, %swap3A_236] {strides = array<i32>} : memref<16x128xi32, #tpu.memory_space<vmem>>, vector<1x16xi32>,
    %swap3A_238 = vector.shape_cast %swap3A_237 : vector<1x16xi32> to vector<16xi32>
    %swap3A_239 = vector.shape_cast %add3A_233 : vector<16xi32> to vector<1x16xi32>
    tpu.vector_store %arg6[%swap3A_235, %swap3A_236], %swap3A_239 {strides = array<i32>} : memref<16x128xi32, #tpu.memory_space<vmem>>, vector<1x16xi32>,
    %get3A_240 = arith.constant 48 : index
    %get3A_241 = tpu.vector_load %arg5[%get3A_240] {strides = array<i32>} : memref<128xi32, #tpu.memory_space<vmem>>, vector<16xi32>,
    %get3A_242 = vector.shape_cast %get3A_241 : vector<16xi32> to vector<16xi32>
    %add3A_243 = arith.constant 1 : i32
    %add3A_244 = vector.broadcast %add3A_243 : i32 to vector<16xi32>
    %add3A_245 = arith.addi %get3A_242, %add3A_244 : vector<16xi32>
    %swap3A_246 = arith.constant 1 : i32
    %swap3A_247 = arith.index_cast %swap3A_246 : i32 to index
    %swap3A_248 = arith.constant 48 : index
    %swap3A_249 = tpu.vector_load %arg6[%swap3A_247, %swap3A_248] {strides = array<i32>} : memref<16x128xi32, #tpu.memory_space<vmem>>, vector<1x16xi32>,
    %swap3A_250 = vector.shape_cast %swap3A_249 : vector<1x16xi32> to vector<16xi32>
    %swap3A_251 = vector.shape_cast %add3A_245 : vector<16xi32> to vector<1x16xi32>
    tpu.vector_store %arg6[%swap3A_247, %swap3A_248], %swap3A_251 {strides = array<i32>} : memref<16x128xi32, #tpu.memory_space<vmem>>, vector<1x16xi32>,
    %get3A_252 = arith.constant 64 : index
    %get3A_253 = tpu.vector_load %arg5[%get3A_252] {strides = array<i32>} : memref<128xi32, #tpu.memory_space<vmem>>, vector<16xi32>,
    %get3A_254 = vector.shape_cast %get3A_253 : vector<16xi32> to vector<16xi32>
    %add3A_255 = arith.constant 1 : i32
    %add3A_256 = vector.broadcast %add3A_255 : i32 to vector<16xi32>
    %add3A_257 = arith.addi %get3A_254, %add3A_256 : vector<16xi32>
    %swap3A_258 = arith.constant 1 : i32
    %swap3A_259 = arith.index_cast %swap3A_258 : i32 to index
    %swap3A_260 = arith.constant 64 : index
    %swap3A_261 = tpu.vector_load %arg6[%swap3A_259, %swap3A_260] {strides = array<i32>} : memref<16x128xi32, #tpu.memory_space<vmem>>, vector<1x16xi32>,
    %swap3A_262 = vector.shape_cast %swap3A_261 : vector<1x16xi32> to vector<16xi32>
    %swap3A_263 = vector.shape_cast %add3A_257 : vector<16xi32> to vector<1x16xi32>
    tpu.vector_store %arg6[%swap3A_259, %swap3A_260], %swap3A_263 {strides = array<i32>} : memref<16x128xi32, #tpu.memory_space<vmem>>, vector<1x16xi32>,
    %get3A_264 = arith.constant 80 : index
    %get3A_265 = tpu.vector_load %arg5[%get3A_264] {strides = array<i32>} : memref<128xi32, #tpu.memory_space<vmem>>, vector<16xi32>,
    %get3A_266 = vector.shape_cast %get3A_265 : vector<16xi32> to vector<16xi32>
    %add3A_267 = arith.constant 1 : i32
    %add3A_268 = vector.broadcast %add3A_267 : i32 to vector<16xi32>
    %add3A_269 = arith.addi %get3A_266, %add3A_268 : vector<16xi32>
    %swap3A_270 = arith.constant 1 : i32
    %swap3A_271 = arith.index_cast %swap3A_270 : i32 to index
    %swap3A_272 = arith.constant 80 : index
    %swap3A_273 = tpu.vector_load %arg6[%swap3A_271, %swap3A_272] {strides = array<i32>} : memref<16x128xi32, #tpu.memory_space<vmem>>, vector<1x16xi32>,
    %swap3A_274 = vector.shape_cast %swap3A_273 : vector<1x16xi32> to vector<16xi32>
    %swap3A_275 = vector.shape_cast %add3A_269 : vector<16xi32> to vector<1x16xi32>
    tpu.vector_store %arg6[%swap3A_271, %swap3A_272], %swap3A_275 {strides = array<i32>} : memref<16x128xi32, #tpu.memory_space<vmem>>, vector<1x16xi32>,
    %get3A_276 = arith.constant 96 : index
    %get3A_277 = tpu.vector_load %arg5[%get3A_276] {strides = array<i32>} : memref<128xi32, #tpu.memory_space<vmem>>, vector<16xi32>,
    %get3A_278 = vector.shape_cast %get3A_277 : vector<16xi32> to vector<16xi32>
    %add3A_279 = arith.constant 1 : i32
    %add3A_280 = vector.broadcast %add3A_279 : i32 to vector<16xi32>
    %add3A_281 = arith.addi %get3A_278, %add3A_280 : vector<16xi32>
    %swap3A_282 = arith.constant 1 : i32
    %swap3A_283 = arith.index_cast %swap3A_282 : i32 to index
    %swap3A_284 = arith.constant 96 : index
    %swap3A_285 = tpu.vector_load %arg6[%swap3A_283, %swap3A_284] {strides = array<i32>} : memref<16x128xi32, #tpu.memory_space<vmem>>, vector<1x16xi32>,
    %swap3A_286 = vector.shape_cast %swap3A_285 : vector<1x16xi32> to vector<16xi32>
    %swap3A_287 = vector.shape_cast %add3A_281 : vector<16xi32> to vector<1x16xi32>
    tpu.vector_store %arg6[%swap3A_283, %swap3A_284], %swap3A_287 {strides = array<i32>} : memref<16x128xi32, #tpu.memory_space<vmem>>, vector<1x16xi32>,
    %get3A_288 = arith.constant 112 : index
    %get3A_289 = tpu.vector_load %arg5[%get3A_288] {strides = array<i32>} : memref<128xi32, #tpu.memory_space<vmem>>, vector<16xi32>,
    %get3A_290 = vector.shape_cast %get3A_289 : vector<16xi32> to vector<16xi32>
    %add3A_291 = arith.constant 1 : i32
    %add3A_292 = vector.broadcast %add3A_291 : i32 to vector<16xi32>
    %add3A_293 = arith.addi %get3A_290, %add3A_292 : vector<16xi32>
    %swap3A_294 = arith.constant 1 : i32
    %swap3A_295 = arith.index_cast %swap3A_294 : i32 to index
    %swap3A_296 = arith.constant 112 : index
    %swap3A_297 = tpu.vector_load %arg6[%swap3A_295, %swap3A_296] {strides = array<i32>} : memref<16x128xi32, #tpu.memory_space<vmem>>, vector<1x16xi32>,
    %swap3A_298 = vector.shape_cast %swap3A_297 : vector<1x16xi32> to vector<16xi32>
    %swap3A_299 = vector.shape_cast %add3A_293 : vector<16xi32> to vector<1x16xi32>
    tpu.vector_store %arg6[%swap3A_295, %swap3A_296], %swap3A_299 {strides = array<i32>} : memref<16x128xi32, #tpu.memory_space<vmem>>, vector<1x16xi32>,
    %get3A_300 = arith.constant 0 : index
    %get3A_301 = tpu.vector_load %arg5[%get3A_300] {strides = array<i32>} : memref<128xi32, #tpu.memory_space<vmem>>, vector<16xi32>,
    %get3A_302 = vector.shape_cast %get3A_301 : vector<16xi32> to vector<16xi32>
    %add3A_303 = arith.constant 2 : i32
    %add3A_304 = vector.broadcast %add3A_303 : i32 to vector<16xi32>
    %add3A_305 = arith.addi %get3A_302, %add3A_304 : vector<16xi32>
    %swap3A_306 = arith.constant 2 : i32
    %swap3A_307 = arith.index_cast %swap3A_306 : i32 to index
    %swap3A_308 = arith.constant 0 : index
    %swap3A_309 = tpu.vector_load %arg6[%swap3A_307, %swap3A_308] {strides = array<i32>} : memref<16x128xi32, #tpu.memory_space<vmem>>, vector<1x16xi32>,
    %swap3A_310 = vector.shape_cast %swap3A_309 : vector<1x16xi32> to vector<16xi32>
    %swap3A_311 = vector.shape_cast %add3A_305 : vector<16xi32> to vector<1x16xi32>
    tpu.vector_store %arg6[%swap3A_307, %swap3A_308], %swap3A_311 {strides = array<i32>} : memref<16x128xi32, #tpu.memory_space<vmem>>, vector<1x16xi32>,
    %get3A_312 = arith.constant 16 : index
    %get3A_313 = tpu.vector_load %arg5[%get3A_312] {strides = array<i32>} : memref<128xi32, #tpu.memory_space<vmem>>, vector<16xi32>,
    %get3A_314 = vector.shape_cast %get3A_313 : vector<16xi32> to vector<16xi32>
    %add3A_315 = arith.constant 2 : i32
    %add3A_316 = vector.broadcast %add3A_315 : i32 to vector<16xi32>
    %add3A_317 = arith.addi %get3A_314, %add3A_316 : vector<16xi32>
    %swap3A_318 = arith.constant 2 : i32
    %swap3A_319 = arith.index_cast %swap3A_318 : i32 to index
    %swap3A_320 = arith.constant 16 : index
    %swap3A_321 = tpu.vector_load %arg6[%swap3A_319, %swap3A_320] {strides = array<i32>} : memref<16x128xi32, #tpu.memory_space<vmem>>, vector<1x16xi32>,
    %swap3A_322 = vector.shape_cast %swap3A_321 : vector<1x16xi32> to vector<16xi32>
    %swap3A_323 = vector.shape_cast %add3A_317 : vector<16xi32> to vector<1x16xi32>
    tpu.vector_store %arg6[%swap3A_319, %swap3A_320], %swap3A_323 {strides = array<i32>} : memref<16x128xi32, #tpu.memory_space<vmem>>, vector<1x16xi32>,
    %get3A_324 = arith.constant 32 : index
    %get3A_325 = tpu.vector_load %arg5[%get3A_324] {strides = array<i32>} : memref<128xi32, #tpu.memory_space<vmem>>, vector<16xi32>,
    %get3A_326 = vector.shape_cast %get3A_325 : vector<16xi32> to vector<16xi32>
    %add3A_327 = arith.constant 2 : i32
    %add3A_328 = vector.broadcast %add3A_327 : i32 to vector<16xi32>
    %add3A_329 = arith.addi %get3A_326, %add3A_328 : vector<16xi32>
    %swap3A_330 = arith.constant 2 : i32
    %swap3A_331 = arith.index_cast %swap3A_330 : i32 to index
    %swap3A_332 = arith.constant 32 : index
    %swap3A_333 = tpu.vector_load %arg6[%swap3A_331, %swap3A_332] {strides = array<i32>} : memref<16x128xi32, #tpu.memory_space<vmem>>, vector<1x16xi32>,
    %swap3A_334 = vector.shape_cast %swap3A_333 : vector<1x16xi32> to vector<16xi32>
    %swap3A_335 = vector.shape_cast %add3A_329 : vector<16xi32> to vector<1x16xi32>
    tpu.vector_store %arg6[%swap3A_331, %swap3A_332], %swap3A_335 {strides = array<i32>} : memref<16x128xi32, #tpu.memory_space<vmem>>, vector<1x16xi32>,
    %get3A_336 = arith.constant 48 : index
    %get3A_337 = tpu.vector_load %arg5[%get3A_336] {strides = array<i32>} : memref<128xi32, #tpu.memory_space<vmem>>, vector<16xi32>,
    %get3A_338 = vector.shape_cast %get3A_337 : vector<16xi32> to vector<16xi32>
    %add3A_339 = arith.constant 2 : i32
    %add3A_340 = vector.broadcast %add3A_339 : i32 to vector<16xi32>
    %add3A_341 = arith.addi %get3A_338, %add3A_340 : vector<16xi32>
    %swap3A_342 = arith.constant 2 : i32
    %swap3A_343 = arith.index_cast %swap3A_342 : i32 to index
    %swap3A_344 = arith.constant 48 : index
    %swap3A_345 = tpu.vector_load %arg6[%swap3A_343, %swap3A_344] {strides = array<i32>} : memref<16x128xi32, #tpu.memory_space<vmem>>, vector<1x16xi32>,
    %swap3A_346 = vector.shape_cast %swap3A_345 : vector<1x16xi32> to vector<16xi32>
    %swap3A_347 = vector.shape_cast %add3A_341 : vector<16xi32> to vector<1x16xi32>
    tpu.vector_store %arg6[%swap3A_343, %swap3A_344], %swap3A_347 {strides = array<i32>} : memref<16x128xi32, #tpu.memory_space<vmem>>, vector<1x16xi32>,
    %get3A_348 = arith.constant 64 : index
    %get3A_349 = tpu.vector_load %arg5[%get3A_348] {strides = array<i32>} : memref<128xi32, #tpu.memory_space<vmem>>, vector<16xi32>,
    %get3A_350 = vector.shape_cast %get3A_349 : vector<16xi32> to vector<16xi32>
    %add3A_351 = arith.constant 2 : i32
    %add3A_352 = vector.broadcast %add3A_351 : i32 to vector<16xi32>
    %add3A_353 = arith.addi %get3A_350, %add3A_352 : vector<16xi32>
    %swap3A_354 = arith.constant 2 : i32
    %swap3A_355 = arith.index_cast %swap3A_354 : i32 to index
    %swap3A_356 = arith.constant 64 : index
    %swap3A_357 = tpu.vector_load %arg6[%swap3A_355, %swap3A_356] {strides = array<i32>} : memref<16x128xi32, #tpu.memory_space<vmem>>, vector<1x16xi32>,
    %swap3A_358 = vector.shape_cast %swap3A_357 : vector<1x16xi32> to vector<16xi32>
    %swap3A_359 = vector.shape_cast %add3A_353 : vector<16xi32> to vector<1x16xi32>
    tpu.vector_store %arg6[%swap3A_355, %swap3A_356], %swap3A_359 {strides = array<i32>} : memref<16x128xi32, #tpu.memory_space<vmem>>, vector<1x16xi32>,
    %get3A_360 = arith.constant 80 : index
    %get3A_361 = tpu.vector_load %arg5[%get3A_360] {strides = array<i32>} : memref<128xi32, #tpu.memory_space<vmem>>, vector<16xi32>,
    %get3A_362 = vector.shape_cast %get3A_361 : vector<16xi32> to vector<16xi32>
    %add3A_363 = arith.constant 2 : i32
    %add3A_364 = vector.broadcast %add3A_363 : i32 to vector<16xi32>
    %add3A_365 = arith.addi %get3A_362, %add3A_364 : vector<16xi32>
    %swap3A_366 = arith.constant 2 : i32
    %swap3A_367 = arith.index_cast %swap3A_366 : i32 to index
    %swap3A_368 = arith.constant 80 : index
    %swap3A_369 = tpu.vector_load %arg6[%swap3A_367, %swap3A_368] {strides = array<i32>} : memref<16x128xi32, #tpu.memory_space<vmem>>, vector<1x16xi32>,
    %swap3A_370 = vector.shape_cast %swap3A_369 : vector<1x16xi32> to vector<16xi32>
    %swap3A_371 = vector.shape_cast %add3A_365 : vector<16xi32> to vector<1x16xi32>
    tpu.vector_store %arg6[%swap3A_367, %swap3A_368], %swap3A_371 {strides = array<i32>} : memref<16x128xi32, #tpu.memory_space<vmem>>, vector<1x16xi32>,
    %get3A_372 = arith.constant 96 : index
    %get3A_373 = tpu.vector_load %arg5[%get3A_372] {strides = array<i32>} : memref<128xi32, #tpu.memory_space<vmem>>, vector<16xi32>,
    %get3A_374 = vector.shape_cast %get3A_373 : vector<16xi32> to vector<16xi32>
    %add3A_375 = arith.constant 2 : i32
    %add3A_376 = vector.broadcast %add3A_375 : i32 to vector<16xi32>
    %add3A_377 = arith.addi %get3A_374, %add3A_376 : vector<16xi32>
    %swap3A_378 = arith.constant 2 : i32
    %swap3A_379 = arith.index_cast %swap3A_378 : i32 to index
    %swap3A_380 = arith.constant 96 : index
    %swap3A_381 = tpu.vector_load %arg6[%swap3A_379, %swap3A_380] {strides = array<i32>} : memref<16x128xi32, #tpu.memory_space<vmem>>, vector<1x16xi32>,
    %swap3A_382 = vector.shape_cast %swap3A_381 : vector<1x16xi32> to vector<16xi32>
    %swap3A_383 = vector.shape_cast %add3A_377 : vector<16xi32> to vector<1x16xi32>
    tpu.vector_store %arg6[%swap3A_379, %swap3A_380], %swap3A_383 {strides = array<i32>} : memref<16x128xi32, #tpu.memory_space<vmem>>, vector<1x16xi32>,
    %get3A_384 = arith.constant 112 : index
    %get3A_385 = tpu.vector_load %arg5[%get3A_384] {strides = array<i32>} : memref<128xi32, #tpu.memory_space<vmem>>, vector<16xi32>,
    %get3A_386 = vector.shape_cast %get3A_385 : vector<16xi32> to vector<16xi32>
    %add3A_387 = arith.constant 2 : i32
    %add3A_388 = vector.broadcast %add3A_387 : i32 to vector<16xi32>
    %add3A_389 = arith.addi %get3A_386, %add3A_388 : vector<16xi32>
    %swap3A_390 = arith.constant 2 : i32
    %swap3A_391 = arith.index_cast %swap3A_390 : i32 to index
    %swap3A_392 = arith.constant 112 : index
    %swap3A_393 = tpu.vector_load %arg6[%swap3A_391, %swap3A_392] {strides = array<i32>} : memref<16x128xi32, #tpu.memory_space<vmem>>, vector<1x16xi32>,
    %swap3A_394 = vector.shape_cast %swap3A_393 : vector<1x16xi32> to vector<16xi32>
    %swap3A_395 = vector.shape_cast %add3A_389 : vector<16xi32> to vector<1x16xi32>
    tpu.vector_store %arg6[%swap3A_391, %swap3A_392], %swap3A_395 {strides = array<i32>} : memref<16x128xi32, #tpu.memory_space<vmem>>, vector<1x16xi32>,
    %get3A_396 = arith.constant 0 : index
    %get3A_397 = tpu.vector_load %arg5[%get3A_396] {strides = array<i32>} : memref<128xi32, #tpu.memory_space<vmem>>, vector<16xi32>,
    %get3A_398 = vector.shape_cast %get3A_397 : vector<16xi32> to vector<16xi32>
    %add3A_399 = arith.constant 3 : i32
    %add3A_400 = vector.broadcast %add3A_399 : i32 to vector<16xi32>
    %add3A_401 = arith.addi %get3A_398, %add3A_400 : vector<16xi32>
    %swap3A_402 = arith.constant 3 : i32
    %swap3A_403 = arith.index_cast %swap3A_402 : i32 to index
    %swap3A_404 = arith.constant 0 : index
    %swap3A_405 = tpu.vector_load %arg6[%swap3A_403, %swap3A_404] {strides = array<i32>} : memref<16x128xi32, #tpu.memory_space<vmem>>, vector<1x16xi32>,
    %swap3A_406 = vector.shape_cast %swap3A_405 : vector<1x16xi32> to vector<16xi32>
    %swap3A_407 = vector.shape_cast %add3A_401 : vector<16xi32> to vector<1x16xi32>
    tpu.vector_store %arg6[%swap3A_403, %swap3A_404], %swap3A_407 {strides = array<i32>} : memref<16x128xi32, #tpu.memory_space<vmem>>, vector<1x16xi32>,
    %get3A_408 = arith.constant 16 : index
    %get3A_409 = tpu.vector_load %arg5[%get3A_408] {strides = array<i32>} : memref<128xi32, #tpu.memory_space<vmem>>, vector<16xi32>,
    %get3A_410 = vector.shape_cast %get3A_409 : vector<16xi32> to vector<16xi32>
    %add3A_411 = arith.constant 3 : i32
    %add3A_412 = vector.broadcast %add3A_411 : i32 to vector<16xi32>
    %add3A_413 = arith.addi %get3A_410, %add3A_412 : vector<16xi32>
    %swap3A_414 = arith.constant 3 : i32
    %swap3A_415 = arith.index_cast %swap3A_414 : i32 to index
    %swap3A_416 = arith.constant 16 : index
    %swap3A_417 = tpu.vector_load %arg6[%swap3A_415, %swap3A_416] {strides = array<i32>} : memref<16x128xi32, #tpu.memory_space<vmem>>, vector<1x16xi32>,
    %swap3A_418 = vector.shape_cast %swap3A_417 : vector<1x16xi32> to vector<16xi32>
    %swap3A_419 = vector.shape_cast %add3A_413 : vector<16xi32> to vector<1x16xi32>
    tpu.vector_store %arg6[%swap3A_415, %swap3A_416], %swap3A_419 {strides = array<i32>} : memref<16x128xi32, #tpu.memory_space<vmem>>, vector<1x16xi32>,
    %get3A_420 = arith.constant 32 : index
    %get3A_421 = tpu.vector_load %arg5[%get3A_420] {strides = array<i32>} : memref<128xi32, #tpu.memory_space<vmem>>, vector<16xi32>,
    %get3A_422 = vector.shape_cast %get3A_421 : vector<16xi32> to vector<16xi32>
    %add3A_423 = arith.constant 3 : i32
    %add3A_424 = vector.broadcast %add3A_423 : i32 to vector<16xi32>
    %add3A_425 = arith.addi %get3A_422, %add3A_424 : vector<16xi32>
    %swap3A_426 = arith.constant 3 : i32
    %swap3A_427 = arith.index_cast %swap3A_426 : i32 to index
    %swap3A_428 = arith.constant 32 : index
    %swap3A_429 = tpu.vector_load %arg6[%swap3A_427, %swap3A_428] {strides = array<i32>} : memref<16x128xi32, #tpu.memory_space<vmem>>, vector<1x16xi32>,
    %swap3A_430 = vector.shape_cast %swap3A_429 : vector<1x16xi32> to vector<16xi32>
    %swap3A_431 = vector.shape_cast %add3A_425 : vector<16xi32> to vector<1x16xi32>
    tpu.vector_store %arg6[%swap3A_427, %swap3A_428], %swap3A_431 {strides = array<i32>} : memref<16x128xi32, #tpu.memory_space<vmem>>, vector<1x16xi32>,
    %get3A_432 = arith.constant 48 : index
    %get3A_433 = tpu.vector_load %arg5[%get3A_432] {strides = array<i32>} : memref<128xi32, #tpu.memory_space<vmem>>, vector<16xi32>,
    %get3A_434 = vector.shape_cast %get3A_433 : vector<16xi32> to vector<16xi32>
    %add3A_435 = arith.constant 3 : i32
    %add3A_436 = vector.broadcast %add3A_435 : i32 to vector<16xi32>
    %add3A_437 = arith.addi %get3A_434, %add3A_436 : vector<16xi32>
    %swap3A_438 = arith.constant 3 : i32
    %swap3A_439 = arith.index_cast %swap3A_438 : i32 to index
    %swap3A_440 = arith.constant 48 : index
    %swap3A_441 = tpu.vector_load %arg6[%swap3A_439, %swap3A_440] {strides = array<i32>} : memref<16x128xi32, #tpu.memory_space<vmem>>, vector<1x16xi32>,
    %swap3A_442 = vector.shape_cast %swap3A_441 : vector<1x16xi32> to vector<16xi32>
    %swap3A_443 = vector.shape_cast %add3A_437 : vector<16xi32> to vector<1x16xi32>
    tpu.vector_store %arg6[%swap3A_439, %swap3A_440], %swap3A_443 {strides = array<i32>} : memref<16x128xi32, #tpu.memory_space<vmem>>, vector<1x16xi32>,
    %get3A_444 = arith.constant 64 : index
    %get3A_445 = tpu.vector_load %arg5[%get3A_444] {strides = array<i32>} : memref<128xi32, #tpu.memory_space<vmem>>, vector<16xi32>,
    %get3A_446 = vector.shape_cast %get3A_445 : vector<16xi32> to vector<16xi32>
    %add3A_447 = arith.constant 3 : i32
    %add3A_448 = vector.broadcast %add3A_447 : i32 to vector<16xi32>
    %add3A_449 = arith.addi %get3A_446, %add3A_448 : vector<16xi32>
    %swap3A_450 = arith.constant 3 : i32
    %swap3A_451 = arith.index_cast %swap3A_450 : i32 to index
    %swap3A_452 = arith.constant 64 : index
    %swap3A_453 = tpu.vector_load %arg6[%swap3A_451, %swap3A_452] {strides = array<i32>} : memref<16x128xi32, #tpu.memory_space<vmem>>, vector<1x16xi32>,
    %swap3A_454 = vector.shape_cast %swap3A_453 : vector<1x16xi32> to vector<16xi32>
    %swap3A_455 = vector.shape_cast %add3A_449 : vector<16xi32> to vector<1x16xi32>
    tpu.vector_store %arg6[%swap3A_451, %swap3A_452], %swap3A_455 {strides = array<i32>} : memref<16x128xi32, #tpu.memory_space<vmem>>, vector<1x16xi32>,
    %get3A_456 = arith.constant 80 : index
    %get3A_457 = tpu.vector_load %arg5[%get3A_456] {strides = array<i32>} : memref<128xi32, #tpu.memory_space<vmem>>, vector<16xi32>,
    %get3A_458 = vector.shape_cast %get3A_457 : vector<16xi32> to vector<16xi32>
    %add3A_459 = arith.constant 3 : i32
    %add3A_460 = vector.broadcast %add3A_459 : i32 to vector<16xi32>
    %add3A_461 = arith.addi %get3A_458, %add3A_460 : vector<16xi32>
    %swap3A_462 = arith.constant 3 : i32
    %swap3A_463 = arith.index_cast %swap3A_462 : i32 to index
    %swap3A_464 = arith.constant 80 : index
    %swap3A_465 = tpu.vector_load %arg6[%swap3A_463, %swap3A_464] {strides = array<i32>} : memref<16x128xi32, #tpu.memory_space<vmem>>, vector<1x16xi32>,
    %swap3A_466 = vector.shape_cast %swap3A_465 : vector<1x16xi32> to vector<16xi32>
    %swap3A_467 = vector.shape_cast %add3A_461 : vector<16xi32> to vector<1x16xi32>
    tpu.vector_store %arg6[%swap3A_463, %swap3A_464], %swap3A_467 {strides = array<i32>} : memref<16x128xi32, #tpu.memory_space<vmem>>, vector<1x16xi32>,
    %get3A_468 = arith.constant 96 : index
    %get3A_469 = tpu.vector_load %arg5[%get3A_468] {strides = array<i32>} : memref<128xi32, #tpu.memory_space<vmem>>, vector<16xi32>,
    %get3A_470 = vector.shape_cast %get3A_469 : vector<16xi32> to vector<16xi32>
    %add3A_471 = arith.constant 3 : i32
    %add3A_472 = vector.broadcast %add3A_471 : i32 to vector<16xi32>
    %add3A_473 = arith.addi %get3A_470, %add3A_472 : vector<16xi32>
    %swap3A_474 = arith.constant 3 : i32
    %swap3A_475 = arith.index_cast %swap3A_474 : i32 to index
    %swap3A_476 = arith.constant 96 : index
    %swap3A_477 = tpu.vector_load %arg6[%swap3A_475, %swap3A_476] {strides = array<i32>} : memref<16x128xi32, #tpu.memory_space<vmem>>, vector<1x16xi32>,
    %swap3A_478 = vector.shape_cast %swap3A_477 : vector<1x16xi32> to vector<16xi32>
    %swap3A_479 = vector.shape_cast %add3A_473 : vector<16xi32> to vector<1x16xi32>
    tpu.vector_store %arg6[%swap3A_475, %swap3A_476], %swap3A_479 {strides = array<i32>} : memref<16x128xi32, #tpu.memory_space<vmem>>, vector<1x16xi32>,
    %get3A_480 = arith.constant 112 : index
    %get3A_481 = tpu.vector_load %arg5[%get3A_480] {strides = array<i32>} : memref<128xi32, #tpu.memory_space<vmem>>, vector<16xi32>,
    %get3A_482 = vector.shape_cast %get3A_481 : vector<16xi32> to vector<16xi32>
    %add3A_483 = arith.constant 3 : i32
    %add3A_484 = vector.broadcast %add3A_483 : i32 to vector<16xi32>
    %add3A_485 = arith.addi %get3A_482, %add3A_484 : vector<16xi32>
    %swap3A_486 = arith.constant 3 : i32
    %swap3A_487 = arith.index_cast %swap3A_486 : i32 to index
    %swap3A_488 = arith.constant 112 : index
    %swap3A_489 = tpu.vector_load %arg6[%swap3A_487, %swap3A_488] {strides = array<i32>} : memref<16x128xi32, #tpu.memory_space<vmem>>, vector<1x16xi32>,
    %swap3A_490 = vector.shape_cast %swap3A_489 : vector<1x16xi32> to vector<16xi32>
    %swap3A_491 = vector.shape_cast %add3A_485 : vector<16xi32> to vector<1x16xi32>
    tpu.vector_store %arg6[%swap3A_487, %swap3A_488], %swap3A_491 {strides = array<i32>} : memref<16x128xi32, #tpu.memory_space<vmem>>, vector<1x16xi32>,
    %get3A_492 = arith.constant 0 : index
    %get3A_493 = tpu.vector_load %arg5[%get3A_492] {strides = array<i32>} : memref<128xi32, #tpu.memory_space<vmem>>, vector<16xi32>,
    %get3A_494 = vector.shape_cast %get3A_493 : vector<16xi32> to vector<16xi32>
    %add3A_495 = arith.constant 4 : i32
    %add3A_496 = vector.broadcast %add3A_495 : i32 to vector<16xi32>
    %add3A_497 = arith.addi %get3A_494, %add3A_496 : vector<16xi32>
    %swap3A_498 = arith.constant 4 : i32
    %swap3A_499 = arith.index_cast %swap3A_498 : i32 to index
    %swap3A_500 = arith.constant 0 : index
    %swap3A_501 = tpu.vector_load %arg6[%swap3A_499, %swap3A_500] {strides = array<i32>} : memref<16x128xi32, #tpu.memory_space<vmem>>, vector<1x16xi32>,
    %swap3A_502 = vector.shape_cast %swap3A_501 : vector<1x16xi32> to vector<16xi32>
    %swap3A_503 = vector.shape_cast %add3A_497 : vector<16xi32> to vector<1x16xi32>
    tpu.vector_store %arg6[%swap3A_499, %swap3A_500], %swap3A_503 {strides = array<i32>} : memref<16x128xi32, #tpu.memory_space<vmem>>, vector<1x16xi32>,
    %get3A_504 = arith.constant 16 : index
    %get3A_505 = tpu.vector_load %arg5[%get3A_504] {strides = array<i32>} : memref<128xi32, #tpu.memory_space<vmem>>, vector<16xi32>,
    %get3A_506 = vector.shape_cast %get3A_505 : vector<16xi32> to vector<16xi32>
    %add3A_507 = arith.constant 4 : i32
    %add3A_508 = vector.broadcast %add3A_507 : i32 to vector<16xi32>
    %add3A_509 = arith.addi %get3A_506, %add3A_508 : vector<16xi32>
    %swap3A_510 = arith.constant 4 : i32
    %swap3A_511 = arith.index_cast %swap3A_510 : i32 to index
    %swap3A_512 = arith.constant 16 : index
    %swap3A_513 = tpu.vector_load %arg6[%swap3A_511, %swap3A_512] {strides = array<i32>} : memref<16x128xi32, #tpu.memory_space<vmem>>, vector<1x16xi32>,
    %swap3A_514 = vector.shape_cast %swap3A_513 : vector<1x16xi32> to vector<16xi32>
    %swap3A_515 = vector.shape_cast %add3A_509 : vector<16xi32> to vector<1x16xi32>
    tpu.vector_store %arg6[%swap3A_511, %swap3A_512], %swap3A_515 {strides = array<i32>} : memref<16x128xi32, #tpu.memory_space<vmem>>, vector<1x16xi32>,
    %get3A_516 = arith.constant 32 : index
    %get3A_517 = tpu.vector_load %arg5[%get3A_516] {strides = array<i32>} : memref<128xi32, #tpu.memory_space<vmem>>, vector<16xi32>,
    %get3A_518 = vector.shape_cast %get3A_517 : vector<16xi32> to vector<16xi32>
    %add3A_519 = arith.constant 4 : i32
    %add3A_520 = vector.broadcast %add3A_519 : i32 to vector<16xi32>
    %add3A_521 = arith.addi %get3A_518, %add3A_520 : vector<16xi32>
    %swap3A_522 = arith.constant 4 : i32
    %swap3A_523 = arith.index_cast %swap3A_522 : i32 to index
    %swap3A_524 = arith.constant 32 : index
    %swap3A_525 = tpu.vector_load %arg6[%swap3A_523, %swap3A_524] {strides = array<i32>} : memref<16x128xi32, #tpu.memory_space<vmem>>, vector<1x16xi32>,
    %swap3A_526 = vector.shape_cast %swap3A_525 : vector<1x16xi32> to vector<16xi32>
    %swap3A_527 = vector.shape_cast %add3A_521 : vector<16xi32> to vector<1x16xi32>
    tpu.vector_store %arg6[%swap3A_523, %swap3A_524], %swap3A_527 {strides = array<i32>} : memref<16x128xi32, #tpu.memory_space<vmem>>, vector<1x16xi32>,
    %get3A_528 = arith.constant 48 : index
    %get3A_529 = tpu.vector_load %arg5[%get3A_528] {strides = array<i32>} : memref<128xi32, #tpu.memory_space<vmem>>, vector<16xi32>,
    %get3A_530 = vector.shape_cast %get3A_529 : vector<16xi32> to vector<16xi32>
    %add3A_531 = arith.constant 4 : i32
    %add3A_532 = vector.broadcast %add3A_531 : i32 to vector<16xi32>
    %add3A_533 = arith.addi %get3A_530, %add3A_532 : vector<16xi32>
    %swap3A_534 = arith.constant 4 : i32
    %swap3A_535 = arith.index_cast %swap3A_534 : i32 to index
    %swap3A_536 = arith.constant 48 : index
    %swap3A_537 = tpu.vector_load %arg6[%swap3A_535, %swap3A_536] {strides = array<i32>} : memref<16x128xi32, #tpu.memory_space<vmem>>, vector<1x16xi32>,
    %swap3A_538 = vector.shape_cast %swap3A_537 : vector<1x16xi32> to vector<16xi32>
    %swap3A_539 = vector.shape_cast %add3A_533 : vector<16xi32> to vector<1x16xi32>
    tpu.vector_store %arg6[%swap3A_535, %swap3A_536], %swap3A_539 {strides = array<i32>} : memref<16x128xi32, #tpu.memory_space<vmem>>, vector<1x16xi32>,
    %get3A_540 = arith.constant 64 : index
    %get3A_541 = tpu.vector_load %arg5[%get3A_540] {strides = array<i32>} : memref<128xi32, #tpu.memory_space<vmem>>, vector<16xi32>,
    %get3A_542 = vector.shape_cast %get3A_541 : vector<16xi32> to vector<16xi32>
    %add3A_543 = arith.constant 4 : i32
    %add3A_544 = vector.broadcast %add3A_543 : i32 to vector<16xi32>
    %add3A_545 = arith.addi %get3A_542, %add3A_544 : vector<16xi32>
    %swap3A_546 = arith.constant 4 : i32
    %swap3A_547 = arith.index_cast %swap3A_546 : i32 to index
    %swap3A_548 = arith.constant 64 : index
    %swap3A_549 = tpu.vector_load %arg6[%swap3A_547, %swap3A_548] {strides = array<i32>} : memref<16x128xi32, #tpu.memory_space<vmem>>, vector<1x16xi32>,
    %swap3A_550 = vector.shape_cast %swap3A_549 : vector<1x16xi32> to vector<16xi32>
    %swap3A_551 = vector.shape_cast %add3A_545 : vector<16xi32> to vector<1x16xi32>
    tpu.vector_store %arg6[%swap3A_547, %swap3A_548], %swap3A_551 {strides = array<i32>} : memref<16x128xi32, #tpu.memory_space<vmem>>, vector<1x16xi32>,
    %get3A_552 = arith.constant 80 : index
    %get3A_553 = tpu.vector_load %arg5[%get3A_552] {strides = array<i32>} : memref<128xi32, #tpu.memory_space<vmem>>, vector<16xi32>,
    %get3A_554 = vector.shape_cast %get3A_553 : vector<16xi32> to vector<16xi32>
    %add3A_555 = arith.constant 4 : i32
    %add3A_556 = vector.broadcast %add3A_555 : i32 to vector<16xi32>
    %add3A_557 = arith.addi %get3A_554, %add3A_556 : vector<16xi32>
    %swap3A_558 = arith.constant 4 : i32
    %swap3A_559 = arith.index_cast %swap3A_558 : i32 to index
    %swap3A_560 = arith.constant 80 : index
    %swap3A_561 = tpu.vector_load %arg6[%swap3A_559, %swap3A_560] {strides = array<i32>} : memref<16x128xi32, #tpu.memory_space<vmem>>, vector<1x16xi32>,
    %swap3A_562 = vector.shape_cast %swap3A_561 : vector<1x16xi32> to vector<16xi32>
    %swap3A_563 = vector.shape_cast %add3A_557 : vector<16xi32> to vector<1x16xi32>
    tpu.vector_store %arg6[%swap3A_559, %swap3A_560], %swap3A_563 {strides = array<i32>} : memref<16x128xi32, #tpu.memory_space<vmem>>, vector<1x16xi32>,
    %get3A_564 = arith.constant 96 : index
    %get3A_565 = tpu.vector_load %arg5[%get3A_564] {strides = array<i32>} : memref<128xi32, #tpu.memory_space<vmem>>, vector<16xi32>,
    %get3A_566 = vector.shape_cast %get3A_565 : vector<16xi32> to vector<16xi32>
    %add3A_567 = arith.constant 4 : i32
    %add3A_568 = vector.broadcast %add3A_567 : i32 to vector<16xi32>
    %add3A_569 = arith.addi %get3A_566, %add3A_568 : vector<16xi32>
    %swap3A_570 = arith.constant 4 : i32
    %swap3A_571 = arith.index_cast %swap3A_570 : i32 to index
    %swap3A_572 = arith.constant 96 : index
    %swap3A_573 = tpu.vector_load %arg6[%swap3A_571, %swap3A_572] {strides = array<i32>} : memref<16x128xi32, #tpu.memory_space<vmem>>, vector<1x16xi32>,
    %swap3A_574 = vector.shape_cast %swap3A_573 : vector<1x16xi32> to vector<16xi32>
    %swap3A_575 = vector.shape_cast %add3A_569 : vector<16xi32> to vector<1x16xi32>
    tpu.vector_store %arg6[%swap3A_571, %swap3A_572], %swap3A_575 {strides = array<i32>} : memref<16x128xi32, #tpu.memory_space<vmem>>, vector<1x16xi32>,
    %get3A_576 = arith.constant 112 : index
    %get3A_577 = tpu.vector_load %arg5[%get3A_576] {strides = array<i32>} : memref<128xi32, #tpu.memory_space<vmem>>, vector<16xi32>,
    %get3A_578 = vector.shape_cast %get3A_577 : vector<16xi32> to vector<16xi32>
    %add3A_579 = arith.constant 4 : i32
    %add3A_580 = vector.broadcast %add3A_579 : i32 to vector<16xi32>
    %add3A_581 = arith.addi %get3A_578, %add3A_580 : vector<16xi32>
    %swap3A_582 = arith.constant 4 : i32
    %swap3A_583 = arith.index_cast %swap3A_582 : i32 to index
    %swap3A_584 = arith.constant 112 : index
    %swap3A_585 = tpu.vector_load %arg6[%swap3A_583, %swap3A_584] {strides = array<i32>} : memref<16x128xi32, #tpu.memory_space<vmem>>, vector<1x16xi32>,
    %swap3A_586 = vector.shape_cast %swap3A_585 : vector<1x16xi32> to vector<16xi32>
    %swap3A_587 = vector.shape_cast %add3A_581 : vector<16xi32> to vector<1x16xi32>
    tpu.vector_store %arg6[%swap3A_583, %swap3A_584], %swap3A_587 {strides = array<i32>} : memref<16x128xi32, #tpu.memory_space<vmem>>, vector<1x16xi32>,
    %get3A_588 = arith.constant 0 : index
    %get3A_589 = tpu.vector_load %arg5[%get3A_588] {strides = array<i32>} : memref<128xi32, #tpu.memory_space<vmem>>, vector<16xi32>,
    %get3A_590 = vector.shape_cast %get3A_589 : vector<16xi32> to vector<16xi32>
    %add3A_591 = arith.constant 5 : i32
    %add3A_592 = vector.broadcast %add3A_591 : i32 to vector<16xi32>
    %add3A_593 = arith.addi %get3A_590, %add3A_592 : vector<16xi32>
    %swap3A_594 = arith.constant 5 : i32
    %swap3A_595 = arith.index_cast %swap3A_594 : i32 to index
    %swap3A_596 = arith.constant 0 : index
    %swap3A_597 = tpu.vector_load %arg6[%swap3A_595, %swap3A_596] {strides = array<i32>} : memref<16x128xi32, #tpu.memory_space<vmem>>, vector<1x16xi32>,
    %swap3A_598 = vector.shape_cast %swap3A_597 : vector<1x16xi32> to vector<16xi32>
    %swap3A_599 = vector.shape_cast %add3A_593 : vector<16xi32> to vector<1x16xi32>
    tpu.vector_store %arg6[%swap3A_595, %swap3A_596], %swap3A_599 {strides = array<i32>} : memref<16x128xi32, #tpu.memory_space<vmem>>, vector<1x16xi32>,
    %get3A_600 = arith.constant 16 : index
    %get3A_601 = tpu.vector_load %arg5[%get3A_600] {strides = array<i32>} : memref<128xi32, #tpu.memory_space<vmem>>, vector<16xi32>,
    %get3A_602 = vector.shape_cast %get3A_601 : vector<16xi32> to vector<16xi32>
    %add3A_603 = arith.constant 5 : i32
    %add3A_604 = vector.broadcast %add3A_603 : i32 to vector<16xi32>
    %add3A_605 = arith.addi %get3A_602, %add3A_604 : vector<16xi32>
    %swap3A_606 = arith.constant 5 : i32
    %swap3A_607 = arith.index_cast %swap3A_606 : i32 to index
    %swap3A_608 = arith.constant 16 : index
    %swap3A_609 = tpu.vector_load %arg6[%swap3A_607, %swap3A_608] {strides = array<i32>} : memref<16x128xi32, #tpu.memory_space<vmem>>, vector<1x16xi32>,
    %swap3A_610 = vector.shape_cast %swap3A_609 : vector<1x16xi32> to vector<16xi32>
    %swap3A_611 = vector.shape_cast %add3A_605 : vector<16xi32> to vector<1x16xi32>
    tpu.vector_store %arg6[%swap3A_607, %swap3A_608], %swap3A_611 {strides = array<i32>} : memref<16x128xi32, #tpu.memory_space<vmem>>, vector<1x16xi32>,
    %get3A_612 = arith.constant 32 : index
    %get3A_613 = tpu.vector_load %arg5[%get3A_612] {strides = array<i32>} : memref<128xi32, #tpu.memory_space<vmem>>, vector<16xi32>,
    %get3A_614 = vector.shape_cast %get3A_613 : vector<16xi32> to vector<16xi32>
    %add3A_615 = arith.constant 5 : i32
    %add3A_616 = vector.broadcast %add3A_615 : i32 to vector<16xi32>
    %add3A_617 = arith.addi %get3A_614, %add3A_616 : vector<16xi32>
    %swap3A_618 = arith.constant 5 : i32
    %swap3A_619 = arith.index_cast %swap3A_618 : i32 to index
    %swap3A_620 = arith.constant 32 : index
    %swap3A_621 = tpu.vector_load %arg6[%swap3A_619, %swap3A_620] {strides = array<i32>} : memref<16x128xi32, #tpu.memory_space<vmem>>, vector<1x16xi32>,
    %swap3A_622 = vector.shape_cast %swap3A_621 : vector<1x16xi32> to vector<16xi32>
    %swap3A_623 = vector.shape_cast %add3A_617 : vector<16xi32> to vector<1x16xi32>
    tpu.vector_store %arg6[%swap3A_619, %swap3A_620], %swap3A_623 {strides = array<i32>} : memref<16x128xi32, #tpu.memory_space<vmem>>, vector<1x16xi32>,
    %get3A_624 = arith.constant 48 : index
    %get3A_625 = tpu.vector_load %arg5[%get3A_624] {strides = array<i32>} : memref<128xi32, #tpu.memory_space<vmem>>, vector<16xi32>,
    %get3A_626 = vector.shape_cast %get3A_625 : vector<16xi32> to vector<16xi32>
    %add3A_627 = arith.constant 5 : i32
    %add3A_628 = vector.broadcast %add3A_627 : i32 to vector<16xi32>
    %add3A_629 = arith.addi %get3A_626, %add3A_628 : vector<16xi32>
    %swap3A_630 = arith.constant 5 : i32
    %swap3A_631 = arith.index_cast %swap3A_630 : i32 to index
    %swap3A_632 = arith.constant 48 : index
    %swap3A_633 = tpu.vector_load %arg6[%swap3A_631, %swap3A_632] {strides = array<i32>} : memref<16x128xi32, #tpu.memory_space<vmem>>, vector<1x16xi32>,
    %swap3A_634 = vector.shape_cast %swap3A_633 : vector<1x16xi32> to vector<16xi32>
    %swap3A_635 = vector.shape_cast %add3A_629 : vector<16xi32> to vector<1x16xi32>
    tpu.vector_store %arg6[%swap3A_631, %swap3A_632], %swap3A_635 {strides = array<i32>} : memref<16x128xi32, #tpu.memory_space<vmem>>, vector<1x16xi32>,
    %get3A_636 = arith.constant 64 : index
    %get3A_637 = tpu.vector_load %arg5[%get3A_636] {strides = array<i32>} : memref<128xi32, #tpu.memory_space<vmem>>, vector<16xi32>,
    %get3A_638 = vector.shape_cast %get3A_637 : vector<16xi32> to vector<16xi32>
    %add3A_639 = arith.constant 5 : i32
    %add3A_640 = vector.broadcast %add3A_639 : i32 to vector<16xi32>
    %add3A_641 = arith.addi %get3A_638, %add3A_640 : vector<16xi32>
    %swap3A_642 = arith.constant 5 : i32
    %swap3A_643 = arith.index_cast %swap3A_642 : i32 to index
    %swap3A_644 = arith.constant 64 : index
    %swap3A_645 = tpu.vector_load %arg6[%swap3A_643, %swap3A_644] {strides = array<i32>} : memref<16x128xi32, #tpu.memory_space<vmem>>, vector<1x16xi32>,
    %swap3A_646 = vector.shape_cast %swap3A_645 : vector<1x16xi32> to vector<16xi32>
    %swap3A_647 = vector.shape_cast %add3A_641 : vector<16xi32> to vector<1x16xi32>
    tpu.vector_store %arg6[%swap3A_643, %swap3A_644], %swap3A_647 {strides = array<i32>} : memref<16x128xi32, #tpu.memory_space<vmem>>, vector<1x16xi32>,
    %get3A_648 = arith.constant 80 : index
    %get3A_649 = tpu.vector_load %arg5[%get3A_648] {strides = array<i32>} : memref<128xi32, #tpu.memory_space<vmem>>, vector<16xi32>,
    %get3A_650 = vector.shape_cast %get3A_649 : vector<16xi32> to vector<16xi32>
    %add3A_651 = arith.constant 5 : i32
    %add3A_652 = vector.broadcast %add3A_651 : i32 to vector<16xi32>
    %add3A_653 = arith.addi %get3A_650, %add3A_652 : vector<16xi32>
    %swap3A_654 = arith.constant 5 : i32
    %swap3A_655 = arith.index_cast %swap3A_654 : i32 to index
    %swap3A_656 = arith.constant 80 : index
    %swap3A_657 = tpu.vector_load %arg6[%swap3A_655, %swap3A_656] {strides = array<i32>} : memref<16x128xi32, #tpu.memory_space<vmem>>, vector<1x16xi32>,
    %swap3A_658 = vector.shape_cast %swap3A_657 : vector<1x16xi32> to vector<16xi32>
    %swap3A_659 = vector.shape_cast %add3A_653 : vector<16xi32> to vector<1x16xi32>
    tpu.vector_store %arg6[%swap3A_655, %swap3A_656], %swap3A_659 {strides = array<i32>} : memref<16x128xi32, #tpu.memory_space<vmem>>, vector<1x16xi32>,
    %get3A_660 = arith.constant 96 : index
    %get3A_661 = tpu.vector_load %arg5[%get3A_660] {strides = array<i32>} : memref<128xi32, #tpu.memory_space<vmem>>, vector<16xi32>,
    %get3A_662 = vector.shape_cast %get3A_661 : vector<16xi32> to vector<16xi32>
    %add3A_663 = arith.constant 5 : i32
    %add3A_664 = vector.broadcast %add3A_663 : i32 to vector<16xi32>
    %add3A_665 = arith.addi %get3A_662, %add3A_664 : vector<16xi32>
    %swap3A_666 = arith.constant 5 : i32
    %swap3A_667 = arith.index_cast %swap3A_666 : i32 to index
    %swap3A_668 = arith.constant 96 : index
    %swap3A_669 = tpu.vector_load %arg6[%swap3A_667, %swap3A_668] {strides = array<i32>} : memref<16x128xi32, #tpu.memory_space<vmem>>, vector<1x16xi32>,
    %swap3A_670 = vector.shape_cast %swap3A_669 : vector<1x16xi32> to vector<16xi32>
    %swap3A_671 = vector.shape_cast %add3A_665 : vector<16xi32> to vector<1x16xi32>
    tpu.vector_store %arg6[%swap3A_667, %swap3A_668], %swap3A_671 {strides = array<i32>} : memref<16x128xi32, #tpu.memory_space<vmem>>, vector<1x16xi32>,
    %get3A_672 = arith.constant 112 : index
    %get3A_673 = tpu.vector_load %arg5[%get3A_672] {strides = array<i32>} : memref<128xi32, #tpu.memory_space<vmem>>, vector<16xi32>,
    %get3A_674 = vector.shape_cast %get3A_673 : vector<16xi32> to vector<16xi32>
    %add3A_675 = arith.constant 5 : i32
    %add3A_676 = vector.broadcast %add3A_675 : i32 to vector<16xi32>
    %add3A_677 = arith.addi %get3A_674, %add3A_676 : vector<16xi32>
    %swap3A_678 = arith.constant 5 : i32
    %swap3A_679 = arith.index_cast %swap3A_678 : i32 to index
    %swap3A_680 = arith.constant 112 : index
    %swap3A_681 = tpu.vector_load %arg6[%swap3A_679, %swap3A_680] {strides = array<i32>} : memref<16x128xi32, #tpu.memory_space<vmem>>, vector<1x16xi32>,
    %swap3A_682 = vector.shape_cast %swap3A_681 : vector<1x16xi32> to vector<16xi32>
    %swap3A_683 = vector.shape_cast %add3A_677 : vector<16xi32> to vector<1x16xi32>
    tpu.vector_store %arg6[%swap3A_679, %swap3A_680], %swap3A_683 {strides = array<i32>} : memref<16x128xi32, #tpu.memory_space<vmem>>, vector<1x16xi32>,
    %get3A_684 = arith.constant 0 : index
    %get3A_685 = tpu.vector_load %arg5[%get3A_684] {strides = array<i32>} : memref<128xi32, #tpu.memory_space<vmem>>, vector<16xi32>,
    %get3A_686 = vector.shape_cast %get3A_685 : vector<16xi32> to vector<16xi32>
    %add3A_687 = arith.constant 6 : i32
    %add3A_688 = vector.broadcast %add3A_687 : i32 to vector<16xi32>
    %add3A_689 = arith.addi %get3A_686, %add3A_688 : vector<16xi32>
    %swap3A_690 = arith.constant 6 : i32
    %swap3A_691 = arith.index_cast %swap3A_690 : i32 to index
    %swap3A_692 = arith.constant 0 : index
    %swap3A_693 = tpu.vector_load %arg6[%swap3A_691, %swap3A_692] {strides = array<i32>} : memref<16x128xi32, #tpu.memory_space<vmem>>, vector<1x16xi32>,
    %swap3A_694 = vector.shape_cast %swap3A_693 : vector<1x16xi32> to vector<16xi32>
    %swap3A_695 = vector.shape_cast %add3A_689 : vector<16xi32> to vector<1x16xi32>
    tpu.vector_store %arg6[%swap3A_691, %swap3A_692], %swap3A_695 {strides = array<i32>} : memref<16x128xi32, #tpu.memory_space<vmem>>, vector<1x16xi32>,
    %get3A_696 = arith.constant 16 : index
    %get3A_697 = tpu.vector_load %arg5[%get3A_696] {strides = array<i32>} : memref<128xi32, #tpu.memory_space<vmem>>, vector<16xi32>,
    %get3A_698 = vector.shape_cast %get3A_697 : vector<16xi32> to vector<16xi32>
    %add3A_699 = arith.constant 6 : i32
    %add3A_700 = vector.broadcast %add3A_699 : i32 to vector<16xi32>
    %add3A_701 = arith.addi %get3A_698, %add3A_700 : vector<16xi32>
    %swap3A_702 = arith.constant 6 : i32
    %swap3A_703 = arith.index_cast %swap3A_702 : i32 to index
    %swap3A_704 = arith.constant 16 : index
    %swap3A_705 = tpu.vector_load %arg6[%swap3A_703, %swap3A_704] {strides = array<i32>} : memref<16x128xi32, #tpu.memory_space<vmem>>, vector<1x16xi32>,
    %swap3A_706 = vector.shape_cast %swap3A_705 : vector<1x16xi32> to vector<16xi32>
    %swap3A_707 = vector.shape_cast %add3A_701 : vector<16xi32> to vector<1x16xi32>
    tpu.vector_store %arg6[%swap3A_703, %swap3A_704], %swap3A_707 {strides = array<i32>} : memref<16x128xi32, #tpu.memory_space<vmem>>, vector<1x16xi32>,
    %get3A_708 = arith.constant 32 : index
    %get3A_709 = tpu.vector_load %arg5[%get3A_708] {strides = array<i32>} : memref<128xi32, #tpu.memory_space<vmem>>, vector<16xi32>,
    %get3A_710 = vector.shape_cast %get3A_709 : vector<16xi32> to vector<16xi32>
    %add3A_711 = arith.constant 6 : i32
    %add3A_712 = vector.broadcast %add3A_711 : i32 to vector<16xi32>
    %add3A_713 = arith.addi %get3A_710, %add3A_712 : vector<16xi32>
    %swap3A_714 = arith.constant 6 : i32
    %swap3A_715 = arith.index_cast %swap3A_714 : i32 to index
    %swap3A_716 = arith.constant 32 : index
    %swap3A_717 = tpu.vector_load %arg6[%swap3A_715, %swap3A_716] {strides = array<i32>} : memref<16x128xi32, #tpu.memory_space<vmem>>, vector<1x16xi32>,
    %swap3A_718 = vector.shape_cast %swap3A_717 : vector<1x16xi32> to vector<16xi32>
    %swap3A_719 = vector.shape_cast %add3A_713 : vector<16xi32> to vector<1x16xi32>
    tpu.vector_store %arg6[%swap3A_715, %swap3A_716], %swap3A_719 {strides = array<i32>} : memref<16x128xi32, #tpu.memory_space<vmem>>, vector<1x16xi32>,
    %get3A_720 = arith.constant 48 : index
    %get3A_721 = tpu.vector_load %arg5[%get3A_720] {strides = array<i32>} : memref<128xi32, #tpu.memory_space<vmem>>, vector<16xi32>,
    %get3A_722 = vector.shape_cast %get3A_721 : vector<16xi32> to vector<16xi32>
    %add3A_723 = arith.constant 6 : i32
    %add3A_724 = vector.broadcast %add3A_723 : i32 to vector<16xi32>
    %add3A_725 = arith.addi %get3A_722, %add3A_724 : vector<16xi32>
    %swap3A_726 = arith.constant 6 : i32
    %swap3A_727 = arith.index_cast %swap3A_726 : i32 to index
    %swap3A_728 = arith.constant 48 : index
    %swap3A_729 = tpu.vector_load %arg6[%swap3A_727, %swap3A_728] {strides = array<i32>} : memref<16x128xi32, #tpu.memory_space<vmem>>, vector<1x16xi32>,
    %swap3A_730 = vector.shape_cast %swap3A_729 : vector<1x16xi32> to vector<16xi32>
    %swap3A_731 = vector.shape_cast %add3A_725 : vector<16xi32> to vector<1x16xi32>
    tpu.vector_store %arg6[%swap3A_727, %swap3A_728], %swap3A_731 {strides = array<i32>} : memref<16x128xi32, #tpu.memory_space<vmem>>, vector<1x16xi32>,
    %get3A_732 = arith.constant 64 : index
    %get3A_733 = tpu.vector_load %arg5[%get3A_732] {strides = array<i32>} : memref<128xi32, #tpu.memory_space<vmem>>, vector<16xi32>,
    %get3A_734 = vector.shape_cast %get3A_733 : vector<16xi32> to vector<16xi32>
    %add3A_735 = arith.constant 6 : i32
    %add3A_736 = vector.broadcast %add3A_735 : i32 to vector<16xi32>
    %add3A_737 = arith.addi %get3A_734, %add3A_736 : vector<16xi32>
    %swap3A_738 = arith.constant 6 : i32
    %swap3A_739 = arith.index_cast %swap3A_738 : i32 to index
    %swap3A_740 = arith.constant 64 : index
    %swap3A_741 = tpu.vector_load %arg6[%swap3A_739, %swap3A_740] {strides = array<i32>} : memref<16x128xi32, #tpu.memory_space<vmem>>, vector<1x16xi32>,
    %swap3A_742 = vector.shape_cast %swap3A_741 : vector<1x16xi32> to vector<16xi32>
    %swap3A_743 = vector.shape_cast %add3A_737 : vector<16xi32> to vector<1x16xi32>
    tpu.vector_store %arg6[%swap3A_739, %swap3A_740], %swap3A_743 {strides = array<i32>} : memref<16x128xi32, #tpu.memory_space<vmem>>, vector<1x16xi32>,
    %get3A_744 = arith.constant 80 : index
    %get3A_745 = tpu.vector_load %arg5[%get3A_744] {strides = array<i32>} : memref<128xi32, #tpu.memory_space<vmem>>, vector<16xi32>,
    %get3A_746 = vector.shape_cast %get3A_745 : vector<16xi32> to vector<16xi32>
    %add3A_747 = arith.constant 6 : i32
    %add3A_748 = vector.broadcast %add3A_747 : i32 to vector<16xi32>
    %add3A_749 = arith.addi %get3A_746, %add3A_748 : vector<16xi32>
    %swap3A_750 = arith.constant 6 : i32
    %swap3A_751 = arith.index_cast %swap3A_750 : i32 to index
    %swap3A_752 = arith.constant 80 : index
    %swap3A_753 = tpu.vector_load %arg6[%swap3A_751, %swap3A_752] {strides = array<i32>} : memref<16x128xi32, #tpu.memory_space<vmem>>, vector<1x16xi32>,
    %swap3A_754 = vector.shape_cast %swap3A_753 : vector<1x16xi32> to vector<16xi32>
    %swap3A_755 = vector.shape_cast %add3A_749 : vector<16xi32> to vector<1x16xi32>
    tpu.vector_store %arg6[%swap3A_751, %swap3A_752], %swap3A_755 {strides = array<i32>} : memref<16x128xi32, #tpu.memory_space<vmem>>, vector<1x16xi32>,
    %get3A_756 = arith.constant 96 : index
    %get3A_757 = tpu.vector_load %arg5[%get3A_756] {strides = array<i32>} : memref<128xi32, #tpu.memory_space<vmem>>, vector<16xi32>,
    %get3A_758 = vector.shape_cast %get3A_757 : vector<16xi32> to vector<16xi32>
    %add3A_759 = arith.constant 6 : i32
    %add3A_760 = vector.broadcast %add3A_759 : i32 to vector<16xi32>
    %add3A_761 = arith.addi %get3A_758, %add3A_760 : vector<16xi32>
    %swap3A_762 = arith.constant 6 : i32
    %swap3A_763 = arith.index_cast %swap3A_762 : i32 to index
    %swap3A_764 = arith.constant 96 : index
    %swap3A_765 = tpu.vector_load %arg6[%swap3A_763, %swap3A_764] {strides = array<i32>} : memref<16x128xi32, #tpu.memory_space<vmem>>, vector<1x16xi32>,
    %swap3A_766 = vector.shape_cast %swap3A_765 : vector<1x16xi32> to vector<16xi32>
    %swap3A_767 = vector.shape_cast %add3A_761 : vector<16xi32> to vector<1x16xi32>
    tpu.vector_store %arg6[%swap3A_763, %swap3A_764], %swap3A_767 {strides = array<i32>} : memref<16x128xi32, #tpu.memory_space<vmem>>, vector<1x16xi32>,
    %get3A_768 = arith.constant 112 : index
    %get3A_769 = tpu.vector_load %arg5[%get3A_768] {strides = array<i32>} : memref<128xi32, #tpu.memory_space<vmem>>, vector<16xi32>,
    %get3A_770 = vector.shape_cast %get3A_769 : vector<16xi32> to vector<16xi32>
    %add3A_771 = arith.constant 6 : i32
    %add3A_772 = vector.broadcast %add3A_771 : i32 to vector<16xi32>
    %add3A_773 = arith.addi %get3A_770, %add3A_772 : vector<16xi32>
    %swap3A_774 = arith.constant 6 : i32
    %swap3A_775 = arith.index_cast %swap3A_774 : i32 to index
    %swap3A_776 = arith.constant 112 : index
    %swap3A_777 = tpu.vector_load %arg6[%swap3A_775, %swap3A_776] {strides = array<i32>} : memref<16x128xi32, #tpu.memory_space<vmem>>, vector<1x16xi32>,
    %swap3A_778 = vector.shape_cast %swap3A_777 : vector<1x16xi32> to vector<16xi32>
    %swap3A_779 = vector.shape_cast %add3A_773 : vector<16xi32> to vector<1x16xi32>
    tpu.vector_store %arg6[%swap3A_775, %swap3A_776], %swap3A_779 {strides = array<i32>} : memref<16x128xi32, #tpu.memory_space<vmem>>, vector<1x16xi32>,
    %get3A_780 = arith.constant 0 : index
    %get3A_781 = tpu.vector_load %arg5[%get3A_780] {strides = array<i32>} : memref<128xi32, #tpu.memory_space<vmem>>, vector<16xi32>,
    %get3A_782 = vector.shape_cast %get3A_781 : vector<16xi32> to vector<16xi32>
    %add3A_783 = arith.constant 7 : i32
    %add3A_784 = vector.broadcast %add3A_783 : i32 to vector<16xi32>
    %add3A_785 = arith.addi %get3A_782, %add3A_784 : vector<16xi32>
    %swap3A_786 = arith.constant 7 : i32
    %swap3A_787 = arith.index_cast %swap3A_786 : i32 to index
    %swap3A_788 = arith.constant 0 : index
    %swap3A_789 = tpu.vector_load %arg6[%swap3A_787, %swap3A_788] {strides = array<i32>} : memref<16x128xi32, #tpu.memory_space<vmem>>, vector<1x16xi32>,
    %swap3A_790 = vector.shape_cast %swap3A_789 : vector<1x16xi32> to vector<16xi32>
    %swap3A_791 = vector.shape_cast %add3A_785 : vector<16xi32> to vector<1x16xi32>
    tpu.vector_store %arg6[%swap3A_787, %swap3A_788], %swap3A_791 {strides = array<i32>} : memref<16x128xi32, #tpu.memory_space<vmem>>, vector<1x16xi32>,
    %get3A_792 = arith.constant 16 : index
    %get3A_793 = tpu.vector_load %arg5[%get3A_792] {strides = array<i32>} : memref<128xi32, #tpu.memory_space<vmem>>, vector<16xi32>,
    %get3A_794 = vector.shape_cast %get3A_793 : vector<16xi32> to vector<16xi32>
    %add3A_795 = arith.constant 7 : i32
    %add3A_796 = vector.broadcast %add3A_795 : i32 to vector<16xi32>
    %add3A_797 = arith.addi %get3A_794, %add3A_796 : vector<16xi32>
    %swap3A_798 = arith.constant 7 : i32
    %swap3A_799 = arith.index_cast %swap3A_798 : i32 to index
    %swap3A_800 = arith.constant 16 : index
    %swap3A_801 = tpu.vector_load %arg6[%swap3A_799, %swap3A_800] {strides = array<i32>} : memref<16x128xi32, #tpu.memory_space<vmem>>, vector<1x16xi32>,
    %swap3A_802 = vector.shape_cast %swap3A_801 : vector<1x16xi32> to vector<16xi32>
    %swap3A_803 = vector.shape_cast %add3A_797 : vector<16xi32> to vector<1x16xi32>
    tpu.vector_store %arg6[%swap3A_799, %swap3A_800], %swap3A_803 {strides = array<i32>} : memref<16x128xi32, #tpu.memory_space<vmem>>, vector<1x16xi32>,
    %get3A_804 = arith.constant 32 : index
    %get3A_805 = tpu.vector_load %arg5[%get3A_804] {strides = array<i32>} : memref<128xi32, #tpu.memory_space<vmem>>, vector<16xi32>,
    %get3A_806 = vector.shape_cast %get3A_805 : vector<16xi32> to vector<16xi32>
    %add3A_807 = arith.constant 7 : i32
    %add3A_808 = vector.broadcast %add3A_807 : i32 to vector<16xi32>
    %add3A_809 = arith.addi %get3A_806, %add3A_808 : vector<16xi32>
    %swap3A_810 = arith.constant 7 : i32
    %swap3A_811 = arith.index_cast %swap3A_810 : i32 to index
    %swap3A_812 = arith.constant 32 : index
    %swap3A_813 = tpu.vector_load %arg6[%swap3A_811, %swap3A_812] {strides = array<i32>} : memref<16x128xi32, #tpu.memory_space<vmem>>, vector<1x16xi32>,
    %swap3A_814 = vector.shape_cast %swap3A_813 : vector<1x16xi32> to vector<16xi32>
    %swap3A_815 = vector.shape_cast %add3A_809 : vector<16xi32> to vector<1x16xi32>
    tpu.vector_store %arg6[%swap3A_811, %swap3A_812], %swap3A_815 {strides = array<i32>} : memref<16x128xi32, #tpu.memory_space<vmem>>, vector<1x16xi32>,
    %get3A_816 = arith.constant 48 : index
    %get3A_817 = tpu.vector_load %arg5[%get3A_816] {strides = array<i32>} : memref<128xi32, #tpu.memory_space<vmem>>, vector<16xi32>,
    %get3A_818 = vector.shape_cast %get3A_817 : vector<16xi32> to vector<16xi32>
    %add3A_819 = arith.constant 7 : i32
    %add3A_820 = vector.broadcast %add3A_819 : i32 to vector<16xi32>
    %add3A_821 = arith.addi %get3A_818, %add3A_820 : vector<16xi32>
    %swap3A_822 = arith.constant 7 : i32
    %swap3A_823 = arith.index_cast %swap3A_822 : i32 to index
    %swap3A_824 = arith.constant 48 : index
    %swap3A_825 = tpu.vector_load %arg6[%swap3A_823, %swap3A_824] {strides = array<i32>} : memref<16x128xi32, #tpu.memory_space<vmem>>, vector<1x16xi32>,
    %swap3A_826 = vector.shape_cast %swap3A_825 : vector<1x16xi32> to vector<16xi32>
    %swap3A_827 = vector.shape_cast %add3A_821 : vector<16xi32> to vector<1x16xi32>
    tpu.vector_store %arg6[%swap3A_823, %swap3A_824], %swap3A_827 {strides = array<i32>} : memref<16x128xi32, #tpu.memory_space<vmem>>, vector<1x16xi32>,
    %get3A_828 = arith.constant 64 : index
    %get3A_829 = tpu.vector_load %arg5[%get3A_828] {strides = array<i32>} : memref<128xi32, #tpu.memory_space<vmem>>, vector<16xi32>,
    %get3A_830 = vector.shape_cast %get3A_829 : vector<16xi32> to vector<16xi32>
    %add3A_831 = arith.constant 7 : i32
    %add3A_832 = vector.broadcast %add3A_831 : i32 to vector<16xi32>
    %add3A_833 = arith.addi %get3A_830, %add3A_832 : vector<16xi32>
    %swap3A_834 = arith.constant 7 : i32
    %swap3A_835 = arith.index_cast %swap3A_834 : i32 to index
    %swap3A_836 = arith.constant 64 : index
    %swap3A_837 = tpu.vector_load %arg6[%swap3A_835, %swap3A_836] {strides = array<i32>} : memref<16x128xi32, #tpu.memory_space<vmem>>, vector<1x16xi32>,
    %swap3A_838 = vector.shape_cast %swap3A_837 : vector<1x16xi32> to vector<16xi32>
    %swap3A_839 = vector.shape_cast %add3A_833 : vector<16xi32> to vector<1x16xi32>
    tpu.vector_store %arg6[%swap3A_835, %swap3A_836], %swap3A_839 {strides = array<i32>} : memref<16x128xi32, #tpu.memory_space<vmem>>, vector<1x16xi32>,
    %get3A_840 = arith.constant 80 : index
    %get3A_841 = tpu.vector_load %arg5[%get3A_840] {strides = array<i32>} : memref<128xi32, #tpu.memory_space<vmem>>, vector<16xi32>,
    %get3A_842 = vector.shape_cast %get3A_841 : vector<16xi32> to vector<16xi32>
    %add3A_843 = arith.constant 7 : i32
    %add3A_844 = vector.broadcast %add3A_843 : i32 to vector<16xi32>
    %add3A_845 = arith.addi %get3A_842, %add3A_844 : vector<16xi32>
    %swap3A_846 = arith.constant 7 : i32
    %swap3A_847 = arith.index_cast %swap3A_846 : i32 to index
    %swap3A_848 = arith.constant 80 : index
    %swap3A_849 = tpu.vector_load %arg6[%swap3A_847, %swap3A_848] {strides = array<i32>} : memref<16x128xi32, #tpu.memory_space<vmem>>, vector<1x16xi32>,
    %swap3A_850 = vector.shape_cast %swap3A_849 : vector<1x16xi32> to vector<16xi32>
    %swap3A_851 = vector.shape_cast %add3A_845 : vector<16xi32> to vector<1x16xi32>
    tpu.vector_store %arg6[%swap3A_847, %swap3A_848], %swap3A_851 {strides = array<i32>} : memref<16x128xi32, #tpu.memory_space<vmem>>, vector<1x16xi32>,
    %get3A_852 = arith.constant 96 : index
    %get3A_853 = tpu.vector_load %arg5[%get3A_852] {strides = array<i32>} : memref<128xi32, #tpu.memory_space<vmem>>, vector<16xi32>,
    %get3A_854 = vector.shape_cast %get3A_853 : vector<16xi32> to vector<16xi32>
    %add3A_855 = arith.constant 7 : i32
    %add3A_856 = vector.broadcast %add3A_855 : i32 to vector<16xi32>
    %add3A_857 = arith.addi %get3A_854, %add3A_856 : vector<16xi32>
    %swap3A_858 = arith.constant 7 : i32
    %swap3A_859 = arith.index_cast %swap3A_858 : i32 to index
    %swap3A_860 = arith.constant 96 : index
    %swap3A_861 = tpu.vector_load %arg6[%swap3A_859, %swap3A_860] {strides = array<i32>} : memref<16x128xi32, #tpu.memory_space<vmem>>, vector<1x16xi32>,
    %swap3A_862 = vector.shape_cast %swap3A_861 : vector<1x16xi32> to vector<16xi32>
    %swap3A_863 = vector.shape_cast %add3A_857 : vector<16xi32> to vector<1x16xi32>
    tpu.vector_store %arg6[%swap3A_859, %swap3A_860], %swap3A_863 {strides = array<i32>} : memref<16x128xi32, #tpu.memory_space<vmem>>, vector<1x16xi32>,
    %get3A_864 = arith.constant 112 : index
    %get3A_865 = tpu.vector_load %arg5[%get3A_864] {strides = array<i32>} : memref<128xi32, #tpu.memory_space<vmem>>, vector<16xi32>,
    %get3A_866 = vector.shape_cast %get3A_865 : vector<16xi32> to vector<16xi32>
    %add3A_867 = arith.constant 7 : i32
    %add3A_868 = vector.broadcast %add3A_867 : i32 to vector<16xi32>
    %add3A_869 = arith.addi %get3A_866, %add3A_868 : vector<16xi32>
    %swap3A_870 = arith.constant 7 : i32
    %swap3A_871 = arith.index_cast %swap3A_870 : i32 to index
    %swap3A_872 = arith.constant 112 : index
    %swap3A_873 = tpu.vector_load %arg6[%swap3A_871, %swap3A_872] {strides = array<i32>} : memref<16x128xi32, #tpu.memory_space<vmem>>, vector<1x16xi32>,
    %swap3A_874 = vector.shape_cast %swap3A_873 : vector<1x16xi32> to vector<16xi32>
    %swap3A_875 = vector.shape_cast %add3A_869 : vector<16xi32> to vector<1x16xi32>
    tpu.vector_store %arg6[%swap3A_871, %swap3A_872], %swap3A_875 {strides = array<i32>} : memref<16x128xi32, #tpu.memory_space<vmem>>, vector<1x16xi32>,
    %get3A_876 = arith.constant 0 : index
    %get3A_877 = tpu.vector_load %arg5[%get3A_876] {strides = array<i32>} : memref<128xi32, #tpu.memory_space<vmem>>, vector<16xi32>,
    %get3A_878 = vector.shape_cast %get3A_877 : vector<16xi32> to vector<16xi32>
    %add3A_879 = arith.constant 8 : i32
    %add3A_880 = vector.broadcast %add3A_879 : i32 to vector<16xi32>
    %add3A_881 = arith.addi %get3A_878, %add3A_880 : vector<16xi32>
    %swap3A_882 = arith.constant 8 : i32
    %swap3A_883 = arith.index_cast %swap3A_882 : i32 to index
    %swap3A_884 = arith.constant 0 : index
    %swap3A_885 = tpu.vector_load %arg6[%swap3A_883, %swap3A_884] {strides = array<i32>} : memref<16x128xi32, #tpu.memory_space<vmem>>, vector<1x16xi32>,
    %swap3A_886 = vector.shape_cast %swap3A_885 : vector<1x16xi32> to vector<16xi32>
    %swap3A_887 = vector.shape_cast %add3A_881 : vector<16xi32> to vector<1x16xi32>
    tpu.vector_store %arg6[%swap3A_883, %swap3A_884], %swap3A_887 {strides = array<i32>} : memref<16x128xi32, #tpu.memory_space<vmem>>, vector<1x16xi32>,
    %get3A_888 = arith.constant 16 : index
    %get3A_889 = tpu.vector_load %arg5[%get3A_888] {strides = array<i32>} : memref<128xi32, #tpu.memory_space<vmem>>, vector<16xi32>,
    %get3A_890 = vector.shape_cast %get3A_889 : vector<16xi32> to vector<16xi32>
    %add3A_891 = arith.constant 8 : i32
    %add3A_892 = vector.broadcast %add3A_891 : i32 to vector<16xi32>
    %add3A_893 = arith.addi %get3A_890, %add3A_892 : vector<16xi32>
    %swap3A_894 = arith.constant 8 : i32
    %swap3A_895 = arith.index_cast %swap3A_894 : i32 to index
    %swap3A_896 = arith.constant 16 : index
    %swap3A_897 = tpu.vector_load %arg6[%swap3A_895, %swap3A_896] {strides = array<i32>} : memref<16x128xi32, #tpu.memory_space<vmem>>, vector<1x16xi32>,
    %swap3A_898 = vector.shape_cast %swap3A_897 : vector<1x16xi32> to vector<16xi32>
    %swap3A_899 = vector.shape_cast %add3A_893 : vector<16xi32> to vector<1x16xi32>
    tpu.vector_store %arg6[%swap3A_895, %swap3A_896], %swap3A_899 {strides = array<i32>} : memref<16x128xi32, #tpu.memory_space<vmem>>, vector<1x16xi32>,
    %get3A_900 = arith.constant 32 : index
    %get3A_901 = tpu.vector_load %arg5[%get3A_900] {strides = array<i32>} : memref<128xi32, #tpu.memory_space<vmem>>, vector<16xi32>,
    %get3A_902 = vector.shape_cast %get3A_901 : vector<16xi32> to vector<16xi32>
    %add3A_903 = arith.constant 8 : i32
    %add3A_904 = vector.broadcast %add3A_903 : i32 to vector<16xi32>
    %add3A_905 = arith.addi %get3A_902, %add3A_904 : vector<16xi32>
    %swap3A_906 = arith.constant 8 : i32
    %swap3A_907 = arith.index_cast %swap3A_906 : i32 to index
    %swap3A_908 = arith.constant 32 : index
    %swap3A_909 = tpu.vector_load %arg6[%swap3A_907, %swap3A_908] {strides = array<i32>} : memref<16x128xi32, #tpu.memory_space<vmem>>, vector<1x16xi32>,
    %swap3A_910 = vector.shape_cast %swap3A_909 : vector<1x16xi32> to vector<16xi32>
    %swap3A_911 = vector.shape_cast %add3A_905 : vector<16xi32> to vector<1x16xi32>
    tpu.vector_store %arg6[%swap3A_907, %swap3A_908], %swap3A_911 {strides = array<i32>} : memref<16x128xi32, #tpu.memory_space<vmem>>, vector<1x16xi32>,
    %get3A_912 = arith.constant 48 : index
    %get3A_913 = tpu.vector_load %arg5[%get3A_912] {strides = array<i32>} : memref<128xi32, #tpu.memory_space<vmem>>, vector<16xi32>,
    %get3A_914 = vector.shape_cast %get3A_913 : vector<16xi32> to vector<16xi32>
    %add3A_915 = arith.constant 8 : i32
    %add3A_916 = vector.broadcast %add3A_915 : i32 to vector<16xi32>
    %add3A_917 = arith.addi %get3A_914, %add3A_916 : vector<16xi32>
    %swap3A_918 = arith.constant 8 : i32
    %swap3A_919 = arith.index_cast %swap3A_918 : i32 to index
    %swap3A_920 = arith.constant 48 : index
    %swap3A_921 = tpu.vector_load %arg6[%swap3A_919, %swap3A_920] {strides = array<i32>} : memref<16x128xi32, #tpu.memory_space<vmem>>, vector<1x16xi32>,
    %swap3A_922 = vector.shape_cast %swap3A_921 : vector<1x16xi32> to vector<16xi32>
    %swap3A_923 = vector.shape_cast %add3A_917 : vector<16xi32> to vector<1x16xi32>
    tpu.vector_store %arg6[%swap3A_919, %swap3A_920], %swap3A_923 {strides = array<i32>} : memref<16x128xi32, #tpu.memory_space<vmem>>, vector<1x16xi32>,
    %get3A_924 = arith.constant 64 : index
    %get3A_925 = tpu.vector_load %arg5[%get3A_924] {strides = array<i32>} : memref<128xi32, #tpu.memory_space<vmem>>, vector<16xi32>,
    %get3A_926 = vector.shape_cast %get3A_925 : vector<16xi32> to vector<16xi32>
    %add3A_927 = arith.constant 8 : i32
    %add3A_928 = vector.broadcast %add3A_927 : i32 to vector<16xi32>
    %add3A_929 = arith.addi %get3A_926, %add3A_928 : vector<16xi32>
    %swap3A_930 = arith.constant 8 : i32
    %swap3A_931 = arith.index_cast %swap3A_930 : i32 to index
    %swap3A_932 = arith.constant 64 : index
    %swap3A_933 = tpu.vector_load %arg6[%swap3A_931, %swap3A_932] {strides = array<i32>} : memref<16x128xi32, #tpu.memory_space<vmem>>, vector<1x16xi32>,
    %swap3A_934 = vector.shape_cast %swap3A_933 : vector<1x16xi32> to vector<16xi32>
    %swap3A_935 = vector.shape_cast %add3A_929 : vector<16xi32> to vector<1x16xi32>
    tpu.vector_store %arg6[%swap3A_931, %swap3A_932], %swap3A_935 {strides = array<i32>} : memref<16x128xi32, #tpu.memory_space<vmem>>, vector<1x16xi32>,
    %get3A_936 = arith.constant 80 : index
    %get3A_937 = tpu.vector_load %arg5[%get3A_936] {strides = array<i32>} : memref<128xi32, #tpu.memory_space<vmem>>, vector<16xi32>,
    %get3A_938 = vector.shape_cast %get3A_937 : vector<16xi32> to vector<16xi32>
    %add3A_939 = arith.constant 8 : i32
    %add3A_940 = vector.broadcast %add3A_939 : i32 to vector<16xi32>
    %add3A_941 = arith.addi %get3A_938, %add3A_940 : vector<16xi32>
    %swap3A_942 = arith.constant 8 : i32
    %swap3A_943 = arith.index_cast %swap3A_942 : i32 to index
    %swap3A_944 = arith.constant 80 : index
    %swap3A_945 = tpu.vector_load %arg6[%swap3A_943, %swap3A_944] {strides = array<i32>} : memref<16x128xi32, #tpu.memory_space<vmem>>, vector<1x16xi32>,
    %swap3A_946 = vector.shape_cast %swap3A_945 : vector<1x16xi32> to vector<16xi32>
    %swap3A_947 = vector.shape_cast %add3A_941 : vector<16xi32> to vector<1x16xi32>
    tpu.vector_store %arg6[%swap3A_943, %swap3A_944], %swap3A_947 {strides = array<i32>} : memref<16x128xi32, #tpu.memory_space<vmem>>, vector<1x16xi32>,
    %get3A_948 = arith.constant 96 : index
    %get3A_949 = tpu.vector_load %arg5[%get3A_948] {strides = array<i32>} : memref<128xi32, #tpu.memory_space<vmem>>, vector<16xi32>,
    %get3A_950 = vector.shape_cast %get3A_949 : vector<16xi32> to vector<16xi32>
    %add3A_951 = arith.constant 8 : i32
    %add3A_952 = vector.broadcast %add3A_951 : i32 to vector<16xi32>
    %add3A_953 = arith.addi %get3A_950, %add3A_952 : vector<16xi32>
    %swap3A_954 = arith.constant 8 : i32
    %swap3A_955 = arith.index_cast %swap3A_954 : i32 to index
    %swap3A_956 = arith.constant 96 : index
    %swap3A_957 = tpu.vector_load %arg6[%swap3A_955, %swap3A_956] {strides = array<i32>} : memref<16x128xi32, #tpu.memory_space<vmem>>, vector<1x16xi32>,
    %swap3A_958 = vector.shape_cast %swap3A_957 : vector<1x16xi32> to vector<16xi32>
    %swap3A_959 = vector.shape_cast %add3A_953 : vector<16xi32> to vector<1x16xi32>
    tpu.vector_store %arg6[%swap3A_955, %swap3A_956], %swap3A_959 {strides = array<i32>} : memref<16x128xi32, #tpu.memory_space<vmem>>, vector<1x16xi32>,
    %get3A_960 = arith.constant 112 : index
    %get3A_961 = tpu.vector_load %arg5[%get3A_960] {strides = array<i32>} : memref<128xi32, #tpu.memory_space<vmem>>, vector<16xi32>,
    %get3A_962 = vector.shape_cast %get3A_961 : vector<16xi32> to vector<16xi32>
    %add3A_963 = arith.constant 8 : i32
    %add3A_964 = vector.broadcast %add3A_963 : i32 to vector<16xi32>
    %add3A_965 = arith.addi %get3A_962, %add3A_964 : vector<16xi32>
    %swap3A_966 = arith.constant 8 : i32
    %swap3A_967 = arith.index_cast %swap3A_966 : i32 to index
    %swap3A_968 = arith.constant 112 : index
    %swap3A_969 = tpu.vector_load %arg6[%swap3A_967, %swap3A_968] {strides = array<i32>} : memref<16x128xi32, #tpu.memory_space<vmem>>, vector<1x16xi32>,
    %swap3A_970 = vector.shape_cast %swap3A_969 : vector<1x16xi32> to vector<16xi32>
    %swap3A_971 = vector.shape_cast %add3A_965 : vector<16xi32> to vector<1x16xi32>
    tpu.vector_store %arg6[%swap3A_967, %swap3A_968], %swap3A_971 {strides = array<i32>} : memref<16x128xi32, #tpu.memory_space<vmem>>, vector<1x16xi32>,
    %get3A_972 = arith.constant 0 : index
    %get3A_973 = tpu.vector_load %arg5[%get3A_972] {strides = array<i32>} : memref<128xi32, #tpu.memory_space<vmem>>, vector<16xi32>,
    %get3A_974 = vector.shape_cast %get3A_973 : vector<16xi32> to vector<16xi32>
    %add3A_975 = arith.constant 9 : i32
    %add3A_976 = vector.broadcast %add3A_975 : i32 to vector<16xi32>
    %add3A_977 = arith.addi %get3A_974, %add3A_976 : vector<16xi32>
    %swap3A_978 = arith.constant 9 : i32
    %swap3A_979 = arith.index_cast %swap3A_978 : i32 to index
    %swap3A_980 = arith.constant 0 : index
    %swap3A_981 = tpu.vector_load %arg6[%swap3A_979, %swap3A_980] {strides = array<i32>} : memref<16x128xi32, #tpu.memory_space<vmem>>, vector<1x16xi32>,
    %swap3A_982 = vector.shape_cast %swap3A_981 : vector<1x16xi32> to vector<16xi32>
    %swap3A_983 = vector.shape_cast %add3A_977 : vector<16xi32> to vector<1x16xi32>
    tpu.vector_store %arg6[%swap3A_979, %swap3A_980], %swap3A_983 {strides = array<i32>} : memref<16x128xi32, #tpu.memory_space<vmem>>, vector<1x16xi32>,
    %get3A_984 = arith.constant 16 : index
    %get3A_985 = tpu.vector_load %arg5[%get3A_984] {strides = array<i32>} : memref<128xi32, #tpu.memory_space<vmem>>, vector<16xi32>,
    %get3A_986 = vector.shape_cast %get3A_985 : vector<16xi32> to vector<16xi32>
    %add3A_987 = arith.constant 9 : i32
    %add3A_988 = vector.broadcast %add3A_987 : i32 to vector<16xi32>
    %add3A_989 = arith.addi %get3A_986, %add3A_988 : vector<16xi32>
    %swap3A_990 = arith.constant 9 : i32
    %swap3A_991 = arith.index_cast %swap3A_990 : i32 to index
    %swap3A_992 = arith.constant 16 : index
    %swap3A_993 = tpu.vector_load %arg6[%swap3A_991, %swap3A_992] {strides = array<i32>} : memref<16x128xi32, #tpu.memory_space<vmem>>, vector<1x16xi32>,
    %swap3A_994 = vector.shape_cast %swap3A_993 : vector<1x16xi32> to vector<16xi32>
    %swap3A_995 = vector.shape_cast %add3A_989 : vector<16xi32> to vector<1x16xi32>
    tpu.vector_store %arg6[%swap3A_991, %swap3A_992], %swap3A_995 {strides = array<i32>} : memref<16x128xi32, #tpu.memory_space<vmem>>, vector<1x16xi32>,
    %get3A_996 = arith.constant 32 : index
    %get3A_997 = tpu.vector_load %arg5[%get3A_996] {strides = array<i32>} : memref<128xi32, #tpu.memory_space<vmem>>, vector<16xi32>,
    %get3A_998 = vector.shape_cast %get3A_997 : vector<16xi32> to vector<16xi32>
    %add3A_999 = arith.constant 9 : i32
    %add3A_1000 = vector.broadcast %add3A_999 : i32 to vector<16xi32>
    %add3A_1001 = arith.addi %get3A_998, %add3A_1000 : vector<16xi32>
    %swap3A_1002 = arith.constant 9 : i32
    %swap3A_1003 = arith.index_cast %swap3A_1002 : i32 to index
    %swap3A_1004 = arith.constant 32 : index
    %swap3A_1005 = tpu.vector_load %arg6[%swap3A_1003, %swap3A_1004] {strides = array<i32>} : memref<16x128xi32, #tpu.memory_space<vmem>>, vector<1x16xi32>,
    %swap3A_1006 = vector.shape_cast %swap3A_1005 : vector<1x16xi32> to vector<16xi32>
    %swap3A_1007 = vector.shape_cast %add3A_1001 : vector<16xi32> to vector<1x16xi32>
    tpu.vector_store %arg6[%swap3A_1003, %swap3A_1004], %swap3A_1007 {strides = array<i32>} : memref<16x128xi32, #tpu.memory_space<vmem>>, vector<1x16xi32>,
    %get3A_1008 = arith.constant 48 : index
    %get3A_1009 = tpu.vector_load %arg5[%get3A_1008] {strides = array<i32>} : memref<128xi32, #tpu.memory_space<vmem>>, vector<16xi32>,
    %get3A_1010 = vector.shape_cast %get3A_1009 : vector<16xi32> to vector<16xi32>
    %add3A_1011 = arith.constant 9 : i32
    %add3A_1012 = vector.broadcast %add3A_1011 : i32 to vector<16xi32>
    %add3A_1013 = arith.addi %get3A_1010, %add3A_1012 : vector<16xi32>
    %swap3A_1014 = arith.constant 9 : i32
    %swap3A_1015 = arith.index_cast %swap3A_1014 : i32 to index
    %swap3A_1016 = arith.constant 48 : index
    %swap3A_1017 = tpu.vector_load %arg6[%swap3A_1015, %swap3A_1016] {strides = array<i32>} : memref<16x128xi32, #tpu.memory_space<vmem>>, vector<1x16xi32>,
    %swap3A_1018 = vector.shape_cast %swap3A_1017 : vector<1x16xi32> to vector<16xi32>
    %swap3A_1019 = vector.shape_cast %add3A_1013 : vector<16xi32> to vector<1x16xi32>
    tpu.vector_store %arg6[%swap3A_1015, %swap3A_1016], %swap3A_1019 {strides = array<i32>} : memref<16x128xi32, #tpu.memory_space<vmem>>, vector<1x16xi32>,
    %get3A_1020 = arith.constant 64 : index
    %get3A_1021 = tpu.vector_load %arg5[%get3A_1020] {strides = array<i32>} : memref<128xi32, #tpu.memory_space<vmem>>, vector<16xi32>,
    %get3A_1022 = vector.shape_cast %get3A_1021 : vector<16xi32> to vector<16xi32>
    %add3A_1023 = arith.constant 9 : i32
    %add3A_1024 = vector.broadcast %add3A_1023 : i32 to vector<16xi32>
    %add3A_1025 = arith.addi %get3A_1022, %add3A_1024 : vector<16xi32>
    %swap3A_1026 = arith.constant 9 : i32
    %swap3A_1027 = arith.index_cast %swap3A_1026 : i32 to index
    %swap3A_1028 = arith.constant 64 : index
    %swap3A_1029 = tpu.vector_load %arg6[%swap3A_1027, %swap3A_1028] {strides = array<i32>} : memref<16x128xi32, #tpu.memory_space<vmem>>, vector<1x16xi32>,
    %swap3A_1030 = vector.shape_cast %swap3A_1029 : vector<1x16xi32> to vector<16xi32>
    %swap3A_1031 = vector.shape_cast %add3A_1025 : vector<16xi32> to vector<1x16xi32>
    tpu.vector_store %arg6[%swap3A_1027, %swap3A_1028], %swap3A_1031 {strides = array<i32>} : memref<16x128xi32, #tpu.memory_space<vmem>>, vector<1x16xi32>,
    %get3A_1032 = arith.constant 80 : index
    %get3A_1033 = tpu.vector_load %arg5[%get3A_1032] {strides = array<i32>} : memref<128xi32, #tpu.memory_space<vmem>>, vector<16xi32>,
    %get3A_1034 = vector.shape_cast %get3A_1033 : vector<16xi32> to vector<16xi32>
    %add3A_1035 = arith.constant 9 : i32
    %add3A_1036 = vector.broadcast %add3A_1035 : i32 to vector<16xi32>
    %add3A_1037 = arith.addi %get3A_1034, %add3A_1036 : vector<16xi32>
    %swap3A_1038 = arith.constant 9 : i32
    %swap3A_1039 = arith.index_cast %swap3A_1038 : i32 to index
    %swap3A_1040 = arith.constant 80 : index
    %swap3A_1041 = tpu.vector_load %arg6[%swap3A_1039, %swap3A_1040] {strides = array<i32>} : memref<16x128xi32, #tpu.memory_space<vmem>>, vector<1x16xi32>,
    %swap3A_1042 = vector.shape_cast %swap3A_1041 : vector<1x16xi32> to vector<16xi32>
    %swap3A_1043 = vector.shape_cast %add3A_1037 : vector<16xi32> to vector<1x16xi32>
    tpu.vector_store %arg6[%swap3A_1039, %swap3A_1040], %swap3A_1043 {strides = array<i32>} : memref<16x128xi32, #tpu.memory_space<vmem>>, vector<1x16xi32>,
    %get3A_1044 = arith.constant 96 : index
    %get3A_1045 = tpu.vector_load %arg5[%get3A_1044] {strides = array<i32>} : memref<128xi32, #tpu.memory_space<vmem>>, vector<16xi32>,
    %get3A_1046 = vector.shape_cast %get3A_1045 : vector<16xi32> to vector<16xi32>
    %add3A_1047 = arith.constant 9 : i32
    %add3A_1048 = vector.broadcast %add3A_1047 : i32 to vector<16xi32>
    %add3A_1049 = arith.addi %get3A_1046, %add3A_1048 : vector<16xi32>
    %swap3A_1050 = arith.constant 9 : i32
    %swap3A_1051 = arith.index_cast %swap3A_1050 : i32 to index
    %swap3A_1052 = arith.constant 96 : index
    %swap3A_1053 = tpu.vector_load %arg6[%swap3A_1051, %swap3A_1052] {strides = array<i32>} : memref<16x128xi32, #tpu.memory_space<vmem>>, vector<1x16xi32>,
    %swap3A_1054 = vector.shape_cast %swap3A_1053 : vector<1x16xi32> to vector<16xi32>
    %swap3A_1055 = vector.shape_cast %add3A_1049 : vector<16xi32> to vector<1x16xi32>
    tpu.vector_store %arg6[%swap3A_1051, %swap3A_1052], %swap3A_1055 {strides = array<i32>} : memref<16x128xi32, #tpu.memory_space<vmem>>, vector<1x16xi32>,
    %get3A_1056 = arith.constant 112 : index
    %get3A_1057 = tpu.vector_load %arg5[%get3A_1056] {strides = array<i32>} : memref<128xi32, #tpu.memory_space<vmem>>, vector<16xi32>,
    %get3A_1058 = vector.shape_cast %get3A_1057 : vector<16xi32> to vector<16xi32>
    %add3A_1059 = arith.constant 9 : i32
    %add3A_1060 = vector.broadcast %add3A_1059 : i32 to vector<16xi32>
    %add3A_1061 = arith.addi %get3A_1058, %add3A_1060 : vector<16xi32>
    %swap3A_1062 = arith.constant 9 : i32
    %swap3A_1063 = arith.index_cast %swap3A_1062 : i32 to index
    %swap3A_1064 = arith.constant 112 : index
    %swap3A_1065 = tpu.vector_load %arg6[%swap3A_1063, %swap3A_1064] {strides = array<i32>} : memref<16x128xi32, #tpu.memory_space<vmem>>, vector<1x16xi32>,
    %swap3A_1066 = vector.shape_cast %swap3A_1065 : vector<1x16xi32> to vector<16xi32>
    %swap3A_1067 = vector.shape_cast %add3A_1061 : vector<16xi32> to vector<1x16xi32>
    tpu.vector_store %arg6[%swap3A_1063, %swap3A_1064], %swap3A_1067 {strides = array<i32>} : memref<16x128xi32, #tpu.memory_space<vmem>>, vector<1x16xi32>,
    %get3A_1068 = arith.constant 0 : index
    %get3A_1069 = tpu.vector_load %arg5[%get3A_1068] {strides = array<i32>} : memref<128xi32, #tpu.memory_space<vmem>>, vector<16xi32>,
    %get3A_1070 = vector.shape_cast %get3A_1069 : vector<16xi32> to vector<16xi32>
    %add3A_1071 = arith.constant 10 : i32
    %add3A_1072 = vector.broadcast %add3A_1071 : i32 to vector<16xi32>
    %add3A_1073 = arith.addi %get3A_1070, %add3A_1072 : vector<16xi32>
    %swap3A_1074 = arith.constant 10 : i32
    %swap3A_1075 = arith.index_cast %swap3A_1074 : i32 to index
    %swap3A_1076 = arith.constant 0 : index
    %swap3A_1077 = tpu.vector_load %arg6[%swap3A_1075, %swap3A_1076] {strides = array<i32>} : memref<16x128xi32, #tpu.memory_space<vmem>>, vector<1x16xi32>,
    %swap3A_1078 = vector.shape_cast %swap3A_1077 : vector<1x16xi32> to vector<16xi32>
    %swap3A_1079 = vector.shape_cast %add3A_1073 : vector<16xi32> to vector<1x16xi32>
    tpu.vector_store %arg6[%swap3A_1075, %swap3A_1076], %swap3A_1079 {strides = array<i32>} : memref<16x128xi32, #tpu.memory_space<vmem>>, vector<1x16xi32>,
    %get3A_1080 = arith.constant 16 : index
    %get3A_1081 = tpu.vector_load %arg5[%get3A_1080] {strides = array<i32>} : memref<128xi32, #tpu.memory_space<vmem>>, vector<16xi32>,
    %get3A_1082 = vector.shape_cast %get3A_1081 : vector<16xi32> to vector<16xi32>
    %add3A_1083 = arith.constant 10 : i32
    %add3A_1084 = vector.broadcast %add3A_1083 : i32 to vector<16xi32>
    %add3A_1085 = arith.addi %get3A_1082, %add3A_1084 : vector<16xi32>
    %swap3A_1086 = arith.constant 10 : i32
    %swap3A_1087 = arith.index_cast %swap3A_1086 : i32 to index
    %swap3A_1088 = arith.constant 16 : index
    %swap3A_1089 = tpu.vector_load %arg6[%swap3A_1087, %swap3A_1088] {strides = array<i32>} : memref<16x128xi32, #tpu.memory_space<vmem>>, vector<1x16xi32>,
    %swap3A_1090 = vector.shape_cast %swap3A_1089 : vector<1x16xi32> to vector<16xi32>
    %swap3A_1091 = vector.shape_cast %add3A_1085 : vector<16xi32> to vector<1x16xi32>
    tpu.vector_store %arg6[%swap3A_1087, %swap3A_1088], %swap3A_1091 {strides = array<i32>} : memref<16x128xi32, #tpu.memory_space<vmem>>, vector<1x16xi32>,
    %get3A_1092 = arith.constant 32 : index
    %get3A_1093 = tpu.vector_load %arg5[%get3A_1092] {strides = array<i32>} : memref<128xi32, #tpu.memory_space<vmem>>, vector<16xi32>,
    %get3A_1094 = vector.shape_cast %get3A_1093 : vector<16xi32> to vector<16xi32>
    %add3A_1095 = arith.constant 10 : i32
    %add3A_1096 = vector.broadcast %add3A_1095 : i32 to vector<16xi32>
    %add3A_1097 = arith.addi %get3A_1094, %add3A_1096 : vector<16xi32>
    %swap3A_1098 = arith.constant 10 : i32
    %swap3A_1099 = arith.index_cast %swap3A_1098 : i32 to index
    %swap3A_1100 = arith.constant 32 : index
    %swap3A_1101 = tpu.vector_load %arg6[%swap3A_1099, %swap3A_1100] {strides = array<i32>} : memref<16x128xi32, #tpu.memory_space<vmem>>, vector<1x16xi32>,
    %swap3A_1102 = vector.shape_cast %swap3A_1101 : vector<1x16xi32> to vector<16xi32>
    %swap3A_1103 = vector.shape_cast %add3A_1097 : vector<16xi32> to vector<1x16xi32>
    tpu.vector_store %arg6[%swap3A_1099, %swap3A_1100], %swap3A_1103 {strides = array<i32>} : memref<16x128xi32, #tpu.memory_space<vmem>>, vector<1x16xi32>,
    %get3A_1104 = arith.constant 48 : index
    %get3A_1105 = tpu.vector_load %arg5[%get3A_1104] {strides = array<i32>} : memref<128xi32, #tpu.memory_space<vmem>>, vector<16xi32>,
    %get3A_1106 = vector.shape_cast %get3A_1105 : vector<16xi32> to vector<16xi32>
    %add3A_1107 = arith.constant 10 : i32
    %add3A_1108 = vector.broadcast %add3A_1107 : i32 to vector<16xi32>
    %add3A_1109 = arith.addi %get3A_1106, %add3A_1108 : vector<16xi32>
    %swap3A_1110 = arith.constant 10 : i32
    %swap3A_1111 = arith.index_cast %swap3A_1110 : i32 to index
    %swap3A_1112 = arith.constant 48 : index
    %swap3A_1113 = tpu.vector_load %arg6[%swap3A_1111, %swap3A_1112] {strides = array<i32>} : memref<16x128xi32, #tpu.memory_space<vmem>>, vector<1x16xi32>,
    %swap3A_1114 = vector.shape_cast %swap3A_1113 : vector<1x16xi32> to vector<16xi32>
    %swap3A_1115 = vector.shape_cast %add3A_1109 : vector<16xi32> to vector<1x16xi32>
    tpu.vector_store %arg6[%swap3A_1111, %swap3A_1112], %swap3A_1115 {strides = array<i32>} : memref<16x128xi32, #tpu.memory_space<vmem>>, vector<1x16xi32>,
    %get3A_1116 = arith.constant 64 : index
    %get3A_1117 = tpu.vector_load %arg5[%get3A_1116] {strides = array<i32>} : memref<128xi32, #tpu.memory_space<vmem>>, vector<16xi32>,
    %get3A_1118 = vector.shape_cast %get3A_1117 : vector<16xi32> to vector<16xi32>
    %add3A_1119 = arith.constant 10 : i32
    %add3A_1120 = vector.broadcast %add3A_1119 : i32 to vector<16xi32>
    %add3A_1121 = arith.addi %get3A_1118, %add3A_1120 : vector<16xi32>
    %swap3A_1122 = arith.constant 10 : i32
    %swap3A_1123 = arith.index_cast %swap3A_1122 : i32 to index
    %swap3A_1124 = arith.constant 64 : index
    %swap3A_1125 = tpu.vector_load %arg6[%swap3A_1123, %swap3A_1124] {strides = array<i32>} : memref<16x128xi32, #tpu.memory_space<vmem>>, vector<1x16xi32>,
    %swap3A_1126 = vector.shape_cast %swap3A_1125 : vector<1x16xi32> to vector<16xi32>
    %swap3A_1127 = vector.shape_cast %add3A_1121 : vector<16xi32> to vector<1x16xi32>
    tpu.vector_store %arg6[%swap3A_1123, %swap3A_1124], %swap3A_1127 {strides = array<i32>} : memref<16x128xi32, #tpu.memory_space<vmem>>, vector<1x16xi32>,
    %get3A_1128 = arith.constant 80 : index
    %get3A_1129 = tpu.vector_load %arg5[%get3A_1128] {strides = array<i32>} : memref<128xi32, #tpu.memory_space<vmem>>, vector<16xi32>,
    %get3A_1130 = vector.shape_cast %get3A_1129 : vector<16xi32> to vector<16xi32>
    %add3A_1131 = arith.constant 10 : i32
    %add3A_1132 = vector.broadcast %add3A_1131 : i32 to vector<16xi32>
    %add3A_1133 = arith.addi %get3A_1130, %add3A_1132 : vector<16xi32>
    %swap3A_1134 = arith.constant 10 : i32
    %swap3A_1135 = arith.index_cast %swap3A_1134 : i32 to index
    %swap3A_1136 = arith.constant 80 : index
    %swap3A_1137 = tpu.vector_load %arg6[%swap3A_1135, %swap3A_1136] {strides = array<i32>} : memref<16x128xi32, #tpu.memory_space<vmem>>, vector<1x16xi32>,
    %swap3A_1138 = vector.shape_cast %swap3A_1137 : vector<1x16xi32> to vector<16xi32>
    %swap3A_1139 = vector.shape_cast %add3A_1133 : vector<16xi32> to vector<1x16xi32>
    tpu.vector_store %arg6[%swap3A_1135, %swap3A_1136], %swap3A_1139 {strides = array<i32>} : memref<16x128xi32, #tpu.memory_space<vmem>>, vector<1x16xi32>,
    %get3A_1140 = arith.constant 96 : index
    %get3A_1141 = tpu.vector_load %arg5[%get3A_1140] {strides = array<i32>} : memref<128xi32, #tpu.memory_space<vmem>>, vector<16xi32>,
    %get3A_1142 = vector.shape_cast %get3A_1141 : vector<16xi32> to vector<16xi32>
    %add3A_1143 = arith.constant 10 : i32
    %add3A_1144 = vector.broadcast %add3A_1143 : i32 to vector<16xi32>
    %add3A_1145 = arith.addi %get3A_1142, %add3A_1144 : vector<16xi32>
    %swap3A_1146 = arith.constant 10 : i32
    %swap3A_1147 = arith.index_cast %swap3A_1146 : i32 to index
    %swap3A_1148 = arith.constant 96 : index
    %swap3A_1149 = tpu.vector_load %arg6[%swap3A_1147, %swap3A_1148] {strides = array<i32>} : memref<16x128xi32, #tpu.memory_space<vmem>>, vector<1x16xi32>,
    %swap3A_1150 = vector.shape_cast %swap3A_1149 : vector<1x16xi32> to vector<16xi32>
    %swap3A_1151 = vector.shape_cast %add3A_1145 : vector<16xi32> to vector<1x16xi32>
    tpu.vector_store %arg6[%swap3A_1147, %swap3A_1148], %swap3A_1151 {strides = array<i32>} : memref<16x128xi32, #tpu.memory_space<vmem>>, vector<1x16xi32>,
    %get3A_1152 = arith.constant 112 : index
    %get3A_1153 = tpu.vector_load %arg5[%get3A_1152] {strides = array<i32>} : memref<128xi32, #tpu.memory_space<vmem>>, vector<16xi32>,
    %get3A_1154 = vector.shape_cast %get3A_1153 : vector<16xi32> to vector<16xi32>
    %add3A_1155 = arith.constant 10 : i32
    %add3A_1156 = vector.broadcast %add3A_1155 : i32 to vector<16xi32>
    %add3A_1157 = arith.addi %get3A_1154, %add3A_1156 : vector<16xi32>
    %swap3A_1158 = arith.constant 10 : i32
    %swap3A_1159 = arith.index_cast %swap3A_1158 : i32 to index
    %swap3A_1160 = arith.constant 112 : index
    %swap3A_1161 = tpu.vector_load %arg6[%swap3A_1159, %swap3A_1160] {strides = array<i32>} : memref<16x128xi32, #tpu.memory_space<vmem>>, vector<1x16xi32>,
    %swap3A_1162 = vector.shape_cast %swap3A_1161 : vector<1x16xi32> to vector<16xi32>
    %swap3A_1163 = vector.shape_cast %add3A_1157 : vector<16xi32> to vector<1x16xi32>
    tpu.vector_store %arg6[%swap3A_1159, %swap3A_1160], %swap3A_1163 {strides = array<i32>} : memref<16x128xi32, #tpu.memory_space<vmem>>, vector<1x16xi32>,
    %get3A_1164 = arith.constant 0 : index
    %get3A_1165 = tpu.vector_load %arg5[%get3A_1164] {strides = array<i32>} : memref<128xi32, #tpu.memory_space<vmem>>, vector<16xi32>,
    %get3A_1166 = vector.shape_cast %get3A_1165 : vector<16xi32> to vector<16xi32>
    %add3A_1167 = arith.constant 11 : i32
    %add3A_1168 = vector.broadcast %add3A_1167 : i32 to vector<16xi32>
    %add3A_1169 = arith.addi %get3A_1166, %add3A_1168 : vector<16xi32>
    %swap3A_1170 = arith.constant 11 : i32
    %swap3A_1171 = arith.index_cast %swap3A_1170 : i32 to index
    %swap3A_1172 = arith.constant 0 : index
    %swap3A_1173 = tpu.vector_load %arg6[%swap3A_1171, %swap3A_1172] {strides = array<i32>} : memref<16x128xi32, #tpu.memory_space<vmem>>, vector<1x16xi32>,
    %swap3A_1174 = vector.shape_cast %swap3A_1173 : vector<1x16xi32> to vector<16xi32>
    %swap3A_1175 = vector.shape_cast %add3A_1169 : vector<16xi32> to vector<1x16xi32>
    tpu.vector_store %arg6[%swap3A_1171, %swap3A_1172], %swap3A_1175 {strides = array<i32>} : memref<16x128xi32, #tpu.memory_space<vmem>>, vector<1x16xi32>,
    %get3A_1176 = arith.constant 16 : index
    %get3A_1177 = tpu.vector_load %arg5[%get3A_1176] {strides = array<i32>} : memref<128xi32, #tpu.memory_space<vmem>>, vector<16xi32>,
    %get3A_1178 = vector.shape_cast %get3A_1177 : vector<16xi32> to vector<16xi32>
    %add3A_1179 = arith.constant 11 : i32
    %add3A_1180 = vector.broadcast %add3A_1179 : i32 to vector<16xi32>
    %add3A_1181 = arith.addi %get3A_1178, %add3A_1180 : vector<16xi32>
    %swap3A_1182 = arith.constant 11 : i32
    %swap3A_1183 = arith.index_cast %swap3A_1182 : i32 to index
    %swap3A_1184 = arith.constant 16 : index
    %swap3A_1185 = tpu.vector_load %arg6[%swap3A_1183, %swap3A_1184] {strides = array<i32>} : memref<16x128xi32, #tpu.memory_space<vmem>>, vector<1x16xi32>,
    %swap3A_1186 = vector.shape_cast %swap3A_1185 : vector<1x16xi32> to vector<16xi32>
    %swap3A_1187 = vector.shape_cast %add3A_1181 : vector<16xi32> to vector<1x16xi32>
    tpu.vector_store %arg6[%swap3A_1183, %swap3A_1184], %swap3A_1187 {strides = array<i32>} : memref<16x128xi32, #tpu.memory_space<vmem>>, vector<1x16xi32>,
    %get3A_1188 = arith.constant 32 : index
    %get3A_1189 = tpu.vector_load %arg5[%get3A_1188] {strides = array<i32>} : memref<128xi32, #tpu.memory_space<vmem>>, vector<16xi32>,
    %get3A_1190 = vector.shape_cast %get3A_1189 : vector<16xi32> to vector<16xi32>
    %add3A_1191 = arith.constant 11 : i32
    %add3A_1192 = vector.broadcast %add3A_1191 : i32 to vector<16xi32>
    %add3A_1193 = arith.addi %get3A_1190, %add3A_1192 : vector<16xi32>
    %swap3A_1194 = arith.constant 11 : i32
    %swap3A_1195 = arith.index_cast %swap3A_1194 : i32 to index
    %swap3A_1196 = arith.constant 32 : index
    %swap3A_1197 = tpu.vector_load %arg6[%swap3A_1195, %swap3A_1196] {strides = array<i32>} : memref<16x128xi32, #tpu.memory_space<vmem>>, vector<1x16xi32>,
    %swap3A_1198 = vector.shape_cast %swap3A_1197 : vector<1x16xi32> to vector<16xi32>
    %swap3A_1199 = vector.shape_cast %add3A_1193 : vector<16xi32> to vector<1x16xi32>
    tpu.vector_store %arg6[%swap3A_1195, %swap3A_1196], %swap3A_1199 {strides = array<i32>} : memref<16x128xi32, #tpu.memory_space<vmem>>, vector<1x16xi32>,
    %get3A_1200 = arith.constant 48 : index
    %get3A_1201 = tpu.vector_load %arg5[%get3A_1200] {strides = array<i32>} : memref<128xi32, #tpu.memory_space<vmem>>, vector<16xi32>,
    %get3A_1202 = vector.shape_cast %get3A_1201 : vector<16xi32> to vector<16xi32>
    %add3A_1203 = arith.constant 11 : i32
    %add3A_1204 = vector.broadcast %add3A_1203 : i32 to vector<16xi32>
    %add3A_1205 = arith.addi %get3A_1202, %add3A_1204 : vector<16xi32>
    %swap3A_1206 = arith.constant 11 : i32
    %swap3A_1207 = arith.index_cast %swap3A_1206 : i32 to index
    %swap3A_1208 = arith.constant 48 : index
    %swap3A_1209 = tpu.vector_load %arg6[%swap3A_1207, %swap3A_1208] {strides = array<i32>} : memref<16x128xi32, #tpu.memory_space<vmem>>, vector<1x16xi32>,
    %swap3A_1210 = vector.shape_cast %swap3A_1209 : vector<1x16xi32> to vector<16xi32>
    %swap3A_1211 = vector.shape_cast %add3A_1205 : vector<16xi32> to vector<1x16xi32>
    tpu.vector_store %arg6[%swap3A_1207, %swap3A_1208], %swap3A_1211 {strides = array<i32>} : memref<16x128xi32, #tpu.memory_space<vmem>>, vector<1x16xi32>,
    %get3A_1212 = arith.constant 64 : index
    %get3A_1213 = tpu.vector_load %arg5[%get3A_1212] {strides = array<i32>} : memref<128xi32, #tpu.memory_space<vmem>>, vector<16xi32>,
    %get3A_1214 = vector.shape_cast %get3A_1213 : vector<16xi32> to vector<16xi32>
    %add3A_1215 = arith.constant 11 : i32
    %add3A_1216 = vector.broadcast %add3A_1215 : i32 to vector<16xi32>
    %add3A_1217 = arith.addi %get3A_1214, %add3A_1216 : vector<16xi32>
    %swap3A_1218 = arith.constant 11 : i32
    %swap3A_1219 = arith.index_cast %swap3A_1218 : i32 to index
    %swap3A_1220 = arith.constant 64 : index
    %swap3A_1221 = tpu.vector_load %arg6[%swap3A_1219, %swap3A_1220] {strides = array<i32>} : memref<16x128xi32, #tpu.memory_space<vmem>>, vector<1x16xi32>,
    %swap3A_1222 = vector.shape_cast %swap3A_1221 : vector<1x16xi32> to vector<16xi32>
    %swap3A_1223 = vector.shape_cast %add3A_1217 : vector<16xi32> to vector<1x16xi32>
    tpu.vector_store %arg6[%swap3A_1219, %swap3A_1220], %swap3A_1223 {strides = array<i32>} : memref<16x128xi32, #tpu.memory_space<vmem>>, vector<1x16xi32>,
    %get3A_1224 = arith.constant 80 : index
    %get3A_1225 = tpu.vector_load %arg5[%get3A_1224] {strides = array<i32>} : memref<128xi32, #tpu.memory_space<vmem>>, vector<16xi32>,
    %get3A_1226 = vector.shape_cast %get3A_1225 : vector<16xi32> to vector<16xi32>
    %add3A_1227 = arith.constant 11 : i32
    %add3A_1228 = vector.broadcast %add3A_1227 : i32 to vector<16xi32>
    %add3A_1229 = arith.addi %get3A_1226, %add3A_1228 : vector<16xi32>
    %swap3A_1230 = arith.constant 11 : i32
    %swap3A_1231 = arith.index_cast %swap3A_1230 : i32 to index
    %swap3A_1232 = arith.constant 80 : index
    %swap3A_1233 = tpu.vector_load %arg6[%swap3A_1231, %swap3A_1232] {strides = array<i32>} : memref<16x128xi32, #tpu.memory_space<vmem>>, vector<1x16xi32>,
    %swap3A_1234 = vector.shape_cast %swap3A_1233 : vector<1x16xi32> to vector<16xi32>
    %swap3A_1235 = vector.shape_cast %add3A_1229 : vector<16xi32> to vector<1x16xi32>
    tpu.vector_store %arg6[%swap3A_1231, %swap3A_1232], %swap3A_1235 {strides = array<i32>} : memref<16x128xi32, #tpu.memory_space<vmem>>, vector<1x16xi32>,
    %get3A_1236 = arith.constant 96 : index
    %get3A_1237 = tpu.vector_load %arg5[%get3A_1236] {strides = array<i32>} : memref<128xi32, #tpu.memory_space<vmem>>, vector<16xi32>,
    %get3A_1238 = vector.shape_cast %get3A_1237 : vector<16xi32> to vector<16xi32>
    %add3A_1239 = arith.constant 11 : i32
    %add3A_1240 = vector.broadcast %add3A_1239 : i32 to vector<16xi32>
    %add3A_1241 = arith.addi %get3A_1238, %add3A_1240 : vector<16xi32>
    %swap3A_1242 = arith.constant 11 : i32
    %swap3A_1243 = arith.index_cast %swap3A_1242 : i32 to index
    %swap3A_1244 = arith.constant 96 : index
    %swap3A_1245 = tpu.vector_load %arg6[%swap3A_1243, %swap3A_1244] {strides = array<i32>} : memref<16x128xi32, #tpu.memory_space<vmem>>, vector<1x16xi32>,
    %swap3A_1246 = vector.shape_cast %swap3A_1245 : vector<1x16xi32> to vector<16xi32>
    %swap3A_1247 = vector.shape_cast %add3A_1241 : vector<16xi32> to vector<1x16xi32>
    tpu.vector_store %arg6[%swap3A_1243, %swap3A_1244], %swap3A_1247 {strides = array<i32>} : memref<16x128xi32, #tpu.memory_space<vmem>>, vector<1x16xi32>,
    %get3A_1248 = arith.constant 112 : index
    %get3A_1249 = tpu.vector_load %arg5[%get3A_1248] {strides = array<i32>} : memref<128xi32, #tpu.memory_space<vmem>>, vector<16xi32>,
    %get3A_1250 = vector.shape_cast %get3A_1249 : vector<16xi32> to vector<16xi32>
    %add3A_1251 = arith.constant 11 : i32
    %add3A_1252 = vector.broadcast %add3A_1251 : i32 to vector<16xi32>
    %add3A_1253 = arith.addi %get3A_1250, %add3A_1252 : vector<16xi32>
    %swap3A_1254 = arith.constant 11 : i32
    %swap3A_1255 = arith.index_cast %swap3A_1254 : i32 to index
    %swap3A_1256 = arith.constant 112 : index
    %swap3A_1257 = tpu.vector_load %arg6[%swap3A_1255, %swap3A_1256] {strides = array<i32>} : memref<16x128xi32, #tpu.memory_space<vmem>>, vector<1x16xi32>,
    %swap3A_1258 = vector.shape_cast %swap3A_1257 : vector<1x16xi32> to vector<16xi32>
    %swap3A_1259 = vector.shape_cast %add3A_1253 : vector<16xi32> to vector<1x16xi32>
    tpu.vector_store %arg6[%swap3A_1255, %swap3A_1256], %swap3A_1259 {strides = array<i32>} : memref<16x128xi32, #tpu.memory_space<vmem>>, vector<1x16xi32>,
    %get3A_1260 = arith.constant 0 : index
    %get3A_1261 = tpu.vector_load %arg5[%get3A_1260] {strides = array<i32>} : memref<128xi32, #tpu.memory_space<vmem>>, vector<16xi32>,
    %get3A_1262 = vector.shape_cast %get3A_1261 : vector<16xi32> to vector<16xi32>
    %add3A_1263 = arith.constant 12 : i32
    %add3A_1264 = vector.broadcast %add3A_1263 : i32 to vector<16xi32>
    %add3A_1265 = arith.addi %get3A_1262, %add3A_1264 : vector<16xi32>
    %swap3A_1266 = arith.constant 12 : i32
    %swap3A_1267 = arith.index_cast %swap3A_1266 : i32 to index
    %swap3A_1268 = arith.constant 0 : index
    %swap3A_1269 = tpu.vector_load %arg6[%swap3A_1267, %swap3A_1268] {strides = array<i32>} : memref<16x128xi32, #tpu.memory_space<vmem>>, vector<1x16xi32>,
    %swap3A_1270 = vector.shape_cast %swap3A_1269 : vector<1x16xi32> to vector<16xi32>
    %swap3A_1271 = vector.shape_cast %add3A_1265 : vector<16xi32> to vector<1x16xi32>
    tpu.vector_store %arg6[%swap3A_1267, %swap3A_1268], %swap3A_1271 {strides = array<i32>} : memref<16x128xi32, #tpu.memory_space<vmem>>, vector<1x16xi32>,
    %get3A_1272 = arith.constant 16 : index
    %get3A_1273 = tpu.vector_load %arg5[%get3A_1272] {strides = array<i32>} : memref<128xi32, #tpu.memory_space<vmem>>, vector<16xi32>,
    %get3A_1274 = vector.shape_cast %get3A_1273 : vector<16xi32> to vector<16xi32>
    %add3A_1275 = arith.constant 12 : i32
    %add3A_1276 = vector.broadcast %add3A_1275 : i32 to vector<16xi32>
    %add3A_1277 = arith.addi %get3A_1274, %add3A_1276 : vector<16xi32>
    %swap3A_1278 = arith.constant 12 : i32
    %swap3A_1279 = arith.index_cast %swap3A_1278 : i32 to index
    %swap3A_1280 = arith.constant 16 : index
    %swap3A_1281 = tpu.vector_load %arg6[%swap3A_1279, %swap3A_1280] {strides = array<i32>} : memref<16x128xi32, #tpu.memory_space<vmem>>, vector<1x16xi32>,
    %swap3A_1282 = vector.shape_cast %swap3A_1281 : vector<1x16xi32> to vector<16xi32>
    %swap3A_1283 = vector.shape_cast %add3A_1277 : vector<16xi32> to vector<1x16xi32>
    tpu.vector_store %arg6[%swap3A_1279, %swap3A_1280], %swap3A_1283 {strides = array<i32>} : memref<16x128xi32, #tpu.memory_space<vmem>>, vector<1x16xi32>,
    %get3A_1284 = arith.constant 32 : index
    %get3A_1285 = tpu.vector_load %arg5[%get3A_1284] {strides = array<i32>} : memref<128xi32, #tpu.memory_space<vmem>>, vector<16xi32>,
    %get3A_1286 = vector.shape_cast %get3A_1285 : vector<16xi32> to vector<16xi32>
    %add3A_1287 = arith.constant 12 : i32
    %add3A_1288 = vector.broadcast %add3A_1287 : i32 to vector<16xi32>
    %add3A_1289 = arith.addi %get3A_1286, %add3A_1288 : vector<16xi32>
    %swap3A_1290 = arith.constant 12 : i32
    %swap3A_1291 = arith.index_cast %swap3A_1290 : i32 to index
    %swap3A_1292 = arith.constant 32 : index
    %swap3A_1293 = tpu.vector_load %arg6[%swap3A_1291, %swap3A_1292] {strides = array<i32>} : memref<16x128xi32, #tpu.memory_space<vmem>>, vector<1x16xi32>,
    %swap3A_1294 = vector.shape_cast %swap3A_1293 : vector<1x16xi32> to vector<16xi32>
    %swap3A_1295 = vector.shape_cast %add3A_1289 : vector<16xi32> to vector<1x16xi32>
    tpu.vector_store %arg6[%swap3A_1291, %swap3A_1292], %swap3A_1295 {strides = array<i32>} : memref<16x128xi32, #tpu.memory_space<vmem>>, vector<1x16xi32>,
    %get3A_1296 = arith.constant 48 : index
    %get3A_1297 = tpu.vector_load %arg5[%get3A_1296] {strides = array<i32>} : memref<128xi32, #tpu.memory_space<vmem>>, vector<16xi32>,
    %get3A_1298 = vector.shape_cast %get3A_1297 : vector<16xi32> to vector<16xi32>
    %add3A_1299 = arith.constant 12 : i32
    %add3A_1300 = vector.broadcast %add3A_1299 : i32 to vector<16xi32>
    %add3A_1301 = arith.addi %get3A_1298, %add3A_1300 : vector<16xi32>
    %swap3A_1302 = arith.constant 12 : i32
    %swap3A_1303 = arith.index_cast %swap3A_1302 : i32 to index
    %swap3A_1304 = arith.constant 48 : index
    %swap3A_1305 = tpu.vector_load %arg6[%swap3A_1303, %swap3A_1304] {strides = array<i32>} : memref<16x128xi32, #tpu.memory_space<vmem>>, vector<1x16xi32>,
    %swap3A_1306 = vector.shape_cast %swap3A_1305 : vector<1x16xi32> to vector<16xi32>
    %swap3A_1307 = vector.shape_cast %add3A_1301 : vector<16xi32> to vector<1x16xi32>
    tpu.vector_store %arg6[%swap3A_1303, %swap3A_1304], %swap3A_1307 {strides = array<i32>} : memref<16x128xi32, #tpu.memory_space<vmem>>, vector<1x16xi32>,
    %get3A_1308 = arith.constant 64 : index
    %get3A_1309 = tpu.vector_load %arg5[%get3A_1308] {strides = array<i32>} : memref<128xi32, #tpu.memory_space<vmem>>, vector<16xi32>,
    %get3A_1310 = vector.shape_cast %get3A_1309 : vector<16xi32> to vector<16xi32>
    %add3A_1311 = arith.constant 12 : i32
    %add3A_1312 = vector.broadcast %add3A_1311 : i32 to vector<16xi32>
    %add3A_1313 = arith.addi %get3A_1310, %add3A_1312 : vector<16xi32>
    %swap3A_1314 = arith.constant 12 : i32
    %swap3A_1315 = arith.index_cast %swap3A_1314 : i32 to index
    %swap3A_1316 = arith.constant 64 : index
    %swap3A_1317 = tpu.vector_load %arg6[%swap3A_1315, %swap3A_1316] {strides = array<i32>} : memref<16x128xi32, #tpu.memory_space<vmem>>, vector<1x16xi32>,
    %swap3A_1318 = vector.shape_cast %swap3A_1317 : vector<1x16xi32> to vector<16xi32>
    %swap3A_1319 = vector.shape_cast %add3A_1313 : vector<16xi32> to vector<1x16xi32>
    tpu.vector_store %arg6[%swap3A_1315, %swap3A_1316], %swap3A_1319 {strides = array<i32>} : memref<16x128xi32, #tpu.memory_space<vmem>>, vector<1x16xi32>,
    %get3A_1320 = arith.constant 80 : index
    %get3A_1321 = tpu.vector_load %arg5[%get3A_1320] {strides = array<i32>} : memref<128xi32, #tpu.memory_space<vmem>>, vector<16xi32>,
    %get3A_1322 = vector.shape_cast %get3A_1321 : vector<16xi32> to vector<16xi32>
    %add3A_1323 = arith.constant 12 : i32
    %add3A_1324 = vector.broadcast %add3A_1323 : i32 to vector<16xi32>
    %add3A_1325 = arith.addi %get3A_1322, %add3A_1324 : vector<16xi32>
    %swap3A_1326 = arith.constant 12 : i32
    %swap3A_1327 = arith.index_cast %swap3A_1326 : i32 to index
    %swap3A_1328 = arith.constant 80 : index
    %swap3A_1329 = tpu.vector_load %arg6[%swap3A_1327, %swap3A_1328] {strides = array<i32>} : memref<16x128xi32, #tpu.memory_space<vmem>>, vector<1x16xi32>,
    %swap3A_1330 = vector.shape_cast %swap3A_1329 : vector<1x16xi32> to vector<16xi32>
    %swap3A_1331 = vector.shape_cast %add3A_1325 : vector<16xi32> to vector<1x16xi32>
    tpu.vector_store %arg6[%swap3A_1327, %swap3A_1328], %swap3A_1331 {strides = array<i32>} : memref<16x128xi32, #tpu.memory_space<vmem>>, vector<1x16xi32>,
    %get3A_1332 = arith.constant 96 : index
    %get3A_1333 = tpu.vector_load %arg5[%get3A_1332] {strides = array<i32>} : memref<128xi32, #tpu.memory_space<vmem>>, vector<16xi32>,
    %get3A_1334 = vector.shape_cast %get3A_1333 : vector<16xi32> to vector<16xi32>
    %add3A_1335 = arith.constant 12 : i32
    %add3A_1336 = vector.broadcast %add3A_1335 : i32 to vector<16xi32>
    %add3A_1337 = arith.addi %get3A_1334, %add3A_1336 : vector<16xi32>
    %swap3A_1338 = arith.constant 12 : i32
    %swap3A_1339 = arith.index_cast %swap3A_1338 : i32 to index
    %swap3A_1340 = arith.constant 96 : index
    %swap3A_1341 = tpu.vector_load %arg6[%swap3A_1339, %swap3A_1340] {strides = array<i32>} : memref<16x128xi32, #tpu.memory_space<vmem>>, vector<1x16xi32>,
    %swap3A_1342 = vector.shape_cast %swap3A_1341 : vector<1x16xi32> to vector<16xi32>
    %swap3A_1343 = vector.shape_cast %add3A_1337 : vector<16xi32> to vector<1x16xi32>
    tpu.vector_store %arg6[%swap3A_1339, %swap3A_1340], %swap3A_1343 {strides = array<i32>} : memref<16x128xi32, #tpu.memory_space<vmem>>, vector<1x16xi32>,
    %get3A_1344 = arith.constant 112 : index
    %get3A_1345 = tpu.vector_load %arg5[%get3A_1344] {strides = array<i32>} : memref<128xi32, #tpu.memory_space<vmem>>, vector<16xi32>,
    %get3A_1346 = vector.shape_cast %get3A_1345 : vector<16xi32> to vector<16xi32>
    %add3A_1347 = arith.constant 12 : i32
    %add3A_1348 = vector.broadcast %add3A_1347 : i32 to vector<16xi32>
    %add3A_1349 = arith.addi %get3A_1346, %add3A_1348 : vector<16xi32>
    %swap3A_1350 = arith.constant 12 : i32
    %swap3A_1351 = arith.index_cast %swap3A_1350 : i32 to index
    %swap3A_1352 = arith.constant 112 : index
    %swap3A_1353 = tpu.vector_load %arg6[%swap3A_1351, %swap3A_1352] {strides = array<i32>} : memref<16x128xi32, #tpu.memory_space<vmem>>, vector<1x16xi32>,
    %swap3A_1354 = vector.shape_cast %swap3A_1353 : vector<1x16xi32> to vector<16xi32>
    %swap3A_1355 = vector.shape_cast %add3A_1349 : vector<16xi32> to vector<1x16xi32>
    tpu.vector_store %arg6[%swap3A_1351, %swap3A_1352], %swap3A_1355 {strides = array<i32>} : memref<16x128xi32, #tpu.memory_space<vmem>>, vector<1x16xi32>,
    %get3A_1356 = arith.constant 0 : index
    %get3A_1357 = tpu.vector_load %arg5[%get3A_1356] {strides = array<i32>} : memref<128xi32, #tpu.memory_space<vmem>>, vector<16xi32>,
    %get3A_1358 = vector.shape_cast %get3A_1357 : vector<16xi32> to vector<16xi32>
    %add3A_1359 = arith.constant 13 : i32
    %add3A_1360 = vector.broadcast %add3A_1359 : i32 to vector<16xi32>
    %add3A_1361 = arith.addi %get3A_1358, %add3A_1360 : vector<16xi32>
    %swap3A_1362 = arith.constant 13 : i32
    %swap3A_1363 = arith.index_cast %swap3A_1362 : i32 to index
    %swap3A_1364 = arith.constant 0 : index
    %swap3A_1365 = tpu.vector_load %arg6[%swap3A_1363, %swap3A_1364] {strides = array<i32>} : memref<16x128xi32, #tpu.memory_space<vmem>>, vector<1x16xi32>,
    %swap3A_1366 = vector.shape_cast %swap3A_1365 : vector<1x16xi32> to vector<16xi32>
    %swap3A_1367 = vector.shape_cast %add3A_1361 : vector<16xi32> to vector<1x16xi32>
    tpu.vector_store %arg6[%swap3A_1363, %swap3A_1364], %swap3A_1367 {strides = array<i32>} : memref<16x128xi32, #tpu.memory_space<vmem>>, vector<1x16xi32>,
    %get3A_1368 = arith.constant 16 : index
    %get3A_1369 = tpu.vector_load %arg5[%get3A_1368] {strides = array<i32>} : memref<128xi32, #tpu.memory_space<vmem>>, vector<16xi32>,
    %get3A_1370 = vector.shape_cast %get3A_1369 : vector<16xi32> to vector<16xi32>
    %add3A_1371 = arith.constant 13 : i32
    %add3A_1372 = vector.broadcast %add3A_1371 : i32 to vector<16xi32>
    %add3A_1373 = arith.addi %get3A_1370, %add3A_1372 : vector<16xi32>
    %swap3A_1374 = arith.constant 13 : i32
    %swap3A_1375 = arith.index_cast %swap3A_1374 : i32 to index
    %swap3A_1376 = arith.constant 16 : index
    %swap3A_1377 = tpu.vector_load %arg6[%swap3A_1375, %swap3A_1376] {strides = array<i32>} : memref<16x128xi32, #tpu.memory_space<vmem>>, vector<1x16xi32>,
    %swap3A_1378 = vector.shape_cast %swap3A_1377 : vector<1x16xi32> to vector<16xi32>
    %swap3A_1379 = vector.shape_cast %add3A_1373 : vector<16xi32> to vector<1x16xi32>
    tpu.vector_store %arg6[%swap3A_1375, %swap3A_1376], %swap3A_1379 {strides = array<i32>} : memref<16x128xi32, #tpu.memory_space<vmem>>, vector<1x16xi32>,
    %get3A_1380 = arith.constant 32 : index
    %get3A_1381 = tpu.vector_load %arg5[%get3A_1380] {strides = array<i32>} : memref<128xi32, #tpu.memory_space<vmem>>, vector<16xi32>,
    %get3A_1382 = vector.shape_cast %get3A_1381 : vector<16xi32> to vector<16xi32>
    %add3A_1383 = arith.constant 13 : i32
    %add3A_1384 = vector.broadcast %add3A_1383 : i32 to vector<16xi32>
    %add3A_1385 = arith.addi %get3A_1382, %add3A_1384 : vector<16xi32>
    %swap3A_1386 = arith.constant 13 : i32
    %swap3A_1387 = arith.index_cast %swap3A_1386 : i32 to index
    %swap3A_1388 = arith.constant 32 : index
    %swap3A_1389 = tpu.vector_load %arg6[%swap3A_1387, %swap3A_1388] {strides = array<i32>} : memref<16x128xi32, #tpu.memory_space<vmem>>, vector<1x16xi32>,
    %swap3A_1390 = vector.shape_cast %swap3A_1389 : vector<1x16xi32> to vector<16xi32>
    %swap3A_1391 = vector.shape_cast %add3A_1385 : vector<16xi32> to vector<1x16xi32>
    tpu.vector_store %arg6[%swap3A_1387, %swap3A_1388], %swap3A_1391 {strides = array<i32>} : memref<16x128xi32, #tpu.memory_space<vmem>>, vector<1x16xi32>,
    %get3A_1392 = arith.constant 48 : index
    %get3A_1393 = tpu.vector_load %arg5[%get3A_1392] {strides = array<i32>} : memref<128xi32, #tpu.memory_space<vmem>>, vector<16xi32>,
    %get3A_1394 = vector.shape_cast %get3A_1393 : vector<16xi32> to vector<16xi32>
    %add3A_1395 = arith.constant 13 : i32
    %add3A_1396 = vector.broadcast %add3A_1395 : i32 to vector<16xi32>
    %add3A_1397 = arith.addi %get3A_1394, %add3A_1396 : vector<16xi32>
    %swap3A_1398 = arith.constant 13 : i32
    %swap3A_1399 = arith.index_cast %swap3A_1398 : i32 to index
    %swap3A_1400 = arith.constant 48 : index
    %swap3A_1401 = tpu.vector_load %arg6[%swap3A_1399, %swap3A_1400] {strides = array<i32>} : memref<16x128xi32, #tpu.memory_space<vmem>>, vector<1x16xi32>,
    %swap3A_1402 = vector.shape_cast %swap3A_1401 : vector<1x16xi32> to vector<16xi32>
    %swap3A_1403 = vector.shape_cast %add3A_1397 : vector<16xi32> to vector<1x16xi32>
    tpu.vector_store %arg6[%swap3A_1399, %swap3A_1400], %swap3A_1403 {strides = array<i32>} : memref<16x128xi32, #tpu.memory_space<vmem>>, vector<1x16xi32>,
    %get3A_1404 = arith.constant 64 : index
    %get3A_1405 = tpu.vector_load %arg5[%get3A_1404] {strides = array<i32>} : memref<128xi32, #tpu.memory_space<vmem>>, vector<16xi32>,
    %get3A_1406 = vector.shape_cast %get3A_1405 : vector<16xi32> to vector<16xi32>
    %add3A_1407 = arith.constant 13 : i32
    %add3A_1408 = vector.broadcast %add3A_1407 : i32 to vector<16xi32>
    %add3A_1409 = arith.addi %get3A_1406, %add3A_1408 : vector<16xi32>
    %swap3A_1410 = arith.constant 13 : i32
    %swap3A_1411 = arith.index_cast %swap3A_1410 : i32 to index
    %swap3A_1412 = arith.constant 64 : index
    %swap3A_1413 = tpu.vector_load %arg6[%swap3A_1411, %swap3A_1412] {strides = array<i32>} : memref<16x128xi32, #tpu.memory_space<vmem>>, vector<1x16xi32>,
    %swap3A_1414 = vector.shape_cast %swap3A_1413 : vector<1x16xi32> to vector<16xi32>
    %swap3A_1415 = vector.shape_cast %add3A_1409 : vector<16xi32> to vector<1x16xi32>
    tpu.vector_store %arg6[%swap3A_1411, %swap3A_1412], %swap3A_1415 {strides = array<i32>} : memref<16x128xi32, #tpu.memory_space<vmem>>, vector<1x16xi32>,
    %get3A_1416 = arith.constant 80 : index
    %get3A_1417 = tpu.vector_load %arg5[%get3A_1416] {strides = array<i32>} : memref<128xi32, #tpu.memory_space<vmem>>, vector<16xi32>,
    %get3A_1418 = vector.shape_cast %get3A_1417 : vector<16xi32> to vector<16xi32>
    %add3A_1419 = arith.constant 13 : i32
    %add3A_1420 = vector.broadcast %add3A_1419 : i32 to vector<16xi32>
    %add3A_1421 = arith.addi %get3A_1418, %add3A_1420 : vector<16xi32>
    %swap3A_1422 = arith.constant 13 : i32
    %swap3A_1423 = arith.index_cast %swap3A_1422 : i32 to index
    %swap3A_1424 = arith.constant 80 : index
    %swap3A_1425 = tpu.vector_load %arg6[%swap3A_1423, %swap3A_1424] {strides = array<i32>} : memref<16x128xi32, #tpu.memory_space<vmem>>, vector<1x16xi32>,
    %swap3A_1426 = vector.shape_cast %swap3A_1425 : vector<1x16xi32> to vector<16xi32>
    %swap3A_1427 = vector.shape_cast %add3A_1421 : vector<16xi32> to vector<1x16xi32>
    tpu.vector_store %arg6[%swap3A_1423, %swap3A_1424], %swap3A_1427 {strides = array<i32>} : memref<16x128xi32, #tpu.memory_space<vmem>>, vector<1x16xi32>,
    %get3A_1428 = arith.constant 96 : index
    %get3A_1429 = tpu.vector_load %arg5[%get3A_1428] {strides = array<i32>} : memref<128xi32, #tpu.memory_space<vmem>>, vector<16xi32>,
    %get3A_1430 = vector.shape_cast %get3A_1429 : vector<16xi32> to vector<16xi32>
    %add3A_1431 = arith.constant 13 : i32
    %add3A_1432 = vector.broadcast %add3A_1431 : i32 to vector<16xi32>
    %add3A_1433 = arith.addi %get3A_1430, %add3A_1432 : vector<16xi32>
    %swap3A_1434 = arith.constant 13 : i32
    %swap3A_1435 = arith.index_cast %swap3A_1434 : i32 to index
    %swap3A_1436 = arith.constant 96 : index
    %swap3A_1437 = tpu.vector_load %arg6[%swap3A_1435, %swap3A_1436] {strides = array<i32>} : memref<16x128xi32, #tpu.memory_space<vmem>>, vector<1x16xi32>,
    %swap3A_1438 = vector.shape_cast %swap3A_1437 : vector<1x16xi32> to vector<16xi32>
    %swap3A_1439 = vector.shape_cast %add3A_1433 : vector<16xi32> to vector<1x16xi32>
    tpu.vector_store %arg6[%swap3A_1435, %swap3A_1436], %swap3A_1439 {strides = array<i32>} : memref<16x128xi32, #tpu.memory_space<vmem>>, vector<1x16xi32>,
    %get3A_1440 = arith.constant 112 : index
    %get3A_1441 = tpu.vector_load %arg5[%get3A_1440] {strides = array<i32>} : memref<128xi32, #tpu.memory_space<vmem>>, vector<16xi32>,
    %get3A_1442 = vector.shape_cast %get3A_1441 : vector<16xi32> to vector<16xi32>
    %add3A_1443 = arith.constant 13 : i32
    %add3A_1444 = vector.broadcast %add3A_1443 : i32 to vector<16xi32>
    %add3A_1445 = arith.addi %get3A_1442, %add3A_1444 : vector<16xi32>
    %swap3A_1446 = arith.constant 13 : i32
    %swap3A_1447 = arith.index_cast %swap3A_1446 : i32 to index
    %swap3A_1448 = arith.constant 112 : index
    %swap3A_1449 = tpu.vector_load %arg6[%swap3A_1447, %swap3A_1448] {strides = array<i32>} : memref<16x128xi32, #tpu.memory_space<vmem>>, vector<1x16xi32>,
    %swap3A_1450 = vector.shape_cast %swap3A_1449 : vector<1x16xi32> to vector<16xi32>
    %swap3A_1451 = vector.shape_cast %add3A_1445 : vector<16xi32> to vector<1x16xi32>
    tpu.vector_store %arg6[%swap3A_1447, %swap3A_1448], %swap3A_1451 {strides = array<i32>} : memref<16x128xi32, #tpu.memory_space<vmem>>, vector<1x16xi32>,
    %get3A_1452 = arith.constant 0 : index
    %get3A_1453 = tpu.vector_load %arg5[%get3A_1452] {strides = array<i32>} : memref<128xi32, #tpu.memory_space<vmem>>, vector<16xi32>,
    %get3A_1454 = vector.shape_cast %get3A_1453 : vector<16xi32> to vector<16xi32>
    %add3A_1455 = arith.constant 14 : i32
    %add3A_1456 = vector.broadcast %add3A_1455 : i32 to vector<16xi32>
    %add3A_1457 = arith.addi %get3A_1454, %add3A_1456 : vector<16xi32>
    %swap3A_1458 = arith.constant 14 : i32
    %swap3A_1459 = arith.index_cast %swap3A_1458 : i32 to index
    %swap3A_1460 = arith.constant 0 : index
    %swap3A_1461 = tpu.vector_load %arg6[%swap3A_1459, %swap3A_1460] {strides = array<i32>} : memref<16x128xi32, #tpu.memory_space<vmem>>, vector<1x16xi32>,
    %swap3A_1462 = vector.shape_cast %swap3A_1461 : vector<1x16xi32> to vector<16xi32>
    %swap3A_1463 = vector.shape_cast %add3A_1457 : vector<16xi32> to vector<1x16xi32>
    tpu.vector_store %arg6[%swap3A_1459, %swap3A_1460], %swap3A_1463 {strides = array<i32>} : memref<16x128xi32, #tpu.memory_space<vmem>>, vector<1x16xi32>,
    %get3A_1464 = arith.constant 16 : index
    %get3A_1465 = tpu.vector_load %arg5[%get3A_1464] {strides = array<i32>} : memref<128xi32, #tpu.memory_space<vmem>>, vector<16xi32>,
    %get3A_1466 = vector.shape_cast %get3A_1465 : vector<16xi32> to vector<16xi32>
    %add3A_1467 = arith.constant 14 : i32
    %add3A_1468 = vector.broadcast %add3A_1467 : i32 to vector<16xi32>
    %add3A_1469 = arith.addi %get3A_1466, %add3A_1468 : vector<16xi32>
    %swap3A_1470 = arith.constant 14 : i32
    %swap3A_1471 = arith.index_cast %swap3A_1470 : i32 to index
    %swap3A_1472 = arith.constant 16 : index
    %swap3A_1473 = tpu.vector_load %arg6[%swap3A_1471, %swap3A_1472] {strides = array<i32>} : memref<16x128xi32, #tpu.memory_space<vmem>>, vector<1x16xi32>,
    %swap3A_1474 = vector.shape_cast %swap3A_1473 : vector<1x16xi32> to vector<16xi32>
    %swap3A_1475 = vector.shape_cast %add3A_1469 : vector<16xi32> to vector<1x16xi32>
    tpu.vector_store %arg6[%swap3A_1471, %swap3A_1472], %swap3A_1475 {strides = array<i32>} : memref<16x128xi32, #tpu.memory_space<vmem>>, vector<1x16xi32>,
    %get3A_1476 = arith.constant 32 : index
    %get3A_1477 = tpu.vector_load %arg5[%get3A_1476] {strides = array<i32>} : memref<128xi32, #tpu.memory_space<vmem>>, vector<16xi32>,
    %get3A_1478 = vector.shape_cast %get3A_1477 : vector<16xi32> to vector<16xi32>
    %add3A_1479 = arith.constant 14 : i32
    %add3A_1480 = vector.broadcast %add3A_1479 : i32 to vector<16xi32>
    %add3A_1481 = arith.addi %get3A_1478, %add3A_1480 : vector<16xi32>
    %swap3A_1482 = arith.constant 14 : i32
    %swap3A_1483 = arith.index_cast %swap3A_1482 : i32 to index
    %swap3A_1484 = arith.constant 32 : index
    %swap3A_1485 = tpu.vector_load %arg6[%swap3A_1483, %swap3A_1484] {strides = array<i32>} : memref<16x128xi32, #tpu.memory_space<vmem>>, vector<1x16xi32>,
    %swap3A_1486 = vector.shape_cast %swap3A_1485 : vector<1x16xi32> to vector<16xi32>
    %swap3A_1487 = vector.shape_cast %add3A_1481 : vector<16xi32> to vector<1x16xi32>
    tpu.vector_store %arg6[%swap3A_1483, %swap3A_1484], %swap3A_1487 {strides = array<i32>} : memref<16x128xi32, #tpu.memory_space<vmem>>, vector<1x16xi32>,
    %get3A_1488 = arith.constant 48 : index
    %get3A_1489 = tpu.vector_load %arg5[%get3A_1488] {strides = array<i32>} : memref<128xi32, #tpu.memory_space<vmem>>, vector<16xi32>,
    %get3A_1490 = vector.shape_cast %get3A_1489 : vector<16xi32> to vector<16xi32>
    %add3A_1491 = arith.constant 14 : i32
    %add3A_1492 = vector.broadcast %add3A_1491 : i32 to vector<16xi32>
    %add3A_1493 = arith.addi %get3A_1490, %add3A_1492 : vector<16xi32>
    %swap3A_1494 = arith.constant 14 : i32
    %swap3A_1495 = arith.index_cast %swap3A_1494 : i32 to index
    %swap3A_1496 = arith.constant 48 : index
    %swap3A_1497 = tpu.vector_load %arg6[%swap3A_1495, %swap3A_1496] {strides = array<i32>} : memref<16x128xi32, #tpu.memory_space<vmem>>, vector<1x16xi32>,
    %swap3A_1498 = vector.shape_cast %swap3A_1497 : vector<1x16xi32> to vector<16xi32>
    %swap3A_1499 = vector.shape_cast %add3A_1493 : vector<16xi32> to vector<1x16xi32>
    tpu.vector_store %arg6[%swap3A_1495, %swap3A_1496], %swap3A_1499 {strides = array<i32>} : memref<16x128xi32, #tpu.memory_space<vmem>>, vector<1x16xi32>,
    %get3A_1500 = arith.constant 64 : index
    %get3A_1501 = tpu.vector_load %arg5[%get3A_1500] {strides = array<i32>} : memref<128xi32, #tpu.memory_space<vmem>>, vector<16xi32>,
    %get3A_1502 = vector.shape_cast %get3A_1501 : vector<16xi32> to vector<16xi32>
    %add3A_1503 = arith.constant 14 : i32
    %add3A_1504 = vector.broadcast %add3A_1503 : i32 to vector<16xi32>
    %add3A_1505 = arith.addi %get3A_1502, %add3A_1504 : vector<16xi32>
    %swap3A_1506 = arith.constant 14 : i32
    %swap3A_1507 = arith.index_cast %swap3A_1506 : i32 to index
    %swap3A_1508 = arith.constant 64 : index
    %swap3A_1509 = tpu.vector_load %arg6[%swap3A_1507, %swap3A_1508] {strides = array<i32>} : memref<16x128xi32, #tpu.memory_space<vmem>>, vector<1x16xi32>,
    %swap3A_1510 = vector.shape_cast %swap3A_1509 : vector<1x16xi32> to vector<16xi32>
    %swap3A_1511 = vector.shape_cast %add3A_1505 : vector<16xi32> to vector<1x16xi32>
    tpu.vector_store %arg6[%swap3A_1507, %swap3A_1508], %swap3A_1511 {strides = array<i32>} : memref<16x128xi32, #tpu.memory_space<vmem>>, vector<1x16xi32>,
    %get3A_1512 = arith.constant 80 : index
    %get3A_1513 = tpu.vector_load %arg5[%get3A_1512] {strides = array<i32>} : memref<128xi32, #tpu.memory_space<vmem>>, vector<16xi32>,
    %get3A_1514 = vector.shape_cast %get3A_1513 : vector<16xi32> to vector<16xi32>
    %add3A_1515 = arith.constant 14 : i32
    %add3A_1516 = vector.broadcast %add3A_1515 : i32 to vector<16xi32>
    %add3A_1517 = arith.addi %get3A_1514, %add3A_1516 : vector<16xi32>
    %swap3A_1518 = arith.constant 14 : i32
    %swap3A_1519 = arith.index_cast %swap3A_1518 : i32 to index
    %swap3A_1520 = arith.constant 80 : index
    %swap3A_1521 = tpu.vector_load %arg6[%swap3A_1519, %swap3A_1520] {strides = array<i32>} : memref<16x128xi32, #tpu.memory_space<vmem>>, vector<1x16xi32>,
    %swap3A_1522 = vector.shape_cast %swap3A_1521 : vector<1x16xi32> to vector<16xi32>
    %swap3A_1523 = vector.shape_cast %add3A_1517 : vector<16xi32> to vector<1x16xi32>
    tpu.vector_store %arg6[%swap3A_1519, %swap3A_1520], %swap3A_1523 {strides = array<i32>} : memref<16x128xi32, #tpu.memory_space<vmem>>, vector<1x16xi32>,
    %get3A_1524 = arith.constant 96 : index
    %get3A_1525 = tpu.vector_load %arg5[%get3A_1524] {strides = array<i32>} : memref<128xi32, #tpu.memory_space<vmem>>, vector<16xi32>,
    %get3A_1526 = vector.shape_cast %get3A_1525 : vector<16xi32> to vector<16xi32>
    %add3A_1527 = arith.constant 14 : i32
    %add3A_1528 = vector.broadcast %add3A_1527 : i32 to vector<16xi32>
    %add3A_1529 = arith.addi %get3A_1526, %add3A_1528 : vector<16xi32>
    %swap3A_1530 = arith.constant 14 : i32
    %swap3A_1531 = arith.index_cast %swap3A_1530 : i32 to index
    %swap3A_1532 = arith.constant 96 : index
    %swap3A_1533 = tpu.vector_load %arg6[%swap3A_1531, %swap3A_1532] {strides = array<i32>} : memref<16x128xi32, #tpu.memory_space<vmem>>, vector<1x16xi32>,
    %swap3A_1534 = vector.shape_cast %swap3A_1533 : vector<1x16xi32> to vector<16xi32>
    %swap3A_1535 = vector.shape_cast %add3A_1529 : vector<16xi32> to vector<1x16xi32>
    tpu.vector_store %arg6[%swap3A_1531, %swap3A_1532], %swap3A_1535 {strides = array<i32>} : memref<16x128xi32, #tpu.memory_space<vmem>>, vector<1x16xi32>,
    %get3A_1536 = arith.constant 112 : index
    %get3A_1537 = tpu.vector_load %arg5[%get3A_1536] {strides = array<i32>} : memref<128xi32, #tpu.memory_space<vmem>>, vector<16xi32>,
    %get3A_1538 = vector.shape_cast %get3A_1537 : vector<16xi32> to vector<16xi32>
    %add3A_1539 = arith.constant 14 : i32
    %add3A_1540 = vector.broadcast %add3A_1539 : i32 to vector<16xi32>
    %add3A_1541 = arith.addi %get3A_1538, %add3A_1540 : vector<16xi32>
    %swap3A_1542 = arith.constant 14 : i32
    %swap3A_1543 = arith.index_cast %swap3A_1542 : i32 to index
    %swap3A_1544 = arith.constant 112 : index
    %swap3A_1545 = tpu.vector_load %arg6[%swap3A_1543, %swap3A_1544] {strides = array<i32>} : memref<16x128xi32, #tpu.memory_space<vmem>>, vector<1x16xi32>,
    %swap3A_1546 = vector.shape_cast %swap3A_1545 : vector<1x16xi32> to vector<16xi32>
    %swap3A_1547 = vector.shape_cast %add3A_1541 : vector<16xi32> to vector<1x16xi32>
    tpu.vector_store %arg6[%swap3A_1543, %swap3A_1544], %swap3A_1547 {strides = array<i32>} : memref<16x128xi32, #tpu.memory_space<vmem>>, vector<1x16xi32>,
    %get3A_1548 = arith.constant 0 : index
    %get3A_1549 = tpu.vector_load %arg5[%get3A_1548] {strides = array<i32>} : memref<128xi32, #tpu.memory_space<vmem>>, vector<16xi32>,
    %get3A_1550 = vector.shape_cast %get3A_1549 : vector<16xi32> to vector<16xi32>
    %add3A_1551 = arith.constant 15 : i32
    %add3A_1552 = vector.broadcast %add3A_1551 : i32 to vector<16xi32>
    %add3A_1553 = arith.addi %get3A_1550, %add3A_1552 : vector<16xi32>
    %swap3A_1554 = arith.constant 15 : i32
    %swap3A_1555 = arith.index_cast %swap3A_1554 : i32 to index
    %swap3A_1556 = arith.constant 0 : index
    %swap3A_1557 = tpu.vector_load %arg6[%swap3A_1555, %swap3A_1556] {strides = array<i32>} : memref<16x128xi32, #tpu.memory_space<vmem>>, vector<1x16xi32>,
    %swap3A_1558 = vector.shape_cast %swap3A_1557 : vector<1x16xi32> to vector<16xi32>
    %swap3A_1559 = vector.shape_cast %add3A_1553 : vector<16xi32> to vector<1x16xi32>
    tpu.vector_store %arg6[%swap3A_1555, %swap3A_1556], %swap3A_1559 {strides = array<i32>} : memref<16x128xi32, #tpu.memory_space<vmem>>, vector<1x16xi32>,
    %get3A_1560 = arith.constant 16 : index
    %get3A_1561 = tpu.vector_load %arg5[%get3A_1560] {strides = array<i32>} : memref<128xi32, #tpu.memory_space<vmem>>, vector<16xi32>,
    %get3A_1562 = vector.shape_cast %get3A_1561 : vector<16xi32> to vector<16xi32>
    %add3A_1563 = arith.constant 15 : i32
    %add3A_1564 = vector.broadcast %add3A_1563 : i32 to vector<16xi32>
    %add3A_1565 = arith.addi %get3A_1562, %add3A_1564 : vector<16xi32>
    %swap3A_1566 = arith.constant 15 : i32
    %swap3A_1567 = arith.index_cast %swap3A_1566 : i32 to index
    %swap3A_1568 = arith.constant 16 : index
    %swap3A_1569 = tpu.vector_load %arg6[%swap3A_1567, %swap3A_1568] {strides = array<i32>} : memref<16x128xi32, #tpu.memory_space<vmem>>, vector<1x16xi32>,
    %swap3A_1570 = vector.shape_cast %swap3A_1569 : vector<1x16xi32> to vector<16xi32>
    %swap3A_1571 = vector.shape_cast %add3A_1565 : vector<16xi32> to vector<1x16xi32>
    tpu.vector_store %arg6[%swap3A_1567, %swap3A_1568], %swap3A_1571 {strides = array<i32>} : memref<16x128xi32, #tpu.memory_space<vmem>>, vector<1x16xi32>,
    %get3A_1572 = arith.constant 32 : index
    %get3A_1573 = tpu.vector_load %arg5[%get3A_1572] {strides = array<i32>} : memref<128xi32, #tpu.memory_space<vmem>>, vector<16xi32>,
    %get3A_1574 = vector.shape_cast %get3A_1573 : vector<16xi32> to vector<16xi32>
    %add3A_1575 = arith.constant 15 : i32
    %add3A_1576 = vector.broadcast %add3A_1575 : i32 to vector<16xi32>
    %add3A_1577 = arith.addi %get3A_1574, %add3A_1576 : vector<16xi32>
    %swap3A_1578 = arith.constant 15 : i32
    %swap3A_1579 = arith.index_cast %swap3A_1578 : i32 to index
    %swap3A_1580 = arith.constant 32 : index
    %swap3A_1581 = tpu.vector_load %arg6[%swap3A_1579, %swap3A_1580] {strides = array<i32>} : memref<16x128xi32, #tpu.memory_space<vmem>>, vector<1x16xi32>,
    %swap3A_1582 = vector.shape_cast %swap3A_1581 : vector<1x16xi32> to vector<16xi32>
    %swap3A_1583 = vector.shape_cast %add3A_1577 : vector<16xi32> to vector<1x16xi32>
    tpu.vector_store %arg6[%swap3A_1579, %swap3A_1580], %swap3A_1583 {strides = array<i32>} : memref<16x128xi32, #tpu.memory_space<vmem>>, vector<1x16xi32>,
    %get3A_1584 = arith.constant 48 : index
    %get3A_1585 = tpu.vector_load %arg5[%get3A_1584] {strides = array<i32>} : memref<128xi32, #tpu.memory_space<vmem>>, vector<16xi32>,
    %get3A_1586 = vector.shape_cast %get3A_1585 : vector<16xi32> to vector<16xi32>
    %add3A_1587 = arith.constant 15 : i32
    %add3A_1588 = vector.broadcast %add3A_1587 : i32 to vector<16xi32>
    %add3A_1589 = arith.addi %get3A_1586, %add3A_1588 : vector<16xi32>
    %swap3A_1590 = arith.constant 15 : i32
    %swap3A_1591 = arith.index_cast %swap3A_1590 : i32 to index
    %swap3A_1592 = arith.constant 48 : index
    %swap3A_1593 = tpu.vector_load %arg6[%swap3A_1591, %swap3A_1592] {strides = array<i32>} : memref<16x128xi32, #tpu.memory_space<vmem>>, vector<1x16xi32>,
    %swap3A_1594 = vector.shape_cast %swap3A_1593 : vector<1x16xi32> to vector<16xi32>
    %swap3A_1595 = vector.shape_cast %add3A_1589 : vector<16xi32> to vector<1x16xi32>
    tpu.vector_store %arg6[%swap3A_1591, %swap3A_1592], %swap3A_1595 {strides = array<i32>} : memref<16x128xi32, #tpu.memory_space<vmem>>, vector<1x16xi32>,
    %get3A_1596 = arith.constant 64 : index
    %get3A_1597 = tpu.vector_load %arg5[%get3A_1596] {strides = array<i32>} : memref<128xi32, #tpu.memory_space<vmem>>, vector<16xi32>,
    %get3A_1598 = vector.shape_cast %get3A_1597 : vector<16xi32> to vector<16xi32>
    %add3A_1599 = arith.constant 15 : i32
    %add3A_1600 = vector.broadcast %add3A_1599 : i32 to vector<16xi32>
    %add3A_1601 = arith.addi %get3A_1598, %add3A_1600 : vector<16xi32>
    %swap3A_1602 = arith.constant 15 : i32
    %swap3A_1603 = arith.index_cast %swap3A_1602 : i32 to index
    %swap3A_1604 = arith.constant 64 : index
    %swap3A_1605 = tpu.vector_load %arg6[%swap3A_1603, %swap3A_1604] {strides = array<i32>} : memref<16x128xi32, #tpu.memory_space<vmem>>, vector<1x16xi32>,
    %swap3A_1606 = vector.shape_cast %swap3A_1605 : vector<1x16xi32> to vector<16xi32>
    %swap3A_1607 = vector.shape_cast %add3A_1601 : vector<16xi32> to vector<1x16xi32>
    tpu.vector_store %arg6[%swap3A_1603, %swap3A_1604], %swap3A_1607 {strides = array<i32>} : memref<16x128xi32, #tpu.memory_space<vmem>>, vector<1x16xi32>,
    %get3A_1608 = arith.constant 80 : index
    %get3A_1609 = tpu.vector_load %arg5[%get3A_1608] {strides = array<i32>} : memref<128xi32, #tpu.memory_space<vmem>>, vector<16xi32>,
    %get3A_1610 = vector.shape_cast %get3A_1609 : vector<16xi32> to vector<16xi32>
    %add3A_1611 = arith.constant 15 : i32
    %add3A_1612 = vector.broadcast %add3A_1611 : i32 to vector<16xi32>
    %add3A_1613 = arith.addi %get3A_1610, %add3A_1612 : vector<16xi32>
    %swap3A_1614 = arith.constant 15 : i32
    %swap3A_1615 = arith.index_cast %swap3A_1614 : i32 to index
    %swap3A_1616 = arith.constant 80 : index
    %swap3A_1617 = tpu.vector_load %arg6[%swap3A_1615, %swap3A_1616] {strides = array<i32>} : memref<16x128xi32, #tpu.memory_space<vmem>>, vector<1x16xi32>,
    %swap3A_1618 = vector.shape_cast %swap3A_1617 : vector<1x16xi32> to vector<16xi32>
    %swap3A_1619 = vector.shape_cast %add3A_1613 : vector<16xi32> to vector<1x16xi32>
    tpu.vector_store %arg6[%swap3A_1615, %swap3A_1616], %swap3A_1619 {strides = array<i32>} : memref<16x128xi32, #tpu.memory_space<vmem>>, vector<1x16xi32>,
    %get3A_1620 = arith.constant 96 : index
    %get3A_1621 = tpu.vector_load %arg5[%get3A_1620] {strides = array<i32>} : memref<128xi32, #tpu.memory_space<vmem>>, vector<16xi32>,
    %get3A_1622 = vector.shape_cast %get3A_1621 : vector<16xi32> to vector<16xi32>
    %add3A_1623 = arith.constant 15 : i32
    %add3A_1624 = vector.broadcast %add3A_1623 : i32 to vector<16xi32>
    %add3A_1625 = arith.addi %get3A_1622, %add3A_1624 : vector<16xi32>
    %swap3A_1626 = arith.constant 15 : i32
    %swap3A_1627 = arith.index_cast %swap3A_1626 : i32 to index
    %swap3A_1628 = arith.constant 96 : index
    %swap3A_1629 = tpu.vector_load %arg6[%swap3A_1627, %swap3A_1628] {strides = array<i32>} : memref<16x128xi32, #tpu.memory_space<vmem>>, vector<1x16xi32>,
    %swap3A_1630 = vector.shape_cast %swap3A_1629 : vector<1x16xi32> to vector<16xi32>
    %swap3A_1631 = vector.shape_cast %add3A_1625 : vector<16xi32> to vector<1x16xi32>
    tpu.vector_store %arg6[%swap3A_1627, %swap3A_1628], %swap3A_1631 {strides = array<i32>} : memref<16x128xi32, #tpu.memory_space<vmem>>, vector<1x16xi32>,
    %get3A_1632 = arith.constant 112 : index
    %get3A_1633 = tpu.vector_load %arg5[%get3A_1632] {strides = array<i32>} : memref<128xi32, #tpu.memory_space<vmem>>, vector<16xi32>,
    %get3A_1634 = vector.shape_cast %get3A_1633 : vector<16xi32> to vector<16xi32>
    %add3A_1635 = arith.constant 15 : i32
    %add3A_1636 = vector.broadcast %add3A_1635 : i32 to vector<16xi32>
    %add3A_1637 = arith.addi %get3A_1634, %add3A_1636 : vector<16xi32>
    %swap3A_1638 = arith.constant 15 : i32
    %swap3A_1639 = arith.index_cast %swap3A_1638 : i32 to index
    %swap3A_1640 = arith.constant 112 : index
    %swap3A_1641 = tpu.vector_load %arg6[%swap3A_1639, %swap3A_1640] {strides = array<i32>} : memref<16x128xi32, #tpu.memory_space<vmem>>, vector<1x16xi32>,
    %swap3A_1642 = vector.shape_cast %swap3A_1641 : vector<1x16xi32> to vector<16xi32>
    %swap3A_1643 = vector.shape_cast %add3A_1637 : vector<16xi32> to vector<1x16xi32>
    tpu.vector_store %arg6[%swap3A_1639, %swap3A_1640], %swap3A_1643 {strides = array<i32>} : memref<16x128xi32, #tpu.memory_space<vmem>>, vector<1x16xi32>,
    %add3A_1644 = arith.constant 0 : i32
    %add3A_1645 = arith.addi %mul3A_29, %add3A_1644 : i32
    %mul3A_1646 = arith.constant 8 : i32
    %mul3A_1647 = arith.muli %arg1, %mul3A_1646 : i32
    %add3A_1648 = arith.constant 0 : i32
    %add3A_1649 = arith.addi %mul3A_1647, %add3A_1648 : i32
    %mul3A_1650 = arith.constant 16 : i32
    %mul3A_1651 = arith.muli %add3A_1649, %mul3A_1650 : i32
    %dma_start3A = arith.constant 0 : i32
    %dma_start3A_1652 = arith.constant 0 : i32
    %dma_start3A_1653 = tpu.memref_slice %arg8[%dma_start3A, %mul3A_1651, %dma_start3A_1652] : memref<3x2048x128xf32, #tpu.memory_space<vmem_shared>> -> memref<1x16x128xf32, #tpu.memory_space<vmem_shared>>
    %dma_start3A_1654 = tpu.memref_squeeze %dma_start3A_1653 : memref<1x16x128xf32, #tpu.memory_space<vmem_shared>> -> memref<16x128xf32, #tpu.memory_space<vmem_shared>>
    %dma_start3A_1655 = arith.constant 0 : i32
    %dma_start3A_1656 = tpu.memref_slice %arg2[%add3A_1649, %add3A_1645, %dma_start3A_1655] : memref<128x512x128xf32, #tpu.memory_space<hbm>> -> memref<1x16x128xf32, #tpu.memory_space<hbm>>
    %dma_start3A_1657 = tpu.memref_squeeze %dma_start3A_1656 : memref<1x16x128xf32, #tpu.memory_space<hbm>> -> memref<16x128xf32, #tpu.memory_space<hbm>>
    tpu.enqueue_dma source(%dma_start3A_1657 : memref<16x128xf32, #tpu.memory_space<hbm>>) target(%dma_start3A_1654 : memref<16x128xf32, #tpu.memory_space<vmem_shared>>) target_semaphore(%arg9 : memref<!tpu.dma_semaphore, #tpu.memory_space<semaphore_mem>>)
    %mul3A_1658 = arith.constant 8 : i32
    %mul3A_1659 = arith.muli %arg1, %mul3A_1658 : i32
    %add3A_1660 = arith.constant 1 : i32
    %add3A_1661 = arith.addi %mul3A_1659, %add3A_1660 : i32
    %mul3A_1662 = arith.constant 16 : i32
    %mul3A_1663 = arith.muli %add3A_1661, %mul3A_1662 : i32
    %dma_start3A_1664 = arith.constant 0 : i32
    %dma_start3A_1665 = arith.constant 0 : i32
    %dma_start3A_1666 = tpu.memref_slice %arg8[%dma_start3A_1664, %mul3A_1663, %dma_start3A_1665] : memref<3x2048x128xf32, #tpu.memory_space<vmem_shared>> -> memref<1x16x128xf32, #tpu.memory_space<vmem_shared>>
    %dma_start3A_1667 = tpu.memref_squeeze %dma_start3A_1666 : memref<1x16x128xf32, #tpu.memory_space<vmem_shared>> -> memref<16x128xf32, #tpu.memory_space<vmem_shared>>
    %dma_start3A_1668 = arith.constant 0 : i32
    %dma_start3A_1669 = tpu.memref_slice %arg2[%add3A_1661, %add3A_1645, %dma_start3A_1668] : memref<128x512x128xf32, #tpu.memory_space<hbm>> -> memref<1x16x128xf32, #tpu.memory_space<hbm>>
    %dma_start3A_1670 = tpu.memref_squeeze %dma_start3A_1669 : memref<1x16x128xf32, #tpu.memory_space<hbm>> -> memref<16x128xf32, #tpu.memory_space<hbm>>
    tpu.enqueue_dma source(%dma_start3A_1670 : memref<16x128xf32, #tpu.memory_space<hbm>>) target(%dma_start3A_1667 : memref<16x128xf32, #tpu.memory_space<vmem_shared>>) target_semaphore(%arg9 : memref<!tpu.dma_semaphore, #tpu.memory_space<semaphore_mem>>)
    %mul3A_1671 = arith.constant 8 : i32
    %mul3A_1672 = arith.muli %arg1, %mul3A_1671 : i32
    %add3A_1673 = arith.constant 2 : i32
    %add3A_1674 = arith.addi %mul3A_1672, %add3A_1673 : i32
    %mul3A_1675 = arith.constant 16 : i32
    %mul3A_1676 = arith.muli %add3A_1674, %mul3A_1675 : i32
    %dma_start3A_1677 = arith.constant 0 : i32
    %dma_start3A_1678 = arith.constant 0 : i32
    %dma_start3A_1679 = tpu.memref_slice %arg8[%dma_start3A_1677, %mul3A_1676, %dma_start3A_1678] : memref<3x2048x128xf32, #tpu.memory_space<vmem_shared>> -> memref<1x16x128xf32, #tpu.memory_space<vmem_shared>>
    %dma_start3A_1680 = tpu.memref_squeeze %dma_start3A_1679 : memref<1x16x128xf32, #tpu.memory_space<vmem_shared>> -> memref<16x128xf32, #tpu.memory_space<vmem_shared>>
    %dma_start3A_1681 = arith.constant 0 : i32
    %dma_start3A_1682 = tpu.memref_slice %arg2[%add3A_1674, %add3A_1645, %dma_start3A_1681] : memref<128x512x128xf32, #tpu.memory_space<hbm>> -> memref<1x16x128xf32, #tpu.memory_space<hbm>>
    %dma_start3A_1683 = tpu.memref_squeeze %dma_start3A_1682 : memref<1x16x128xf32, #tpu.memory_space<hbm>> -> memref<16x128xf32, #tpu.memory_space<hbm>>
    tpu.enqueue_dma source(%dma_start3A_1683 : memref<16x128xf32, #tpu.memory_space<hbm>>) target(%dma_start3A_1680 : memref<16x128xf32, #tpu.memory_space<vmem_shared>>) target_semaphore(%arg9 : memref<!tpu.dma_semaphore, #tpu.memory_space<semaphore_mem>>)
    %mul3A_1684 = arith.constant 8 : i32
    %mul3A_1685 = arith.muli %arg1, %mul3A_1684 : i32
    %add3A_1686 = arith.constant 3 : i32
    %add3A_1687 = arith.addi %mul3A_1685, %add3A_1686 : i32
    %mul3A_1688 = arith.constant 16 : i32
    %mul3A_1689 = arith.muli %add3A_1687, %mul3A_1688 : i32
    %dma_start3A_1690 = arith.constant 0 : i32
    %dma_start3A_1691 = arith.constant 0 : i32
    %dma_start3A_1692 = tpu.memref_slice %arg8[%dma_start3A_1690, %mul3A_1689, %dma_start3A_1691] : memref<3x2048x128xf32, #tpu.memory_space<vmem_shared>> -> memref<1x16x128xf32, #tpu.memory_space<vmem_shared>>
    %dma_start3A_1693 = tpu.memref_squeeze %dma_start3A_1692 : memref<1x16x128xf32, #tpu.memory_space<vmem_shared>> -> memref<16x128xf32, #tpu.memory_space<vmem_shared>>
    %dma_start3A_1694 = arith.constant 0 : i32
    %dma_start3A_1695 = tpu.memref_slice %arg2[%add3A_1687, %add3A_1645, %dma_start3A_1694] : memref<128x512x128xf32, #tpu.memory_space<hbm>> -> memref<1x16x128xf32, #tpu.memory_space<hbm>>
    %dma_start3A_1696 = tpu.memref_squeeze %dma_start3A_1695 : memref<1x16x128xf32, #tpu.memory_space<hbm>> -> memref<16x128xf32, #tpu.memory_space<hbm>>
    tpu.enqueue_dma source(%dma_start3A_1696 : memref<16x128xf32, #tpu.memory_space<hbm>>) target(%dma_start3A_1693 : memref<16x128xf32, #tpu.memory_space<vmem_shared>>) target_semaphore(%arg9 : memref<!tpu.dma_semaphore, #tpu.memory_space<semaphore_mem>>)
    %mul3A_1697 = arith.constant 8 : i32
    %mul3A_1698 = arith.muli %arg1, %mul3A_1697 : i32
    %add3A_1699 = arith.constant 4 : i32
    %add3A_1700 = arith.addi %mul3A_1698, %add3A_1699 : i32
    %mul3A_1701 = arith.constant 16 : i32
    %mul3A_1702 = arith.muli %add3A_1700, %mul3A_1701 : i32
    %dma_start3A_1703 = arith.constant 0 : i32
    %dma_start3A_1704 = arith.constant 0 : i32
    %dma_start3A_1705 = tpu.memref_slice %arg8[%dma_start3A_1703, %mul3A_1702, %dma_start3A_1704] : memref<3x2048x128xf32, #tpu.memory_space<vmem_shared>> -> memref<1x16x128xf32, #tpu.memory_space<vmem_shared>>
    %dma_start3A_1706 = tpu.memref_squeeze %dma_start3A_1705 : memref<1x16x128xf32, #tpu.memory_space<vmem_shared>> -> memref<16x128xf32, #tpu.memory_space<vmem_shared>>
    %dma_start3A_1707 = arith.constant 0 : i32
    %dma_start3A_1708 = tpu.memref_slice %arg2[%add3A_1700, %add3A_1645, %dma_start3A_1707] : memref<128x512x128xf32, #tpu.memory_space<hbm>> -> memref<1x16x128xf32, #tpu.memory_space<hbm>>
    %dma_start3A_1709 = tpu.memref_squeeze %dma_start3A_1708 : memref<1x16x128xf32, #tpu.memory_space<hbm>> -> memref<16x128xf32, #tpu.memory_space<hbm>>
    tpu.enqueue_dma source(%dma_start3A_1709 : memref<16x128xf32, #tpu.memory_space<hbm>>) target(%dma_start3A_1706 : memref<16x128xf32, #tpu.memory_space<vmem_shared>>) target_semaphore(%arg9 : memref<!tpu.dma_semaphore, #tpu.memory_space<semaphore_mem>>)
    %mul3A_1710 = arith.constant 8 : i32
    %mul3A_1711 = arith.muli %arg1, %mul3A_1710 : i32
    %add3A_1712 = arith.constant 5 : i32
    %add3A_1713 = arith.addi %mul3A_1711, %add3A_1712 : i32
    %mul3A_1714 = arith.constant 16 : i32
    %mul3A_1715 = arith.muli %add3A_1713, %mul3A_1714 : i32
    %dma_start3A_1716 = arith.constant 0 : i32
    %dma_start3A_1717 = arith.constant 0 : i32
    %dma_start3A_1718 = tpu.memref_slice %arg8[%dma_start3A_1716, %mul3A_1715, %dma_start3A_1717] : memref<3x2048x128xf32, #tpu.memory_space<vmem_shared>> -> memref<1x16x128xf32, #tpu.memory_space<vmem_shared>>
    %dma_start3A_1719 = tpu.memref_squeeze %dma_start3A_1718 : memref<1x16x128xf32, #tpu.memory_space<vmem_shared>> -> memref<16x128xf32, #tpu.memory_space<vmem_shared>>
    %dma_start3A_1720 = arith.constant 0 : i32
    %dma_start3A_1721 = tpu.memref_slice %arg2[%add3A_1713, %add3A_1645, %dma_start3A_1720] : memref<128x512x128xf32, #tpu.memory_space<hbm>> -> memref<1x16x128xf32, #tpu.memory_space<hbm>>
    %dma_start3A_1722 = tpu.memref_squeeze %dma_start3A_1721 : memref<1x16x128xf32, #tpu.memory_space<hbm>> -> memref<16x128xf32, #tpu.memory_space<hbm>>
    tpu.enqueue_dma source(%dma_start3A_1722 : memref<16x128xf32, #tpu.memory_space<hbm>>) target(%dma_start3A_1719 : memref<16x128xf32, #tpu.memory_space<vmem_shared>>) target_semaphore(%arg9 : memref<!tpu.dma_semaphore, #tpu.memory_space<semaphore_mem>>)
    %mul3A_1723 = arith.constant 8 : i32
    %mul3A_1724 = arith.muli %arg1, %mul3A_1723 : i32
    %add3A_1725 = arith.constant 6 : i32
    %add3A_1726 = arith.addi %mul3A_1724, %add3A_1725 : i32
    %mul3A_1727 = arith.constant 16 : i32
    %mul3A_1728 = arith.muli %add3A_1726, %mul3A_1727 : i32
    %dma_start3A_1729 = arith.constant 0 : i32
    %dma_start3A_1730 = arith.constant 0 : i32
    %dma_start3A_1731 = tpu.memref_slice %arg8[%dma_start3A_1729, %mul3A_1728, %dma_start3A_1730] : memref<3x2048x128xf32, #tpu.memory_space<vmem_shared>> -> memref<1x16x128xf32, #tpu.memory_space<vmem_shared>>
    %dma_start3A_1732 = tpu.memref_squeeze %dma_start3A_1731 : memref<1x16x128xf32, #tpu.memory_space<vmem_shared>> -> memref<16x128xf32, #tpu.memory_space<vmem_shared>>
    %dma_start3A_1733 = arith.constant 0 : i32
    %dma_start3A_1734 = tpu.memref_slice %arg2[%add3A_1726, %add3A_1645, %dma_start3A_1733] : memref<128x512x128xf32, #tpu.memory_space<hbm>> -> memref<1x16x128xf32, #tpu.memory_space<hbm>>
    %dma_start3A_1735 = tpu.memref_squeeze %dma_start3A_1734 : memref<1x16x128xf32, #tpu.memory_space<hbm>> -> memref<16x128xf32, #tpu.memory_space<hbm>>
    tpu.enqueue_dma source(%dma_start3A_1735 : memref<16x128xf32, #tpu.memory_space<hbm>>) target(%dma_start3A_1732 : memref<16x128xf32, #tpu.memory_space<vmem_shared>>) target_semaphore(%arg9 : memref<!tpu.dma_semaphore, #tpu.memory_space<semaphore_mem>>)
    %mul3A_1736 = arith.constant 8 : i32
    %mul3A_1737 = arith.muli %arg1, %mul3A_1736 : i32
    %add3A_1738 = arith.constant 7 : i32
    %add3A_1739 = arith.addi %mul3A_1737, %add3A_1738 : i32
    %mul3A_1740 = arith.constant 16 : i32
    %mul3A_1741 = arith.muli %add3A_1739, %mul3A_1740 : i32
    %dma_start3A_1742 = arith.constant 0 : i32
    %dma_start3A_1743 = arith.constant 0 : i32
    %dma_start3A_1744 = tpu.memref_slice %arg8[%dma_start3A_1742, %mul3A_1741, %dma_start3A_1743] : memref<3x2048x128xf32, #tpu.memory_space<vmem_shared>> -> memref<1x16x128xf32, #tpu.memory_space<vmem_shared>>
    %dma_start3A_1745 = tpu.memref_squeeze %dma_start3A_1744 : memref<1x16x128xf32, #tpu.memory_space<vmem_shared>> -> memref<16x128xf32, #tpu.memory_space<vmem_shared>>
    %dma_start3A_1746 = arith.constant 0 : i32
    %dma_start3A_1747 = tpu.memref_slice %arg2[%add3A_1739, %add3A_1645, %dma_start3A_1746] : memref<128x512x128xf32, #tpu.memory_space<hbm>> -> memref<1x16x128xf32, #tpu.memory_space<hbm>>
    %dma_start3A_1748 = tpu.memref_squeeze %dma_start3A_1747 : memref<1x16x128xf32, #tpu.memory_space<hbm>> -> memref<16x128xf32, #tpu.memory_space<hbm>>
    tpu.enqueue_dma source(%dma_start3A_1748 : memref<16x128xf32, #tpu.memory_space<hbm>>) target(%dma_start3A_1745 : memref<16x128xf32, #tpu.memory_space<vmem_shared>>) target_semaphore(%arg9 : memref<!tpu.dma_semaphore, #tpu.memory_space<semaphore_mem>>)
    %add3A_1749 = arith.constant 0 : i32
    %add3A_1750 = arith.addi %mul3A_29, %add3A_1749 : i32
    %mul3A_1751 = arith.constant 8 : i32
    %mul3A_1752 = arith.muli %arg1, %mul3A_1751 : i32
    %add3A_1753 = arith.constant 0 : i32
    %add3A_1754 = arith.addi %mul3A_1752, %add3A_1753 : i32
    %mul3A_1755 = arith.constant 16 : i32
    %mul3A_1756 = arith.muli %add3A_1754, %mul3A_1755 : i32
    %dma_wait3A = arith.constant 0 : i32
    %dma_wait3A_1757 = arith.constant 0 : i32
    %dma_wait3A_1758 = tpu.memref_slice %arg8[%dma_wait3A, %mul3A_1756, %dma_wait3A_1757] : memref<3x2048x128xf32, #tpu.memory_space<vmem_shared>> -> memref<1x16x128xf32, #tpu.memory_space<vmem_shared>>
    %dma_wait3A_1759 = tpu.memref_squeeze %dma_wait3A_1758 : memref<1x16x128xf32, #tpu.memory_space<vmem_shared>> -> memref<16x128xf32, #tpu.memory_space<vmem_shared>>
    %dma_wait3A_1760 = arith.constant 0 : i32
    %dma_wait3A_1761 = tpu.memref_slice %arg2[%add3A_1754, %add3A_1750, %dma_wait3A_1760] : memref<128x512x128xf32, #tpu.memory_space<hbm>> -> memref<1x16x128xf32, #tpu.memory_space<hbm>>
    %dma_wait3A_1762 = tpu.memref_squeeze %dma_wait3A_1761 : memref<1x16x128xf32, #tpu.memory_space<hbm>> -> memref<16x128xf32, #tpu.memory_space<hbm>>
    tpu.wait_dma2 semaphore(%arg9 : memref<!tpu.dma_semaphore, #tpu.memory_space<semaphore_mem>>) src(%dma_wait3A_1762 : memref<16x128xf32, #tpu.memory_space<hbm>>) dst(%dma_wait3A_1759 : memref<16x128xf32, #tpu.memory_space<vmem_shared>>)
    %mul3A_1763 = arith.constant 8 : i32
    %mul3A_1764 = arith.muli %arg1, %mul3A_1763 : i32
    %add3A_1765 = arith.constant 1 : i32
    %add3A_1766 = arith.addi %mul3A_1764, %add3A_1765 : i32
    %mul3A_1767 = arith.constant 16 : i32
    %mul3A_1768 = arith.muli %add3A_1766, %mul3A_1767 : i32
    %dma_wait3A_1769 = arith.constant 0 : i32
    %dma_wait3A_1770 = arith.constant 0 : i32
    %dma_wait3A_1771 = tpu.memref_slice %arg8[%dma_wait3A_1769, %mul3A_1768, %dma_wait3A_1770] : memref<3x2048x128xf32, #tpu.memory_space<vmem_shared>> -> memref<1x16x128xf32, #tpu.memory_space<vmem_shared>>
    %dma_wait3A_1772 = tpu.memref_squeeze %dma_wait3A_1771 : memref<1x16x128xf32, #tpu.memory_space<vmem_shared>> -> memref<16x128xf32, #tpu.memory_space<vmem_shared>>
    %dma_wait3A_1773 = arith.constant 0 : i32
    %dma_wait3A_1774 = tpu.memref_slice %arg2[%add3A_1766, %add3A_1750, %dma_wait3A_1773] : memref<128x512x128xf32, #tpu.memory_space<hbm>> -> memref<1x16x128xf32, #tpu.memory_space<hbm>>
    %dma_wait3A_1775 = tpu.memref_squeeze %dma_wait3A_1774 : memref<1x16x128xf32, #tpu.memory_space<hbm>> -> memref<16x128xf32, #tpu.memory_space<hbm>>
    tpu.wait_dma2 semaphore(%arg9 : memref<!tpu.dma_semaphore, #tpu.memory_space<semaphore_mem>>) src(%dma_wait3A_1775 : memref<16x128xf32, #tpu.memory_space<hbm>>) dst(%dma_wait3A_1772 : memref<16x128xf32, #tpu.memory_space<vmem_shared>>)
    %mul3A_1776 = arith.constant 8 : i32
    %mul3A_1777 = arith.muli %arg1, %mul3A_1776 : i32
    %add3A_1778 = arith.constant 2 : i32
    %add3A_1779 = arith.addi %mul3A_1777, %add3A_1778 : i32
    %mul3A_1780 = arith.constant 16 : i32
    %mul3A_1781 = arith.muli %add3A_1779, %mul3A_1780 : i32
    %dma_wait3A_1782 = arith.constant 0 : i32
    %dma_wait3A_1783 = arith.constant 0 : i32
    %dma_wait3A_1784 = tpu.memref_slice %arg8[%dma_wait3A_1782, %mul3A_1781, %dma_wait3A_1783] : memref<3x2048x128xf32, #tpu.memory_space<vmem_shared>> -> memref<1x16x128xf32, #tpu.memory_space<vmem_shared>>
    %dma_wait3A_1785 = tpu.memref_squeeze %dma_wait3A_1784 : memref<1x16x128xf32, #tpu.memory_space<vmem_shared>> -> memref<16x128xf32, #tpu.memory_space<vmem_shared>>
    %dma_wait3A_1786 = arith.constant 0 : i32
    %dma_wait3A_1787 = tpu.memref_slice %arg2[%add3A_1779, %add3A_1750, %dma_wait3A_1786] : memref<128x512x128xf32, #tpu.memory_space<hbm>> -> memref<1x16x128xf32, #tpu.memory_space<hbm>>
    %dma_wait3A_1788 = tpu.memref_squeeze %dma_wait3A_1787 : memref<1x16x128xf32, #tpu.memory_space<hbm>> -> memref<16x128xf32, #tpu.memory_space<hbm>>
    tpu.wait_dma2 semaphore(%arg9 : memref<!tpu.dma_semaphore, #tpu.memory_space<semaphore_mem>>) src(%dma_wait3A_1788 : memref<16x128xf32, #tpu.memory_space<hbm>>) dst(%dma_wait3A_1785 : memref<16x128xf32, #tpu.memory_space<vmem_shared>>)
    %mul3A_1789 = arith.constant 8 : i32
    %mul3A_1790 = arith.muli %arg1, %mul3A_1789 : i32
    %add3A_1791 = arith.constant 3 : i32
    %add3A_1792 = arith.addi %mul3A_1790, %add3A_1791 : i32
    %mul3A_1793 = arith.constant 16 : i32
    %mul3A_1794 = arith.muli %add3A_1792, %mul3A_1793 : i32
    %dma_wait3A_1795 = arith.constant 0 : i32
    %dma_wait3A_1796 = arith.constant 0 : i32
    %dma_wait3A_1797 = tpu.memref_slice %arg8[%dma_wait3A_1795, %mul3A_1794, %dma_wait3A_1796] : memref<3x2048x128xf32, #tpu.memory_space<vmem_shared>> -> memref<1x16x128xf32, #tpu.memory_space<vmem_shared>>
    %dma_wait3A_1798 = tpu.memref_squeeze %dma_wait3A_1797 : memref<1x16x128xf32, #tpu.memory_space<vmem_shared>> -> memref<16x128xf32, #tpu.memory_space<vmem_shared>>
    %dma_wait3A_1799 = arith.constant 0 : i32
    %dma_wait3A_1800 = tpu.memref_slice %arg2[%add3A_1792, %add3A_1750, %dma_wait3A_1799] : memref<128x512x128xf32, #tpu.memory_space<hbm>> -> memref<1x16x128xf32, #tpu.memory_space<hbm>>
    %dma_wait3A_1801 = tpu.memref_squeeze %dma_wait3A_1800 : memref<1x16x128xf32, #tpu.memory_space<hbm>> -> memref<16x128xf32, #tpu.memory_space<hbm>>
    tpu.wait_dma2 semaphore(%arg9 : memref<!tpu.dma_semaphore, #tpu.memory_space<semaphore_mem>>) src(%dma_wait3A_1801 : memref<16x128xf32, #tpu.memory_space<hbm>>) dst(%dma_wait3A_1798 : memref<16x128xf32, #tpu.memory_space<vmem_shared>>)
    %mul3A_1802 = arith.constant 8 : i32
    %mul3A_1803 = arith.muli %arg1, %mul3A_1802 : i32
    %add3A_1804 = arith.constant 4 : i32
    %add3A_1805 = arith.addi %mul3A_1803, %add3A_1804 : i32
    %mul3A_1806 = arith.constant 16 : i32
    %mul3A_1807 = arith.muli %add3A_1805, %mul3A_1806 : i32
    %dma_wait3A_1808 = arith.constant 0 : i32
    %dma_wait3A_1809 = arith.constant 0 : i32
    %dma_wait3A_1810 = tpu.memref_slice %arg8[%dma_wait3A_1808, %mul3A_1807, %dma_wait3A_1809] : memref<3x2048x128xf32, #tpu.memory_space<vmem_shared>> -> memref<1x16x128xf32, #tpu.memory_space<vmem_shared>>
    %dma_wait3A_1811 = tpu.memref_squeeze %dma_wait3A_1810 : memref<1x16x128xf32, #tpu.memory_space<vmem_shared>> -> memref<16x128xf32, #tpu.memory_space<vmem_shared>>
    %dma_wait3A_1812 = arith.constant 0 : i32
    %dma_wait3A_1813 = tpu.memref_slice %arg2[%add3A_1805, %add3A_1750, %dma_wait3A_1812] : memref<128x512x128xf32, #tpu.memory_space<hbm>> -> memref<1x16x128xf32, #tpu.memory_space<hbm>>
    %dma_wait3A_1814 = tpu.memref_squeeze %dma_wait3A_1813 : memref<1x16x128xf32, #tpu.memory_space<hbm>> -> memref<16x128xf32, #tpu.memory_space<hbm>>
    tpu.wait_dma2 semaphore(%arg9 : memref<!tpu.dma_semaphore, #tpu.memory_space<semaphore_mem>>) src(%dma_wait3A_1814 : memref<16x128xf32, #tpu.memory_space<hbm>>) dst(%dma_wait3A_1811 : memref<16x128xf32, #tpu.memory_space<vmem_shared>>)
    %mul3A_1815 = arith.constant 8 : i32
    %mul3A_1816 = arith.muli %arg1, %mul3A_1815 : i32
    %add3A_1817 = arith.constant 5 : i32
    %add3A_1818 = arith.addi %mul3A_1816, %add3A_1817 : i32
    %mul3A_1819 = arith.constant 16 : i32
    %mul3A_1820 = arith.muli %add3A_1818, %mul3A_1819 : i32
    %dma_wait3A_1821 = arith.constant 0 : i32
    %dma_wait3A_1822 = arith.constant 0 : i32
    %dma_wait3A_1823 = tpu.memref_slice %arg8[%dma_wait3A_1821, %mul3A_1820, %dma_wait3A_1822] : memref<3x2048x128xf32, #tpu.memory_space<vmem_shared>> -> memref<1x16x128xf32, #tpu.memory_space<vmem_shared>>
    %dma_wait3A_1824 = tpu.memref_squeeze %dma_wait3A_1823 : memref<1x16x128xf32, #tpu.memory_space<vmem_shared>> -> memref<16x128xf32, #tpu.memory_space<vmem_shared>>
    %dma_wait3A_1825 = arith.constant 0 : i32
    %dma_wait3A_1826 = tpu.memref_slice %arg2[%add3A_1818, %add3A_1750, %dma_wait3A_1825] : memref<128x512x128xf32, #tpu.memory_space<hbm>> -> memref<1x16x128xf32, #tpu.memory_space<hbm>>
    %dma_wait3A_1827 = tpu.memref_squeeze %dma_wait3A_1826 : memref<1x16x128xf32, #tpu.memory_space<hbm>> -> memref<16x128xf32, #tpu.memory_space<hbm>>
    tpu.wait_dma2 semaphore(%arg9 : memref<!tpu.dma_semaphore, #tpu.memory_space<semaphore_mem>>) src(%dma_wait3A_1827 : memref<16x128xf32, #tpu.memory_space<hbm>>) dst(%dma_wait3A_1824 : memref<16x128xf32, #tpu.memory_space<vmem_shared>>)
    %mul3A_1828 = arith.constant 8 : i32
    %mul3A_1829 = arith.muli %arg1, %mul3A_1828 : i32
    %add3A_1830 = arith.constant 6 : i32
    %add3A_1831 = arith.addi %mul3A_1829, %add3A_1830 : i32
    %mul3A_1832 = arith.constant 16 : i32
    %mul3A_1833 = arith.muli %add3A_1831, %mul3A_1832 : i32
    %dma_wait3A_1834 = arith.constant 0 : i32
    %dma_wait3A_1835 = arith.constant 0 : i32
    %dma_wait3A_1836 = tpu.memref_slice %arg8[%dma_wait3A_1834, %mul3A_1833, %dma_wait3A_1835] : memref<3x2048x128xf32, #tpu.memory_space<vmem_shared>> -> memref<1x16x128xf32, #tpu.memory_space<vmem_shared>>
    %dma_wait3A_1837 = tpu.memref_squeeze %dma_wait3A_1836 : memref<1x16x128xf32, #tpu.memory_space<vmem_shared>> -> memref<16x128xf32, #tpu.memory_space<vmem_shared>>
    %dma_wait3A_1838 = arith.constant 0 : i32
    %dma_wait3A_1839 = tpu.memref_slice %arg2[%add3A_1831, %add3A_1750, %dma_wait3A_1838] : memref<128x512x128xf32, #tpu.memory_space<hbm>> -> memref<1x16x128xf32, #tpu.memory_space<hbm>>
    %dma_wait3A_1840 = tpu.memref_squeeze %dma_wait3A_1839 : memref<1x16x128xf32, #tpu.memory_space<hbm>> -> memref<16x128xf32, #tpu.memory_space<hbm>>
    tpu.wait_dma2 semaphore(%arg9 : memref<!tpu.dma_semaphore, #tpu.memory_space<semaphore_mem>>) src(%dma_wait3A_1840 : memref<16x128xf32, #tpu.memory_space<hbm>>) dst(%dma_wait3A_1837 : memref<16x128xf32, #tpu.memory_space<vmem_shared>>)
    %mul3A_1841 = arith.constant 8 : i32
    %mul3A_1842 = arith.muli %arg1, %mul3A_1841 : i32
    %add3A_1843 = arith.constant 7 : i32
    %add3A_1844 = arith.addi %mul3A_1842, %add3A_1843 : i32
    %mul3A_1845 = arith.constant 16 : i32
    %mul3A_1846 = arith.muli %add3A_1844, %mul3A_1845 : i32
    %dma_wait3A_1847 = arith.constant 0 : i32
    %dma_wait3A_1848 = arith.constant 0 : i32
    %dma_wait3A_1849 = tpu.memref_slice %arg8[%dma_wait3A_1847, %mul3A_1846, %dma_wait3A_1848] : memref<3x2048x128xf32, #tpu.memory_space<vmem_shared>> -> memref<1x16x128xf32, #tpu.memory_space<vmem_shared>>
    %dma_wait3A_1850 = tpu.memref_squeeze %dma_wait3A_1849 : memref<1x16x128xf32, #tpu.memory_space<vmem_shared>> -> memref<16x128xf32, #tpu.memory_space<vmem_shared>>
    %dma_wait3A_1851 = arith.constant 0 : i32
    %dma_wait3A_1852 = tpu.memref_slice %arg2[%add3A_1844, %add3A_1750, %dma_wait3A_1851] : memref<128x512x128xf32, #tpu.memory_space<hbm>> -> memref<1x16x128xf32, #tpu.memory_space<hbm>>
    %dma_wait3A_1853 = tpu.memref_squeeze %dma_wait3A_1852 : memref<1x16x128xf32, #tpu.memory_space<hbm>> -> memref<16x128xf32, #tpu.memory_space<hbm>>
    tpu.wait_dma2 semaphore(%arg9 : memref<!tpu.dma_semaphore, #tpu.memory_space<semaphore_mem>>) src(%dma_wait3A_1853 : memref<16x128xf32, #tpu.memory_space<hbm>>) dst(%dma_wait3A_1850 : memref<16x128xf32, #tpu.memory_space<vmem_shared>>)
    %barrier3A = arith.constant 0 : index
    tpu.barrier barrier_id(%barrier3A)
    %scan3A = arith.constant 0 : i32
    %scan3A_1854 = arith.constant 0 : i32
    %scan3A_1855 = arith.constant 16 : i32
    %scan3A_1856 = arith.addi %scan3A_1854, %scan3A_1855 : i32
    %scan3A_1857 = arith.constant 1 : i32
    scf.for %scan3A_2061 = %scan3A_1854 to %scan3A_1856 step %scan3A_1857  : i32 {
      %lt3A_2062 = arith.constant 15 : i32
      %lt3A_2063 = arith.cmpi slt, %scan3A_2061, %lt3A_2062 : i32
      %convert_element_type3A = arith.extui %lt3A_2063 : i1 to i32
      %cond3A = arith.constant 0 : i32
      %cond3A_2064 = arith.cmpi ne, %convert_element_type3A, %cond3A : i32
      scf.if %cond3A_2064 {
        %add3A_2809 = arith.constant 1 : i32
        %add3A_2810 = arith.addi %scan3A_2061, %add3A_2809 : i32
        %jit3A_2811 = arith.constant 3 : i32
        %eq3A_2812 = arith.constant 0 : i32
        %eq3A_2813 = arith.cmpi eq, %jit3A_2811, %eq3A_2812 : i32
        %jit3A_2814 = arith.constant 1 : i32
        %select_n3A_2815 = arith.select %eq3A_2813, %jit3A_2814, %jit3A_2811 : i32
        %rem3A_2816 = arith.remsi %add3A_2810, %select_n3A_2815 : i32
        %ne3A_2817 = arith.constant 0 : i32
        %ne3A_2818 = arith.cmpi ne, %rem3A_2816, %ne3A_2817 : i32
        %lt3A_2819 = arith.constant 0 : i32
        %lt3A_2820 = arith.cmpi slt, %rem3A_2816, %lt3A_2819 : i32
        %lt3A_2821 = arith.constant 0 : i32
        %lt3A_2822 = arith.cmpi slt, %select_n3A_2815, %lt3A_2821 : i32
        %ne3A_2823 = arith.xori %lt3A_2820, %lt3A_2822 : i1
        %and3A_2824 = arith.andi %ne3A_2823, %ne3A_2818 : i1
        %add3A_2825 = arith.addi %rem3A_2816, %select_n3A_2815 : i32
        %select_n3A_2826 = arith.select %and3A_2824, %add3A_2825, %rem3A_2816 : i32
        %mul3A_2827 = arith.constant 16 : i32
        %mul3A_2828 = arith.muli %add3A_2810, %mul3A_2827 : i32
        %add3A_2829 = arith.addi %mul3A_29, %mul3A_2828 : i32
        %mul3A_2830 = arith.constant 8 : i32
        %mul3A_2831 = arith.muli %arg1, %mul3A_2830 : i32
        %add3A_2832 = arith.constant 0 : i32
        %add3A_2833 = arith.addi %mul3A_2831, %add3A_2832 : i32
        %mul3A_2834 = arith.constant 16 : i32
        %mul3A_2835 = arith.muli %add3A_2833, %mul3A_2834 : i32
        %dma_start3A_2836 = arith.constant 0 : i32
        %dma_start3A_2837 = tpu.memref_slice %arg8[%select_n3A_2826, %mul3A_2835, %dma_start3A_2836] : memref<3x2048x128xf32, #tpu.memory_space<vmem_shared>> -> memref<1x16x128xf32, #tpu.memory_space<vmem_shared>>
        %dma_start3A_2838 = tpu.memref_squeeze %dma_start3A_2837 : memref<1x16x128xf32, #tpu.memory_space<vmem_shared>> -> memref<16x128xf32, #tpu.memory_space<vmem_shared>>
        %dma_start3A_2839 = arith.constant 0 : i32
        %dma_start3A_2840 = tpu.memref_slice %arg2[%add3A_2833, %add3A_2829, %dma_start3A_2839] : memref<128x512x128xf32, #tpu.memory_space<hbm>> -> memref<1x16x128xf32, #tpu.memory_space<hbm>>
        %dma_start3A_2841 = tpu.memref_squeeze %dma_start3A_2840 : memref<1x16x128xf32, #tpu.memory_space<hbm>> -> memref<16x128xf32, #tpu.memory_space<hbm>>
        tpu.enqueue_dma source(%dma_start3A_2841 : memref<16x128xf32, #tpu.memory_space<hbm>>) target(%dma_start3A_2838 : memref<16x128xf32, #tpu.memory_space<vmem_shared>>) target_semaphore(%arg9 : memref<!tpu.dma_semaphore, #tpu.memory_space<semaphore_mem>>)
        %mul3A_2842 = arith.constant 8 : i32
        %mul3A_2843 = arith.muli %arg1, %mul3A_2842 : i32
        %add3A_2844 = arith.constant 1 : i32
        %add3A_2845 = arith.addi %mul3A_2843, %add3A_2844 : i32
        %mul3A_2846 = arith.constant 16 : i32
        %mul3A_2847 = arith.muli %add3A_2845, %mul3A_2846 : i32
        %dma_start3A_2848 = arith.constant 0 : i32
        %dma_start3A_2849 = tpu.memref_slice %arg8[%select_n3A_2826, %mul3A_2847, %dma_start3A_2848] : memref<3x2048x128xf32, #tpu.memory_space<vmem_shared>> -> memref<1x16x128xf32, #tpu.memory_space<vmem_shared>>
        %dma_start3A_2850 = tpu.memref_squeeze %dma_start3A_2849 : memref<1x16x128xf32, #tpu.memory_space<vmem_shared>> -> memref<16x128xf32, #tpu.memory_space<vmem_shared>>
        %dma_start3A_2851 = arith.constant 0 : i32
        %dma_start3A_2852 = tpu.memref_slice %arg2[%add3A_2845, %add3A_2829, %dma_start3A_2851] : memref<128x512x128xf32, #tpu.memory_space<hbm>> -> memref<1x16x128xf32, #tpu.memory_space<hbm>>
        %dma_start3A_2853 = tpu.memref_squeeze %dma_start3A_2852 : memref<1x16x128xf32, #tpu.memory_space<hbm>> -> memref<16x128xf32, #tpu.memory_space<hbm>>
        tpu.enqueue_dma source(%dma_start3A_2853 : memref<16x128xf32, #tpu.memory_space<hbm>>) target(%dma_start3A_2850 : memref<16x128xf32, #tpu.memory_space<vmem_shared>>) target_semaphore(%arg9 : memref<!tpu.dma_semaphore, #tpu.memory_space<semaphore_mem>>)
        %mul3A_2854 = arith.constant 8 : i32
        %mul3A_2855 = arith.muli %arg1, %mul3A_2854 : i32
        %add3A_2856 = arith.constant 2 : i32
        %add3A_2857 = arith.addi %mul3A_2855, %add3A_2856 : i32
        %mul3A_2858 = arith.constant 16 : i32
        %mul3A_2859 = arith.muli %add3A_2857, %mul3A_2858 : i32
        %dma_start3A_2860 = arith.constant 0 : i32
        %dma_start3A_2861 = tpu.memref_slice %arg8[%select_n3A_2826, %mul3A_2859, %dma_start3A_2860] : memref<3x2048x128xf32, #tpu.memory_space<vmem_shared>> -> memref<1x16x128xf32, #tpu.memory_space<vmem_shared>>
        %dma_start3A_2862 = tpu.memref_squeeze %dma_start3A_2861 : memref<1x16x128xf32, #tpu.memory_space<vmem_shared>> -> memref<16x128xf32, #tpu.memory_space<vmem_shared>>
        %dma_start3A_2863 = arith.constant 0 : i32
        %dma_start3A_2864 = tpu.memref_slice %arg2[%add3A_2857, %add3A_2829, %dma_start3A_2863] : memref<128x512x128xf32, #tpu.memory_space<hbm>> -> memref<1x16x128xf32, #tpu.memory_space<hbm>>
        %dma_start3A_2865 = tpu.memref_squeeze %dma_start3A_2864 : memref<1x16x128xf32, #tpu.memory_space<hbm>> -> memref<16x128xf32, #tpu.memory_space<hbm>>
        tpu.enqueue_dma source(%dma_start3A_2865 : memref<16x128xf32, #tpu.memory_space<hbm>>) target(%dma_start3A_2862 : memref<16x128xf32, #tpu.memory_space<vmem_shared>>) target_semaphore(%arg9 : memref<!tpu.dma_semaphore, #tpu.memory_space<semaphore_mem>>)
        %mul3A_2866 = arith.constant 8 : i32
        %mul3A_2867 = arith.muli %arg1, %mul3A_2866 : i32
        %add3A_2868 = arith.constant 3 : i32
        %add3A_2869 = arith.addi %mul3A_2867, %add3A_2868 : i32
        %mul3A_2870 = arith.constant 16 : i32
        %mul3A_2871 = arith.muli %add3A_2869, %mul3A_2870 : i32
        %dma_start3A_2872 = arith.constant 0 : i32
        %dma_start3A_2873 = tpu.memref_slice %arg8[%select_n3A_2826, %mul3A_2871, %dma_start3A_2872] : memref<3x2048x128xf32, #tpu.memory_space<vmem_shared>> -> memref<1x16x128xf32, #tpu.memory_space<vmem_shared>>
        %dma_start3A_2874 = tpu.memref_squeeze %dma_start3A_2873 : memref<1x16x128xf32, #tpu.memory_space<vmem_shared>> -> memref<16x128xf32, #tpu.memory_space<vmem_shared>>
        %dma_start3A_2875 = arith.constant 0 : i32
        %dma_start3A_2876 = tpu.memref_slice %arg2[%add3A_2869, %add3A_2829, %dma_start3A_2875] : memref<128x512x128xf32, #tpu.memory_space<hbm>> -> memref<1x16x128xf32, #tpu.memory_space<hbm>>
        %dma_start3A_2877 = tpu.memref_squeeze %dma_start3A_2876 : memref<1x16x128xf32, #tpu.memory_space<hbm>> -> memref<16x128xf32, #tpu.memory_space<hbm>>
        tpu.enqueue_dma source(%dma_start3A_2877 : memref<16x128xf32, #tpu.memory_space<hbm>>) target(%dma_start3A_2874 : memref<16x128xf32, #tpu.memory_space<vmem_shared>>) target_semaphore(%arg9 : memref<!tpu.dma_semaphore, #tpu.memory_space<semaphore_mem>>)
        %mul3A_2878 = arith.constant 8 : i32
        %mul3A_2879 = arith.muli %arg1, %mul3A_2878 : i32
        %add3A_2880 = arith.constant 4 : i32
        %add3A_2881 = arith.addi %mul3A_2879, %add3A_2880 : i32
        %mul3A_2882 = arith.constant 16 : i32
        %mul3A_2883 = arith.muli %add3A_2881, %mul3A_2882 : i32
        %dma_start3A_2884 = arith.constant 0 : i32
        %dma_start3A_2885 = tpu.memref_slice %arg8[%select_n3A_2826, %mul3A_2883, %dma_start3A_2884] : memref<3x2048x128xf32, #tpu.memory_space<vmem_shared>> -> memref<1x16x128xf32, #tpu.memory_space<vmem_shared>>
        %dma_start3A_2886 = tpu.memref_squeeze %dma_start3A_2885 : memref<1x16x128xf32, #tpu.memory_space<vmem_shared>> -> memref<16x128xf32, #tpu.memory_space<vmem_shared>>
        %dma_start3A_2887 = arith.constant 0 : i32
        %dma_start3A_2888 = tpu.memref_slice %arg2[%add3A_2881, %add3A_2829, %dma_start3A_2887] : memref<128x512x128xf32, #tpu.memory_space<hbm>> -> memref<1x16x128xf32, #tpu.memory_space<hbm>>
        %dma_start3A_2889 = tpu.memref_squeeze %dma_start3A_2888 : memref<1x16x128xf32, #tpu.memory_space<hbm>> -> memref<16x128xf32, #tpu.memory_space<hbm>>
        tpu.enqueue_dma source(%dma_start3A_2889 : memref<16x128xf32, #tpu.memory_space<hbm>>) target(%dma_start3A_2886 : memref<16x128xf32, #tpu.memory_space<vmem_shared>>) target_semaphore(%arg9 : memref<!tpu.dma_semaphore, #tpu.memory_space<semaphore_mem>>)
        %mul3A_2890 = arith.constant 8 : i32
        %mul3A_2891 = arith.muli %arg1, %mul3A_2890 : i32
        %add3A_2892 = arith.constant 5 : i32
        %add3A_2893 = arith.addi %mul3A_2891, %add3A_2892 : i32
        %mul3A_2894 = arith.constant 16 : i32
        %mul3A_2895 = arith.muli %add3A_2893, %mul3A_2894 : i32
        %dma_start3A_2896 = arith.constant 0 : i32
        %dma_start3A_2897 = tpu.memref_slice %arg8[%select_n3A_2826, %mul3A_2895, %dma_start3A_2896] : memref<3x2048x128xf32, #tpu.memory_space<vmem_shared>> -> memref<1x16x128xf32, #tpu.memory_space<vmem_shared>>
        %dma_start3A_2898 = tpu.memref_squeeze %dma_start3A_2897 : memref<1x16x128xf32, #tpu.memory_space<vmem_shared>> -> memref<16x128xf32, #tpu.memory_space<vmem_shared>>
        %dma_start3A_2899 = arith.constant 0 : i32
        %dma_start3A_2900 = tpu.memref_slice %arg2[%add3A_2893, %add3A_2829, %dma_start3A_2899] : memref<128x512x128xf32, #tpu.memory_space<hbm>> -> memref<1x16x128xf32, #tpu.memory_space<hbm>>
        %dma_start3A_2901 = tpu.memref_squeeze %dma_start3A_2900 : memref<1x16x128xf32, #tpu.memory_space<hbm>> -> memref<16x128xf32, #tpu.memory_space<hbm>>
        tpu.enqueue_dma source(%dma_start3A_2901 : memref<16x128xf32, #tpu.memory_space<hbm>>) target(%dma_start3A_2898 : memref<16x128xf32, #tpu.memory_space<vmem_shared>>) target_semaphore(%arg9 : memref<!tpu.dma_semaphore, #tpu.memory_space<semaphore_mem>>)
        %mul3A_2902 = arith.constant 8 : i32
        %mul3A_2903 = arith.muli %arg1, %mul3A_2902 : i32
        %add3A_2904 = arith.constant 6 : i32
        %add3A_2905 = arith.addi %mul3A_2903, %add3A_2904 : i32
        %mul3A_2906 = arith.constant 16 : i32
        %mul3A_2907 = arith.muli %add3A_2905, %mul3A_2906 : i32
        %dma_start3A_2908 = arith.constant 0 : i32
        %dma_start3A_2909 = tpu.memref_slice %arg8[%select_n3A_2826, %mul3A_2907, %dma_start3A_2908] : memref<3x2048x128xf32, #tpu.memory_space<vmem_shared>> -> memref<1x16x128xf32, #tpu.memory_space<vmem_shared>>
        %dma_start3A_2910 = tpu.memref_squeeze %dma_start3A_2909 : memref<1x16x128xf32, #tpu.memory_space<vmem_shared>> -> memref<16x128xf32, #tpu.memory_space<vmem_shared>>
        %dma_start3A_2911 = arith.constant 0 : i32
        %dma_start3A_2912 = tpu.memref_slice %arg2[%add3A_2905, %add3A_2829, %dma_start3A_2911] : memref<128x512x128xf32, #tpu.memory_space<hbm>> -> memref<1x16x128xf32, #tpu.memory_space<hbm>>
        %dma_start3A_2913 = tpu.memref_squeeze %dma_start3A_2912 : memref<1x16x128xf32, #tpu.memory_space<hbm>> -> memref<16x128xf32, #tpu.memory_space<hbm>>
        tpu.enqueue_dma source(%dma_start3A_2913 : memref<16x128xf32, #tpu.memory_space<hbm>>) target(%dma_start3A_2910 : memref<16x128xf32, #tpu.memory_space<vmem_shared>>) target_semaphore(%arg9 : memref<!tpu.dma_semaphore, #tpu.memory_space<semaphore_mem>>)
        %mul3A_2914 = arith.constant 8 : i32
        %mul3A_2915 = arith.muli %arg1, %mul3A_2914 : i32
        %add3A_2916 = arith.constant 7 : i32
        %add3A_2917 = arith.addi %mul3A_2915, %add3A_2916 : i32
        %mul3A_2918 = arith.constant 16 : i32
        %mul3A_2919 = arith.muli %add3A_2917, %mul3A_2918 : i32
        %dma_start3A_2920 = arith.constant 0 : i32
        %dma_start3A_2921 = tpu.memref_slice %arg8[%select_n3A_2826, %mul3A_2919, %dma_start3A_2920] : memref<3x2048x128xf32, #tpu.memory_space<vmem_shared>> -> memref<1x16x128xf32, #tpu.memory_space<vmem_shared>>
        %dma_start3A_2922 = tpu.memref_squeeze %dma_start3A_2921 : memref<1x16x128xf32, #tpu.memory_space<vmem_shared>> -> memref<16x128xf32, #tpu.memory_space<vmem_shared>>
        %dma_start3A_2923 = arith.constant 0 : i32
        %dma_start3A_2924 = tpu.memref_slice %arg2[%add3A_2917, %add3A_2829, %dma_start3A_2923] : memref<128x512x128xf32, #tpu.memory_space<hbm>> -> memref<1x16x128xf32, #tpu.memory_space<hbm>>
        %dma_start3A_2925 = tpu.memref_squeeze %dma_start3A_2924 : memref<1x16x128xf32, #tpu.memory_space<hbm>> -> memref<16x128xf32, #tpu.memory_space<hbm>>
        tpu.enqueue_dma source(%dma_start3A_2925 : memref<16x128xf32, #tpu.memory_space<hbm>>) target(%dma_start3A_2922 : memref<16x128xf32, #tpu.memory_space<vmem_shared>>) target_semaphore(%arg9 : memref<!tpu.dma_semaphore, #tpu.memory_space<semaphore_mem>>)
      } else {
      }
      %mul3A_2065 = arith.constant 8 : i32
      %mul3A_2066 = arith.muli %scan3A_2061, %mul3A_2065 : i32
      %add3A_2067 = arith.constant 0 : i32
      %add3A_2068 = arith.addi %mul3A_2066, %add3A_2067 : i32
      %mul3A_2069 = arith.constant 8 : i32
      %mul3A_2070 = arith.muli %select_n3A_28, %mul3A_2069 : i32
      %add3A_2071 = arith.constant 0 : i32
      %add3A_2072 = arith.addi %mul3A_2070, %add3A_2071 : i32
      %ge3A = arith.constant 4 : i32
      %ge3A_2073 = arith.cmpi sge, %add3A_2068, %ge3A : i32
      %convert_element_type3A_2074 = arith.extui %ge3A_2073 : i1 to i32
      %cond3A_2075 = arith.constant 0 : i32
      %cond3A_2076 = arith.cmpi ne, %convert_element_type3A_2074, %cond3A_2075 : i32
      scf.if %cond3A_2076 {
        %mul3A_2809 = arith.constant 512 : i32
        %mul3A_2810 = arith.muli %select_n3A, %mul3A_2809 : i32
        %add3A_2811 = arith.addi %mul3A_2810, %mul3A_29 : i32
        %mul3A_2812 = arith.constant 16 : i32
        %mul3A_2813 = arith.muli %scan3A_2061, %mul3A_2812 : i32
        %add3A_2814 = arith.addi %add3A_2811, %mul3A_2813 : i32
        %mul3A_2815 = arith.constant 8 : i32
        %mul3A_2816 = arith.muli %select_n3A_28, %mul3A_2815 : i32
        %add3A_2817 = arith.addi %add3A_2814, %mul3A_2816 : i32
        %add3A_2818 = arith.constant 0 : i32
        %add3A_2819 = arith.addi %add3A_2817, %add3A_2818 : i32
        %dma_wait3A_2820 = arith.constant 0 : i32
        %dma_wait3A_2821 = arith.constant 0 : i32
        %dma_wait3A_2822 = arith.constant 0 : i32
        %dma_wait3A_2823 = tpu.memref_slice %arg7[%dma_wait3A_2820, %dma_wait3A_2821, %dma_wait3A_2822] : memref<4x128x128xf32, #tpu.memory_space<vmem>> -> memref<1x128x128xf32, #tpu.memory_space<vmem>>
        %dma_wait3A_2824 = tpu.memref_squeeze %dma_wait3A_2823 : memref<1x128x128xf32, #tpu.memory_space<vmem>> -> memref<128x128xf32, #tpu.memory_space<vmem>>
        %dma_wait3A_2825 = arith.constant 0 : i32
        %dma_wait3A_2826 = arith.constant 0 : i32
        %dma_wait3A_2827 = tpu.memref_slice %arg4[%add3A_2819, %dma_wait3A_2825, %dma_wait3A_2826] : memref<4096x128x128xf32, #tpu.memory_space<hbm>> -> memref<1x128x128xf32, #tpu.memory_space<hbm>>
        %dma_wait3A_2828 = tpu.memref_squeeze %dma_wait3A_2827 : memref<1x128x128xf32, #tpu.memory_space<hbm>> -> memref<128x128xf32, #tpu.memory_space<hbm>>
        %dma_wait3A_2829 = arith.constant 0 : i32
        %dma_wait3A_2830 = arith.constant 0 : i32
        %dma_wait3A_2831 = tpu.memref_slice %arg4[%add3A_2819, %dma_wait3A_2829, %dma_wait3A_2830] : memref<4096x128x128xf32, #tpu.memory_space<hbm>> -> memref<1x128x128xf32, #tpu.memory_space<hbm>>
        %dma_wait3A_2832 = tpu.memref_squeeze %dma_wait3A_2831 : memref<1x128x128xf32, #tpu.memory_space<hbm>> -> memref<128x128xf32, #tpu.memory_space<hbm>>
        %dma_wait3A_2833 = arith.constant 0 : i32
        %dma_wait3A_2834 = arith.constant 0 : i32
        %dma_wait3A_2835 = tpu.memref_slice %arg7[%dma_wait3A_2820, %dma_wait3A_2833, %dma_wait3A_2834] : memref<4x128x128xf32, #tpu.memory_space<vmem>> -> memref<1x128x128xf32, #tpu.memory_space<vmem>>
        %dma_wait3A_2836 = tpu.memref_squeeze %dma_wait3A_2835 : memref<1x128x128xf32, #tpu.memory_space<vmem>> -> memref<128x128xf32, #tpu.memory_space<vmem>>
        tpu.wait_dma2 semaphore(%arg14 : memref<!tpu.dma_semaphore, #tpu.memory_space<semaphore_mem>>) src(%dma_wait3A_2836 : memref<128x128xf32, #tpu.memory_space<vmem>>) dst(%dma_wait3A_2832 : memref<128x128xf32, #tpu.memory_space<hbm>>)
      } else {
      }
      %jit3A_2077 = arith.constant 3 : i32
      %eq3A_2078 = arith.constant 0 : i32
      %eq3A_2079 = arith.cmpi eq, %jit3A_2077, %eq3A_2078 : i32
      %jit3A_2080 = arith.constant 1 : i32
      %select_n3A_2081 = arith.select %eq3A_2079, %jit3A_2080, %jit3A_2077 : i32
      %rem3A_2082 = arith.remsi %scan3A_2061, %select_n3A_2081 : i32
      %ne3A_2083 = arith.constant 0 : i32
      %ne3A_2084 = arith.cmpi ne, %rem3A_2082, %ne3A_2083 : i32
      %lt3A_2085 = arith.constant 0 : i32
      %lt3A_2086 = arith.cmpi slt, %rem3A_2082, %lt3A_2085 : i32
      %lt3A_2087 = arith.constant 0 : i32
      %lt3A_2088 = arith.cmpi slt, %select_n3A_2081, %lt3A_2087 : i32
      %ne3A_2089 = arith.xori %lt3A_2086, %lt3A_2088 : i1
      %and3A_2090 = arith.andi %ne3A_2089, %ne3A_2084 : i1
      %add3A_2091 = arith.addi %rem3A_2082, %select_n3A_2081 : i32
      %select_n3A_2092 = arith.select %and3A_2090, %add3A_2091, %rem3A_2082 : i32
      %dma_start3A_2093 = arith.constant 0 : i32
      %dma_start3A_2094 = arith.constant 0 : i32
      %dma_start3A_2095 = arith.constant 0 : i32
      %dma_start3A_2096 = tpu.memref_slice %arg7[%dma_start3A_2093, %dma_start3A_2094, %dma_start3A_2095] : memref<4x128x128xf32, #tpu.memory_space<vmem>> -> memref<1x128x128xf32, #tpu.memory_space<vmem>>
      %dma_start3A_2097 = tpu.memref_squeeze %dma_start3A_2096 : memref<1x128x128xf32, #tpu.memory_space<vmem>> -> memref<128x128xf32, #tpu.memory_space<vmem>>
      %dma_start3A_2098 = arith.constant 0 : i32
      %dma_start3A_2099 = tpu.memref_slice %arg6[%add3A_2072, %dma_start3A_2098] : memref<16x128xi32, #tpu.memory_space<vmem>> -> memref<1x128xi32, #tpu.memory_space<vmem>>
      %dma_start3A_2100 = tpu.memref_squeeze %dma_start3A_2099 : memref<1x128xi32, #tpu.memory_space<vmem>> -> memref<128xi32, #tpu.memory_space<vmem>>
      %dma_start3A_2101 = arith.constant 0 : i32
      %dma_start3A_2102 = arith.constant 0 : i32
      %dma_start3A_2103 = tpu.memref_slice %arg8[%select_n3A_2092, %dma_start3A_2101, %dma_start3A_2102] : memref<3x2048x128xf32, #tpu.memory_space<vmem_shared>> -> memref<1x2048x128xf32, #tpu.memory_space<vmem_shared>>
      %dma_start3A_2104 = tpu.memref_squeeze %dma_start3A_2103 : memref<1x2048x128xf32, #tpu.memory_space<vmem_shared>> -> memref<2048x128xf32, #tpu.memory_space<vmem_shared>>
      %dma_start3A_2105 = arith.constant 0 : i32
      %dma_start3A_2106 = arith.constant 0 : i32
      %dma_start3A_2107 = tpu.memref_slice %dma_start3A_2104[%dma_start3A_2105, %dma_start3A_2106] : memref<2048x128xf32, #tpu.memory_space<vmem_shared>> -> memref<2048x128xf32, #tpu.memory_space<vmem_shared>>
      tpu.enqueue_indirect_dma source(%dma_start3A_2107 : memref<2048x128xf32, #tpu.memory_space<vmem_shared>>) target(%dma_start3A_2097 : memref<128x128xf32, #tpu.memory_space<vmem>>) offsets(%dma_start3A_2100 : memref<128xi32, #tpu.memory_space<vmem>>) semaphore(%arg10 : memref<!tpu.dma_semaphore, #tpu.memory_space<semaphore_mem>>)
      %gt3A = arith.constant 0 : i32
      %gt3A_2108 = arith.cmpi sgt, %scan3A_2061, %gt3A : i32
      %convert_element_type3A_2109 = arith.extui %gt3A_2108 : i1 to i32
      %cond3A_2110 = arith.constant 0 : i32
      %cond3A_2111 = arith.cmpi ne, %convert_element_type3A_2109, %cond3A_2110 : i32
      scf.if %cond3A_2111 {
        %sub3A_2809 = arith.constant 1 : i32
        %sub3A_2810 = arith.subi %scan3A_2061, %sub3A_2809 : i32
        %mul3A_2811 = arith.constant 8 : i32
        %mul3A_2812 = arith.muli %select_n3A_28, %mul3A_2811 : i32
        %add3A_2813 = arith.constant 6 : i32
        %add3A_2814 = arith.addi %mul3A_2812, %add3A_2813 : i32
        %jit3A_2815 = arith.constant 3 : i32
        %eq3A_2816 = arith.constant 0 : i32
        %eq3A_2817 = arith.cmpi eq, %jit3A_2815, %eq3A_2816 : i32
        %jit3A_2818 = arith.constant 1 : i32
        %select_n3A_2819 = arith.select %eq3A_2817, %jit3A_2818, %jit3A_2815 : i32
        %rem3A_2820 = arith.remsi %sub3A_2810, %select_n3A_2819 : i32
        %ne3A_2821 = arith.constant 0 : i32
        %ne3A_2822 = arith.cmpi ne, %rem3A_2820, %ne3A_2821 : i32
        %lt3A_2823 = arith.constant 0 : i32
        %lt3A_2824 = arith.cmpi slt, %rem3A_2820, %lt3A_2823 : i32
        %lt3A_2825 = arith.constant 0 : i32
        %lt3A_2826 = arith.cmpi slt, %select_n3A_2819, %lt3A_2825 : i32
        %ne3A_2827 = arith.xori %lt3A_2824, %lt3A_2826 : i1
        %and3A_2828 = arith.andi %ne3A_2827, %ne3A_2822 : i1
        %add3A_2829 = arith.addi %rem3A_2820, %select_n3A_2819 : i32
        %select_n3A_2830 = arith.select %and3A_2828, %add3A_2829, %rem3A_2820 : i32
        %dma_wait3A_2831 = arith.constant 2 : i32
        %dma_wait3A_2832 = arith.constant 0 : i32
        %dma_wait3A_2833 = arith.constant 0 : i32
        %dma_wait3A_2834 = tpu.memref_slice %arg7[%dma_wait3A_2831, %dma_wait3A_2832, %dma_wait3A_2833] : memref<4x128x128xf32, #tpu.memory_space<vmem>> -> memref<1x128x128xf32, #tpu.memory_space<vmem>>
        %dma_wait3A_2835 = tpu.memref_squeeze %dma_wait3A_2834 : memref<1x128x128xf32, #tpu.memory_space<vmem>> -> memref<128x128xf32, #tpu.memory_space<vmem>>
        %dma_wait3A_2836 = arith.constant 0 : i32
        %dma_wait3A_2837 = tpu.memref_slice %arg6[%add3A_2814, %dma_wait3A_2836] : memref<16x128xi32, #tpu.memory_space<vmem>> -> memref<1x128xi32, #tpu.memory_space<vmem>>
        %dma_wait3A_2838 = tpu.memref_squeeze %dma_wait3A_2837 : memref<1x128xi32, #tpu.memory_space<vmem>> -> memref<128xi32, #tpu.memory_space<vmem>>
        %dma_wait3A_2839 = arith.constant 0 : i32
        %dma_wait3A_2840 = arith.constant 0 : i32
        %dma_wait3A_2841 = tpu.memref_slice %arg8[%select_n3A_2830, %dma_wait3A_2839, %dma_wait3A_2840] : memref<3x2048x128xf32, #tpu.memory_space<vmem_shared>> -> memref<1x2048x128xf32, #tpu.memory_space<vmem_shared>>
        %dma_wait3A_2842 = tpu.memref_squeeze %dma_wait3A_2841 : memref<1x2048x128xf32, #tpu.memory_space<vmem_shared>> -> memref<2048x128xf32, #tpu.memory_space<vmem_shared>>
        %dma_wait3A_2843 = arith.constant 0 : i32
        %dma_wait3A_2844 = arith.constant 0 : i32
        %dma_wait3A_2845 = tpu.memref_slice %dma_wait3A_2842[%dma_wait3A_2843, %dma_wait3A_2844] : memref<2048x128xf32, #tpu.memory_space<vmem_shared>> -> memref<2048x128xf32, #tpu.memory_space<vmem_shared>>
        tpu.wait_indirect_dma semaphore(%arg12 : memref<!tpu.dma_semaphore, #tpu.memory_space<semaphore_mem>>) src(%dma_wait3A_2845 : memref<2048x128xf32, #tpu.memory_space<vmem_shared>>) dst(%dma_wait3A_2835 : memref<128x128xf32, #tpu.memory_space<vmem>>)
        %mul3A_2846 = arith.constant 512 : i32
        %mul3A_2847 = arith.muli %select_n3A, %mul3A_2846 : i32
        %add3A_2848 = arith.addi %mul3A_2847, %mul3A_29 : i32
        %mul3A_2849 = arith.constant 16 : i32
        %mul3A_2850 = arith.muli %sub3A_2810, %mul3A_2849 : i32
        %add3A_2851 = arith.addi %add3A_2848, %mul3A_2850 : i32
        %mul3A_2852 = arith.constant 8 : i32
        %mul3A_2853 = arith.muli %select_n3A_28, %mul3A_2852 : i32
        %add3A_2854 = arith.addi %add3A_2851, %mul3A_2853 : i32
        %add3A_2855 = arith.constant 6 : i32
        %add3A_2856 = arith.addi %add3A_2854, %add3A_2855 : i32
        %dma_start3A_2857 = arith.constant 2 : i32
        %dma_start3A_2858 = arith.constant 0 : i32
        %dma_start3A_2859 = arith.constant 0 : i32
        %dma_start3A_2860 = tpu.memref_slice %arg7[%dma_start3A_2857, %dma_start3A_2858, %dma_start3A_2859] : memref<4x128x128xf32, #tpu.memory_space<vmem>> -> memref<1x128x128xf32, #tpu.memory_space<vmem>>
        %dma_start3A_2861 = tpu.memref_squeeze %dma_start3A_2860 : memref<1x128x128xf32, #tpu.memory_space<vmem>> -> memref<128x128xf32, #tpu.memory_space<vmem>>
        %dma_start3A_2862 = arith.constant 0 : i32
        %dma_start3A_2863 = arith.constant 0 : i32
        %dma_start3A_2864 = tpu.memref_slice %arg4[%add3A_2856, %dma_start3A_2862, %dma_start3A_2863] : memref<4096x128x128xf32, #tpu.memory_space<hbm>> -> memref<1x128x128xf32, #tpu.memory_space<hbm>>
        %dma_start3A_2865 = tpu.memref_squeeze %dma_start3A_2864 : memref<1x128x128xf32, #tpu.memory_space<hbm>> -> memref<128x128xf32, #tpu.memory_space<hbm>>
        %dma_start3A_2866 = arith.constant 0 : i32
        %dma_start3A_2867 = arith.constant 0 : i32
        %dma_start3A_2868 = tpu.memref_slice %arg4[%add3A_2856, %dma_start3A_2866, %dma_start3A_2867] : memref<4096x128x128xf32, #tpu.memory_space<hbm>> -> memref<1x128x128xf32, #tpu.memory_space<hbm>>
        %dma_start3A_2869 = tpu.memref_squeeze %dma_start3A_2868 : memref<1x128x128xf32, #tpu.memory_space<hbm>> -> memref<128x128xf32, #tpu.memory_space<hbm>>
        %dma_start3A_2870 = arith.constant 0 : i32
        %dma_start3A_2871 = arith.constant 0 : i32
        %dma_start3A_2872 = tpu.memref_slice %arg7[%dma_start3A_2857, %dma_start3A_2870, %dma_start3A_2871] : memref<4x128x128xf32, #tpu.memory_space<vmem>> -> memref<1x128x128xf32, #tpu.memory_space<vmem>>
        %dma_start3A_2873 = tpu.memref_squeeze %dma_start3A_2872 : memref<1x128x128xf32, #tpu.memory_space<vmem>> -> memref<128x128xf32, #tpu.memory_space<vmem>>
        tpu.enqueue_dma source(%dma_start3A_2873 : memref<128x128xf32, #tpu.memory_space<vmem>>) target(%dma_start3A_2869 : memref<128x128xf32, #tpu.memory_space<hbm>>) target_semaphore(%arg16 : memref<!tpu.dma_semaphore, #tpu.memory_space<semaphore_mem>>)
      } else {
      }
      %mul3A_2112 = arith.constant 8 : i32
      %mul3A_2113 = arith.muli %scan3A_2061, %mul3A_2112 : i32
      %add3A_2114 = arith.constant 1 : i32
      %add3A_2115 = arith.addi %mul3A_2113, %add3A_2114 : i32
      %mul3A_2116 = arith.constant 8 : i32
      %mul3A_2117 = arith.muli %select_n3A_28, %mul3A_2116 : i32
      %add3A_2118 = arith.constant 1 : i32
      %add3A_2119 = arith.addi %mul3A_2117, %add3A_2118 : i32
      %ge3A_2120 = arith.constant 4 : i32
      %ge3A_2121 = arith.cmpi sge, %add3A_2115, %ge3A_2120 : i32
      %convert_element_type3A_2122 = arith.extui %ge3A_2121 : i1 to i32
      %cond3A_2123 = arith.constant 0 : i32
      %cond3A_2124 = arith.cmpi ne, %convert_element_type3A_2122, %cond3A_2123 : i32
      scf.if %cond3A_2124 {
        %mul3A_2809 = arith.constant 512 : i32
        %mul3A_2810 = arith.muli %select_n3A, %mul3A_2809 : i32
        %add3A_2811 = arith.addi %mul3A_2810, %mul3A_29 : i32
        %mul3A_2812 = arith.constant 16 : i32
        %mul3A_2813 = arith.muli %scan3A_2061, %mul3A_2812 : i32
        %add3A_2814 = arith.addi %add3A_2811, %mul3A_2813 : i32
        %mul3A_2815 = arith.constant 8 : i32
        %mul3A_2816 = arith.muli %select_n3A_28, %mul3A_2815 : i32
        %add3A_2817 = arith.addi %add3A_2814, %mul3A_2816 : i32
        %add3A_2818 = arith.constant 1 : i32
        %add3A_2819 = arith.addi %add3A_2817, %add3A_2818 : i32
        %dma_wait3A_2820 = arith.constant 1 : i32
        %dma_wait3A_2821 = arith.constant 0 : i32
        %dma_wait3A_2822 = arith.constant 0 : i32
        %dma_wait3A_2823 = tpu.memref_slice %arg7[%dma_wait3A_2820, %dma_wait3A_2821, %dma_wait3A_2822] : memref<4x128x128xf32, #tpu.memory_space<vmem>> -> memref<1x128x128xf32, #tpu.memory_space<vmem>>
        %dma_wait3A_2824 = tpu.memref_squeeze %dma_wait3A_2823 : memref<1x128x128xf32, #tpu.memory_space<vmem>> -> memref<128x128xf32, #tpu.memory_space<vmem>>
        %dma_wait3A_2825 = arith.constant 0 : i32
        %dma_wait3A_2826 = arith.constant 0 : i32
        %dma_wait3A_2827 = tpu.memref_slice %arg4[%add3A_2819, %dma_wait3A_2825, %dma_wait3A_2826] : memref<4096x128x128xf32, #tpu.memory_space<hbm>> -> memref<1x128x128xf32, #tpu.memory_space<hbm>>
        %dma_wait3A_2828 = tpu.memref_squeeze %dma_wait3A_2827 : memref<1x128x128xf32, #tpu.memory_space<hbm>> -> memref<128x128xf32, #tpu.memory_space<hbm>>
        %dma_wait3A_2829 = arith.constant 0 : i32
        %dma_wait3A_2830 = arith.constant 0 : i32
        %dma_wait3A_2831 = tpu.memref_slice %arg4[%add3A_2819, %dma_wait3A_2829, %dma_wait3A_2830] : memref<4096x128x128xf32, #tpu.memory_space<hbm>> -> memref<1x128x128xf32, #tpu.memory_space<hbm>>
        %dma_wait3A_2832 = tpu.memref_squeeze %dma_wait3A_2831 : memref<1x128x128xf32, #tpu.memory_space<hbm>> -> memref<128x128xf32, #tpu.memory_space<hbm>>
        %dma_wait3A_2833 = arith.constant 0 : i32
        %dma_wait3A_2834 = arith.constant 0 : i32
        %dma_wait3A_2835 = tpu.memref_slice %arg7[%dma_wait3A_2820, %dma_wait3A_2833, %dma_wait3A_2834] : memref<4x128x128xf32, #tpu.memory_space<vmem>> -> memref<1x128x128xf32, #tpu.memory_space<vmem>>
        %dma_wait3A_2836 = tpu.memref_squeeze %dma_wait3A_2835 : memref<1x128x128xf32, #tpu.memory_space<vmem>> -> memref<128x128xf32, #tpu.memory_space<vmem>>
        tpu.wait_dma2 semaphore(%arg15 : memref<!tpu.dma_semaphore, #tpu.memory_space<semaphore_mem>>) src(%dma_wait3A_2836 : memref<128x128xf32, #tpu.memory_space<vmem>>) dst(%dma_wait3A_2832 : memref<128x128xf32, #tpu.memory_space<hbm>>)
      } else {
      }
      %jit3A_2125 = arith.constant 3 : i32
      %eq3A_2126 = arith.constant 0 : i32
      %eq3A_2127 = arith.cmpi eq, %jit3A_2125, %eq3A_2126 : i32
      %jit3A_2128 = arith.constant 1 : i32
      %select_n3A_2129 = arith.select %eq3A_2127, %jit3A_2128, %jit3A_2125 : i32
      %rem3A_2130 = arith.remsi %scan3A_2061, %select_n3A_2129 : i32
      %ne3A_2131 = arith.constant 0 : i32
      %ne3A_2132 = arith.cmpi ne, %rem3A_2130, %ne3A_2131 : i32
      %lt3A_2133 = arith.constant 0 : i32
      %lt3A_2134 = arith.cmpi slt, %rem3A_2130, %lt3A_2133 : i32
      %lt3A_2135 = arith.constant 0 : i32
      %lt3A_2136 = arith.cmpi slt, %select_n3A_2129, %lt3A_2135 : i32
      %ne3A_2137 = arith.xori %lt3A_2134, %lt3A_2136 : i1
      %and3A_2138 = arith.andi %ne3A_2137, %ne3A_2132 : i1
      %add3A_2139 = arith.addi %rem3A_2130, %select_n3A_2129 : i32
      %select_n3A_2140 = arith.select %and3A_2138, %add3A_2139, %rem3A_2130 : i32
      %dma_start3A_2141 = arith.constant 1 : i32
      %dma_start3A_2142 = arith.constant 0 : i32
      %dma_start3A_2143 = arith.constant 0 : i32
      %dma_start3A_2144 = tpu.memref_slice %arg7[%dma_start3A_2141, %dma_start3A_2142, %dma_start3A_2143] : memref<4x128x128xf32, #tpu.memory_space<vmem>> -> memref<1x128x128xf32, #tpu.memory_space<vmem>>
      %dma_start3A_2145 = tpu.memref_squeeze %dma_start3A_2144 : memref<1x128x128xf32, #tpu.memory_space<vmem>> -> memref<128x128xf32, #tpu.memory_space<vmem>>
      %dma_start3A_2146 = arith.constant 0 : i32
      %dma_start3A_2147 = tpu.memref_slice %arg6[%add3A_2119, %dma_start3A_2146] : memref<16x128xi32, #tpu.memory_space<vmem>> -> memref<1x128xi32, #tpu.memory_space<vmem>>
      %dma_start3A_2148 = tpu.memref_squeeze %dma_start3A_2147 : memref<1x128xi32, #tpu.memory_space<vmem>> -> memref<128xi32, #tpu.memory_space<vmem>>
      %dma_start3A_2149 = arith.constant 0 : i32
      %dma_start3A_2150 = arith.constant 0 : i32
      %dma_start3A_2151 = tpu.memref_slice %arg8[%select_n3A_2140, %dma_start3A_2149, %dma_start3A_2150] : memref<3x2048x128xf32, #tpu.memory_space<vmem_shared>> -> memref<1x2048x128xf32, #tpu.memory_space<vmem_shared>>
      %dma_start3A_2152 = tpu.memref_squeeze %dma_start3A_2151 : memref<1x2048x128xf32, #tpu.memory_space<vmem_shared>> -> memref<2048x128xf32, #tpu.memory_space<vmem_shared>>
      %dma_start3A_2153 = arith.constant 0 : i32
      %dma_start3A_2154 = arith.constant 0 : i32
      %dma_start3A_2155 = tpu.memref_slice %dma_start3A_2152[%dma_start3A_2153, %dma_start3A_2154] : memref<2048x128xf32, #tpu.memory_space<vmem_shared>> -> memref<2048x128xf32, #tpu.memory_space<vmem_shared>>
      tpu.enqueue_indirect_dma source(%dma_start3A_2155 : memref<2048x128xf32, #tpu.memory_space<vmem_shared>>) target(%dma_start3A_2145 : memref<128x128xf32, #tpu.memory_space<vmem>>) offsets(%dma_start3A_2148 : memref<128xi32, #tpu.memory_space<vmem>>) semaphore(%arg11 : memref<!tpu.dma_semaphore, #tpu.memory_space<semaphore_mem>>)
      %gt3A_2156 = arith.constant 0 : i32
      %gt3A_2157 = arith.cmpi sgt, %scan3A_2061, %gt3A_2156 : i32
      %convert_element_type3A_2158 = arith.extui %gt3A_2157 : i1 to i32
      %cond3A_2159 = arith.constant 0 : i32
      %cond3A_2160 = arith.cmpi ne, %convert_element_type3A_2158, %cond3A_2159 : i32
      scf.if %cond3A_2160 {
        %sub3A_2809 = arith.constant 1 : i32
        %sub3A_2810 = arith.subi %scan3A_2061, %sub3A_2809 : i32
        %mul3A_2811 = arith.constant 8 : i32
        %mul3A_2812 = arith.muli %select_n3A_28, %mul3A_2811 : i32
        %add3A_2813 = arith.constant 7 : i32
        %add3A_2814 = arith.addi %mul3A_2812, %add3A_2813 : i32
        %jit3A_2815 = arith.constant 3 : i32
        %eq3A_2816 = arith.constant 0 : i32
        %eq3A_2817 = arith.cmpi eq, %jit3A_2815, %eq3A_2816 : i32
        %jit3A_2818 = arith.constant 1 : i32
        %select_n3A_2819 = arith.select %eq3A_2817, %jit3A_2818, %jit3A_2815 : i32
        %rem3A_2820 = arith.remsi %sub3A_2810, %select_n3A_2819 : i32
        %ne3A_2821 = arith.constant 0 : i32
        %ne3A_2822 = arith.cmpi ne, %rem3A_2820, %ne3A_2821 : i32
        %lt3A_2823 = arith.constant 0 : i32
        %lt3A_2824 = arith.cmpi slt, %rem3A_2820, %lt3A_2823 : i32
        %lt3A_2825 = arith.constant 0 : i32
        %lt3A_2826 = arith.cmpi slt, %select_n3A_2819, %lt3A_2825 : i32
        %ne3A_2827 = arith.xori %lt3A_2824, %lt3A_2826 : i1
        %and3A_2828 = arith.andi %ne3A_2827, %ne3A_2822 : i1
        %add3A_2829 = arith.addi %rem3A_2820, %select_n3A_2819 : i32
        %select_n3A_2830 = arith.select %and3A_2828, %add3A_2829, %rem3A_2820 : i32
        %dma_wait3A_2831 = arith.constant 3 : i32
        %dma_wait3A_2832 = arith.constant 0 : i32
        %dma_wait3A_2833 = arith.constant 0 : i32
        %dma_wait3A_2834 = tpu.memref_slice %arg7[%dma_wait3A_2831, %dma_wait3A_2832, %dma_wait3A_2833] : memref<4x128x128xf32, #tpu.memory_space<vmem>> -> memref<1x128x128xf32, #tpu.memory_space<vmem>>
        %dma_wait3A_2835 = tpu.memref_squeeze %dma_wait3A_2834 : memref<1x128x128xf32, #tpu.memory_space<vmem>> -> memref<128x128xf32, #tpu.memory_space<vmem>>
        %dma_wait3A_2836 = arith.constant 0 : i32
        %dma_wait3A_2837 = tpu.memref_slice %arg6[%add3A_2814, %dma_wait3A_2836] : memref<16x128xi32, #tpu.memory_space<vmem>> -> memref<1x128xi32, #tpu.memory_space<vmem>>
        %dma_wait3A_2838 = tpu.memref_squeeze %dma_wait3A_2837 : memref<1x128xi32, #tpu.memory_space<vmem>> -> memref<128xi32, #tpu.memory_space<vmem>>
        %dma_wait3A_2839 = arith.constant 0 : i32
        %dma_wait3A_2840 = arith.constant 0 : i32
        %dma_wait3A_2841 = tpu.memref_slice %arg8[%select_n3A_2830, %dma_wait3A_2839, %dma_wait3A_2840] : memref<3x2048x128xf32, #tpu.memory_space<vmem_shared>> -> memref<1x2048x128xf32, #tpu.memory_space<vmem_shared>>
        %dma_wait3A_2842 = tpu.memref_squeeze %dma_wait3A_2841 : memref<1x2048x128xf32, #tpu.memory_space<vmem_shared>> -> memref<2048x128xf32, #tpu.memory_space<vmem_shared>>
        %dma_wait3A_2843 = arith.constant 0 : i32
        %dma_wait3A_2844 = arith.constant 0 : i32
        %dma_wait3A_2845 = tpu.memref_slice %dma_wait3A_2842[%dma_wait3A_2843, %dma_wait3A_2844] : memref<2048x128xf32, #tpu.memory_space<vmem_shared>> -> memref<2048x128xf32, #tpu.memory_space<vmem_shared>>
        tpu.wait_indirect_dma semaphore(%arg13 : memref<!tpu.dma_semaphore, #tpu.memory_space<semaphore_mem>>) src(%dma_wait3A_2845 : memref<2048x128xf32, #tpu.memory_space<vmem_shared>>) dst(%dma_wait3A_2835 : memref<128x128xf32, #tpu.memory_space<vmem>>)
        %mul3A_2846 = arith.constant 512 : i32
        %mul3A_2847 = arith.muli %select_n3A, %mul3A_2846 : i32
        %add3A_2848 = arith.addi %mul3A_2847, %mul3A_29 : i32
        %mul3A_2849 = arith.constant 16 : i32
        %mul3A_2850 = arith.muli %sub3A_2810, %mul3A_2849 : i32
        %add3A_2851 = arith.addi %add3A_2848, %mul3A_2850 : i32
        %mul3A_2852 = arith.constant 8 : i32
        %mul3A_2853 = arith.muli %select_n3A_28, %mul3A_2852 : i32
        %add3A_2854 = arith.addi %add3A_2851, %mul3A_2853 : i32
        %add3A_2855 = arith.constant 7 : i32
        %add3A_2856 = arith.addi %add3A_2854, %add3A_2855 : i32
        %dma_start3A_2857 = arith.constant 3 : i32
        %dma_start3A_2858 = arith.constant 0 : i32
        %dma_start3A_2859 = arith.constant 0 : i32
        %dma_start3A_2860 = tpu.memref_slice %arg7[%dma_start3A_2857, %dma_start3A_2858, %dma_start3A_2859] : memref<4x128x128xf32, #tpu.memory_space<vmem>> -> memref<1x128x128xf32, #tpu.memory_space<vmem>>
        %dma_start3A_2861 = tpu.memref_squeeze %dma_start3A_2860 : memref<1x128x128xf32, #tpu.memory_space<vmem>> -> memref<128x128xf32, #tpu.memory_space<vmem>>
        %dma_start3A_2862 = arith.constant 0 : i32
        %dma_start3A_2863 = arith.constant 0 : i32
        %dma_start3A_2864 = tpu.memref_slice %arg4[%add3A_2856, %dma_start3A_2862, %dma_start3A_2863] : memref<4096x128x128xf32, #tpu.memory_space<hbm>> -> memref<1x128x128xf32, #tpu.memory_space<hbm>>
        %dma_start3A_2865 = tpu.memref_squeeze %dma_start3A_2864 : memref<1x128x128xf32, #tpu.memory_space<hbm>> -> memref<128x128xf32, #tpu.memory_space<hbm>>
        %dma_start3A_2866 = arith.constant 0 : i32
        %dma_start3A_2867 = arith.constant 0 : i32
        %dma_start3A_2868 = tpu.memref_slice %arg4[%add3A_2856, %dma_start3A_2866, %dma_start3A_2867] : memref<4096x128x128xf32, #tpu.memory_space<hbm>> -> memref<1x128x128xf32, #tpu.memory_space<hbm>>
        %dma_start3A_2869 = tpu.memref_squeeze %dma_start3A_2868 : memref<1x128x128xf32, #tpu.memory_space<hbm>> -> memref<128x128xf32, #tpu.memory_space<hbm>>
        %dma_start3A_2870 = arith.constant 0 : i32
        %dma_start3A_2871 = arith.constant 0 : i32
        %dma_start3A_2872 = tpu.memref_slice %arg7[%dma_start3A_2857, %dma_start3A_2870, %dma_start3A_2871] : memref<4x128x128xf32, #tpu.memory_space<vmem>> -> memref<1x128x128xf32, #tpu.memory_space<vmem>>
        %dma_start3A_2873 = tpu.memref_squeeze %dma_start3A_2872 : memref<1x128x128xf32, #tpu.memory_space<vmem>> -> memref<128x128xf32, #tpu.memory_space<vmem>>
        tpu.enqueue_dma source(%dma_start3A_2873 : memref<128x128xf32, #tpu.memory_space<vmem>>) target(%dma_start3A_2869 : memref<128x128xf32, #tpu.memory_space<hbm>>) target_semaphore(%arg17 : memref<!tpu.dma_semaphore, #tpu.memory_space<semaphore_mem>>)
      } else {
      }
      %mul3A_2161 = arith.constant 8 : i32
      %mul3A_2162 = arith.muli %scan3A_2061, %mul3A_2161 : i32
      %add3A_2163 = arith.constant 2 : i32
      %add3A_2164 = arith.addi %mul3A_2162, %add3A_2163 : i32
      %mul3A_2165 = arith.constant 8 : i32
      %mul3A_2166 = arith.muli %select_n3A_28, %mul3A_2165 : i32
      %add3A_2167 = arith.constant 2 : i32
      %add3A_2168 = arith.addi %mul3A_2166, %add3A_2167 : i32
      %ge3A_2169 = arith.constant 4 : i32
      %ge3A_2170 = arith.cmpi sge, %add3A_2164, %ge3A_2169 : i32
      %convert_element_type3A_2171 = arith.extui %ge3A_2170 : i1 to i32
      %cond3A_2172 = arith.constant 0 : i32
      %cond3A_2173 = arith.cmpi ne, %convert_element_type3A_2171, %cond3A_2172 : i32
      scf.if %cond3A_2173 {
        %mul3A_2809 = arith.constant 512 : i32
        %mul3A_2810 = arith.muli %select_n3A, %mul3A_2809 : i32
        %add3A_2811 = arith.addi %mul3A_2810, %mul3A_29 : i32
        %mul3A_2812 = arith.constant 16 : i32
        %mul3A_2813 = arith.muli %scan3A_2061, %mul3A_2812 : i32
        %add3A_2814 = arith.addi %add3A_2811, %mul3A_2813 : i32
        %mul3A_2815 = arith.constant 8 : i32
        %mul3A_2816 = arith.muli %select_n3A_28, %mul3A_2815 : i32
        %add3A_2817 = arith.addi %add3A_2814, %mul3A_2816 : i32
        %add3A_2818 = arith.constant 2 : i32
        %add3A_2819 = arith.addi %add3A_2817, %add3A_2818 : i32
        %dma_wait3A_2820 = arith.constant 2 : i32
        %dma_wait3A_2821 = arith.constant 0 : i32
        %dma_wait3A_2822 = arith.constant 0 : i32
        %dma_wait3A_2823 = tpu.memref_slice %arg7[%dma_wait3A_2820, %dma_wait3A_2821, %dma_wait3A_2822] : memref<4x128x128xf32, #tpu.memory_space<vmem>> -> memref<1x128x128xf32, #tpu.memory_space<vmem>>
        %dma_wait3A_2824 = tpu.memref_squeeze %dma_wait3A_2823 : memref<1x128x128xf32, #tpu.memory_space<vmem>> -> memref<128x128xf32, #tpu.memory_space<vmem>>
        %dma_wait3A_2825 = arith.constant 0 : i32
        %dma_wait3A_2826 = arith.constant 0 : i32
        %dma_wait3A_2827 = tpu.memref_slice %arg4[%add3A_2819, %dma_wait3A_2825, %dma_wait3A_2826] : memref<4096x128x128xf32, #tpu.memory_space<hbm>> -> memref<1x128x128xf32, #tpu.memory_space<hbm>>
        %dma_wait3A_2828 = tpu.memref_squeeze %dma_wait3A_2827 : memref<1x128x128xf32, #tpu.memory_space<hbm>> -> memref<128x128xf32, #tpu.memory_space<hbm>>
        %dma_wait3A_2829 = arith.constant 0 : i32
        %dma_wait3A_2830 = arith.constant 0 : i32
        %dma_wait3A_2831 = tpu.memref_slice %arg4[%add3A_2819, %dma_wait3A_2829, %dma_wait3A_2830] : memref<4096x128x128xf32, #tpu.memory_space<hbm>> -> memref<1x128x128xf32, #tpu.memory_space<hbm>>
        %dma_wait3A_2832 = tpu.memref_squeeze %dma_wait3A_2831 : memref<1x128x128xf32, #tpu.memory_space<hbm>> -> memref<128x128xf32, #tpu.memory_space<hbm>>
        %dma_wait3A_2833 = arith.constant 0 : i32
        %dma_wait3A_2834 = arith.constant 0 : i32
        %dma_wait3A_2835 = tpu.memref_slice %arg7[%dma_wait3A_2820, %dma_wait3A_2833, %dma_wait3A_2834] : memref<4x128x128xf32, #tpu.memory_space<vmem>> -> memref<1x128x128xf32, #tpu.memory_space<vmem>>
        %dma_wait3A_2836 = tpu.memref_squeeze %dma_wait3A_2835 : memref<1x128x128xf32, #tpu.memory_space<vmem>> -> memref<128x128xf32, #tpu.memory_space<vmem>>
        tpu.wait_dma2 semaphore(%arg16 : memref<!tpu.dma_semaphore, #tpu.memory_space<semaphore_mem>>) src(%dma_wait3A_2836 : memref<128x128xf32, #tpu.memory_space<vmem>>) dst(%dma_wait3A_2832 : memref<128x128xf32, #tpu.memory_space<hbm>>)
      } else {
      }
      %jit3A_2174 = arith.constant 3 : i32
      %eq3A_2175 = arith.constant 0 : i32
      %eq3A_2176 = arith.cmpi eq, %jit3A_2174, %eq3A_2175 : i32
      %jit3A_2177 = arith.constant 1 : i32
      %select_n3A_2178 = arith.select %eq3A_2176, %jit3A_2177, %jit3A_2174 : i32
      %rem3A_2179 = arith.remsi %scan3A_2061, %select_n3A_2178 : i32
      %ne3A_2180 = arith.constant 0 : i32
      %ne3A_2181 = arith.cmpi ne, %rem3A_2179, %ne3A_2180 : i32
      %lt3A_2182 = arith.constant 0 : i32
      %lt3A_2183 = arith.cmpi slt, %rem3A_2179, %lt3A_2182 : i32
      %lt3A_2184 = arith.constant 0 : i32
      %lt3A_2185 = arith.cmpi slt, %select_n3A_2178, %lt3A_2184 : i32
      %ne3A_2186 = arith.xori %lt3A_2183, %lt3A_2185 : i1
      %and3A_2187 = arith.andi %ne3A_2186, %ne3A_2181 : i1
      %add3A_2188 = arith.addi %rem3A_2179, %select_n3A_2178 : i32
      %select_n3A_2189 = arith.select %and3A_2187, %add3A_2188, %rem3A_2179 : i32
      %dma_start3A_2190 = arith.constant 2 : i32
      %dma_start3A_2191 = arith.constant 0 : i32
      %dma_start3A_2192 = arith.constant 0 : i32
      %dma_start3A_2193 = tpu.memref_slice %arg7[%dma_start3A_2190, %dma_start3A_2191, %dma_start3A_2192] : memref<4x128x128xf32, #tpu.memory_space<vmem>> -> memref<1x128x128xf32, #tpu.memory_space<vmem>>
      %dma_start3A_2194 = tpu.memref_squeeze %dma_start3A_2193 : memref<1x128x128xf32, #tpu.memory_space<vmem>> -> memref<128x128xf32, #tpu.memory_space<vmem>>
      %dma_start3A_2195 = arith.constant 0 : i32
      %dma_start3A_2196 = tpu.memref_slice %arg6[%add3A_2168, %dma_start3A_2195] : memref<16x128xi32, #tpu.memory_space<vmem>> -> memref<1x128xi32, #tpu.memory_space<vmem>>
      %dma_start3A_2197 = tpu.memref_squeeze %dma_start3A_2196 : memref<1x128xi32, #tpu.memory_space<vmem>> -> memref<128xi32, #tpu.memory_space<vmem>>
      %dma_start3A_2198 = arith.constant 0 : i32
      %dma_start3A_2199 = arith.constant 0 : i32
      %dma_start3A_2200 = tpu.memref_slice %arg8[%select_n3A_2189, %dma_start3A_2198, %dma_start3A_2199] : memref<3x2048x128xf32, #tpu.memory_space<vmem_shared>> -> memref<1x2048x128xf32, #tpu.memory_space<vmem_shared>>
      %dma_start3A_2201 = tpu.memref_squeeze %dma_start3A_2200 : memref<1x2048x128xf32, #tpu.memory_space<vmem_shared>> -> memref<2048x128xf32, #tpu.memory_space<vmem_shared>>
      %dma_start3A_2202 = arith.constant 0 : i32
      %dma_start3A_2203 = arith.constant 0 : i32
      %dma_start3A_2204 = tpu.memref_slice %dma_start3A_2201[%dma_start3A_2202, %dma_start3A_2203] : memref<2048x128xf32, #tpu.memory_space<vmem_shared>> -> memref<2048x128xf32, #tpu.memory_space<vmem_shared>>
      tpu.enqueue_indirect_dma source(%dma_start3A_2204 : memref<2048x128xf32, #tpu.memory_space<vmem_shared>>) target(%dma_start3A_2194 : memref<128x128xf32, #tpu.memory_space<vmem>>) offsets(%dma_start3A_2197 : memref<128xi32, #tpu.memory_space<vmem>>) semaphore(%arg12 : memref<!tpu.dma_semaphore, #tpu.memory_space<semaphore_mem>>)
      %mul3A_2205 = arith.constant 8 : i32
      %mul3A_2206 = arith.muli %select_n3A_28, %mul3A_2205 : i32
      %add3A_2207 = arith.constant 0 : i32
      %add3A_2208 = arith.addi %mul3A_2206, %add3A_2207 : i32
      %jit3A_2209 = arith.constant 3 : i32
      %eq3A_2210 = arith.constant 0 : i32
      %eq3A_2211 = arith.cmpi eq, %jit3A_2209, %eq3A_2210 : i32
      %jit3A_2212 = arith.constant 1 : i32
      %select_n3A_2213 = arith.select %eq3A_2211, %jit3A_2212, %jit3A_2209 : i32
      %rem3A_2214 = arith.remsi %scan3A_2061, %select_n3A_2213 : i32
      %ne3A_2215 = arith.constant 0 : i32
      %ne3A_2216 = arith.cmpi ne, %rem3A_2214, %ne3A_2215 : i32
      %lt3A_2217 = arith.constant 0 : i32
      %lt3A_2218 = arith.cmpi slt, %rem3A_2214, %lt3A_2217 : i32
      %lt3A_2219 = arith.constant 0 : i32
      %lt3A_2220 = arith.cmpi slt, %select_n3A_2213, %lt3A_2219 : i32
      %ne3A_2221 = arith.xori %lt3A_2218, %lt3A_2220 : i1
      %and3A_2222 = arith.andi %ne3A_2221, %ne3A_2216 : i1
      %add3A_2223 = arith.addi %rem3A_2214, %select_n3A_2213 : i32
      %select_n3A_2224 = arith.select %and3A_2222, %add3A_2223, %rem3A_2214 : i32
      %dma_wait3A_2225 = arith.constant 0 : i32
      %dma_wait3A_2226 = arith.constant 0 : i32
      %dma_wait3A_2227 = arith.constant 0 : i32
      %dma_wait3A_2228 = tpu.memref_slice %arg7[%dma_wait3A_2225, %dma_wait3A_2226, %dma_wait3A_2227] : memref<4x128x128xf32, #tpu.memory_space<vmem>> -> memref<1x128x128xf32, #tpu.memory_space<vmem>>
      %dma_wait3A_2229 = tpu.memref_squeeze %dma_wait3A_2228 : memref<1x128x128xf32, #tpu.memory_space<vmem>> -> memref<128x128xf32, #tpu.memory_space<vmem>>
      %dma_wait3A_2230 = arith.constant 0 : i32
      %dma_wait3A_2231 = tpu.memref_slice %arg6[%add3A_2208, %dma_wait3A_2230] : memref<16x128xi32, #tpu.memory_space<vmem>> -> memref<1x128xi32, #tpu.memory_space<vmem>>
      %dma_wait3A_2232 = tpu.memref_squeeze %dma_wait3A_2231 : memref<1x128xi32, #tpu.memory_space<vmem>> -> memref<128xi32, #tpu.memory_space<vmem>>
      %dma_wait3A_2233 = arith.constant 0 : i32
      %dma_wait3A_2234 = arith.constant 0 : i32
      %dma_wait3A_2235 = tpu.memref_slice %arg8[%select_n3A_2224, %dma_wait3A_2233, %dma_wait3A_2234] : memref<3x2048x128xf32, #tpu.memory_space<vmem_shared>> -> memref<1x2048x128xf32, #tpu.memory_space<vmem_shared>>
      %dma_wait3A_2236 = tpu.memref_squeeze %dma_wait3A_2235 : memref<1x2048x128xf32, #tpu.memory_space<vmem_shared>> -> memref<2048x128xf32, #tpu.memory_space<vmem_shared>>
      %dma_wait3A_2237 = arith.constant 0 : i32
      %dma_wait3A_2238 = arith.constant 0 : i32
      %dma_wait3A_2239 = tpu.memref_slice %dma_wait3A_2236[%dma_wait3A_2237, %dma_wait3A_2238] : memref<2048x128xf32, #tpu.memory_space<vmem_shared>> -> memref<2048x128xf32, #tpu.memory_space<vmem_shared>>
      tpu.wait_indirect_dma semaphore(%arg10 : memref<!tpu.dma_semaphore, #tpu.memory_space<semaphore_mem>>) src(%dma_wait3A_2239 : memref<2048x128xf32, #tpu.memory_space<vmem_shared>>) dst(%dma_wait3A_2229 : memref<128x128xf32, #tpu.memory_space<vmem>>)
      %mul3A_2240 = arith.constant 512 : i32
      %mul3A_2241 = arith.muli %select_n3A, %mul3A_2240 : i32
      %add3A_2242 = arith.addi %mul3A_2241, %mul3A_29 : i32
      %mul3A_2243 = arith.constant 16 : i32
      %mul3A_2244 = arith.muli %scan3A_2061, %mul3A_2243 : i32
      %add3A_2245 = arith.addi %add3A_2242, %mul3A_2244 : i32
      %mul3A_2246 = arith.constant 8 : i32
      %mul3A_2247 = arith.muli %select_n3A_28, %mul3A_2246 : i32
      %add3A_2248 = arith.addi %add3A_2245, %mul3A_2247 : i32
      %add3A_2249 = arith.constant 0 : i32
      %add3A_2250 = arith.addi %add3A_2248, %add3A_2249 : i32
      %dma_start3A_2251 = arith.constant 0 : i32
      %dma_start3A_2252 = arith.constant 0 : i32
      %dma_start3A_2253 = arith.constant 0 : i32
      %dma_start3A_2254 = tpu.memref_slice %arg7[%dma_start3A_2251, %dma_start3A_2252, %dma_start3A_2253] : memref<4x128x128xf32, #tpu.memory_space<vmem>> -> memref<1x128x128xf32, #tpu.memory_space<vmem>>
      %dma_start3A_2255 = tpu.memref_squeeze %dma_start3A_2254 : memref<1x128x128xf32, #tpu.memory_space<vmem>> -> memref<128x128xf32, #tpu.memory_space<vmem>>
      %dma_start3A_2256 = arith.constant 0 : i32
      %dma_start3A_2257 = arith.constant 0 : i32
      %dma_start3A_2258 = tpu.memref_slice %arg4[%add3A_2250, %dma_start3A_2256, %dma_start3A_2257] : memref<4096x128x128xf32, #tpu.memory_space<hbm>> -> memref<1x128x128xf32, #tpu.memory_space<hbm>>
      %dma_start3A_2259 = tpu.memref_squeeze %dma_start3A_2258 : memref<1x128x128xf32, #tpu.memory_space<hbm>> -> memref<128x128xf32, #tpu.memory_space<hbm>>
      %dma_start3A_2260 = arith.constant 0 : i32
      %dma_start3A_2261 = arith.constant 0 : i32
      %dma_start3A_2262 = tpu.memref_slice %arg4[%add3A_2250, %dma_start3A_2260, %dma_start3A_2261] : memref<4096x128x128xf32, #tpu.memory_space<hbm>> -> memref<1x128x128xf32, #tpu.memory_space<hbm>>
      %dma_start3A_2263 = tpu.memref_squeeze %dma_start3A_2262 : memref<1x128x128xf32, #tpu.memory_space<hbm>> -> memref<128x128xf32, #tpu.memory_space<hbm>>
      %dma_start3A_2264 = arith.constant 0 : i32
      %dma_start3A_2265 = arith.constant 0 : i32
      %dma_start3A_2266 = tpu.memref_slice %arg7[%dma_start3A_2251, %dma_start3A_2264, %dma_start3A_2265] : memref<4x128x128xf32, #tpu.memory_space<vmem>> -> memref<1x128x128xf32, #tpu.memory_space<vmem>>
      %dma_start3A_2267 = tpu.memref_squeeze %dma_start3A_2266 : memref<1x128x128xf32, #tpu.memory_space<vmem>> -> memref<128x128xf32, #tpu.memory_space<vmem>>
      tpu.enqueue_dma source(%dma_start3A_2267 : memref<128x128xf32, #tpu.memory_space<vmem>>) target(%dma_start3A_2263 : memref<128x128xf32, #tpu.memory_space<hbm>>) target_semaphore(%arg14 : memref<!tpu.dma_semaphore, #tpu.memory_space<semaphore_mem>>)
      %mul3A_2268 = arith.constant 8 : i32
      %mul3A_2269 = arith.muli %scan3A_2061, %mul3A_2268 : i32
      %add3A_2270 = arith.constant 3 : i32
      %add3A_2271 = arith.addi %mul3A_2269, %add3A_2270 : i32
      %mul3A_2272 = arith.constant 8 : i32
      %mul3A_2273 = arith.muli %select_n3A_28, %mul3A_2272 : i32
      %add3A_2274 = arith.constant 3 : i32
      %add3A_2275 = arith.addi %mul3A_2273, %add3A_2274 : i32
      %ge3A_2276 = arith.constant 4 : i32
      %ge3A_2277 = arith.cmpi sge, %add3A_2271, %ge3A_2276 : i32
      %convert_element_type3A_2278 = arith.extui %ge3A_2277 : i1 to i32
      %cond3A_2279 = arith.constant 0 : i32
      %cond3A_2280 = arith.cmpi ne, %convert_element_type3A_2278, %cond3A_2279 : i32
      scf.if %cond3A_2280 {
        %mul3A_2809 = arith.constant 512 : i32
        %mul3A_2810 = arith.muli %select_n3A, %mul3A_2809 : i32
        %add3A_2811 = arith.addi %mul3A_2810, %mul3A_29 : i32
        %mul3A_2812 = arith.constant 16 : i32
        %mul3A_2813 = arith.muli %scan3A_2061, %mul3A_2812 : i32
        %add3A_2814 = arith.addi %add3A_2811, %mul3A_2813 : i32
        %mul3A_2815 = arith.constant 8 : i32
        %mul3A_2816 = arith.muli %select_n3A_28, %mul3A_2815 : i32
        %add3A_2817 = arith.addi %add3A_2814, %mul3A_2816 : i32
        %add3A_2818 = arith.constant 3 : i32
        %add3A_2819 = arith.addi %add3A_2817, %add3A_2818 : i32
        %dma_wait3A_2820 = arith.constant 3 : i32
        %dma_wait3A_2821 = arith.constant 0 : i32
        %dma_wait3A_2822 = arith.constant 0 : i32
        %dma_wait3A_2823 = tpu.memref_slice %arg7[%dma_wait3A_2820, %dma_wait3A_2821, %dma_wait3A_2822] : memref<4x128x128xf32, #tpu.memory_space<vmem>> -> memref<1x128x128xf32, #tpu.memory_space<vmem>>
        %dma_wait3A_2824 = tpu.memref_squeeze %dma_wait3A_2823 : memref<1x128x128xf32, #tpu.memory_space<vmem>> -> memref<128x128xf32, #tpu.memory_space<vmem>>
        %dma_wait3A_2825 = arith.constant 0 : i32
        %dma_wait3A_2826 = arith.constant 0 : i32
        %dma_wait3A_2827 = tpu.memref_slice %arg4[%add3A_2819, %dma_wait3A_2825, %dma_wait3A_2826] : memref<4096x128x128xf32, #tpu.memory_space<hbm>> -> memref<1x128x128xf32, #tpu.memory_space<hbm>>
        %dma_wait3A_2828 = tpu.memref_squeeze %dma_wait3A_2827 : memref<1x128x128xf32, #tpu.memory_space<hbm>> -> memref<128x128xf32, #tpu.memory_space<hbm>>
        %dma_wait3A_2829 = arith.constant 0 : i32
        %dma_wait3A_2830 = arith.constant 0 : i32
        %dma_wait3A_2831 = tpu.memref_slice %arg4[%add3A_2819, %dma_wait3A_2829, %dma_wait3A_2830] : memref<4096x128x128xf32, #tpu.memory_space<hbm>> -> memref<1x128x128xf32, #tpu.memory_space<hbm>>
        %dma_wait3A_2832 = tpu.memref_squeeze %dma_wait3A_2831 : memref<1x128x128xf32, #tpu.memory_space<hbm>> -> memref<128x128xf32, #tpu.memory_space<hbm>>
        %dma_wait3A_2833 = arith.constant 0 : i32
        %dma_wait3A_2834 = arith.constant 0 : i32
        %dma_wait3A_2835 = tpu.memref_slice %arg7[%dma_wait3A_2820, %dma_wait3A_2833, %dma_wait3A_2834] : memref<4x128x128xf32, #tpu.memory_space<vmem>> -> memref<1x128x128xf32, #tpu.memory_space<vmem>>
        %dma_wait3A_2836 = tpu.memref_squeeze %dma_wait3A_2835 : memref<1x128x128xf32, #tpu.memory_space<vmem>> -> memref<128x128xf32, #tpu.memory_space<vmem>>
        tpu.wait_dma2 semaphore(%arg17 : memref<!tpu.dma_semaphore, #tpu.memory_space<semaphore_mem>>) src(%dma_wait3A_2836 : memref<128x128xf32, #tpu.memory_space<vmem>>) dst(%dma_wait3A_2832 : memref<128x128xf32, #tpu.memory_space<hbm>>)
      } else {
      }
      %jit3A_2281 = arith.constant 3 : i32
      %eq3A_2282 = arith.constant 0 : i32
      %eq3A_2283 = arith.cmpi eq, %jit3A_2281, %eq3A_2282 : i32
      %jit3A_2284 = arith.constant 1 : i32
      %select_n3A_2285 = arith.select %eq3A_2283, %jit3A_2284, %jit3A_2281 : i32
      %rem3A_2286 = arith.remsi %scan3A_2061, %select_n3A_2285 : i32
      %ne3A_2287 = arith.constant 0 : i32
      %ne3A_2288 = arith.cmpi ne, %rem3A_2286, %ne3A_2287 : i32
      %lt3A_2289 = arith.constant 0 : i32
      %lt3A_2290 = arith.cmpi slt, %rem3A_2286, %lt3A_2289 : i32
      %lt3A_2291 = arith.constant 0 : i32
      %lt3A_2292 = arith.cmpi slt, %select_n3A_2285, %lt3A_2291 : i32
      %ne3A_2293 = arith.xori %lt3A_2290, %lt3A_2292 : i1
      %and3A_2294 = arith.andi %ne3A_2293, %ne3A_2288 : i1
      %add3A_2295 = arith.addi %rem3A_2286, %select_n3A_2285 : i32
      %select_n3A_2296 = arith.select %and3A_2294, %add3A_2295, %rem3A_2286 : i32
      %dma_start3A_2297 = arith.constant 3 : i32
      %dma_start3A_2298 = arith.constant 0 : i32
      %dma_start3A_2299 = arith.constant 0 : i32
      %dma_start3A_2300 = tpu.memref_slice %arg7[%dma_start3A_2297, %dma_start3A_2298, %dma_start3A_2299] : memref<4x128x128xf32, #tpu.memory_space<vmem>> -> memref<1x128x128xf32, #tpu.memory_space<vmem>>
      %dma_start3A_2301 = tpu.memref_squeeze %dma_start3A_2300 : memref<1x128x128xf32, #tpu.memory_space<vmem>> -> memref<128x128xf32, #tpu.memory_space<vmem>>
      %dma_start3A_2302 = arith.constant 0 : i32
      %dma_start3A_2303 = tpu.memref_slice %arg6[%add3A_2275, %dma_start3A_2302] : memref<16x128xi32, #tpu.memory_space<vmem>> -> memref<1x128xi32, #tpu.memory_space<vmem>>
      %dma_start3A_2304 = tpu.memref_squeeze %dma_start3A_2303 : memref<1x128xi32, #tpu.memory_space<vmem>> -> memref<128xi32, #tpu.memory_space<vmem>>
      %dma_start3A_2305 = arith.constant 0 : i32
      %dma_start3A_2306 = arith.constant 0 : i32
      %dma_start3A_2307 = tpu.memref_slice %arg8[%select_n3A_2296, %dma_start3A_2305, %dma_start3A_2306] : memref<3x2048x128xf32, #tpu.memory_space<vmem_shared>> -> memref<1x2048x128xf32, #tpu.memory_space<vmem_shared>>
      %dma_start3A_2308 = tpu.memref_squeeze %dma_start3A_2307 : memref<1x2048x128xf32, #tpu.memory_space<vmem_shared>> -> memref<2048x128xf32, #tpu.memory_space<vmem_shared>>
      %dma_start3A_2309 = arith.constant 0 : i32
      %dma_start3A_2310 = arith.constant 0 : i32
      %dma_start3A_2311 = tpu.memref_slice %dma_start3A_2308[%dma_start3A_2309, %dma_start3A_2310] : memref<2048x128xf32, #tpu.memory_space<vmem_shared>> -> memref<2048x128xf32, #tpu.memory_space<vmem_shared>>
      tpu.enqueue_indirect_dma source(%dma_start3A_2311 : memref<2048x128xf32, #tpu.memory_space<vmem_shared>>) target(%dma_start3A_2301 : memref<128x128xf32, #tpu.memory_space<vmem>>) offsets(%dma_start3A_2304 : memref<128xi32, #tpu.memory_space<vmem>>) semaphore(%arg13 : memref<!tpu.dma_semaphore, #tpu.memory_space<semaphore_mem>>)
      %mul3A_2312 = arith.constant 8 : i32
      %mul3A_2313 = arith.muli %select_n3A_28, %mul3A_2312 : i32
      %add3A_2314 = arith.constant 1 : i32
      %add3A_2315 = arith.addi %mul3A_2313, %add3A_2314 : i32
      %jit3A_2316 = arith.constant 3 : i32
      %eq3A_2317 = arith.constant 0 : i32
      %eq3A_2318 = arith.cmpi eq, %jit3A_2316, %eq3A_2317 : i32
      %jit3A_2319 = arith.constant 1 : i32
      %select_n3A_2320 = arith.select %eq3A_2318, %jit3A_2319, %jit3A_2316 : i32
      %rem3A_2321 = arith.remsi %scan3A_2061, %select_n3A_2320 : i32
      %ne3A_2322 = arith.constant 0 : i32
      %ne3A_2323 = arith.cmpi ne, %rem3A_2321, %ne3A_2322 : i32
      %lt3A_2324 = arith.constant 0 : i32
      %lt3A_2325 = arith.cmpi slt, %rem3A_2321, %lt3A_2324 : i32
      %lt3A_2326 = arith.constant 0 : i32
      %lt3A_2327 = arith.cmpi slt, %select_n3A_2320, %lt3A_2326 : i32
      %ne3A_2328 = arith.xori %lt3A_2325, %lt3A_2327 : i1
      %and3A_2329 = arith.andi %ne3A_2328, %ne3A_2323 : i1
      %add3A_2330 = arith.addi %rem3A_2321, %select_n3A_2320 : i32
      %select_n3A_2331 = arith.select %and3A_2329, %add3A_2330, %rem3A_2321 : i32
      %dma_wait3A_2332 = arith.constant 1 : i32
      %dma_wait3A_2333 = arith.constant 0 : i32
      %dma_wait3A_2334 = arith.constant 0 : i32
      %dma_wait3A_2335 = tpu.memref_slice %arg7[%dma_wait3A_2332, %dma_wait3A_2333, %dma_wait3A_2334] : memref<4x128x128xf32, #tpu.memory_space<vmem>> -> memref<1x128x128xf32, #tpu.memory_space<vmem>>
      %dma_wait3A_2336 = tpu.memref_squeeze %dma_wait3A_2335 : memref<1x128x128xf32, #tpu.memory_space<vmem>> -> memref<128x128xf32, #tpu.memory_space<vmem>>
      %dma_wait3A_2337 = arith.constant 0 : i32
      %dma_wait3A_2338 = tpu.memref_slice %arg6[%add3A_2315, %dma_wait3A_2337] : memref<16x128xi32, #tpu.memory_space<vmem>> -> memref<1x128xi32, #tpu.memory_space<vmem>>
      %dma_wait3A_2339 = tpu.memref_squeeze %dma_wait3A_2338 : memref<1x128xi32, #tpu.memory_space<vmem>> -> memref<128xi32, #tpu.memory_space<vmem>>
      %dma_wait3A_2340 = arith.constant 0 : i32
      %dma_wait3A_2341 = arith.constant 0 : i32
      %dma_wait3A_2342 = tpu.memref_slice %arg8[%select_n3A_2331, %dma_wait3A_2340, %dma_wait3A_2341] : memref<3x2048x128xf32, #tpu.memory_space<vmem_shared>> -> memref<1x2048x128xf32, #tpu.memory_space<vmem_shared>>
      %dma_wait3A_2343 = tpu.memref_squeeze %dma_wait3A_2342 : memref<1x2048x128xf32, #tpu.memory_space<vmem_shared>> -> memref<2048x128xf32, #tpu.memory_space<vmem_shared>>
      %dma_wait3A_2344 = arith.constant 0 : i32
      %dma_wait3A_2345 = arith.constant 0 : i32
      %dma_wait3A_2346 = tpu.memref_slice %dma_wait3A_2343[%dma_wait3A_2344, %dma_wait3A_2345] : memref<2048x128xf32, #tpu.memory_space<vmem_shared>> -> memref<2048x128xf32, #tpu.memory_space<vmem_shared>>
      tpu.wait_indirect_dma semaphore(%arg11 : memref<!tpu.dma_semaphore, #tpu.memory_space<semaphore_mem>>) src(%dma_wait3A_2346 : memref<2048x128xf32, #tpu.memory_space<vmem_shared>>) dst(%dma_wait3A_2336 : memref<128x128xf32, #tpu.memory_space<vmem>>)
      %mul3A_2347 = arith.constant 512 : i32
      %mul3A_2348 = arith.muli %select_n3A, %mul3A_2347 : i32
      %add3A_2349 = arith.addi %mul3A_2348, %mul3A_29 : i32
      %mul3A_2350 = arith.constant 16 : i32
      %mul3A_2351 = arith.muli %scan3A_2061, %mul3A_2350 : i32
      %add3A_2352 = arith.addi %add3A_2349, %mul3A_2351 : i32
      %mul3A_2353 = arith.constant 8 : i32
      %mul3A_2354 = arith.muli %select_n3A_28, %mul3A_2353 : i32
      %add3A_2355 = arith.addi %add3A_2352, %mul3A_2354 : i32
      %add3A_2356 = arith.constant 1 : i32
      %add3A_2357 = arith.addi %add3A_2355, %add3A_2356 : i32
      %dma_start3A_2358 = arith.constant 1 : i32
      %dma_start3A_2359 = arith.constant 0 : i32
      %dma_start3A_2360 = arith.constant 0 : i32
      %dma_start3A_2361 = tpu.memref_slice %arg7[%dma_start3A_2358, %dma_start3A_2359, %dma_start3A_2360] : memref<4x128x128xf32, #tpu.memory_space<vmem>> -> memref<1x128x128xf32, #tpu.memory_space<vmem>>
      %dma_start3A_2362 = tpu.memref_squeeze %dma_start3A_2361 : memref<1x128x128xf32, #tpu.memory_space<vmem>> -> memref<128x128xf32, #tpu.memory_space<vmem>>
      %dma_start3A_2363 = arith.constant 0 : i32
      %dma_start3A_2364 = arith.constant 0 : i32
      %dma_start3A_2365 = tpu.memref_slice %arg4[%add3A_2357, %dma_start3A_2363, %dma_start3A_2364] : memref<4096x128x128xf32, #tpu.memory_space<hbm>> -> memref<1x128x128xf32, #tpu.memory_space<hbm>>
      %dma_start3A_2366 = tpu.memref_squeeze %dma_start3A_2365 : memref<1x128x128xf32, #tpu.memory_space<hbm>> -> memref<128x128xf32, #tpu.memory_space<hbm>>
      %dma_start3A_2367 = arith.constant 0 : i32
      %dma_start3A_2368 = arith.constant 0 : i32
      %dma_start3A_2369 = tpu.memref_slice %arg4[%add3A_2357, %dma_start3A_2367, %dma_start3A_2368] : memref<4096x128x128xf32, #tpu.memory_space<hbm>> -> memref<1x128x128xf32, #tpu.memory_space<hbm>>
      %dma_start3A_2370 = tpu.memref_squeeze %dma_start3A_2369 : memref<1x128x128xf32, #tpu.memory_space<hbm>> -> memref<128x128xf32, #tpu.memory_space<hbm>>
      %dma_start3A_2371 = arith.constant 0 : i32
      %dma_start3A_2372 = arith.constant 0 : i32
      %dma_start3A_2373 = tpu.memref_slice %arg7[%dma_start3A_2358, %dma_start3A_2371, %dma_start3A_2372] : memref<4x128x128xf32, #tpu.memory_space<vmem>> -> memref<1x128x128xf32, #tpu.memory_space<vmem>>
      %dma_start3A_2374 = tpu.memref_squeeze %dma_start3A_2373 : memref<1x128x128xf32, #tpu.memory_space<vmem>> -> memref<128x128xf32, #tpu.memory_space<vmem>>
      tpu.enqueue_dma source(%dma_start3A_2374 : memref<128x128xf32, #tpu.memory_space<vmem>>) target(%dma_start3A_2370 : memref<128x128xf32, #tpu.memory_space<hbm>>) target_semaphore(%arg15 : memref<!tpu.dma_semaphore, #tpu.memory_space<semaphore_mem>>)
      %mul3A_2375 = arith.constant 8 : i32
      %mul3A_2376 = arith.muli %scan3A_2061, %mul3A_2375 : i32
      %add3A_2377 = arith.constant 4 : i32
      %add3A_2378 = arith.addi %mul3A_2376, %add3A_2377 : i32
      %mul3A_2379 = arith.constant 8 : i32
      %mul3A_2380 = arith.muli %select_n3A_28, %mul3A_2379 : i32
      %add3A_2381 = arith.constant 4 : i32
      %add3A_2382 = arith.addi %mul3A_2380, %add3A_2381 : i32
      %ge3A_2383 = arith.constant 4 : i32
      %ge3A_2384 = arith.cmpi sge, %add3A_2378, %ge3A_2383 : i32
      %convert_element_type3A_2385 = arith.extui %ge3A_2384 : i1 to i32
      %cond3A_2386 = arith.constant 0 : i32
      %cond3A_2387 = arith.cmpi ne, %convert_element_type3A_2385, %cond3A_2386 : i32
      scf.if %cond3A_2387 {
        %mul3A_2809 = arith.constant 512 : i32
        %mul3A_2810 = arith.muli %select_n3A, %mul3A_2809 : i32
        %add3A_2811 = arith.addi %mul3A_2810, %mul3A_29 : i32
        %mul3A_2812 = arith.constant 16 : i32
        %mul3A_2813 = arith.muli %scan3A_2061, %mul3A_2812 : i32
        %add3A_2814 = arith.addi %add3A_2811, %mul3A_2813 : i32
        %mul3A_2815 = arith.constant 8 : i32
        %mul3A_2816 = arith.muli %select_n3A_28, %mul3A_2815 : i32
        %add3A_2817 = arith.addi %add3A_2814, %mul3A_2816 : i32
        %add3A_2818 = arith.constant 4 : i32
        %add3A_2819 = arith.addi %add3A_2817, %add3A_2818 : i32
        %dma_wait3A_2820 = arith.constant 0 : i32
        %dma_wait3A_2821 = arith.constant 0 : i32
        %dma_wait3A_2822 = arith.constant 0 : i32
        %dma_wait3A_2823 = tpu.memref_slice %arg7[%dma_wait3A_2820, %dma_wait3A_2821, %dma_wait3A_2822] : memref<4x128x128xf32, #tpu.memory_space<vmem>> -> memref<1x128x128xf32, #tpu.memory_space<vmem>>
        %dma_wait3A_2824 = tpu.memref_squeeze %dma_wait3A_2823 : memref<1x128x128xf32, #tpu.memory_space<vmem>> -> memref<128x128xf32, #tpu.memory_space<vmem>>
        %dma_wait3A_2825 = arith.constant 0 : i32
        %dma_wait3A_2826 = arith.constant 0 : i32
        %dma_wait3A_2827 = tpu.memref_slice %arg4[%add3A_2819, %dma_wait3A_2825, %dma_wait3A_2826] : memref<4096x128x128xf32, #tpu.memory_space<hbm>> -> memref<1x128x128xf32, #tpu.memory_space<hbm>>
        %dma_wait3A_2828 = tpu.memref_squeeze %dma_wait3A_2827 : memref<1x128x128xf32, #tpu.memory_space<hbm>> -> memref<128x128xf32, #tpu.memory_space<hbm>>
        %dma_wait3A_2829 = arith.constant 0 : i32
        %dma_wait3A_2830 = arith.constant 0 : i32
        %dma_wait3A_2831 = tpu.memref_slice %arg4[%add3A_2819, %dma_wait3A_2829, %dma_wait3A_2830] : memref<4096x128x128xf32, #tpu.memory_space<hbm>> -> memref<1x128x128xf32, #tpu.memory_space<hbm>>
        %dma_wait3A_2832 = tpu.memref_squeeze %dma_wait3A_2831 : memref<1x128x128xf32, #tpu.memory_space<hbm>> -> memref<128x128xf32, #tpu.memory_space<hbm>>
        %dma_wait3A_2833 = arith.constant 0 : i32
        %dma_wait3A_2834 = arith.constant 0 : i32
        %dma_wait3A_2835 = tpu.memref_slice %arg7[%dma_wait3A_2820, %dma_wait3A_2833, %dma_wait3A_2834] : memref<4x128x128xf32, #tpu.memory_space<vmem>> -> memref<1x128x128xf32, #tpu.memory_space<vmem>>
        %dma_wait3A_2836 = tpu.memref_squeeze %dma_wait3A_2835 : memref<1x128x128xf32, #tpu.memory_space<vmem>> -> memref<128x128xf32, #tpu.memory_space<vmem>>
        tpu.wait_dma2 semaphore(%arg14 : memref<!tpu.dma_semaphore, #tpu.memory_space<semaphore_mem>>) src(%dma_wait3A_2836 : memref<128x128xf32, #tpu.memory_space<vmem>>) dst(%dma_wait3A_2832 : memref<128x128xf32, #tpu.memory_space<hbm>>)
      } else {
      }
      %jit3A_2388 = arith.constant 3 : i32
      %eq3A_2389 = arith.constant 0 : i32
      %eq3A_2390 = arith.cmpi eq, %jit3A_2388, %eq3A_2389 : i32
      %jit3A_2391 = arith.constant 1 : i32
      %select_n3A_2392 = arith.select %eq3A_2390, %jit3A_2391, %jit3A_2388 : i32
      %rem3A_2393 = arith.remsi %scan3A_2061, %select_n3A_2392 : i32
      %ne3A_2394 = arith.constant 0 : i32
      %ne3A_2395 = arith.cmpi ne, %rem3A_2393, %ne3A_2394 : i32
      %lt3A_2396 = arith.constant 0 : i32
      %lt3A_2397 = arith.cmpi slt, %rem3A_2393, %lt3A_2396 : i32
      %lt3A_2398 = arith.constant 0 : i32
      %lt3A_2399 = arith.cmpi slt, %select_n3A_2392, %lt3A_2398 : i32
      %ne3A_2400 = arith.xori %lt3A_2397, %lt3A_2399 : i1
      %and3A_2401 = arith.andi %ne3A_2400, %ne3A_2395 : i1
      %add3A_2402 = arith.addi %rem3A_2393, %select_n3A_2392 : i32
      %select_n3A_2403 = arith.select %and3A_2401, %add3A_2402, %rem3A_2393 : i32
      %dma_start3A_2404 = arith.constant 0 : i32
      %dma_start3A_2405 = arith.constant 0 : i32
      %dma_start3A_2406 = arith.constant 0 : i32
      %dma_start3A_2407 = tpu.memref_slice %arg7[%dma_start3A_2404, %dma_start3A_2405, %dma_start3A_2406] : memref<4x128x128xf32, #tpu.memory_space<vmem>> -> memref<1x128x128xf32, #tpu.memory_space<vmem>>
      %dma_start3A_2408 = tpu.memref_squeeze %dma_start3A_2407 : memref<1x128x128xf32, #tpu.memory_space<vmem>> -> memref<128x128xf32, #tpu.memory_space<vmem>>
      %dma_start3A_2409 = arith.constant 0 : i32
      %dma_start3A_2410 = tpu.memref_slice %arg6[%add3A_2382, %dma_start3A_2409] : memref<16x128xi32, #tpu.memory_space<vmem>> -> memref<1x128xi32, #tpu.memory_space<vmem>>
      %dma_start3A_2411 = tpu.memref_squeeze %dma_start3A_2410 : memref<1x128xi32, #tpu.memory_space<vmem>> -> memref<128xi32, #tpu.memory_space<vmem>>
      %dma_start3A_2412 = arith.constant 0 : i32
      %dma_start3A_2413 = arith.constant 0 : i32
      %dma_start3A_2414 = tpu.memref_slice %arg8[%select_n3A_2403, %dma_start3A_2412, %dma_start3A_2413] : memref<3x2048x128xf32, #tpu.memory_space<vmem_shared>> -> memref<1x2048x128xf32, #tpu.memory_space<vmem_shared>>
      %dma_start3A_2415 = tpu.memref_squeeze %dma_start3A_2414 : memref<1x2048x128xf32, #tpu.memory_space<vmem_shared>> -> memref<2048x128xf32, #tpu.memory_space<vmem_shared>>
      %dma_start3A_2416 = arith.constant 0 : i32
      %dma_start3A_2417 = arith.constant 0 : i32
      %dma_start3A_2418 = tpu.memref_slice %dma_start3A_2415[%dma_start3A_2416, %dma_start3A_2417] : memref<2048x128xf32, #tpu.memory_space<vmem_shared>> -> memref<2048x128xf32, #tpu.memory_space<vmem_shared>>
      tpu.enqueue_indirect_dma source(%dma_start3A_2418 : memref<2048x128xf32, #tpu.memory_space<vmem_shared>>) target(%dma_start3A_2408 : memref<128x128xf32, #tpu.memory_space<vmem>>) offsets(%dma_start3A_2411 : memref<128xi32, #tpu.memory_space<vmem>>) semaphore(%arg10 : memref<!tpu.dma_semaphore, #tpu.memory_space<semaphore_mem>>)
      %mul3A_2419 = arith.constant 8 : i32
      %mul3A_2420 = arith.muli %select_n3A_28, %mul3A_2419 : i32
      %add3A_2421 = arith.constant 2 : i32
      %add3A_2422 = arith.addi %mul3A_2420, %add3A_2421 : i32
      %jit3A_2423 = arith.constant 3 : i32
      %eq3A_2424 = arith.constant 0 : i32
      %eq3A_2425 = arith.cmpi eq, %jit3A_2423, %eq3A_2424 : i32
      %jit3A_2426 = arith.constant 1 : i32
      %select_n3A_2427 = arith.select %eq3A_2425, %jit3A_2426, %jit3A_2423 : i32
      %rem3A_2428 = arith.remsi %scan3A_2061, %select_n3A_2427 : i32
      %ne3A_2429 = arith.constant 0 : i32
      %ne3A_2430 = arith.cmpi ne, %rem3A_2428, %ne3A_2429 : i32
      %lt3A_2431 = arith.constant 0 : i32
      %lt3A_2432 = arith.cmpi slt, %rem3A_2428, %lt3A_2431 : i32
      %lt3A_2433 = arith.constant 0 : i32
      %lt3A_2434 = arith.cmpi slt, %select_n3A_2427, %lt3A_2433 : i32
      %ne3A_2435 = arith.xori %lt3A_2432, %lt3A_2434 : i1
      %and3A_2436 = arith.andi %ne3A_2435, %ne3A_2430 : i1
      %add3A_2437 = arith.addi %rem3A_2428, %select_n3A_2427 : i32
      %select_n3A_2438 = arith.select %and3A_2436, %add3A_2437, %rem3A_2428 : i32
      %dma_wait3A_2439 = arith.constant 2 : i32
      %dma_wait3A_2440 = arith.constant 0 : i32
      %dma_wait3A_2441 = arith.constant 0 : i32
      %dma_wait3A_2442 = tpu.memref_slice %arg7[%dma_wait3A_2439, %dma_wait3A_2440, %dma_wait3A_2441] : memref<4x128x128xf32, #tpu.memory_space<vmem>> -> memref<1x128x128xf32, #tpu.memory_space<vmem>>
      %dma_wait3A_2443 = tpu.memref_squeeze %dma_wait3A_2442 : memref<1x128x128xf32, #tpu.memory_space<vmem>> -> memref<128x128xf32, #tpu.memory_space<vmem>>
      %dma_wait3A_2444 = arith.constant 0 : i32
      %dma_wait3A_2445 = tpu.memref_slice %arg6[%add3A_2422, %dma_wait3A_2444] : memref<16x128xi32, #tpu.memory_space<vmem>> -> memref<1x128xi32, #tpu.memory_space<vmem>>
      %dma_wait3A_2446 = tpu.memref_squeeze %dma_wait3A_2445 : memref<1x128xi32, #tpu.memory_space<vmem>> -> memref<128xi32, #tpu.memory_space<vmem>>
      %dma_wait3A_2447 = arith.constant 0 : i32
      %dma_wait3A_2448 = arith.constant 0 : i32
      %dma_wait3A_2449 = tpu.memref_slice %arg8[%select_n3A_2438, %dma_wait3A_2447, %dma_wait3A_2448] : memref<3x2048x128xf32, #tpu.memory_space<vmem_shared>> -> memref<1x2048x128xf32, #tpu.memory_space<vmem_shared>>
      %dma_wait3A_2450 = tpu.memref_squeeze %dma_wait3A_2449 : memref<1x2048x128xf32, #tpu.memory_space<vmem_shared>> -> memref<2048x128xf32, #tpu.memory_space<vmem_shared>>
      %dma_wait3A_2451 = arith.constant 0 : i32
      %dma_wait3A_2452 = arith.constant 0 : i32
      %dma_wait3A_2453 = tpu.memref_slice %dma_wait3A_2450[%dma_wait3A_2451, %dma_wait3A_2452] : memref<2048x128xf32, #tpu.memory_space<vmem_shared>> -> memref<2048x128xf32, #tpu.memory_space<vmem_shared>>
      tpu.wait_indirect_dma semaphore(%arg12 : memref<!tpu.dma_semaphore, #tpu.memory_space<semaphore_mem>>) src(%dma_wait3A_2453 : memref<2048x128xf32, #tpu.memory_space<vmem_shared>>) dst(%dma_wait3A_2443 : memref<128x128xf32, #tpu.memory_space<vmem>>)
      %mul3A_2454 = arith.constant 512 : i32
      %mul3A_2455 = arith.muli %select_n3A, %mul3A_2454 : i32
      %add3A_2456 = arith.addi %mul3A_2455, %mul3A_29 : i32
      %mul3A_2457 = arith.constant 16 : i32
      %mul3A_2458 = arith.muli %scan3A_2061, %mul3A_2457 : i32
      %add3A_2459 = arith.addi %add3A_2456, %mul3A_2458 : i32
      %mul3A_2460 = arith.constant 8 : i32
      %mul3A_2461 = arith.muli %select_n3A_28, %mul3A_2460 : i32
      %add3A_2462 = arith.addi %add3A_2459, %mul3A_2461 : i32
      %add3A_2463 = arith.constant 2 : i32
      %add3A_2464 = arith.addi %add3A_2462, %add3A_2463 : i32
      %dma_start3A_2465 = arith.constant 2 : i32
      %dma_start3A_2466 = arith.constant 0 : i32
      %dma_start3A_2467 = arith.constant 0 : i32
      %dma_start3A_2468 = tpu.memref_slice %arg7[%dma_start3A_2465, %dma_start3A_2466, %dma_start3A_2467] : memref<4x128x128xf32, #tpu.memory_space<vmem>> -> memref<1x128x128xf32, #tpu.memory_space<vmem>>
      %dma_start3A_2469 = tpu.memref_squeeze %dma_start3A_2468 : memref<1x128x128xf32, #tpu.memory_space<vmem>> -> memref<128x128xf32, #tpu.memory_space<vmem>>
      %dma_start3A_2470 = arith.constant 0 : i32
      %dma_start3A_2471 = arith.constant 0 : i32
      %dma_start3A_2472 = tpu.memref_slice %arg4[%add3A_2464, %dma_start3A_2470, %dma_start3A_2471] : memref<4096x128x128xf32, #tpu.memory_space<hbm>> -> memref<1x128x128xf32, #tpu.memory_space<hbm>>
      %dma_start3A_2473 = tpu.memref_squeeze %dma_start3A_2472 : memref<1x128x128xf32, #tpu.memory_space<hbm>> -> memref<128x128xf32, #tpu.memory_space<hbm>>
      %dma_start3A_2474 = arith.constant 0 : i32
      %dma_start3A_2475 = arith.constant 0 : i32
      %dma_start3A_2476 = tpu.memref_slice %arg4[%add3A_2464, %dma_start3A_2474, %dma_start3A_2475] : memref<4096x128x128xf32, #tpu.memory_space<hbm>> -> memref<1x128x128xf32, #tpu.memory_space<hbm>>
      %dma_start3A_2477 = tpu.memref_squeeze %dma_start3A_2476 : memref<1x128x128xf32, #tpu.memory_space<hbm>> -> memref<128x128xf32, #tpu.memory_space<hbm>>
      %dma_start3A_2478 = arith.constant 0 : i32
      %dma_start3A_2479 = arith.constant 0 : i32
      %dma_start3A_2480 = tpu.memref_slice %arg7[%dma_start3A_2465, %dma_start3A_2478, %dma_start3A_2479] : memref<4x128x128xf32, #tpu.memory_space<vmem>> -> memref<1x128x128xf32, #tpu.memory_space<vmem>>
      %dma_start3A_2481 = tpu.memref_squeeze %dma_start3A_2480 : memref<1x128x128xf32, #tpu.memory_space<vmem>> -> memref<128x128xf32, #tpu.memory_space<vmem>>
      tpu.enqueue_dma source(%dma_start3A_2481 : memref<128x128xf32, #tpu.memory_space<vmem>>) target(%dma_start3A_2477 : memref<128x128xf32, #tpu.memory_space<hbm>>) target_semaphore(%arg16 : memref<!tpu.dma_semaphore, #tpu.memory_space<semaphore_mem>>)
      %mul3A_2482 = arith.constant 8 : i32
      %mul3A_2483 = arith.muli %scan3A_2061, %mul3A_2482 : i32
      %add3A_2484 = arith.constant 5 : i32
      %add3A_2485 = arith.addi %mul3A_2483, %add3A_2484 : i32
      %mul3A_2486 = arith.constant 8 : i32
      %mul3A_2487 = arith.muli %select_n3A_28, %mul3A_2486 : i32
      %add3A_2488 = arith.constant 5 : i32
      %add3A_2489 = arith.addi %mul3A_2487, %add3A_2488 : i32
      %ge3A_2490 = arith.constant 4 : i32
      %ge3A_2491 = arith.cmpi sge, %add3A_2485, %ge3A_2490 : i32
      %convert_element_type3A_2492 = arith.extui %ge3A_2491 : i1 to i32
      %cond3A_2493 = arith.constant 0 : i32
      %cond3A_2494 = arith.cmpi ne, %convert_element_type3A_2492, %cond3A_2493 : i32
      scf.if %cond3A_2494 {
        %mul3A_2809 = arith.constant 512 : i32
        %mul3A_2810 = arith.muli %select_n3A, %mul3A_2809 : i32
        %add3A_2811 = arith.addi %mul3A_2810, %mul3A_29 : i32
        %mul3A_2812 = arith.constant 16 : i32
        %mul3A_2813 = arith.muli %scan3A_2061, %mul3A_2812 : i32
        %add3A_2814 = arith.addi %add3A_2811, %mul3A_2813 : i32
        %mul3A_2815 = arith.constant 8 : i32
        %mul3A_2816 = arith.muli %select_n3A_28, %mul3A_2815 : i32
        %add3A_2817 = arith.addi %add3A_2814, %mul3A_2816 : i32
        %add3A_2818 = arith.constant 5 : i32
        %add3A_2819 = arith.addi %add3A_2817, %add3A_2818 : i32
        %dma_wait3A_2820 = arith.constant 1 : i32
        %dma_wait3A_2821 = arith.constant 0 : i32
        %dma_wait3A_2822 = arith.constant 0 : i32
        %dma_wait3A_2823 = tpu.memref_slice %arg7[%dma_wait3A_2820, %dma_wait3A_2821, %dma_wait3A_2822] : memref<4x128x128xf32, #tpu.memory_space<vmem>> -> memref<1x128x128xf32, #tpu.memory_space<vmem>>
        %dma_wait3A_2824 = tpu.memref_squeeze %dma_wait3A_2823 : memref<1x128x128xf32, #tpu.memory_space<vmem>> -> memref<128x128xf32, #tpu.memory_space<vmem>>
        %dma_wait3A_2825 = arith.constant 0 : i32
        %dma_wait3A_2826 = arith.constant 0 : i32
        %dma_wait3A_2827 = tpu.memref_slice %arg4[%add3A_2819, %dma_wait3A_2825, %dma_wait3A_2826] : memref<4096x128x128xf32, #tpu.memory_space<hbm>> -> memref<1x128x128xf32, #tpu.memory_space<hbm>>
        %dma_wait3A_2828 = tpu.memref_squeeze %dma_wait3A_2827 : memref<1x128x128xf32, #tpu.memory_space<hbm>> -> memref<128x128xf32, #tpu.memory_space<hbm>>
        %dma_wait3A_2829 = arith.constant 0 : i32
        %dma_wait3A_2830 = arith.constant 0 : i32
        %dma_wait3A_2831 = tpu.memref_slice %arg4[%add3A_2819, %dma_wait3A_2829, %dma_wait3A_2830] : memref<4096x128x128xf32, #tpu.memory_space<hbm>> -> memref<1x128x128xf32, #tpu.memory_space<hbm>>
        %dma_wait3A_2832 = tpu.memref_squeeze %dma_wait3A_2831 : memref<1x128x128xf32, #tpu.memory_space<hbm>> -> memref<128x128xf32, #tpu.memory_space<hbm>>
        %dma_wait3A_2833 = arith.constant 0 : i32
        %dma_wait3A_2834 = arith.constant 0 : i32
        %dma_wait3A_2835 = tpu.memref_slice %arg7[%dma_wait3A_2820, %dma_wait3A_2833, %dma_wait3A_2834] : memref<4x128x128xf32, #tpu.memory_space<vmem>> -> memref<1x128x128xf32, #tpu.memory_space<vmem>>
        %dma_wait3A_2836 = tpu.memref_squeeze %dma_wait3A_2835 : memref<1x128x128xf32, #tpu.memory_space<vmem>> -> memref<128x128xf32, #tpu.memory_space<vmem>>
        tpu.wait_dma2 semaphore(%arg15 : memref<!tpu.dma_semaphore, #tpu.memory_space<semaphore_mem>>) src(%dma_wait3A_2836 : memref<128x128xf32, #tpu.memory_space<vmem>>) dst(%dma_wait3A_2832 : memref<128x128xf32, #tpu.memory_space<hbm>>)
      } else {
      }
      %jit3A_2495 = arith.constant 3 : i32
      %eq3A_2496 = arith.constant 0 : i32
      %eq3A_2497 = arith.cmpi eq, %jit3A_2495, %eq3A_2496 : i32
      %jit3A_2498 = arith.constant 1 : i32
      %select_n3A_2499 = arith.select %eq3A_2497, %jit3A_2498, %jit3A_2495 : i32
      %rem3A_2500 = arith.remsi %scan3A_2061, %select_n3A_2499 : i32
      %ne3A_2501 = arith.constant 0 : i32
      %ne3A_2502 = arith.cmpi ne, %rem3A_2500, %ne3A_2501 : i32
      %lt3A_2503 = arith.constant 0 : i32
      %lt3A_2504 = arith.cmpi slt, %rem3A_2500, %lt3A_2503 : i32
      %lt3A_2505 = arith.constant 0 : i32
      %lt3A_2506 = arith.cmpi slt, %select_n3A_2499, %lt3A_2505 : i32
      %ne3A_2507 = arith.xori %lt3A_2504, %lt3A_2506 : i1
      %and3A_2508 = arith.andi %ne3A_2507, %ne3A_2502 : i1
      %add3A_2509 = arith.addi %rem3A_2500, %select_n3A_2499 : i32
      %select_n3A_2510 = arith.select %and3A_2508, %add3A_2509, %rem3A_2500 : i32
      %dma_start3A_2511 = arith.constant 1 : i32
      %dma_start3A_2512 = arith.constant 0 : i32
      %dma_start3A_2513 = arith.constant 0 : i32
      %dma_start3A_2514 = tpu.memref_slice %arg7[%dma_start3A_2511, %dma_start3A_2512, %dma_start3A_2513] : memref<4x128x128xf32, #tpu.memory_space<vmem>> -> memref<1x128x128xf32, #tpu.memory_space<vmem>>
      %dma_start3A_2515 = tpu.memref_squeeze %dma_start3A_2514 : memref<1x128x128xf32, #tpu.memory_space<vmem>> -> memref<128x128xf32, #tpu.memory_space<vmem>>
      %dma_start3A_2516 = arith.constant 0 : i32
      %dma_start3A_2517 = tpu.memref_slice %arg6[%add3A_2489, %dma_start3A_2516] : memref<16x128xi32, #tpu.memory_space<vmem>> -> memref<1x128xi32, #tpu.memory_space<vmem>>
      %dma_start3A_2518 = tpu.memref_squeeze %dma_start3A_2517 : memref<1x128xi32, #tpu.memory_space<vmem>> -> memref<128xi32, #tpu.memory_space<vmem>>
      %dma_start3A_2519 = arith.constant 0 : i32
      %dma_start3A_2520 = arith.constant 0 : i32
      %dma_start3A_2521 = tpu.memref_slice %arg8[%select_n3A_2510, %dma_start3A_2519, %dma_start3A_2520] : memref<3x2048x128xf32, #tpu.memory_space<vmem_shared>> -> memref<1x2048x128xf32, #tpu.memory_space<vmem_shared>>
      %dma_start3A_2522 = tpu.memref_squeeze %dma_start3A_2521 : memref<1x2048x128xf32, #tpu.memory_space<vmem_shared>> -> memref<2048x128xf32, #tpu.memory_space<vmem_shared>>
      %dma_start3A_2523 = arith.constant 0 : i32
      %dma_start3A_2524 = arith.constant 0 : i32
      %dma_start3A_2525 = tpu.memref_slice %dma_start3A_2522[%dma_start3A_2523, %dma_start3A_2524] : memref<2048x128xf32, #tpu.memory_space<vmem_shared>> -> memref<2048x128xf32, #tpu.memory_space<vmem_shared>>
      tpu.enqueue_indirect_dma source(%dma_start3A_2525 : memref<2048x128xf32, #tpu.memory_space<vmem_shared>>) target(%dma_start3A_2515 : memref<128x128xf32, #tpu.memory_space<vmem>>) offsets(%dma_start3A_2518 : memref<128xi32, #tpu.memory_space<vmem>>) semaphore(%arg11 : memref<!tpu.dma_semaphore, #tpu.memory_space<semaphore_mem>>)
      %mul3A_2526 = arith.constant 8 : i32
      %mul3A_2527 = arith.muli %select_n3A_28, %mul3A_2526 : i32
      %add3A_2528 = arith.constant 3 : i32
      %add3A_2529 = arith.addi %mul3A_2527, %add3A_2528 : i32
      %jit3A_2530 = arith.constant 3 : i32
      %eq3A_2531 = arith.constant 0 : i32
      %eq3A_2532 = arith.cmpi eq, %jit3A_2530, %eq3A_2531 : i32
      %jit3A_2533 = arith.constant 1 : i32
      %select_n3A_2534 = arith.select %eq3A_2532, %jit3A_2533, %jit3A_2530 : i32
      %rem3A_2535 = arith.remsi %scan3A_2061, %select_n3A_2534 : i32
      %ne3A_2536 = arith.constant 0 : i32
      %ne3A_2537 = arith.cmpi ne, %rem3A_2535, %ne3A_2536 : i32
      %lt3A_2538 = arith.constant 0 : i32
      %lt3A_2539 = arith.cmpi slt, %rem3A_2535, %lt3A_2538 : i32
      %lt3A_2540 = arith.constant 0 : i32
      %lt3A_2541 = arith.cmpi slt, %select_n3A_2534, %lt3A_2540 : i32
      %ne3A_2542 = arith.xori %lt3A_2539, %lt3A_2541 : i1
      %and3A_2543 = arith.andi %ne3A_2542, %ne3A_2537 : i1
      %add3A_2544 = arith.addi %rem3A_2535, %select_n3A_2534 : i32
      %select_n3A_2545 = arith.select %and3A_2543, %add3A_2544, %rem3A_2535 : i32
      %dma_wait3A_2546 = arith.constant 3 : i32
      %dma_wait3A_2547 = arith.constant 0 : i32
      %dma_wait3A_2548 = arith.constant 0 : i32
      %dma_wait3A_2549 = tpu.memref_slice %arg7[%dma_wait3A_2546, %dma_wait3A_2547, %dma_wait3A_2548] : memref<4x128x128xf32, #tpu.memory_space<vmem>> -> memref<1x128x128xf32, #tpu.memory_space<vmem>>
      %dma_wait3A_2550 = tpu.memref_squeeze %dma_wait3A_2549 : memref<1x128x128xf32, #tpu.memory_space<vmem>> -> memref<128x128xf32, #tpu.memory_space<vmem>>
      %dma_wait3A_2551 = arith.constant 0 : i32
      %dma_wait3A_2552 = tpu.memref_slice %arg6[%add3A_2529, %dma_wait3A_2551] : memref<16x128xi32, #tpu.memory_space<vmem>> -> memref<1x128xi32, #tpu.memory_space<vmem>>
      %dma_wait3A_2553 = tpu.memref_squeeze %dma_wait3A_2552 : memref<1x128xi32, #tpu.memory_space<vmem>> -> memref<128xi32, #tpu.memory_space<vmem>>
      %dma_wait3A_2554 = arith.constant 0 : i32
      %dma_wait3A_2555 = arith.constant 0 : i32
      %dma_wait3A_2556 = tpu.memref_slice %arg8[%select_n3A_2545, %dma_wait3A_2554, %dma_wait3A_2555] : memref<3x2048x128xf32, #tpu.memory_space<vmem_shared>> -> memref<1x2048x128xf32, #tpu.memory_space<vmem_shared>>
      %dma_wait3A_2557 = tpu.memref_squeeze %dma_wait3A_2556 : memref<1x2048x128xf32, #tpu.memory_space<vmem_shared>> -> memref<2048x128xf32, #tpu.memory_space<vmem_shared>>
      %dma_wait3A_2558 = arith.constant 0 : i32
      %dma_wait3A_2559 = arith.constant 0 : i32
      %dma_wait3A_2560 = tpu.memref_slice %dma_wait3A_2557[%dma_wait3A_2558, %dma_wait3A_2559] : memref<2048x128xf32, #tpu.memory_space<vmem_shared>> -> memref<2048x128xf32, #tpu.memory_space<vmem_shared>>
      tpu.wait_indirect_dma semaphore(%arg13 : memref<!tpu.dma_semaphore, #tpu.memory_space<semaphore_mem>>) src(%dma_wait3A_2560 : memref<2048x128xf32, #tpu.memory_space<vmem_shared>>) dst(%dma_wait3A_2550 : memref<128x128xf32, #tpu.memory_space<vmem>>)
      %mul3A_2561 = arith.constant 512 : i32
      %mul3A_2562 = arith.muli %select_n3A, %mul3A_2561 : i32
      %add3A_2563 = arith.addi %mul3A_2562, %mul3A_29 : i32
      %mul3A_2564 = arith.constant 16 : i32
      %mul3A_2565 = arith.muli %scan3A_2061, %mul3A_2564 : i32
      %add3A_2566 = arith.addi %add3A_2563, %mul3A_2565 : i32
      %mul3A_2567 = arith.constant 8 : i32
      %mul3A_2568 = arith.muli %select_n3A_28, %mul3A_2567 : i32
      %add3A_2569 = arith.addi %add3A_2566, %mul3A_2568 : i32
      %add3A_2570 = arith.constant 3 : i32
      %add3A_2571 = arith.addi %add3A_2569, %add3A_2570 : i32
      %dma_start3A_2572 = arith.constant 3 : i32
      %dma_start3A_2573 = arith.constant 0 : i32
      %dma_start3A_2574 = arith.constant 0 : i32
      %dma_start3A_2575 = tpu.memref_slice %arg7[%dma_start3A_2572, %dma_start3A_2573, %dma_start3A_2574] : memref<4x128x128xf32, #tpu.memory_space<vmem>> -> memref<1x128x128xf32, #tpu.memory_space<vmem>>
      %dma_start3A_2576 = tpu.memref_squeeze %dma_start3A_2575 : memref<1x128x128xf32, #tpu.memory_space<vmem>> -> memref<128x128xf32, #tpu.memory_space<vmem>>
      %dma_start3A_2577 = arith.constant 0 : i32
      %dma_start3A_2578 = arith.constant 0 : i32
      %dma_start3A_2579 = tpu.memref_slice %arg4[%add3A_2571, %dma_start3A_2577, %dma_start3A_2578] : memref<4096x128x128xf32, #tpu.memory_space<hbm>> -> memref<1x128x128xf32, #tpu.memory_space<hbm>>
      %dma_start3A_2580 = tpu.memref_squeeze %dma_start3A_2579 : memref<1x128x128xf32, #tpu.memory_space<hbm>> -> memref<128x128xf32, #tpu.memory_space<hbm>>
      %dma_start3A_2581 = arith.constant 0 : i32
      %dma_start3A_2582 = arith.constant 0 : i32
      %dma_start3A_2583 = tpu.memref_slice %arg4[%add3A_2571, %dma_start3A_2581, %dma_start3A_2582] : memref<4096x128x128xf32, #tpu.memory_space<hbm>> -> memref<1x128x128xf32, #tpu.memory_space<hbm>>
      %dma_start3A_2584 = tpu.memref_squeeze %dma_start3A_2583 : memref<1x128x128xf32, #tpu.memory_space<hbm>> -> memref<128x128xf32, #tpu.memory_space<hbm>>
      %dma_start3A_2585 = arith.constant 0 : i32
      %dma_start3A_2586 = arith.constant 0 : i32
      %dma_start3A_2587 = tpu.memref_slice %arg7[%dma_start3A_2572, %dma_start3A_2585, %dma_start3A_2586] : memref<4x128x128xf32, #tpu.memory_space<vmem>> -> memref<1x128x128xf32, #tpu.memory_space<vmem>>
      %dma_start3A_2588 = tpu.memref_squeeze %dma_start3A_2587 : memref<1x128x128xf32, #tpu.memory_space<vmem>> -> memref<128x128xf32, #tpu.memory_space<vmem>>
      tpu.enqueue_dma source(%dma_start3A_2588 : memref<128x128xf32, #tpu.memory_space<vmem>>) target(%dma_start3A_2584 : memref<128x128xf32, #tpu.memory_space<hbm>>) target_semaphore(%arg17 : memref<!tpu.dma_semaphore, #tpu.memory_space<semaphore_mem>>)
      %mul3A_2589 = arith.constant 8 : i32
      %mul3A_2590 = arith.muli %scan3A_2061, %mul3A_2589 : i32
      %add3A_2591 = arith.constant 6 : i32
      %add3A_2592 = arith.addi %mul3A_2590, %add3A_2591 : i32
      %mul3A_2593 = arith.constant 8 : i32
      %mul3A_2594 = arith.muli %select_n3A_28, %mul3A_2593 : i32
      %add3A_2595 = arith.constant 6 : i32
      %add3A_2596 = arith.addi %mul3A_2594, %add3A_2595 : i32
      %ge3A_2597 = arith.constant 4 : i32
      %ge3A_2598 = arith.cmpi sge, %add3A_2592, %ge3A_2597 : i32
      %convert_element_type3A_2599 = arith.extui %ge3A_2598 : i1 to i32
      %cond3A_2600 = arith.constant 0 : i32
      %cond3A_2601 = arith.cmpi ne, %convert_element_type3A_2599, %cond3A_2600 : i32
      scf.if %cond3A_2601 {
        %mul3A_2809 = arith.constant 512 : i32
        %mul3A_2810 = arith.muli %select_n3A, %mul3A_2809 : i32
        %add3A_2811 = arith.addi %mul3A_2810, %mul3A_29 : i32
        %mul3A_2812 = arith.constant 16 : i32
        %mul3A_2813 = arith.muli %scan3A_2061, %mul3A_2812 : i32
        %add3A_2814 = arith.addi %add3A_2811, %mul3A_2813 : i32
        %mul3A_2815 = arith.constant 8 : i32
        %mul3A_2816 = arith.muli %select_n3A_28, %mul3A_2815 : i32
        %add3A_2817 = arith.addi %add3A_2814, %mul3A_2816 : i32
        %add3A_2818 = arith.constant 6 : i32
        %add3A_2819 = arith.addi %add3A_2817, %add3A_2818 : i32
        %dma_wait3A_2820 = arith.constant 2 : i32
        %dma_wait3A_2821 = arith.constant 0 : i32
        %dma_wait3A_2822 = arith.constant 0 : i32
        %dma_wait3A_2823 = tpu.memref_slice %arg7[%dma_wait3A_2820, %dma_wait3A_2821, %dma_wait3A_2822] : memref<4x128x128xf32, #tpu.memory_space<vmem>> -> memref<1x128x128xf32, #tpu.memory_space<vmem>>
        %dma_wait3A_2824 = tpu.memref_squeeze %dma_wait3A_2823 : memref<1x128x128xf32, #tpu.memory_space<vmem>> -> memref<128x128xf32, #tpu.memory_space<vmem>>
        %dma_wait3A_2825 = arith.constant 0 : i32
        %dma_wait3A_2826 = arith.constant 0 : i32
        %dma_wait3A_2827 = tpu.memref_slice %arg4[%add3A_2819, %dma_wait3A_2825, %dma_wait3A_2826] : memref<4096x128x128xf32, #tpu.memory_space<hbm>> -> memref<1x128x128xf32, #tpu.memory_space<hbm>>
        %dma_wait3A_2828 = tpu.memref_squeeze %dma_wait3A_2827 : memref<1x128x128xf32, #tpu.memory_space<hbm>> -> memref<128x128xf32, #tpu.memory_space<hbm>>
        %dma_wait3A_2829 = arith.constant 0 : i32
        %dma_wait3A_2830 = arith.constant 0 : i32
        %dma_wait3A_2831 = tpu.memref_slice %arg4[%add3A_2819, %dma_wait3A_2829, %dma_wait3A_2830] : memref<4096x128x128xf32, #tpu.memory_space<hbm>> -> memref<1x128x128xf32, #tpu.memory_space<hbm>>
        %dma_wait3A_2832 = tpu.memref_squeeze %dma_wait3A_2831 : memref<1x128x128xf32, #tpu.memory_space<hbm>> -> memref<128x128xf32, #tpu.memory_space<hbm>>
        %dma_wait3A_2833 = arith.constant 0 : i32
        %dma_wait3A_2834 = arith.constant 0 : i32
        %dma_wait3A_2835 = tpu.memref_slice %arg7[%dma_wait3A_2820, %dma_wait3A_2833, %dma_wait3A_2834] : memref<4x128x128xf32, #tpu.memory_space<vmem>> -> memref<1x128x128xf32, #tpu.memory_space<vmem>>
        %dma_wait3A_2836 = tpu.memref_squeeze %dma_wait3A_2835 : memref<1x128x128xf32, #tpu.memory_space<vmem>> -> memref<128x128xf32, #tpu.memory_space<vmem>>
        tpu.wait_dma2 semaphore(%arg16 : memref<!tpu.dma_semaphore, #tpu.memory_space<semaphore_mem>>) src(%dma_wait3A_2836 : memref<128x128xf32, #tpu.memory_space<vmem>>) dst(%dma_wait3A_2832 : memref<128x128xf32, #tpu.memory_space<hbm>>)
      } else {
      }
      %jit3A_2602 = arith.constant 3 : i32
      %eq3A_2603 = arith.constant 0 : i32
      %eq3A_2604 = arith.cmpi eq, %jit3A_2602, %eq3A_2603 : i32
      %jit3A_2605 = arith.constant 1 : i32
      %select_n3A_2606 = arith.select %eq3A_2604, %jit3A_2605, %jit3A_2602 : i32
      %rem3A_2607 = arith.remsi %scan3A_2061, %select_n3A_2606 : i32
      %ne3A_2608 = arith.constant 0 : i32
      %ne3A_2609 = arith.cmpi ne, %rem3A_2607, %ne3A_2608 : i32
      %lt3A_2610 = arith.constant 0 : i32
      %lt3A_2611 = arith.cmpi slt, %rem3A_2607, %lt3A_2610 : i32
      %lt3A_2612 = arith.constant 0 : i32
      %lt3A_2613 = arith.cmpi slt, %select_n3A_2606, %lt3A_2612 : i32
      %ne3A_2614 = arith.xori %lt3A_2611, %lt3A_2613 : i1
      %and3A_2615 = arith.andi %ne3A_2614, %ne3A_2609 : i1
      %add3A_2616 = arith.addi %rem3A_2607, %select_n3A_2606 : i32
      %select_n3A_2617 = arith.select %and3A_2615, %add3A_2616, %rem3A_2607 : i32
      %dma_start3A_2618 = arith.constant 2 : i32
      %dma_start3A_2619 = arith.constant 0 : i32
      %dma_start3A_2620 = arith.constant 0 : i32
      %dma_start3A_2621 = tpu.memref_slice %arg7[%dma_start3A_2618, %dma_start3A_2619, %dma_start3A_2620] : memref<4x128x128xf32, #tpu.memory_space<vmem>> -> memref<1x128x128xf32, #tpu.memory_space<vmem>>
      %dma_start3A_2622 = tpu.memref_squeeze %dma_start3A_2621 : memref<1x128x128xf32, #tpu.memory_space<vmem>> -> memref<128x128xf32, #tpu.memory_space<vmem>>
      %dma_start3A_2623 = arith.constant 0 : i32
      %dma_start3A_2624 = tpu.memref_slice %arg6[%add3A_2596, %dma_start3A_2623] : memref<16x128xi32, #tpu.memory_space<vmem>> -> memref<1x128xi32, #tpu.memory_space<vmem>>
      %dma_start3A_2625 = tpu.memref_squeeze %dma_start3A_2624 : memref<1x128xi32, #tpu.memory_space<vmem>> -> memref<128xi32, #tpu.memory_space<vmem>>
      %dma_start3A_2626 = arith.constant 0 : i32
      %dma_start3A_2627 = arith.constant 0 : i32
      %dma_start3A_2628 = tpu.memref_slice %arg8[%select_n3A_2617, %dma_start3A_2626, %dma_start3A_2627] : memref<3x2048x128xf32, #tpu.memory_space<vmem_shared>> -> memref<1x2048x128xf32, #tpu.memory_space<vmem_shared>>
      %dma_start3A_2629 = tpu.memref_squeeze %dma_start3A_2628 : memref<1x2048x128xf32, #tpu.memory_space<vmem_shared>> -> memref<2048x128xf32, #tpu.memory_space<vmem_shared>>
      %dma_start3A_2630 = arith.constant 0 : i32
      %dma_start3A_2631 = arith.constant 0 : i32
      %dma_start3A_2632 = tpu.memref_slice %dma_start3A_2629[%dma_start3A_2630, %dma_start3A_2631] : memref<2048x128xf32, #tpu.memory_space<vmem_shared>> -> memref<2048x128xf32, #tpu.memory_space<vmem_shared>>
      tpu.enqueue_indirect_dma source(%dma_start3A_2632 : memref<2048x128xf32, #tpu.memory_space<vmem_shared>>) target(%dma_start3A_2622 : memref<128x128xf32, #tpu.memory_space<vmem>>) offsets(%dma_start3A_2625 : memref<128xi32, #tpu.memory_space<vmem>>) semaphore(%arg12 : memref<!tpu.dma_semaphore, #tpu.memory_space<semaphore_mem>>)
      %mul3A_2633 = arith.constant 8 : i32
      %mul3A_2634 = arith.muli %select_n3A_28, %mul3A_2633 : i32
      %add3A_2635 = arith.constant 4 : i32
      %add3A_2636 = arith.addi %mul3A_2634, %add3A_2635 : i32
      %jit3A_2637 = arith.constant 3 : i32
      %eq3A_2638 = arith.constant 0 : i32
      %eq3A_2639 = arith.cmpi eq, %jit3A_2637, %eq3A_2638 : i32
      %jit3A_2640 = arith.constant 1 : i32
      %select_n3A_2641 = arith.select %eq3A_2639, %jit3A_2640, %jit3A_2637 : i32
      %rem3A_2642 = arith.remsi %scan3A_2061, %select_n3A_2641 : i32
      %ne3A_2643 = arith.constant 0 : i32
      %ne3A_2644 = arith.cmpi ne, %rem3A_2642, %ne3A_2643 : i32
      %lt3A_2645 = arith.constant 0 : i32
      %lt3A_2646 = arith.cmpi slt, %rem3A_2642, %lt3A_2645 : i32
      %lt3A_2647 = arith.constant 0 : i32
      %lt3A_2648 = arith.cmpi slt, %select_n3A_2641, %lt3A_2647 : i32
      %ne3A_2649 = arith.xori %lt3A_2646, %lt3A_2648 : i1
      %and3A_2650 = arith.andi %ne3A_2649, %ne3A_2644 : i1
      %add3A_2651 = arith.addi %rem3A_2642, %select_n3A_2641 : i32
      %select_n3A_2652 = arith.select %and3A_2650, %add3A_2651, %rem3A_2642 : i32
      %dma_wait3A_2653 = arith.constant 0 : i32
      %dma_wait3A_2654 = arith.constant 0 : i32
      %dma_wait3A_2655 = arith.constant 0 : i32
      %dma_wait3A_2656 = tpu.memref_slice %arg7[%dma_wait3A_2653, %dma_wait3A_2654, %dma_wait3A_2655] : memref<4x128x128xf32, #tpu.memory_space<vmem>> -> memref<1x128x128xf32, #tpu.memory_space<vmem>>
      %dma_wait3A_2657 = tpu.memref_squeeze %dma_wait3A_2656 : memref<1x128x128xf32, #tpu.memory_space<vmem>> -> memref<128x128xf32, #tpu.memory_space<vmem>>
      %dma_wait3A_2658 = arith.constant 0 : i32
      %dma_wait3A_2659 = tpu.memref_slice %arg6[%add3A_2636, %dma_wait3A_2658] : memref<16x128xi32, #tpu.memory_space<vmem>> -> memref<1x128xi32, #tpu.memory_space<vmem>>
      %dma_wait3A_2660 = tpu.memref_squeeze %dma_wait3A_2659 : memref<1x128xi32, #tpu.memory_space<vmem>> -> memref<128xi32, #tpu.memory_space<vmem>>
      %dma_wait3A_2661 = arith.constant 0 : i32
      %dma_wait3A_2662 = arith.constant 0 : i32
      %dma_wait3A_2663 = tpu.memref_slice %arg8[%select_n3A_2652, %dma_wait3A_2661, %dma_wait3A_2662] : memref<3x2048x128xf32, #tpu.memory_space<vmem_shared>> -> memref<1x2048x128xf32, #tpu.memory_space<vmem_shared>>
      %dma_wait3A_2664 = tpu.memref_squeeze %dma_wait3A_2663 : memref<1x2048x128xf32, #tpu.memory_space<vmem_shared>> -> memref<2048x128xf32, #tpu.memory_space<vmem_shared>>
      %dma_wait3A_2665 = arith.constant 0 : i32
      %dma_wait3A_2666 = arith.constant 0 : i32
      %dma_wait3A_2667 = tpu.memref_slice %dma_wait3A_2664[%dma_wait3A_2665, %dma_wait3A_2666] : memref<2048x128xf32, #tpu.memory_space<vmem_shared>> -> memref<2048x128xf32, #tpu.memory_space<vmem_shared>>
      tpu.wait_indirect_dma semaphore(%arg10 : memref<!tpu.dma_semaphore, #tpu.memory_space<semaphore_mem>>) src(%dma_wait3A_2667 : memref<2048x128xf32, #tpu.memory_space<vmem_shared>>) dst(%dma_wait3A_2657 : memref<128x128xf32, #tpu.memory_space<vmem>>)
      %mul3A_2668 = arith.constant 512 : i32
      %mul3A_2669 = arith.muli %select_n3A, %mul3A_2668 : i32
      %add3A_2670 = arith.addi %mul3A_2669, %mul3A_29 : i32
      %mul3A_2671 = arith.constant 16 : i32
      %mul3A_2672 = arith.muli %scan3A_2061, %mul3A_2671 : i32
      %add3A_2673 = arith.addi %add3A_2670, %mul3A_2672 : i32
      %mul3A_2674 = arith.constant 8 : i32
      %mul3A_2675 = arith.muli %select_n3A_28, %mul3A_2674 : i32
      %add3A_2676 = arith.addi %add3A_2673, %mul3A_2675 : i32
      %add3A_2677 = arith.constant 4 : i32
      %add3A_2678 = arith.addi %add3A_2676, %add3A_2677 : i32
      %dma_start3A_2679 = arith.constant 0 : i32
      %dma_start3A_2680 = arith.constant 0 : i32
      %dma_start3A_2681 = arith.constant 0 : i32
      %dma_start3A_2682 = tpu.memref_slice %arg7[%dma_start3A_2679, %dma_start3A_2680, %dma_start3A_2681] : memref<4x128x128xf32, #tpu.memory_space<vmem>> -> memref<1x128x128xf32, #tpu.memory_space<vmem>>
      %dma_start3A_2683 = tpu.memref_squeeze %dma_start3A_2682 : memref<1x128x128xf32, #tpu.memory_space<vmem>> -> memref<128x128xf32, #tpu.memory_space<vmem>>
      %dma_start3A_2684 = arith.constant 0 : i32
      %dma_start3A_2685 = arith.constant 0 : i32
      %dma_start3A_2686 = tpu.memref_slice %arg4[%add3A_2678, %dma_start3A_2684, %dma_start3A_2685] : memref<4096x128x128xf32, #tpu.memory_space<hbm>> -> memref<1x128x128xf32, #tpu.memory_space<hbm>>
      %dma_start3A_2687 = tpu.memref_squeeze %dma_start3A_2686 : memref<1x128x128xf32, #tpu.memory_space<hbm>> -> memref<128x128xf32, #tpu.memory_space<hbm>>
      %dma_start3A_2688 = arith.constant 0 : i32
      %dma_start3A_2689 = arith.constant 0 : i32
      %dma_start3A_2690 = tpu.memref_slice %arg4[%add3A_2678, %dma_start3A_2688, %dma_start3A_2689] : memref<4096x128x128xf32, #tpu.memory_space<hbm>> -> memref<1x128x128xf32, #tpu.memory_space<hbm>>
      %dma_start3A_2691 = tpu.memref_squeeze %dma_start3A_2690 : memref<1x128x128xf32, #tpu.memory_space<hbm>> -> memref<128x128xf32, #tpu.memory_space<hbm>>
      %dma_start3A_2692 = arith.constant 0 : i32
      %dma_start3A_2693 = arith.constant 0 : i32
      %dma_start3A_2694 = tpu.memref_slice %arg7[%dma_start3A_2679, %dma_start3A_2692, %dma_start3A_2693] : memref<4x128x128xf32, #tpu.memory_space<vmem>> -> memref<1x128x128xf32, #tpu.memory_space<vmem>>
      %dma_start3A_2695 = tpu.memref_squeeze %dma_start3A_2694 : memref<1x128x128xf32, #tpu.memory_space<vmem>> -> memref<128x128xf32, #tpu.memory_space<vmem>>
      tpu.enqueue_dma source(%dma_start3A_2695 : memref<128x128xf32, #tpu.memory_space<vmem>>) target(%dma_start3A_2691 : memref<128x128xf32, #tpu.memory_space<hbm>>) target_semaphore(%arg14 : memref<!tpu.dma_semaphore, #tpu.memory_space<semaphore_mem>>)
      %mul3A_2696 = arith.constant 8 : i32
      %mul3A_2697 = arith.muli %scan3A_2061, %mul3A_2696 : i32
      %add3A_2698 = arith.constant 7 : i32
      %add3A_2699 = arith.addi %mul3A_2697, %add3A_2698 : i32
      %mul3A_2700 = arith.constant 8 : i32
      %mul3A_2701 = arith.muli %select_n3A_28, %mul3A_2700 : i32
      %add3A_2702 = arith.constant 7 : i32
      %add3A_2703 = arith.addi %mul3A_2701, %add3A_2702 : i32
      %ge3A_2704 = arith.constant 4 : i32
      %ge3A_2705 = arith.cmpi sge, %add3A_2699, %ge3A_2704 : i32
      %convert_element_type3A_2706 = arith.extui %ge3A_2705 : i1 to i32
      %cond3A_2707 = arith.constant 0 : i32
      %cond3A_2708 = arith.cmpi ne, %convert_element_type3A_2706, %cond3A_2707 : i32
      scf.if %cond3A_2708 {
        %mul3A_2809 = arith.constant 512 : i32
        %mul3A_2810 = arith.muli %select_n3A, %mul3A_2809 : i32
        %add3A_2811 = arith.addi %mul3A_2810, %mul3A_29 : i32
        %mul3A_2812 = arith.constant 16 : i32
        %mul3A_2813 = arith.muli %scan3A_2061, %mul3A_2812 : i32
        %add3A_2814 = arith.addi %add3A_2811, %mul3A_2813 : i32
        %mul3A_2815 = arith.constant 8 : i32
        %mul3A_2816 = arith.muli %select_n3A_28, %mul3A_2815 : i32
        %add3A_2817 = arith.addi %add3A_2814, %mul3A_2816 : i32
        %add3A_2818 = arith.constant 7 : i32
        %add3A_2819 = arith.addi %add3A_2817, %add3A_2818 : i32
        %dma_wait3A_2820 = arith.constant 3 : i32
        %dma_wait3A_2821 = arith.constant 0 : i32
        %dma_wait3A_2822 = arith.constant 0 : i32
        %dma_wait3A_2823 = tpu.memref_slice %arg7[%dma_wait3A_2820, %dma_wait3A_2821, %dma_wait3A_2822] : memref<4x128x128xf32, #tpu.memory_space<vmem>> -> memref<1x128x128xf32, #tpu.memory_space<vmem>>
        %dma_wait3A_2824 = tpu.memref_squeeze %dma_wait3A_2823 : memref<1x128x128xf32, #tpu.memory_space<vmem>> -> memref<128x128xf32, #tpu.memory_space<vmem>>
        %dma_wait3A_2825 = arith.constant 0 : i32
        %dma_wait3A_2826 = arith.constant 0 : i32
        %dma_wait3A_2827 = tpu.memref_slice %arg4[%add3A_2819, %dma_wait3A_2825, %dma_wait3A_2826] : memref<4096x128x128xf32, #tpu.memory_space<hbm>> -> memref<1x128x128xf32, #tpu.memory_space<hbm>>
        %dma_wait3A_2828 = tpu.memref_squeeze %dma_wait3A_2827 : memref<1x128x128xf32, #tpu.memory_space<hbm>> -> memref<128x128xf32, #tpu.memory_space<hbm>>
        %dma_wait3A_2829 = arith.constant 0 : i32
        %dma_wait3A_2830 = arith.constant 0 : i32
        %dma_wait3A_2831 = tpu.memref_slice %arg4[%add3A_2819, %dma_wait3A_2829, %dma_wait3A_2830] : memref<4096x128x128xf32, #tpu.memory_space<hbm>> -> memref<1x128x128xf32, #tpu.memory_space<hbm>>
        %dma_wait3A_2832 = tpu.memref_squeeze %dma_wait3A_2831 : memref<1x128x128xf32, #tpu.memory_space<hbm>> -> memref<128x128xf32, #tpu.memory_space<hbm>>
        %dma_wait3A_2833 = arith.constant 0 : i32
        %dma_wait3A_2834 = arith.constant 0 : i32
        %dma_wait3A_2835 = tpu.memref_slice %arg7[%dma_wait3A_2820, %dma_wait3A_2833, %dma_wait3A_2834] : memref<4x128x128xf32, #tpu.memory_space<vmem>> -> memref<1x128x128xf32, #tpu.memory_space<vmem>>
        %dma_wait3A_2836 = tpu.memref_squeeze %dma_wait3A_2835 : memref<1x128x128xf32, #tpu.memory_space<vmem>> -> memref<128x128xf32, #tpu.memory_space<vmem>>
        tpu.wait_dma2 semaphore(%arg17 : memref<!tpu.dma_semaphore, #tpu.memory_space<semaphore_mem>>) src(%dma_wait3A_2836 : memref<128x128xf32, #tpu.memory_space<vmem>>) dst(%dma_wait3A_2832 : memref<128x128xf32, #tpu.memory_space<hbm>>)
      } else {
      }
      %jit3A_2709 = arith.constant 3 : i32
      %eq3A_2710 = arith.constant 0 : i32
      %eq3A_2711 = arith.cmpi eq, %jit3A_2709, %eq3A_2710 : i32
      %jit3A_2712 = arith.constant 1 : i32
      %select_n3A_2713 = arith.select %eq3A_2711, %jit3A_2712, %jit3A_2709 : i32
      %rem3A_2714 = arith.remsi %scan3A_2061, %select_n3A_2713 : i32
      %ne3A_2715 = arith.constant 0 : i32
      %ne3A_2716 = arith.cmpi ne, %rem3A_2714, %ne3A_2715 : i32
      %lt3A_2717 = arith.constant 0 : i32
      %lt3A_2718 = arith.cmpi slt, %rem3A_2714, %lt3A_2717 : i32
      %lt3A_2719 = arith.constant 0 : i32
      %lt3A_2720 = arith.cmpi slt, %select_n3A_2713, %lt3A_2719 : i32
      %ne3A_2721 = arith.xori %lt3A_2718, %lt3A_2720 : i1
      %and3A_2722 = arith.andi %ne3A_2721, %ne3A_2716 : i1
      %add3A_2723 = arith.addi %rem3A_2714, %select_n3A_2713 : i32
      %select_n3A_2724 = arith.select %and3A_2722, %add3A_2723, %rem3A_2714 : i32
      %dma_start3A_2725 = arith.constant 3 : i32
      %dma_start3A_2726 = arith.constant 0 : i32
      %dma_start3A_2727 = arith.constant 0 : i32
      %dma_start3A_2728 = tpu.memref_slice %arg7[%dma_start3A_2725, %dma_start3A_2726, %dma_start3A_2727] : memref<4x128x128xf32, #tpu.memory_space<vmem>> -> memref<1x128x128xf32, #tpu.memory_space<vmem>>
      %dma_start3A_2729 = tpu.memref_squeeze %dma_start3A_2728 : memref<1x128x128xf32, #tpu.memory_space<vmem>> -> memref<128x128xf32, #tpu.memory_space<vmem>>
      %dma_start3A_2730 = arith.constant 0 : i32
      %dma_start3A_2731 = tpu.memref_slice %arg6[%add3A_2703, %dma_start3A_2730] : memref<16x128xi32, #tpu.memory_space<vmem>> -> memref<1x128xi32, #tpu.memory_space<vmem>>
      %dma_start3A_2732 = tpu.memref_squeeze %dma_start3A_2731 : memref<1x128xi32, #tpu.memory_space<vmem>> -> memref<128xi32, #tpu.memory_space<vmem>>
      %dma_start3A_2733 = arith.constant 0 : i32
      %dma_start3A_2734 = arith.constant 0 : i32
      %dma_start3A_2735 = tpu.memref_slice %arg8[%select_n3A_2724, %dma_start3A_2733, %dma_start3A_2734] : memref<3x2048x128xf32, #tpu.memory_space<vmem_shared>> -> memref<1x2048x128xf32, #tpu.memory_space<vmem_shared>>
      %dma_start3A_2736 = tpu.memref_squeeze %dma_start3A_2735 : memref<1x2048x128xf32, #tpu.memory_space<vmem_shared>> -> memref<2048x128xf32, #tpu.memory_space<vmem_shared>>
      %dma_start3A_2737 = arith.constant 0 : i32
      %dma_start3A_2738 = arith.constant 0 : i32
      %dma_start3A_2739 = tpu.memref_slice %dma_start3A_2736[%dma_start3A_2737, %dma_start3A_2738] : memref<2048x128xf32, #tpu.memory_space<vmem_shared>> -> memref<2048x128xf32, #tpu.memory_space<vmem_shared>>
      tpu.enqueue_indirect_dma source(%dma_start3A_2739 : memref<2048x128xf32, #tpu.memory_space<vmem_shared>>) target(%dma_start3A_2729 : memref<128x128xf32, #tpu.memory_space<vmem>>) offsets(%dma_start3A_2732 : memref<128xi32, #tpu.memory_space<vmem>>) semaphore(%arg13 : memref<!tpu.dma_semaphore, #tpu.memory_space<semaphore_mem>>)
      %mul3A_2740 = arith.constant 8 : i32
      %mul3A_2741 = arith.muli %select_n3A_28, %mul3A_2740 : i32
      %add3A_2742 = arith.constant 5 : i32
      %add3A_2743 = arith.addi %mul3A_2741, %add3A_2742 : i32
      %jit3A_2744 = arith.constant 3 : i32
      %eq3A_2745 = arith.constant 0 : i32
      %eq3A_2746 = arith.cmpi eq, %jit3A_2744, %eq3A_2745 : i32
      %jit3A_2747 = arith.constant 1 : i32
      %select_n3A_2748 = arith.select %eq3A_2746, %jit3A_2747, %jit3A_2744 : i32
      %rem3A_2749 = arith.remsi %scan3A_2061, %select_n3A_2748 : i32
      %ne3A_2750 = arith.constant 0 : i32
      %ne3A_2751 = arith.cmpi ne, %rem3A_2749, %ne3A_2750 : i32
      %lt3A_2752 = arith.constant 0 : i32
      %lt3A_2753 = arith.cmpi slt, %rem3A_2749, %lt3A_2752 : i32
      %lt3A_2754 = arith.constant 0 : i32
      %lt3A_2755 = arith.cmpi slt, %select_n3A_2748, %lt3A_2754 : i32
      %ne3A_2756 = arith.xori %lt3A_2753, %lt3A_2755 : i1
      %and3A_2757 = arith.andi %ne3A_2756, %ne3A_2751 : i1
      %add3A_2758 = arith.addi %rem3A_2749, %select_n3A_2748 : i32
      %select_n3A_2759 = arith.select %and3A_2757, %add3A_2758, %rem3A_2749 : i32
      %dma_wait3A_2760 = arith.constant 1 : i32
      %dma_wait3A_2761 = arith.constant 0 : i32
      %dma_wait3A_2762 = arith.constant 0 : i32
      %dma_wait3A_2763 = tpu.memref_slice %arg7[%dma_wait3A_2760, %dma_wait3A_2761, %dma_wait3A_2762] : memref<4x128x128xf32, #tpu.memory_space<vmem>> -> memref<1x128x128xf32, #tpu.memory_space<vmem>>
      %dma_wait3A_2764 = tpu.memref_squeeze %dma_wait3A_2763 : memref<1x128x128xf32, #tpu.memory_space<vmem>> -> memref<128x128xf32, #tpu.memory_space<vmem>>
      %dma_wait3A_2765 = arith.constant 0 : i32
      %dma_wait3A_2766 = tpu.memref_slice %arg6[%add3A_2743, %dma_wait3A_2765] : memref<16x128xi32, #tpu.memory_space<vmem>> -> memref<1x128xi32, #tpu.memory_space<vmem>>
      %dma_wait3A_2767 = tpu.memref_squeeze %dma_wait3A_2766 : memref<1x128xi32, #tpu.memory_space<vmem>> -> memref<128xi32, #tpu.memory_space<vmem>>
      %dma_wait3A_2768 = arith.constant 0 : i32
      %dma_wait3A_2769 = arith.constant 0 : i32
      %dma_wait3A_2770 = tpu.memref_slice %arg8[%select_n3A_2759, %dma_wait3A_2768, %dma_wait3A_2769] : memref<3x2048x128xf32, #tpu.memory_space<vmem_shared>> -> memref<1x2048x128xf32, #tpu.memory_space<vmem_shared>>
      %dma_wait3A_2771 = tpu.memref_squeeze %dma_wait3A_2770 : memref<1x2048x128xf32, #tpu.memory_space<vmem_shared>> -> memref<2048x128xf32, #tpu.memory_space<vmem_shared>>
      %dma_wait3A_2772 = arith.constant 0 : i32
      %dma_wait3A_2773 = arith.constant 0 : i32
      %dma_wait3A_2774 = tpu.memref_slice %dma_wait3A_2771[%dma_wait3A_2772, %dma_wait3A_2773] : memref<2048x128xf32, #tpu.memory_space<vmem_shared>> -> memref<2048x128xf32, #tpu.memory_space<vmem_shared>>
      tpu.wait_indirect_dma semaphore(%arg11 : memref<!tpu.dma_semaphore, #tpu.memory_space<semaphore_mem>>) src(%dma_wait3A_2774 : memref<2048x128xf32, #tpu.memory_space<vmem_shared>>) dst(%dma_wait3A_2764 : memref<128x128xf32, #tpu.memory_space<vmem>>)
      %mul3A_2775 = arith.constant 512 : i32
      %mul3A_2776 = arith.muli %select_n3A, %mul3A_2775 : i32
      %add3A_2777 = arith.addi %mul3A_2776, %mul3A_29 : i32
      %mul3A_2778 = arith.constant 16 : i32
      %mul3A_2779 = arith.muli %scan3A_2061, %mul3A_2778 : i32
      %add3A_2780 = arith.addi %add3A_2777, %mul3A_2779 : i32
      %mul3A_2781 = arith.constant 8 : i32
      %mul3A_2782 = arith.muli %select_n3A_28, %mul3A_2781 : i32
      %add3A_2783 = arith.addi %add3A_2780, %mul3A_2782 : i32
      %add3A_2784 = arith.constant 5 : i32
      %add3A_2785 = arith.addi %add3A_2783, %add3A_2784 : i32
      %dma_start3A_2786 = arith.constant 1 : i32
      %dma_start3A_2787 = arith.constant 0 : i32
      %dma_start3A_2788 = arith.constant 0 : i32
      %dma_start3A_2789 = tpu.memref_slice %arg7[%dma_start3A_2786, %dma_start3A_2787, %dma_start3A_2788] : memref<4x128x128xf32, #tpu.memory_space<vmem>> -> memref<1x128x128xf32, #tpu.memory_space<vmem>>
      %dma_start3A_2790 = tpu.memref_squeeze %dma_start3A_2789 : memref<1x128x128xf32, #tpu.memory_space<vmem>> -> memref<128x128xf32, #tpu.memory_space<vmem>>
      %dma_start3A_2791 = arith.constant 0 : i32
      %dma_start3A_2792 = arith.constant 0 : i32
      %dma_start3A_2793 = tpu.memref_slice %arg4[%add3A_2785, %dma_start3A_2791, %dma_start3A_2792] : memref<4096x128x128xf32, #tpu.memory_space<hbm>> -> memref<1x128x128xf32, #tpu.memory_space<hbm>>
      %dma_start3A_2794 = tpu.memref_squeeze %dma_start3A_2793 : memref<1x128x128xf32, #tpu.memory_space<hbm>> -> memref<128x128xf32, #tpu.memory_space<hbm>>
      %dma_start3A_2795 = arith.constant 0 : i32
      %dma_start3A_2796 = arith.constant 0 : i32
      %dma_start3A_2797 = tpu.memref_slice %arg4[%add3A_2785, %dma_start3A_2795, %dma_start3A_2796] : memref<4096x128x128xf32, #tpu.memory_space<hbm>> -> memref<1x128x128xf32, #tpu.memory_space<hbm>>
      %dma_start3A_2798 = tpu.memref_squeeze %dma_start3A_2797 : memref<1x128x128xf32, #tpu.memory_space<hbm>> -> memref<128x128xf32, #tpu.memory_space<hbm>>
      %dma_start3A_2799 = arith.constant 0 : i32
      %dma_start3A_2800 = arith.constant 0 : i32
      %dma_start3A_2801 = tpu.memref_slice %arg7[%dma_start3A_2786, %dma_start3A_2799, %dma_start3A_2800] : memref<4x128x128xf32, #tpu.memory_space<vmem>> -> memref<1x128x128xf32, #tpu.memory_space<vmem>>
      %dma_start3A_2802 = tpu.memref_squeeze %dma_start3A_2801 : memref<1x128x128xf32, #tpu.memory_space<vmem>> -> memref<128x128xf32, #tpu.memory_space<vmem>>
      tpu.enqueue_dma source(%dma_start3A_2802 : memref<128x128xf32, #tpu.memory_space<vmem>>) target(%dma_start3A_2798 : memref<128x128xf32, #tpu.memory_space<hbm>>) target_semaphore(%arg15 : memref<!tpu.dma_semaphore, #tpu.memory_space<semaphore_mem>>)
      %lt3A_2803 = arith.constant 15 : i32
      %lt3A_2804 = arith.cmpi slt, %scan3A_2061, %lt3A_2803 : i32
      %convert_element_type3A_2805 = arith.extui %lt3A_2804 : i1 to i32
      %cond3A_2806 = arith.constant 0 : i32
      %cond3A_2807 = arith.cmpi ne, %convert_element_type3A_2805, %cond3A_2806 : i32
      scf.if %cond3A_2807 {
        %add3A_2809 = arith.constant 1 : i32
        %add3A_2810 = arith.addi %scan3A_2061, %add3A_2809 : i32
        %jit3A_2811 = arith.constant 3 : i32
        %eq3A_2812 = arith.constant 0 : i32
        %eq3A_2813 = arith.cmpi eq, %jit3A_2811, %eq3A_2812 : i32
        %jit3A_2814 = arith.constant 1 : i32
        %select_n3A_2815 = arith.select %eq3A_2813, %jit3A_2814, %jit3A_2811 : i32
        %rem3A_2816 = arith.remsi %add3A_2810, %select_n3A_2815 : i32
        %ne3A_2817 = arith.constant 0 : i32
        %ne3A_2818 = arith.cmpi ne, %rem3A_2816, %ne3A_2817 : i32
        %lt3A_2819 = arith.constant 0 : i32
        %lt3A_2820 = arith.cmpi slt, %rem3A_2816, %lt3A_2819 : i32
        %lt3A_2821 = arith.constant 0 : i32
        %lt3A_2822 = arith.cmpi slt, %select_n3A_2815, %lt3A_2821 : i32
        %ne3A_2823 = arith.xori %lt3A_2820, %lt3A_2822 : i1
        %and3A_2824 = arith.andi %ne3A_2823, %ne3A_2818 : i1
        %add3A_2825 = arith.addi %rem3A_2816, %select_n3A_2815 : i32
        %select_n3A_2826 = arith.select %and3A_2824, %add3A_2825, %rem3A_2816 : i32
        %mul3A_2827 = arith.constant 16 : i32
        %mul3A_2828 = arith.muli %add3A_2810, %mul3A_2827 : i32
        %add3A_2829 = arith.addi %mul3A_29, %mul3A_2828 : i32
        %mul3A_2830 = arith.constant 8 : i32
        %mul3A_2831 = arith.muli %arg1, %mul3A_2830 : i32
        %add3A_2832 = arith.constant 0 : i32
        %add3A_2833 = arith.addi %mul3A_2831, %add3A_2832 : i32
        %mul3A_2834 = arith.constant 16 : i32
        %mul3A_2835 = arith.muli %add3A_2833, %mul3A_2834 : i32
        %dma_wait3A_2836 = arith.constant 0 : i32
        %dma_wait3A_2837 = tpu.memref_slice %arg8[%select_n3A_2826, %mul3A_2835, %dma_wait3A_2836] : memref<3x2048x128xf32, #tpu.memory_space<vmem_shared>> -> memref<1x16x128xf32, #tpu.memory_space<vmem_shared>>
        %dma_wait3A_2838 = tpu.memref_squeeze %dma_wait3A_2837 : memref<1x16x128xf32, #tpu.memory_space<vmem_shared>> -> memref<16x128xf32, #tpu.memory_space<vmem_shared>>
        %dma_wait3A_2839 = arith.constant 0 : i32
        %dma_wait3A_2840 = tpu.memref_slice %arg2[%add3A_2833, %add3A_2829, %dma_wait3A_2839] : memref<128x512x128xf32, #tpu.memory_space<hbm>> -> memref<1x16x128xf32, #tpu.memory_space<hbm>>
        %dma_wait3A_2841 = tpu.memref_squeeze %dma_wait3A_2840 : memref<1x16x128xf32, #tpu.memory_space<hbm>> -> memref<16x128xf32, #tpu.memory_space<hbm>>
        tpu.wait_dma2 semaphore(%arg9 : memref<!tpu.dma_semaphore, #tpu.memory_space<semaphore_mem>>) src(%dma_wait3A_2841 : memref<16x128xf32, #tpu.memory_space<hbm>>) dst(%dma_wait3A_2838 : memref<16x128xf32, #tpu.memory_space<vmem_shared>>)
        %mul3A_2842 = arith.constant 8 : i32
        %mul3A_2843 = arith.muli %arg1, %mul3A_2842 : i32
        %add3A_2844 = arith.constant 1 : i32
        %add3A_2845 = arith.addi %mul3A_2843, %add3A_2844 : i32
        %mul3A_2846 = arith.constant 16 : i32
        %mul3A_2847 = arith.muli %add3A_2845, %mul3A_2846 : i32
        %dma_wait3A_2848 = arith.constant 0 : i32
        %dma_wait3A_2849 = tpu.memref_slice %arg8[%select_n3A_2826, %mul3A_2847, %dma_wait3A_2848] : memref<3x2048x128xf32, #tpu.memory_space<vmem_shared>> -> memref<1x16x128xf32, #tpu.memory_space<vmem_shared>>
        %dma_wait3A_2850 = tpu.memref_squeeze %dma_wait3A_2849 : memref<1x16x128xf32, #tpu.memory_space<vmem_shared>> -> memref<16x128xf32, #tpu.memory_space<vmem_shared>>
        %dma_wait3A_2851 = arith.constant 0 : i32
        %dma_wait3A_2852 = tpu.memref_slice %arg2[%add3A_2845, %add3A_2829, %dma_wait3A_2851] : memref<128x512x128xf32, #tpu.memory_space<hbm>> -> memref<1x16x128xf32, #tpu.memory_space<hbm>>
        %dma_wait3A_2853 = tpu.memref_squeeze %dma_wait3A_2852 : memref<1x16x128xf32, #tpu.memory_space<hbm>> -> memref<16x128xf32, #tpu.memory_space<hbm>>
        tpu.wait_dma2 semaphore(%arg9 : memref<!tpu.dma_semaphore, #tpu.memory_space<semaphore_mem>>) src(%dma_wait3A_2853 : memref<16x128xf32, #tpu.memory_space<hbm>>) dst(%dma_wait3A_2850 : memref<16x128xf32, #tpu.memory_space<vmem_shared>>)
        %mul3A_2854 = arith.constant 8 : i32
        %mul3A_2855 = arith.muli %arg1, %mul3A_2854 : i32
        %add3A_2856 = arith.constant 2 : i32
        %add3A_2857 = arith.addi %mul3A_2855, %add3A_2856 : i32
        %mul3A_2858 = arith.constant 16 : i32
        %mul3A_2859 = arith.muli %add3A_2857, %mul3A_2858 : i32
        %dma_wait3A_2860 = arith.constant 0 : i32
        %dma_wait3A_2861 = tpu.memref_slice %arg8[%select_n3A_2826, %mul3A_2859, %dma_wait3A_2860] : memref<3x2048x128xf32, #tpu.memory_space<vmem_shared>> -> memref<1x16x128xf32, #tpu.memory_space<vmem_shared>>
        %dma_wait3A_2862 = tpu.memref_squeeze %dma_wait3A_2861 : memref<1x16x128xf32, #tpu.memory_space<vmem_shared>> -> memref<16x128xf32, #tpu.memory_space<vmem_shared>>
        %dma_wait3A_2863 = arith.constant 0 : i32
        %dma_wait3A_2864 = tpu.memref_slice %arg2[%add3A_2857, %add3A_2829, %dma_wait3A_2863] : memref<128x512x128xf32, #tpu.memory_space<hbm>> -> memref<1x16x128xf32, #tpu.memory_space<hbm>>
        %dma_wait3A_2865 = tpu.memref_squeeze %dma_wait3A_2864 : memref<1x16x128xf32, #tpu.memory_space<hbm>> -> memref<16x128xf32, #tpu.memory_space<hbm>>
        tpu.wait_dma2 semaphore(%arg9 : memref<!tpu.dma_semaphore, #tpu.memory_space<semaphore_mem>>) src(%dma_wait3A_2865 : memref<16x128xf32, #tpu.memory_space<hbm>>) dst(%dma_wait3A_2862 : memref<16x128xf32, #tpu.memory_space<vmem_shared>>)
        %mul3A_2866 = arith.constant 8 : i32
        %mul3A_2867 = arith.muli %arg1, %mul3A_2866 : i32
        %add3A_2868 = arith.constant 3 : i32
        %add3A_2869 = arith.addi %mul3A_2867, %add3A_2868 : i32
        %mul3A_2870 = arith.constant 16 : i32
        %mul3A_2871 = arith.muli %add3A_2869, %mul3A_2870 : i32
        %dma_wait3A_2872 = arith.constant 0 : i32
        %dma_wait3A_2873 = tpu.memref_slice %arg8[%select_n3A_2826, %mul3A_2871, %dma_wait3A_2872] : memref<3x2048x128xf32, #tpu.memory_space<vmem_shared>> -> memref<1x16x128xf32, #tpu.memory_space<vmem_shared>>
        %dma_wait3A_2874 = tpu.memref_squeeze %dma_wait3A_2873 : memref<1x16x128xf32, #tpu.memory_space<vmem_shared>> -> memref<16x128xf32, #tpu.memory_space<vmem_shared>>
        %dma_wait3A_2875 = arith.constant 0 : i32
        %dma_wait3A_2876 = tpu.memref_slice %arg2[%add3A_2869, %add3A_2829, %dma_wait3A_2875] : memref<128x512x128xf32, #tpu.memory_space<hbm>> -> memref<1x16x128xf32, #tpu.memory_space<hbm>>
        %dma_wait3A_2877 = tpu.memref_squeeze %dma_wait3A_2876 : memref<1x16x128xf32, #tpu.memory_space<hbm>> -> memref<16x128xf32, #tpu.memory_space<hbm>>
        tpu.wait_dma2 semaphore(%arg9 : memref<!tpu.dma_semaphore, #tpu.memory_space<semaphore_mem>>) src(%dma_wait3A_2877 : memref<16x128xf32, #tpu.memory_space<hbm>>) dst(%dma_wait3A_2874 : memref<16x128xf32, #tpu.memory_space<vmem_shared>>)
        %mul3A_2878 = arith.constant 8 : i32
        %mul3A_2879 = arith.muli %arg1, %mul3A_2878 : i32
        %add3A_2880 = arith.constant 4 : i32
        %add3A_2881 = arith.addi %mul3A_2879, %add3A_2880 : i32
        %mul3A_2882 = arith.constant 16 : i32
        %mul3A_2883 = arith.muli %add3A_2881, %mul3A_2882 : i32
        %dma_wait3A_2884 = arith.constant 0 : i32
        %dma_wait3A_2885 = tpu.memref_slice %arg8[%select_n3A_2826, %mul3A_2883, %dma_wait3A_2884] : memref<3x2048x128xf32, #tpu.memory_space<vmem_shared>> -> memref<1x16x128xf32, #tpu.memory_space<vmem_shared>>
        %dma_wait3A_2886 = tpu.memref_squeeze %dma_wait3A_2885 : memref<1x16x128xf32, #tpu.memory_space<vmem_shared>> -> memref<16x128xf32, #tpu.memory_space<vmem_shared>>
        %dma_wait3A_2887 = arith.constant 0 : i32
        %dma_wait3A_2888 = tpu.memref_slice %arg2[%add3A_2881, %add3A_2829, %dma_wait3A_2887] : memref<128x512x128xf32, #tpu.memory_space<hbm>> -> memref<1x16x128xf32, #tpu.memory_space<hbm>>
        %dma_wait3A_2889 = tpu.memref_squeeze %dma_wait3A_2888 : memref<1x16x128xf32, #tpu.memory_space<hbm>> -> memref<16x128xf32, #tpu.memory_space<hbm>>
        tpu.wait_dma2 semaphore(%arg9 : memref<!tpu.dma_semaphore, #tpu.memory_space<semaphore_mem>>) src(%dma_wait3A_2889 : memref<16x128xf32, #tpu.memory_space<hbm>>) dst(%dma_wait3A_2886 : memref<16x128xf32, #tpu.memory_space<vmem_shared>>)
        %mul3A_2890 = arith.constant 8 : i32
        %mul3A_2891 = arith.muli %arg1, %mul3A_2890 : i32
        %add3A_2892 = arith.constant 5 : i32
        %add3A_2893 = arith.addi %mul3A_2891, %add3A_2892 : i32
        %mul3A_2894 = arith.constant 16 : i32
        %mul3A_2895 = arith.muli %add3A_2893, %mul3A_2894 : i32
        %dma_wait3A_2896 = arith.constant 0 : i32
        %dma_wait3A_2897 = tpu.memref_slice %arg8[%select_n3A_2826, %mul3A_2895, %dma_wait3A_2896] : memref<3x2048x128xf32, #tpu.memory_space<vmem_shared>> -> memref<1x16x128xf32, #tpu.memory_space<vmem_shared>>
        %dma_wait3A_2898 = tpu.memref_squeeze %dma_wait3A_2897 : memref<1x16x128xf32, #tpu.memory_space<vmem_shared>> -> memref<16x128xf32, #tpu.memory_space<vmem_shared>>
        %dma_wait3A_2899 = arith.constant 0 : i32
        %dma_wait3A_2900 = tpu.memref_slice %arg2[%add3A_2893, %add3A_2829, %dma_wait3A_2899] : memref<128x512x128xf32, #tpu.memory_space<hbm>> -> memref<1x16x128xf32, #tpu.memory_space<hbm>>
        %dma_wait3A_2901 = tpu.memref_squeeze %dma_wait3A_2900 : memref<1x16x128xf32, #tpu.memory_space<hbm>> -> memref<16x128xf32, #tpu.memory_space<hbm>>
        tpu.wait_dma2 semaphore(%arg9 : memref<!tpu.dma_semaphore, #tpu.memory_space<semaphore_mem>>) src(%dma_wait3A_2901 : memref<16x128xf32, #tpu.memory_space<hbm>>) dst(%dma_wait3A_2898 : memref<16x128xf32, #tpu.memory_space<vmem_shared>>)
        %mul3A_2902 = arith.constant 8 : i32
        %mul3A_2903 = arith.muli %arg1, %mul3A_2902 : i32
        %add3A_2904 = arith.constant 6 : i32
        %add3A_2905 = arith.addi %mul3A_2903, %add3A_2904 : i32
        %mul3A_2906 = arith.constant 16 : i32
        %mul3A_2907 = arith.muli %add3A_2905, %mul3A_2906 : i32
        %dma_wait3A_2908 = arith.constant 0 : i32
        %dma_wait3A_2909 = tpu.memref_slice %arg8[%select_n3A_2826, %mul3A_2907, %dma_wait3A_2908] : memref<3x2048x128xf32, #tpu.memory_space<vmem_shared>> -> memref<1x16x128xf32, #tpu.memory_space<vmem_shared>>
        %dma_wait3A_2910 = tpu.memref_squeeze %dma_wait3A_2909 : memref<1x16x128xf32, #tpu.memory_space<vmem_shared>> -> memref<16x128xf32, #tpu.memory_space<vmem_shared>>
        %dma_wait3A_2911 = arith.constant 0 : i32
        %dma_wait3A_2912 = tpu.memref_slice %arg2[%add3A_2905, %add3A_2829, %dma_wait3A_2911] : memref<128x512x128xf32, #tpu.memory_space<hbm>> -> memref<1x16x128xf32, #tpu.memory_space<hbm>>
        %dma_wait3A_2913 = tpu.memref_squeeze %dma_wait3A_2912 : memref<1x16x128xf32, #tpu.memory_space<hbm>> -> memref<16x128xf32, #tpu.memory_space<hbm>>
        tpu.wait_dma2 semaphore(%arg9 : memref<!tpu.dma_semaphore, #tpu.memory_space<semaphore_mem>>) src(%dma_wait3A_2913 : memref<16x128xf32, #tpu.memory_space<hbm>>) dst(%dma_wait3A_2910 : memref<16x128xf32, #tpu.memory_space<vmem_shared>>)
        %mul3A_2914 = arith.constant 8 : i32
        %mul3A_2915 = arith.muli %arg1, %mul3A_2914 : i32
        %add3A_2916 = arith.constant 7 : i32
        %add3A_2917 = arith.addi %mul3A_2915, %add3A_2916 : i32
        %mul3A_2918 = arith.constant 16 : i32
        %mul3A_2919 = arith.muli %add3A_2917, %mul3A_2918 : i32
        %dma_wait3A_2920 = arith.constant 0 : i32
        %dma_wait3A_2921 = tpu.memref_slice %arg8[%select_n3A_2826, %mul3A_2919, %dma_wait3A_2920] : memref<3x2048x128xf32, #tpu.memory_space<vmem_shared>> -> memref<1x16x128xf32, #tpu.memory_space<vmem_shared>>
        %dma_wait3A_2922 = tpu.memref_squeeze %dma_wait3A_2921 : memref<1x16x128xf32, #tpu.memory_space<vmem_shared>> -> memref<16x128xf32, #tpu.memory_space<vmem_shared>>
        %dma_wait3A_2923 = arith.constant 0 : i32
        %dma_wait3A_2924 = tpu.memref_slice %arg2[%add3A_2917, %add3A_2829, %dma_wait3A_2923] : memref<128x512x128xf32, #tpu.memory_space<hbm>> -> memref<1x16x128xf32, #tpu.memory_space<hbm>>
        %dma_wait3A_2925 = tpu.memref_squeeze %dma_wait3A_2924 : memref<1x16x128xf32, #tpu.memory_space<hbm>> -> memref<16x128xf32, #tpu.memory_space<hbm>>
        tpu.wait_dma2 semaphore(%arg9 : memref<!tpu.dma_semaphore, #tpu.memory_space<semaphore_mem>>) src(%dma_wait3A_2925 : memref<16x128xf32, #tpu.memory_space<hbm>>) dst(%dma_wait3A_2922 : memref<16x128xf32, #tpu.memory_space<vmem_shared>>)
      } else {
      }
      %barrier3A_2808 = arith.constant 0 : index
      tpu.barrier barrier_id(%barrier3A_2808)
    }
    %scan3A_1858 = arith.constant 16 : i32
    %mul3A_1859 = arith.constant 8 : i32
    %mul3A_1860 = arith.muli %select_n3A_28, %mul3A_1859 : i32
    %add3A_1861 = arith.constant 6 : i32
    %add3A_1862 = arith.addi %mul3A_1860, %add3A_1861 : i32
    %dma_wait3A_1863 = arith.constant 0 : i32
    %dma_wait3A_1864 = arith.constant 2 : i32
    %dma_wait3A_1865 = arith.constant 0 : i32
    %dma_wait3A_1866 = arith.constant 0 : i32
    %dma_wait3A_1867 = tpu.memref_slice %arg7[%dma_wait3A_1864, %dma_wait3A_1865, %dma_wait3A_1866] : memref<4x128x128xf32, #tpu.memory_space<vmem>> -> memref<1x128x128xf32, #tpu.memory_space<vmem>>
    %dma_wait3A_1868 = tpu.memref_squeeze %dma_wait3A_1867 : memref<1x128x128xf32, #tpu.memory_space<vmem>> -> memref<128x128xf32, #tpu.memory_space<vmem>>
    %dma_wait3A_1869 = arith.constant 0 : i32
    %dma_wait3A_1870 = tpu.memref_slice %arg6[%add3A_1862, %dma_wait3A_1869] : memref<16x128xi32, #tpu.memory_space<vmem>> -> memref<1x128xi32, #tpu.memory_space<vmem>>
    %dma_wait3A_1871 = tpu.memref_squeeze %dma_wait3A_1870 : memref<1x128xi32, #tpu.memory_space<vmem>> -> memref<128xi32, #tpu.memory_space<vmem>>
    %dma_wait3A_1872 = arith.constant 0 : i32
    %dma_wait3A_1873 = arith.constant 0 : i32
    %dma_wait3A_1874 = tpu.memref_slice %arg8[%dma_wait3A_1863, %dma_wait3A_1872, %dma_wait3A_1873] : memref<3x2048x128xf32, #tpu.memory_space<vmem_shared>> -> memref<1x2048x128xf32, #tpu.memory_space<vmem_shared>>
    %dma_wait3A_1875 = tpu.memref_squeeze %dma_wait3A_1874 : memref<1x2048x128xf32, #tpu.memory_space<vmem_shared>> -> memref<2048x128xf32, #tpu.memory_space<vmem_shared>>
    %dma_wait3A_1876 = arith.constant 0 : i32
    %dma_wait3A_1877 = arith.constant 0 : i32
    %dma_wait3A_1878 = tpu.memref_slice %dma_wait3A_1875[%dma_wait3A_1876, %dma_wait3A_1877] : memref<2048x128xf32, #tpu.memory_space<vmem_shared>> -> memref<2048x128xf32, #tpu.memory_space<vmem_shared>>
    tpu.wait_indirect_dma semaphore(%arg12 : memref<!tpu.dma_semaphore, #tpu.memory_space<semaphore_mem>>) src(%dma_wait3A_1878 : memref<2048x128xf32, #tpu.memory_space<vmem_shared>>) dst(%dma_wait3A_1868 : memref<128x128xf32, #tpu.memory_space<vmem>>)
    %mul3A_1879 = arith.constant 512 : i32
    %mul3A_1880 = arith.muli %select_n3A, %mul3A_1879 : i32
    %add3A_1881 = arith.addi %mul3A_1880, %mul3A_29 : i32
    %add3A_1882 = arith.constant 240 : i32
    %add3A_1883 = arith.addi %add3A_1881, %add3A_1882 : i32
    %mul3A_1884 = arith.constant 8 : i32
    %mul3A_1885 = arith.muli %select_n3A_28, %mul3A_1884 : i32
    %add3A_1886 = arith.addi %add3A_1883, %mul3A_1885 : i32
    %add3A_1887 = arith.constant 6 : i32
    %add3A_1888 = arith.addi %add3A_1886, %add3A_1887 : i32
    %dma_start3A_1889 = arith.constant 2 : i32
    %dma_start3A_1890 = arith.constant 0 : i32
    %dma_start3A_1891 = arith.constant 0 : i32
    %dma_start3A_1892 = tpu.memref_slice %arg7[%dma_start3A_1889, %dma_start3A_1890, %dma_start3A_1891] : memref<4x128x128xf32, #tpu.memory_space<vmem>> -> memref<1x128x128xf32, #tpu.memory_space<vmem>>
    %dma_start3A_1893 = tpu.memref_squeeze %dma_start3A_1892 : memref<1x128x128xf32, #tpu.memory_space<vmem>> -> memref<128x128xf32, #tpu.memory_space<vmem>>
    %dma_start3A_1894 = arith.constant 0 : i32
    %dma_start3A_1895 = arith.constant 0 : i32
    %dma_start3A_1896 = tpu.memref_slice %arg4[%add3A_1888, %dma_start3A_1894, %dma_start3A_1895] : memref<4096x128x128xf32, #tpu.memory_space<hbm>> -> memref<1x128x128xf32, #tpu.memory_space<hbm>>
    %dma_start3A_1897 = tpu.memref_squeeze %dma_start3A_1896 : memref<1x128x128xf32, #tpu.memory_space<hbm>> -> memref<128x128xf32, #tpu.memory_space<hbm>>
    %dma_start3A_1898 = arith.constant 0 : i32
    %dma_start3A_1899 = arith.constant 0 : i32
    %dma_start3A_1900 = tpu.memref_slice %arg4[%add3A_1888, %dma_start3A_1898, %dma_start3A_1899] : memref<4096x128x128xf32, #tpu.memory_space<hbm>> -> memref<1x128x128xf32, #tpu.memory_space<hbm>>
    %dma_start3A_1901 = tpu.memref_squeeze %dma_start3A_1900 : memref<1x128x128xf32, #tpu.memory_space<hbm>> -> memref<128x128xf32, #tpu.memory_space<hbm>>
    %dma_start3A_1902 = arith.constant 0 : i32
    %dma_start3A_1903 = arith.constant 0 : i32
    %dma_start3A_1904 = tpu.memref_slice %arg7[%dma_start3A_1889, %dma_start3A_1902, %dma_start3A_1903] : memref<4x128x128xf32, #tpu.memory_space<vmem>> -> memref<1x128x128xf32, #tpu.memory_space<vmem>>
    %dma_start3A_1905 = tpu.memref_squeeze %dma_start3A_1904 : memref<1x128x128xf32, #tpu.memory_space<vmem>> -> memref<128x128xf32, #tpu.memory_space<vmem>>
    tpu.enqueue_dma source(%dma_start3A_1905 : memref<128x128xf32, #tpu.memory_space<vmem>>) target(%dma_start3A_1901 : memref<128x128xf32, #tpu.memory_space<hbm>>) target_semaphore(%arg16 : memref<!tpu.dma_semaphore, #tpu.memory_space<semaphore_mem>>)
    %mul3A_1906 = arith.constant 8 : i32
    %mul3A_1907 = arith.muli %select_n3A_28, %mul3A_1906 : i32
    %add3A_1908 = arith.constant 7 : i32
    %add3A_1909 = arith.addi %mul3A_1907, %add3A_1908 : i32
    %dma_wait3A_1910 = arith.constant 0 : i32
    %dma_wait3A_1911 = arith.constant 3 : i32
    %dma_wait3A_1912 = arith.constant 0 : i32
    %dma_wait3A_1913 = arith.constant 0 : i32
    %dma_wait3A_1914 = tpu.memref_slice %arg7[%dma_wait3A_1911, %dma_wait3A_1912, %dma_wait3A_1913] : memref<4x128x128xf32, #tpu.memory_space<vmem>> -> memref<1x128x128xf32, #tpu.memory_space<vmem>>
    %dma_wait3A_1915 = tpu.memref_squeeze %dma_wait3A_1914 : memref<1x128x128xf32, #tpu.memory_space<vmem>> -> memref<128x128xf32, #tpu.memory_space<vmem>>
    %dma_wait3A_1916 = arith.constant 0 : i32
    %dma_wait3A_1917 = tpu.memref_slice %arg6[%add3A_1909, %dma_wait3A_1916] : memref<16x128xi32, #tpu.memory_space<vmem>> -> memref<1x128xi32, #tpu.memory_space<vmem>>
    %dma_wait3A_1918 = tpu.memref_squeeze %dma_wait3A_1917 : memref<1x128xi32, #tpu.memory_space<vmem>> -> memref<128xi32, #tpu.memory_space<vmem>>
    %dma_wait3A_1919 = arith.constant 0 : i32
    %dma_wait3A_1920 = arith.constant 0 : i32
    %dma_wait3A_1921 = tpu.memref_slice %arg8[%dma_wait3A_1910, %dma_wait3A_1919, %dma_wait3A_1920] : memref<3x2048x128xf32, #tpu.memory_space<vmem_shared>> -> memref<1x2048x128xf32, #tpu.memory_space<vmem_shared>>
    %dma_wait3A_1922 = tpu.memref_squeeze %dma_wait3A_1921 : memref<1x2048x128xf32, #tpu.memory_space<vmem_shared>> -> memref<2048x128xf32, #tpu.memory_space<vmem_shared>>
    %dma_wait3A_1923 = arith.constant 0 : i32
    %dma_wait3A_1924 = arith.constant 0 : i32
    %dma_wait3A_1925 = tpu.memref_slice %dma_wait3A_1922[%dma_wait3A_1923, %dma_wait3A_1924] : memref<2048x128xf32, #tpu.memory_space<vmem_shared>> -> memref<2048x128xf32, #tpu.memory_space<vmem_shared>>
    tpu.wait_indirect_dma semaphore(%arg13 : memref<!tpu.dma_semaphore, #tpu.memory_space<semaphore_mem>>) src(%dma_wait3A_1925 : memref<2048x128xf32, #tpu.memory_space<vmem_shared>>) dst(%dma_wait3A_1915 : memref<128x128xf32, #tpu.memory_space<vmem>>)
    %mul3A_1926 = arith.constant 512 : i32
    %mul3A_1927 = arith.muli %select_n3A, %mul3A_1926 : i32
    %add3A_1928 = arith.addi %mul3A_1927, %mul3A_29 : i32
    %add3A_1929 = arith.constant 240 : i32
    %add3A_1930 = arith.addi %add3A_1928, %add3A_1929 : i32
    %mul3A_1931 = arith.constant 8 : i32
    %mul3A_1932 = arith.muli %select_n3A_28, %mul3A_1931 : i32
    %add3A_1933 = arith.addi %add3A_1930, %mul3A_1932 : i32
    %add3A_1934 = arith.constant 7 : i32
    %add3A_1935 = arith.addi %add3A_1933, %add3A_1934 : i32
    %dma_start3A_1936 = arith.constant 3 : i32
    %dma_start3A_1937 = arith.constant 0 : i32
    %dma_start3A_1938 = arith.constant 0 : i32
    %dma_start3A_1939 = tpu.memref_slice %arg7[%dma_start3A_1936, %dma_start3A_1937, %dma_start3A_1938] : memref<4x128x128xf32, #tpu.memory_space<vmem>> -> memref<1x128x128xf32, #tpu.memory_space<vmem>>
    %dma_start3A_1940 = tpu.memref_squeeze %dma_start3A_1939 : memref<1x128x128xf32, #tpu.memory_space<vmem>> -> memref<128x128xf32, #tpu.memory_space<vmem>>
    %dma_start3A_1941 = arith.constant 0 : i32
    %dma_start3A_1942 = arith.constant 0 : i32
    %dma_start3A_1943 = tpu.memref_slice %arg4[%add3A_1935, %dma_start3A_1941, %dma_start3A_1942] : memref<4096x128x128xf32, #tpu.memory_space<hbm>> -> memref<1x128x128xf32, #tpu.memory_space<hbm>>
    %dma_start3A_1944 = tpu.memref_squeeze %dma_start3A_1943 : memref<1x128x128xf32, #tpu.memory_space<hbm>> -> memref<128x128xf32, #tpu.memory_space<hbm>>
    %dma_start3A_1945 = arith.constant 0 : i32
    %dma_start3A_1946 = arith.constant 0 : i32
    %dma_start3A_1947 = tpu.memref_slice %arg4[%add3A_1935, %dma_start3A_1945, %dma_start3A_1946] : memref<4096x128x128xf32, #tpu.memory_space<hbm>> -> memref<1x128x128xf32, #tpu.memory_space<hbm>>
    %dma_start3A_1948 = tpu.memref_squeeze %dma_start3A_1947 : memref<1x128x128xf32, #tpu.memory_space<hbm>> -> memref<128x128xf32, #tpu.memory_space<hbm>>
    %dma_start3A_1949 = arith.constant 0 : i32
    %dma_start3A_1950 = arith.constant 0 : i32
    %dma_start3A_1951 = tpu.memref_slice %arg7[%dma_start3A_1936, %dma_start3A_1949, %dma_start3A_1950] : memref<4x128x128xf32, #tpu.memory_space<vmem>> -> memref<1x128x128xf32, #tpu.memory_space<vmem>>
    %dma_start3A_1952 = tpu.memref_squeeze %dma_start3A_1951 : memref<1x128x128xf32, #tpu.memory_space<vmem>> -> memref<128x128xf32, #tpu.memory_space<vmem>>
    tpu.enqueue_dma source(%dma_start3A_1952 : memref<128x128xf32, #tpu.memory_space<vmem>>) target(%dma_start3A_1948 : memref<128x128xf32, #tpu.memory_space<hbm>>) target_semaphore(%arg17 : memref<!tpu.dma_semaphore, #tpu.memory_space<semaphore_mem>>)
    %mul3A_1953 = arith.constant 512 : i32
    %mul3A_1954 = arith.muli %select_n3A, %mul3A_1953 : i32
    %add3A_1955 = arith.addi %mul3A_1954, %mul3A_29 : i32
    %add3A_1956 = arith.constant 240 : i32
    %add3A_1957 = arith.addi %add3A_1955, %add3A_1956 : i32
    %mul3A_1958 = arith.constant 8 : i32
    %mul3A_1959 = arith.muli %select_n3A_28, %mul3A_1958 : i32
    %add3A_1960 = arith.addi %add3A_1957, %mul3A_1959 : i32
    %add3A_1961 = arith.constant 4 : i32
    %add3A_1962 = arith.addi %add3A_1960, %add3A_1961 : i32
    %dma_wait3A_1963 = arith.constant 0 : i32
    %dma_wait3A_1964 = arith.constant 0 : i32
    %dma_wait3A_1965 = arith.constant 0 : i32
    %dma_wait3A_1966 = tpu.memref_slice %arg7[%dma_wait3A_1963, %dma_wait3A_1964, %dma_wait3A_1965] : memref<4x128x128xf32, #tpu.memory_space<vmem>> -> memref<1x128x128xf32, #tpu.memory_space<vmem>>
    %dma_wait3A_1967 = tpu.memref_squeeze %dma_wait3A_1966 : memref<1x128x128xf32, #tpu.memory_space<vmem>> -> memref<128x128xf32, #tpu.memory_space<vmem>>
    %dma_wait3A_1968 = arith.constant 0 : i32
    %dma_wait3A_1969 = arith.constant 0 : i32
    %dma_wait3A_1970 = tpu.memref_slice %arg4[%add3A_1962, %dma_wait3A_1968, %dma_wait3A_1969] : memref<4096x128x128xf32, #tpu.memory_space<hbm>> -> memref<1x128x128xf32, #tpu.memory_space<hbm>>
    %dma_wait3A_1971 = tpu.memref_squeeze %dma_wait3A_1970 : memref<1x128x128xf32, #tpu.memory_space<hbm>> -> memref<128x128xf32, #tpu.memory_space<hbm>>
    %dma_wait3A_1972 = arith.constant 0 : i32
    %dma_wait3A_1973 = arith.constant 0 : i32
    %dma_wait3A_1974 = tpu.memref_slice %arg4[%add3A_1962, %dma_wait3A_1972, %dma_wait3A_1973] : memref<4096x128x128xf32, #tpu.memory_space<hbm>> -> memref<1x128x128xf32, #tpu.memory_space<hbm>>
    %dma_wait3A_1975 = tpu.memref_squeeze %dma_wait3A_1974 : memref<1x128x128xf32, #tpu.memory_space<hbm>> -> memref<128x128xf32, #tpu.memory_space<hbm>>
    %dma_wait3A_1976 = arith.constant 0 : i32
    %dma_wait3A_1977 = arith.constant 0 : i32
    %dma_wait3A_1978 = tpu.memref_slice %arg7[%dma_wait3A_1963, %dma_wait3A_1976, %dma_wait3A_1977] : memref<4x128x128xf32, #tpu.memory_space<vmem>> -> memref<1x128x128xf32, #tpu.memory_space<vmem>>
    %dma_wait3A_1979 = tpu.memref_squeeze %dma_wait3A_1978 : memref<1x128x128xf32, #tpu.memory_space<vmem>> -> memref<128x128xf32, #tpu.memory_space<vmem>>
    tpu.wait_dma2 semaphore(%arg14 : memref<!tpu.dma_semaphore, #tpu.memory_space<semaphore_mem>>) src(%dma_wait3A_1979 : memref<128x128xf32, #tpu.memory_space<vmem>>) dst(%dma_wait3A_1975 : memref<128x128xf32, #tpu.memory_space<hbm>>)
    %mul3A_1980 = arith.constant 512 : i32
    %mul3A_1981 = arith.muli %select_n3A, %mul3A_1980 : i32
    %add3A_1982 = arith.addi %mul3A_1981, %mul3A_29 : i32
    %add3A_1983 = arith.constant 240 : i32
    %add3A_1984 = arith.addi %add3A_1982, %add3A_1983 : i32
    %mul3A_1985 = arith.constant 8 : i32
    %mul3A_1986 = arith.muli %select_n3A_28, %mul3A_1985 : i32
    %add3A_1987 = arith.addi %add3A_1984, %mul3A_1986 : i32
    %add3A_1988 = arith.constant 5 : i32
    %add3A_1989 = arith.addi %add3A_1987, %add3A_1988 : i32
    %dma_wait3A_1990 = arith.constant 1 : i32
    %dma_wait3A_1991 = arith.constant 0 : i32
    %dma_wait3A_1992 = arith.constant 0 : i32
    %dma_wait3A_1993 = tpu.memref_slice %arg7[%dma_wait3A_1990, %dma_wait3A_1991, %dma_wait3A_1992] : memref<4x128x128xf32, #tpu.memory_space<vmem>> -> memref<1x128x128xf32, #tpu.memory_space<vmem>>
    %dma_wait3A_1994 = tpu.memref_squeeze %dma_wait3A_1993 : memref<1x128x128xf32, #tpu.memory_space<vmem>> -> memref<128x128xf32, #tpu.memory_space<vmem>>
    %dma_wait3A_1995 = arith.constant 0 : i32
    %dma_wait3A_1996 = arith.constant 0 : i32
    %dma_wait3A_1997 = tpu.memref_slice %arg4[%add3A_1989, %dma_wait3A_1995, %dma_wait3A_1996] : memref<4096x128x128xf32, #tpu.memory_space<hbm>> -> memref<1x128x128xf32, #tpu.memory_space<hbm>>
    %dma_wait3A_1998 = tpu.memref_squeeze %dma_wait3A_1997 : memref<1x128x128xf32, #tpu.memory_space<hbm>> -> memref<128x128xf32, #tpu.memory_space<hbm>>
    %dma_wait3A_1999 = arith.constant 0 : i32
    %dma_wait3A_2000 = arith.constant 0 : i32
    %dma_wait3A_2001 = tpu.memref_slice %arg4[%add3A_1989, %dma_wait3A_1999, %dma_wait3A_2000] : memref<4096x128x128xf32, #tpu.memory_space<hbm>> -> memref<1x128x128xf32, #tpu.memory_space<hbm>>
    %dma_wait3A_2002 = tpu.memref_squeeze %dma_wait3A_2001 : memref<1x128x128xf32, #tpu.memory_space<hbm>> -> memref<128x128xf32, #tpu.memory_space<hbm>>
    %dma_wait3A_2003 = arith.constant 0 : i32
    %dma_wait3A_2004 = arith.constant 0 : i32
    %dma_wait3A_2005 = tpu.memref_slice %arg7[%dma_wait3A_1990, %dma_wait3A_2003, %dma_wait3A_2004] : memref<4x128x128xf32, #tpu.memory_space<vmem>> -> memref<1x128x128xf32, #tpu.memory_space<vmem>>
    %dma_wait3A_2006 = tpu.memref_squeeze %dma_wait3A_2005 : memref<1x128x128xf32, #tpu.memory_space<vmem>> -> memref<128x128xf32, #tpu.memory_space<vmem>>
    tpu.wait_dma2 semaphore(%arg15 : memref<!tpu.dma_semaphore, #tpu.memory_space<semaphore_mem>>) src(%dma_wait3A_2006 : memref<128x128xf32, #tpu.memory_space<vmem>>) dst(%dma_wait3A_2002 : memref<128x128xf32, #tpu.memory_space<hbm>>)
    %mul3A_2007 = arith.constant 512 : i32
    %mul3A_2008 = arith.muli %select_n3A, %mul3A_2007 : i32
    %add3A_2009 = arith.addi %mul3A_2008, %mul3A_29 : i32
    %add3A_2010 = arith.constant 240 : i32
    %add3A_2011 = arith.addi %add3A_2009, %add3A_2010 : i32
    %mul3A_2012 = arith.constant 8 : i32
    %mul3A_2013 = arith.muli %select_n3A_28, %mul3A_2012 : i32
    %add3A_2014 = arith.addi %add3A_2011, %mul3A_2013 : i32
    %add3A_2015 = arith.constant 6 : i32
    %add3A_2016 = arith.addi %add3A_2014, %add3A_2015 : i32
    %dma_wait3A_2017 = arith.constant 2 : i32
    %dma_wait3A_2018 = arith.constant 0 : i32
    %dma_wait3A_2019 = arith.constant 0 : i32
    %dma_wait3A_2020 = tpu.memref_slice %arg7[%dma_wait3A_2017, %dma_wait3A_2018, %dma_wait3A_2019] : memref<4x128x128xf32, #tpu.memory_space<vmem>> -> memref<1x128x128xf32, #tpu.memory_space<vmem>>
    %dma_wait3A_2021 = tpu.memref_squeeze %dma_wait3A_2020 : memref<1x128x128xf32, #tpu.memory_space<vmem>> -> memref<128x128xf32, #tpu.memory_space<vmem>>
    %dma_wait3A_2022 = arith.constant 0 : i32
    %dma_wait3A_2023 = arith.constant 0 : i32
    %dma_wait3A_2024 = tpu.memref_slice %arg4[%add3A_2016, %dma_wait3A_2022, %dma_wait3A_2023] : memref<4096x128x128xf32, #tpu.memory_space<hbm>> -> memref<1x128x128xf32, #tpu.memory_space<hbm>>
    %dma_wait3A_2025 = tpu.memref_squeeze %dma_wait3A_2024 : memref<1x128x128xf32, #tpu.memory_space<hbm>> -> memref<128x128xf32, #tpu.memory_space<hbm>>
    %dma_wait3A_2026 = arith.constant 0 : i32
    %dma_wait3A_2027 = arith.constant 0 : i32
    %dma_wait3A_2028 = tpu.memref_slice %arg4[%add3A_2016, %dma_wait3A_2026, %dma_wait3A_2027] : memref<4096x128x128xf32, #tpu.memory_space<hbm>> -> memref<1x128x128xf32, #tpu.memory_space<hbm>>
    %dma_wait3A_2029 = tpu.memref_squeeze %dma_wait3A_2028 : memref<1x128x128xf32, #tpu.memory_space<hbm>> -> memref<128x128xf32, #tpu.memory_space<hbm>>
    %dma_wait3A_2030 = arith.constant 0 : i32
    %dma_wait3A_2031 = arith.constant 0 : i32
    %dma_wait3A_2032 = tpu.memref_slice %arg7[%dma_wait3A_2017, %dma_wait3A_2030, %dma_wait3A_2031] : memref<4x128x128xf32, #tpu.memory_space<vmem>> -> memref<1x128x128xf32, #tpu.memory_space<vmem>>
    %dma_wait3A_2033 = tpu.memref_squeeze %dma_wait3A_2032 : memref<1x128x128xf32, #tpu.memory_space<vmem>> -> memref<128x128xf32, #tpu.memory_space<vmem>>
    tpu.wait_dma2 semaphore(%arg16 : memref<!tpu.dma_semaphore, #tpu.memory_space<semaphore_mem>>) src(%dma_wait3A_2033 : memref<128x128xf32, #tpu.memory_space<vmem>>) dst(%dma_wait3A_2029 : memref<128x128xf32, #tpu.memory_space<hbm>>)
    %mul3A_2034 = arith.constant 512 : i32
    %mul3A_2035 = arith.muli %select_n3A, %mul3A_2034 : i32
    %add3A_2036 = arith.addi %mul3A_2035, %mul3A_29 : i32
    %add3A_2037 = arith.constant 240 : i32
    %add3A_2038 = arith.addi %add3A_2036, %add3A_2037 : i32
    %mul3A_2039 = arith.constant 8 : i32
    %mul3A_2040 = arith.muli %select_n3A_28, %mul3A_2039 : i32
    %add3A_2041 = arith.addi %add3A_2038, %mul3A_2040 : i32
    %add3A_2042 = arith.constant 7 : i32
    %add3A_2043 = arith.addi %add3A_2041, %add3A_2042 : i32
    %dma_wait3A_2044 = arith.constant 3 : i32
    %dma_wait3A_2045 = arith.constant 0 : i32
    %dma_wait3A_2046 = arith.constant 0 : i32
    %dma_wait3A_2047 = tpu.memref_slice %arg7[%dma_wait3A_2044, %dma_wait3A_2045, %dma_wait3A_2046] : memref<4x128x128xf32, #tpu.memory_space<vmem>> -> memref<1x128x128xf32, #tpu.memory_space<vmem>>
    %dma_wait3A_2048 = tpu.memref_squeeze %dma_wait3A_2047 : memref<1x128x128xf32, #tpu.memory_space<vmem>> -> memref<128x128xf32, #tpu.memory_space<vmem>>
    %dma_wait3A_2049 = arith.constant 0 : i32
    %dma_wait3A_2050 = arith.constant 0 : i32
    %dma_wait3A_2051 = tpu.memref_slice %arg4[%add3A_2043, %dma_wait3A_2049, %dma_wait3A_2050] : memref<4096x128x128xf32, #tpu.memory_space<hbm>> -> memref<1x128x128xf32, #tpu.memory_space<hbm>>
    %dma_wait3A_2052 = tpu.memref_squeeze %dma_wait3A_2051 : memref<1x128x128xf32, #tpu.memory_space<hbm>> -> memref<128x128xf32, #tpu.memory_space<hbm>>
    %dma_wait3A_2053 = arith.constant 0 : i32
    %dma_wait3A_2054 = arith.constant 0 : i32
    %dma_wait3A_2055 = tpu.memref_slice %arg4[%add3A_2043, %dma_wait3A_2053, %dma_wait3A_2054] : memref<4096x128x128xf32, #tpu.memory_space<hbm>> -> memref<1x128x128xf32, #tpu.memory_space<hbm>>
    %dma_wait3A_2056 = tpu.memref_squeeze %dma_wait3A_2055 : memref<1x128x128xf32, #tpu.memory_space<hbm>> -> memref<128x128xf32, #tpu.memory_space<hbm>>
    %dma_wait3A_2057 = arith.constant 0 : i32
    %dma_wait3A_2058 = arith.constant 0 : i32
    %dma_wait3A_2059 = tpu.memref_slice %arg7[%dma_wait3A_2044, %dma_wait3A_2057, %dma_wait3A_2058] : memref<4x128x128xf32, #tpu.memory_space<vmem>> -> memref<1x128x128xf32, #tpu.memory_space<vmem>>
    %dma_wait3A_2060 = tpu.memref_squeeze %dma_wait3A_2059 : memref<1x128x128xf32, #tpu.memory_space<vmem>> -> memref<128x128xf32, #tpu.memory_space<vmem>>
    tpu.wait_dma2 semaphore(%arg17 : memref<!tpu.dma_semaphore, #tpu.memory_space<semaphore_mem>>) src(%dma_wait3A_2060 : memref<128x128xf32, #tpu.memory_space<vmem>>) dst(%dma_wait3A_2056 : memref<128x128xf32, #tpu.memory_space<hbm>>)
    return
  }
}

</mosaic_0001>

<sc_bundles>
// kernel: kernel.3.cloned.1.call-start
scs
__scs_entry_jumppad:
0x0: {  	(pc) =	sbr.rel $0x88, $3  }
0x1: {  	(tag) =	ssettag $0x0;
	lr =	simm.s32 $0x1  }
0x2: {  	[smem:$0x3F9F] =	sst lr;
	_ =	strace $0xD0000000  }
0x3: {  	_ = 	snop  }
0x4: {  	_ = 	snop  }
0x5: {  	_ = 	snop  }
0x6: {  	_ = 	snop  }
0x7: {  	_ = 	snop  }
__scs_overlays_trampoline_lowered:
0x8: {  	[smem:$0x3FAE] =	sst s0  }
0x9: {  	[smem:$0x3FAF] =	sst s1  }
0xa: {  	[smem:$0x3FB0] =	sst s2  }
0xb: {  	[smem:$0x3FB1] =	sst s3  }
0xc: {  	[smem:$0x3FB2] =	sst s4  }
0xd: {  	[smem:$0x3FB3] =	sst s5  }
0xe: {  	[smem:$0x3FB4] =	sst s6  }
0xf: {  	[smem:$0x3FB5] =	sst s7  }
0x10: {  	[smem:$0x3FB6] =	sst s8  }
0x11: {  	[smem:$0x3FB7] =	sst s9;
	s0 =	simm.s32 @!p0 $0x0  }
0x12: {  	s1 =	sld [smem:$0x3F9D];
	s0 =	simm.s32 @p0 $0x1  }
0x13: {  	[smem:$0x3FB8] =	sst s0;
	s0 =	simm.s32 @!p1 $0x0  }
0x14: {  	s2 =	sld [smem:$0x3F9C];
	s0 =	simm.s32 @p1 $0x1  }
0x15: {  	[smem:$0x3FB9] =	sst s0;
	s0 =	simm.s32 @!p2 $0x0  }
0x16: {  	s3 =	sld [smem:$0x3FDB];
	s0 =	simm.s32 @p2 $0x1  }
0x17: {  	s4 =	simm.s32 $0x1BF5;
	[smem:$0x3FBB] =	sst s0  }
0x18: {  	s0 =	sld [smem:$0x3F9E];
	_ =	swait.ge [sflag:s4], $0x0  }
0x19: {  	s7 =	sld [smem:$0x3F9F]  }
0x1a: {  	s8 =	sadd.s32 $0xFFFFE003, lr  }
0x1b: {  	s9 =	sadd.s32 $0xFFFFFEF7, lr;
	s5 =	simm.s32 $0xFFFFFFFF;
	p2 =	slt.u32 s8, $0xFFFFF086  }
0x1c: {  	p1 =	slt.u32 s9, $0xF7A;
	s5 =	simm.s32 @!p2 $0x0  }
0x1d: {  	s5 =	simm.s32 @p1 $0x1;
	p0 =	seq.s32 s7, s2  }
0x1e: {  	s7 =	smul.u32 @!p0 $0xF7A, s2;
	p2 =	seq.s32 @!p0 s5, $0x0  }
0x1f: {  	s9 =	smul.u32 $0xF7A, s1;
	s8 =	simm.s32 @!p0 $0x1BF5;
	p2 =	por !p2, p0  }
0x20: {  	[sflag:s8] =	ssyncset.s32 @!p0 $0xFFFFF086;
	s6 =	sadd.s32 @!p0 s3, s7;
	s7 =	simm.s32 @!p0 $0x108  }
0x21: {  	s3 =	sadd.s32 s3, s9;
	s6 =	sadd.s32 @!p0 $0x88, s6;
	s7 =	simm.s32 @p2 $0x1082  }
0x22: {  	[simem:s7], [sflag:s8] =	dma.local @!p0 [hbm:s6], $0xF7A  }
0x23: {  	s9 =	sor.u32 $0xD0000000, s2;
	s6 =	simm.s32 $0x108;
	_ =	swait.ge @!p0 [sflag:s8], $0x0  }
0x24: {  	s3 =	sadd.s32 $0x88, s3;
	s6 =	simm.s32 @!p1 $0x1082;
	[sflag:s4] =	ssyncset.s32 $0xFFFFF086  }
0x25: {  	[simem:s6], [sflag:s4] =	dma.local [hbm:s3], $0xF7A  }
0x26: {  	[smem:$0x3F9F] =	sst s1;
	(tag) =	ssettag s2;
	_ =	strace s9  }
0x27: {  	s1 =	sld [smem:$0x3FAF]  }
0x28: {  	s2 =	sld [smem:$0x3FB0]  }
0x29: {  	s4 =	sld [smem:$0x3FB2]  }
0x2a: {  	p0 =	seq.s32 s5, $0x0;
	s5 =	sld [smem:$0x3FB3]  }
0x2b: {  	s6 =	sld [smem:$0x3FB4]  }
0x2c: {  	s7 =	sld [smem:$0x3FB5]  }
0x2d: {  	s3 =	simm.s32 $0x108;
	s8 =	sld [smem:$0x3FB6]  }
0x2e: {  	s3 =	simm.s32 @!p0 $0x1082;
	s9 =	sld [smem:$0x3FB7]  }
0x2f: {  	lr =	sadd.s32 s0, s3;
	s0 =	sld [smem:$0x3FAE]  }
0x30: {  	s3 =	sld [smem:$0x3FB1]  }
0x31: {  	[smem:$0x3FBA] =	sst s10  }
0x32: {  	s10 =	sld [smem:$0x3FB8];
	_ =	sdelay $0x3  }
0x33: {  	p0 =	seq.s32 s10, $0x1;
	s10 =	sld [smem:$0x3FBA];
	_ =	sdelay $0x3  }
0x34: {  	[smem:$0x3FBA] =	sst s10  }
0x35: {  	s10 =	sld [smem:$0x3FB9];
	_ =	sdelay $0x3  }
0x36: {  	p1 =	seq.s32 s10, $0x1;
	s10 =	sld [smem:$0x3FBA];
	_ =	sdelay $0x3  }
0x37: {  	[smem:$0x3FBA] =	sst s10  }
0x38: {  	s10 =	sld [smem:$0x3FBB]  }
0x39: {  	_ = 	snop;
	(pc) =	sbr.ind lr, $3  }
0x3a: {  	_ = 	snop  }
0x3b: {  	_ = 	snop  }
0x3c: {  	p2 =	seq.s32 s10, $0x1;
	s10 =	sld [smem:$0x3FBA]  }
0x3d: {  	_ =	shalt  }
0x3e: {  	_ =	shalt  }
0x3f: {  	_ =	shalt  }
0x40: {  	_ =	shalt  }
0x41: {  	_ =	shalt  }
0x42: {  	_ =	shalt  }
0x43: {  	_ =	shalt  }
0x44: {  	_ =	shalt  }
0x45: {  	_ =	shalt  }
0x46: {  	_ =	shalt  }
0x47: {  	_ =	shalt  }
0x48: {  	_ =	shalt  }
0x49: {  	_ =	shalt  }
0x4a: {  	_ =	shalt  }
0x4b: {  	_ =	shalt  }
0x4c: {  	_ =	shalt  }
0x4d: {  	_ =	shalt  }
0x4e: {  	_ =	shalt  }
0x4f: {  	_ =	shalt  }
0x50: {  	_ =	shalt  }
0x51: {  	_ =	shalt  }
0x52: {  	_ =	shalt  }
0x53: {  	_ =	shalt  }
0x54: {  	_ =	shalt  }
0x55: {  	_ =	shalt  }
0x56: {  	_ =	shalt  }
0x57: {  	_ =	shalt  }
0x58: {  	_ =	shalt  }
0x59: {  	_ =	shalt  }
0x5a: {  	_ =	shalt  }
0x5b: {  	_ =	shalt  }
0x5c: {  	_ =	shalt  }
0x5d: {  	_ =	shalt  }
0x5e: {  	_ =	shalt  }
0x5f: {  	_ =	shalt  }
0x60: {  	_ =	shalt  }
0x61: {  	_ =	shalt  }
0x62: {  	_ =	shalt  }
0x63: {  	_ =	shalt  }
0x64: {  	_ =	shalt  }
0x65: {  	_ =	shalt  }
0x66: {  	_ =	shalt  }
0x67: {  	_ =	shalt  }
0x68: {  	_ =	shalt  }
0x69: {  	_ =	shalt  }
0x6a: {  	_ =	shalt  }
0x6b: {  	_ =	shalt  }
0x6c: {  	_ =	shalt  }
0x6d: {  	_ =	shalt  }
0x6e: {  	_ =	shalt  }
0x6f: {  	_ =	shalt  }
0x70: {  	_ =	shalt  }
0x71: {  	_ =	shalt  }
0x72: {  	_ =	shalt  }
0x73: {  	_ =	shalt  }
0x74: {  	_ =	shalt  }
0x75: {  	_ =	shalt  }
0x76: {  	_ =	shalt  }
0x77: {  	_ =	shalt  }
0x78: {  	_ =	shalt  }
0x79: {  	_ =	shalt  }
0x7a: {  	_ =	shalt  }
0x7b: {  	_ =	shalt  }
0x7c: {  	_ =	shalt  }
0x7d: {  	_ =	shalt  }
0x7e: {  	_ =	shalt  }
0x7f: {  	_ =	shalt  }
0x80: {  	_ =	shalt  }
0x81: {  	_ =	shalt  }
0x82: {  	_ =	shalt  }
0x83: {  	_ =	shalt  }
0x84: {  	_ =	shalt  }
0x85: {  	_ =	shalt  }
0x86: {  	_ =	shalt  }
0x87: {  	_ =	shalt  }
.Lfunc_end0:
.L_simem_size_0:
called_computation.1_lowered:
.L_overlay_start_0:
0x88: {  	s2 =	sld [smem:$0x3FD9]  }
0x89: {  	s3 =	sld [smem:$0x3FFE];
	_ =	sdelay $0x1  }
0x8a: {  	s1 =	srdreg.scid  }
0x8b: {  	s0 =	sand.u32 $0x1, s1  }
0x8c: {  	s17 =	sshll.u32 s0, $0xA;
	s2 =	sadd.s32 s3, s2  }
0x8d: {  	s2 =	sadd.s32 s2, s17  }
0x8e: {  	[smem:$0x3FC6] =	sst s2  }
0x8f: {  	_ = 	snop  }
0x90: {  	s2 =	sld [smem:$0x3FC9]  }
0x91: {  	s18 =	sld [smem:$0x3FD0];
	(tm) =	ssettm $0x1  }
0x92: {  	s4 =	sld [smem:$0x3FFB];
	_ =	sdelay $0x3  }
0x93: {  	_ =	strace s4  }
0x94: {  	s4 =	sld [smem:$0x3FFC];
	_ =	sdelay $0x3  }
0x95: {  	_ =	strace s4  }
0x96: {  	s4 =	sld [smem:$0x3FFD];
	_ =	sdelay $0x3  }
0x97: {  	_ =	strace s4  }
0x98: {  	_ =	strace $0x8FFFFFFF  }
0x99: {  	s19 =	sld [smem:$0x3FDB];
	_ =	sdelay $0x1  }
0x9a: {  	s5 =	simm.s32 $_scs_section_size  }
0x9b: {  	s6 =	simm.s32 $_size__tile_overlayer_lowered;
	s7 =	simm.s32 $_tile_overlayer_lowered  }
0x9c: {  	s22 =	simm.s32 $0x1BFF;
	s21 =	sshll.u32 s7, $0x1;
	s4 =	sadd.s32 s5, s19  }
0x9d: {  	s8 =	simm.s32 $0x0;
	s20 =	sshll.u32 s6, $0x1;
	s6 =	sadd.s32 s21, s4  }
0x9e: {  	[timem:s8], [sflag:s22] =	dma.local [hbm:s6], s20  }
0x9f: {  	_ =	swait.ge [sflag:s22], s20  }
0xa0: {  	s5 =	ssub.s32 $0x0, s20;
	[sflag:s22] =	ssyncset.done $0x0  }
0xa1: {  	[sflag:s22] =	ssyncadd.s32 s5;
	_ =	sdelay $0x1  }
0xa2: {  	s23 =	simm.s32 $0x1B8B  }
0xa3: {  	_ =	swait.ge [sflag:s23], $0x1  }
0xa4: {  	[sflag:s23] =	ssyncset.done $0x0  }
0xa5: {  	s25 =	simm.s32 $0x1B8E;
	s24 =	sld [smem:$0x3FFE];
	[sflag:s23] =	ssyncadd.s32 $0xFFFFFFFF  }
0xa6: {  	s26 =	simm.s32 $execute0_lowered;
	[smem:$0x3FD2] =	sst s25  }
0xa7: {  	s6 =	sshll.u32 s26, $0x1;
	_ =	strace $0x80000049;
	[dreg:$0x1] =	wrdreg $0xFFFFFFFF  }
0xa8: {  	s28 =	simm.s32 $_size_execute0_lowered;
	s4 =	sadd.s32 s4, s6;
	[dreg:$0x0] =	wrdreg $0x0  }
0xa9: {  	s6 =	sshll.u32 s28, $0x1;
	[dreg:$0x2] =	wrdreg s4  }
0xaa: {  	[dreg:$0x3] =	wrdreg s6  }
0xab: {  	[dreg:$0x4] =	wrdreg $0xC0  }
0xac: {  	_ =	task [dreg:s8], $0x5FFFF  }
0xad: {  	[dreg:$0x1] =	wrdreg $0xFFFFFFFF  }
0xae: {  	[dreg:$0x0] =	wrdreg $0x60  }
0xaf: {  	[dreg:$0x2] =	wrdreg s24  }
0xb0: {  	[dreg:$0x3] =	wrdreg s2  }
0xb1: {  	[dreg:$0x4] =	wrdreg s18  }
0xb2: {  	[dreg:$0x5] =	wrdreg $0x108800  }
0xb3: {  	[dreg:$0x6] =	wrdreg $0x9  }
0xb4: {  	_ =	task.clear_ibuf [dreg:s8], $0x7FFFF;
	_ =	strace $0x90000049  }
0xb5: {  	s29 =	simm.s32 $0x9;
	_ =	strace $0x8000004B  }
0xb6: {  	_ =	swait.ge [sflag:s29], $0x1  }
0xb7: {  	[sflag:s29] =	ssyncadd.s32 $0xFFFFFFFF  }
0xb8: {  	_ =	strace $0x9000004B  }
0xb9: {  	_ =	sfence  }
0xba: {  	s30 =	sld [smem:$0x0];
	_ =	sdelay $0x2  }
0xbb: {  	s31 =	sshll.u32 s1, $0xD;
	s1 =	sshrl.u32 s1, $0x2  }
0xbc: {  	s3 =	sand.u32 $0x4000, s31;
	s1 =	sadd.s32 s1, s30  }
0xbd: {  	s0 =	sor.u32 s3, s0;
	s1 =	sshll.u32 s1, $0x11  }
0xbe: {  	s0 =	sor.u32 s1, s0  }
0xbf: {  	s0 =	sadd.s32 $0x8F2B, s0  }
0xc0: {  	[sflag:s0] =	ssyncadd.remote.s32 $0x1  }
0xc1: {  	_ =	sfence.sel $0xFFFF  }
0xc2: {  	[dreg:$0x0] =	wrdreg $0xFFFFFFFF;
	(pc) =	sbr.abs _section_cstart, $3  }
0xc3: {  	[dreg:$0x1] =	wrdreg $0xFFFFFFFF  }
0xc4: {  	_ =	task.clear_ibuf [dreg:s8], $0x2FFFF;
	_ =	strace $0x9FFFFFFF  }
0xc5: {  	(tm) =	ssettm $0x7FFFFFFF  }
tec
execute0_lowered:
.L_overlay_start_1:
0x0: {  	(tag) =	ssettag $0x1  }
0x1: {  	s1 =	rddreg [dreg:$0x0]  }
0x2: {  	s2 =	srdreg.scid;
	s6 =	rddreg [dreg:$0x1];
	s0 =	simm.s32 $0x0  }
0x3: {  	s17 =	stileid.u32;
	s2 =	sand.u32 $0x1, s2;
	[smem:$0x7FF] =	sst s0  }
0x4: {  	s4 =	sadd.s32 $0x800, s1;
	s5 =	sshrl.u32 s17, $0x1;
	s8 =	sshll.u32 s17, $0x3  }
0x5: {  	s7 =	sshll.u32 s17, $0x13;
	s3 =	ssub.s32 $0x2, s2;
	s9 =	sshll.u32 s2, $0xF  }
0x6: {  	s10 =	sshll.u32 s5, $0x4;
	s13 =	sor.u32 $0x4, s8;
	s15 =	sshrl.u32 s3, $0x1  }
0x7: {  	s11 =	sor.u32 s9, s7;
	s6 =	sadd.s32 s6, s10;
	s14 =	sshll.u32 s13, $0x10  }
0x8: {  	s1 =	ssub.s32 s3, s15;
	s3 =	sor.u32 $0x1, s8;
	[dreg:$0x5] =	wrdreg s6  }
0x9: {  	s18 =	sshrl.u32 s11, $0x3;
	s21 =	sor.u32 s9, s14;
	s14 =	sor.u32 $0x6, s8  }
0xa: {  	s15 =	sshllo.u32 s17, $0x3;
	s16 =	sshll.u32 s3, $0x10;
	s6 =	sadd.s32 s4, s18  }
0xb: {  	s22 =	sshrl.u32 s21, $0x3;
	s25 =	sshll.u32 s14, $0x10;
	s7 =	sor.u32 s9, s16  }
0xc: {  	[dreg:$0x6] =	wrdreg s6;
	s6 =	sor.u32 $0x2, s8;
	s7 =	sshrl.u32 s7, $0x3  }
0xd: {  	s18 =	sor.u32 $0x40800, s11;
	s19 =	sshll.u32 s6, $0x10;
	s7 =	sadd.s32 s4, s7  }
0xe: {  	s10 =	sor.u32 s9, s19;
	[dreg:$0x7] =	wrdreg s7;
	s7 =	sor.u32 $0x3, s8  }
0xf: {  	s16 =	sshll.u32 s15, $0x10;
	s10 =	sshrl.u32 s10, $0x3;
	s12 =	sshll.u32 s7, $0x10  }
0x10: {  	s19 =	sshrl.u32 s18, $0x3;
	s10 =	sadd.s32 s4, s10;
	s12 =	sor.u32 s9, s12  }
0x11: {  	[dreg:$0x8] =	wrdreg s10;
	s20 =	sshrl.u32 s12, $0x3;
	s12 =	sor.u32 $0x5, s8  }
0x12: {  	s10 =	sadd.s32 s4, s20;
	s23 =	sshll.u32 s12, $0x10;
	s20 =	sor.u32 $0x20800, s11  }
0x13: {  	[dreg:$0x9] =	wrdreg s10;
	s10 =	sadd.s32 s4, s22;
	s24 =	sor.u32 s9, s23  }
0x14: {  	s21 =	sshrl.u32 s20, $0x3;
	s22 =	sor.u32 $0x800, s11;
	[dreg:$0xa] =	wrdreg s10  }
0x15: {  	s8 =	sshrl.u32 s24, $0x3;
	s10 =	sor.u32 s9, s25;
	s9 =	sor.u32 s9, s16  }
0x16: {  	s23 =	sshrl.u32 s22, $0x3;
	s8 =	sadd.s32 s4, s8;
	s26 =	sshrl.u32 s10, $0x3  }
0x17: {  	s24 =	sor.u32 $0x10800, s11;
	[dreg:$0xb] =	wrdreg s8;
	s8 =	sadd.s32 s4, s26  }
0x18: {  	s9 =	sshrl.u32 s9, $0x3;
	s10 =	sor.u32 $0x60800, s11;
	[dreg:$0xc] =	wrdreg s8  }
0x19: {  	s16 =	sshrl.u32 s10, $0x3;
	s8 =	sadd.s32 s4, s9;
	s9 =	rddreg [dreg:$0x2]  }
0x1a: {  	s25 =	sshrl.u32 s24, $0x3;
	[dreg:$0xd] =	wrdreg s8;
	s8 =	sadd.s32 s16, s4  }
0x1b: {  	s26 =	sor.u32 $0x30800, s11;
	[dreg:$0xe] =	wrdreg s8;
	s8 =	sadd.s32 s19, s4  }
0x1c: {  	s10 =	sshrl.u32 s26, $0x3;
	[dreg:$0xf] =	wrdreg s8;
	s8 =	sadd.s32 s21, s4  }
0x1d: {  	s16 =	sor.u32 $0x50800, s11;
	[dreg:$0x10] =	wrdreg s8;
	s8 =	sadd.s32 s23, s4  }
0x1e: {  	s18 =	sshrl.u32 s16, $0x3;
	[dreg:$0x11] =	wrdreg s8;
	s8 =	sadd.s32 s25, s4  }
0x1f: {  	s19 =	sor.u32 $0x70800, s11;
	[dreg:$0x12] =	wrdreg s8;
	s8 =	sadd.s32 s10, s4  }
0x20: {  	s20 =	sshrl.u32 s19, $0x3;
	[dreg:$0x13] =	wrdreg s8;
	s8 =	sadd.s32 s18, s4  }
0x21: {  	s4 =	sadd.s32 s20, s4;
	[dreg:$0x14] =	wrdreg s8  }
0x22: {  	s28 =	simm.s32 $0x5;
	[dreg:$0x15] =	wrdreg s4  }
0x23: {  	s29 =	simm.s32 $0x8;
	s1 =	smax.u32 s1, $0x1;
	s8 =	rddreg [dreg:$0x3]  }
0x24: {  	s5 =	sshll.u32 s5, $0x9;
	_ =	strace $0x8000004A;
	[smem:$0x7E9] =	sst s1  }
0x25: {  	s21 =	sand.u32 $0x1, s17;
	s23 =	sshll.u32 s2, $0x8;
	[dreg:$0x16] =	wrdreg s5  }
0x26: {  	s22 =	sshll.u32 s21, $0x3;
	s25 =	sshll.u32 s21, $0xA;
	[dreg:$0x18] =	wrdreg s23  }
0x27: {  	s11 =	sshll.u32 s17, $0xE;
	s17 =	sor.u32 $0x80, s25;
	[dreg:$0x17] =	wrdreg s22  }
0x28: {  	s30 =	simm.s32 $0x9;
	s18 =	sor.u32 $0x100, s25;
	[smem:$0x7EA] =	sst s17  }
0x29: {  	s31 =	simm.s32 $0x1;
	s19 =	sor.u32 $0x180, s25;
	[smem:$0x7EB] =	sst s18  }
0x2a: {  	s13 =	sshll.u32 s13, $0xB;
	s20 =	sor.u32 $0x200, s25;
	[smem:$0x7EC] =	sst s19  }
0x2b: {  	s24 =	sor.u32 s22, s5;
	s21 =	sor.u32 $0x280, s25;
	[smem:$0x7ED] =	sst s20  }
0x2c: {  	s2 =	sor.u32 s23, s24;
	s24 =	sadd.s32 $0x400, s25;
	[smem:$0x7EE] =	sst s21  }
0x2d: {  	s14 =	sshll.u32 s14, $0xB;
	s15 =	sshll.u32 s15, $0xB;
	[smem:$0x7F1] =	sst s24  }
0x2e: {  	s6 =	sshll.u32 s6, $0xB;
	s16 =	sshll.u32 s3, $0xB;
	[smem:$0x7F2] =	sst s11  }
0x2f: {  	s7 =	sshll.u32 s7, $0xB;
	s2 =	sshll.u32 s2, $0xB;
	[dreg:$0x19] =	wrdreg s16  }
0x30: {  	s12 =	sshll.u32 s12, $0xB;
	s2 =	sadd.s32 s2, s9;
	[dreg:$0x1a] =	wrdreg s6  }
0x31: {  	s26 =	sadd.s32 $0x7B000, s2;
	s2 =	sadd.s32 $0x7B800, s2;
	[dreg:$0x1b] =	wrdreg s7  }
0x32: {  	s5 =	sor.u32 s23, s5;
	s23 =	sor.u32 $0x380, s25;
	[dreg:$0x1c] =	wrdreg s13  }
0x33: {  	s4 =	sadd.s32 s16, s8;
	s18 =	sadd.s32 s13, s8;
	[dreg:$0x1d] =	wrdreg s12  }
0x34: {  	s20 =	sadd.s32 s12, s8;
	s21 =	sadd.s32 s14, s8;
	s1 =	smov.u32 s15  }
0x35: {  	s24 =	sadd.s32 s15, s8;
	s12 =	sadd.s32 $0x2000, s9;
	[dreg:$0x1e] =	wrdreg s26  }
0x36: {  	s13 =	sadd.s32 $0x2800, s9;
	s15 =	simm.s32 $0x880;
	[dreg:$0x1f] =	wrdreg s2  }
0x37: {  	s10 =	sor.u32 s22, s5;
	s22 =	sor.u32 $0x300, s25;
	[smem:$0x7F0] =	sst s23  }
0x38: {  	s26 =	sadd.s32 s11, s8;
	s5 =	sshrl.u32 s4, $0x3;
	s11 =	sadd.s32 s7, s8  }
0x39: {  	s19 =	sshrl.u32 s18, $0x3;
	s23 =	sshrl.u32 s21, $0x3;
	[smem:$0x7EF] =	sst s22  }
0x3a: {  	s25 =	sshll.u32 s10, $0xB;
	s3 =	sshrl.u32 s26, $0x3;
	[smem:$0x7F5] =	sst s5  }
0x3b: {  	s10 =	sadd.s32 s6, s8;
	s17 =	sshrl.u32 s11, $0x3;
	[smem:$0x7F8] =	sst s19  }
0x3c: {  	s22 =	sshrl.u32 s20, $0x3;
	[smem:$0x7FA] =	sst s23;
	s26 =	sadd.s32 $0x3800, s9  }
0x3d: {  	s19 =	sadd.s32 $0x1000, s9;
	s11 =	sadd.s32 $0x1800, s9;
	[smem:$0x7F4] =	sst s3  }
0x3e: {  	s20 =	simm.s32 $0x2;
	s23 =	simm.s32 $0x3;
	[smem:$0x7F7] =	sst s17  }
0x3f: {  	s5 =	simm.s32 $0x0;
	s2 =	sadd.s32 $0x1FFF8000, s25;
	[smem:$0x7F9] =	sst s22  }
0x40: {  	s16 =	sshrl.u32 s10, $0x3;
	s3 =	sshrl.u32 s24, $0x3;
	[smem:$0x7FD] =	sst s26  }
.Ltmp0:
0x41: {  	s25 =	sadd.s32 $0x3000, s9;
	[smem:$0x7F3] =	sst s2;
	(pc) =	sbr.rel .LBB2_1-.Ltmp0, $4  }
0x42: {  	s17 =	simm.s32 $0x8880;
	s22 =	simm.s32 $0xC880;
	[smem:$0x7F6] =	sst s16  }
0x43: {  	s24 =	simm.s32 $0x6;
	s26 =	simm.s32 $0x7;
	[smem:$0x7FB] =	sst s3  }
0x44: {  	s2 =	smov.u32 s14;
	[smem:$0x7FC] =	sst s25;
	s3 =	sadd.s32 $0x800, s9  }
0x45: {  	s14 =	simm.s32 $0x80;
	s16 =	simm.s32 $0x4880;
	s25 =	simm.s32 $0x4  }
.LBB2_7:
0x46: {  	[bflag:$0x0] =	sbarrier.arrive $0xFFFF  }
0x47: {  	_ =	swait.ge [sflag:s25], $0x4000  }
0x48: {  	[sflag:s25] =	ssyncset.done $0x0  }
0x49: {  	s4 =	rddreg [dreg:$0x1e];
	[sflag:s25] =	ssyncadd.s32 $0xFFFFC000  }
0x4a: {  	[hbm4b:s4+s0] =	stream.linear.scatter [tilespmem:s17], [sflag:$0x8], $0x4000, $0x38;
	[tilespmem:$0x1C880] =	vst v63  }
0x4b: {  	_ =	swait.ge [sflag:s28], $0x4000  }
0x4c: {  	[sflag:s28] =	ssyncset.done $0x0  }
0x4d: {  	s18 =	rddreg [dreg:$0x1f];
	[sflag:s28] =	ssyncadd.s32 $0xFFFFC000  }
0x4e: {  	[hbm4b:s18+s0] =	stream.linear.scatter [tilespmem:s22], [sflag:$0x9], $0x4000, $0x38;
	[tilespmem:$0x1C880] =	vst v63  }
0x4f: {  	_ =	swait.ge [sflag:s24], $0x4000  }
0x50: {  	[sflag:s24] =	ssyncset.done $0x0  }
0x51: {  	[sflag:s24] =	ssyncadd.s32 $0xFFFFC000  }
0x52: {  	_ =	swait.ge [sflag:s26], $0x4000  }
0x53: {  	[sflag:s26] =	ssyncset.done $0x0  }
0x54: {  	[sflag:s26] =	ssyncadd.s32 $0xFFFFC000  }
0x55: {  	_ =	swait.ge [sflag:s29], $0x4000  }
0x56: {  	[sflag:s29] =	ssyncset.done $0x0  }
0x57: {  	[sflag:s29] =	ssyncadd.s32 $0xFFFFC000  }
0x58: {  	_ =	swait.ge [sflag:s30], $0x4000  }
0x59: {  	s5 =	sld [smem:$0x7E8]  }
0x5a: {  	s21 =	sld [smem:$0x7E9];
	_ =	sdelay $0x1  }
0x5b: {  	s5 =	sadd.s32 $0x1, s5  }
0x5c: {  	p0 =	sne.s32 s5, s21  }
.Ltmp1:
0x5d: {  	_ = 	snop;
	(pc) =	sbr.rel @!p0 .LBB2_8-.Ltmp1, $3  }
0x5e: {  	_ =	sdelay $0x1  }
0x5f: {  	[sflag:s30] =	ssyncset.done $0x0  }
0x60: {  	[sflag:s30] =	ssyncadd.s32 $0xFFFFC000  }
.LBB2_1:
0x61: {  	[smem:$0x7E8] =	sst s5  }
0x62: {  	s4 =	rddreg [dreg:$0x5];
	s7 =	simm.s32 $0xA  }
0x63: {  	[tilespmem:s0], [sflag:$0xA] =	stream.linear.gather [hbm4b:s4+s0], $0x80, $0x38;
	[tilespmem:$0x1C880] =	vst v63  }
0x64: {  	_ =	swait.ge [sflag:s7], $0x80  }
0x65: {  	[sflag:s7] =	ssyncset.done $0x0  }
0x66: {  	[sflag:s7] =	ssyncadd.s32 $0xFFFFFF80  }
0x67: {  	v0 =	vld [tilespmem:$0x10]  }
0x68: {  	v1 =	vld [tilespmem:$0x20]  }
0x69: {  	v2 =	vld [tilespmem:$0x0]  }
0x6a: {  	v3 =	vld [tilespmem:$0x30]  }
0x6b: {  	v4 =	vld [tilespmem:$0x40]  }
0x6c: {  	v5 =	vld [tilespmem:$0x50];
	v0 =	vshll.u32 v0, $0x4  }
0x6d: {  	v41 =	vld [tilespmem:$0x60];
	v40 =	vshll.u32 v1, $0x4;
	[tilespmem:$0x10] =	vst v0  }
0x6e: {  	v2 =	vshll.u32 v2, $0x4;
	[tilespmem:$0x20] =	vst v40  }
0x6f: {  	v42 =	vld [tilespmem:$0x70];
	v3 =	vshll.u32 v3, $0x4;
	[tilespmem:$0x0] =	vst v2  }
0x70: {  	v43 =	vshll.u32 v4, $0x4;
	[tilespmem:$0x30] =	vst v3;
	v44 =	vld [tilespmem:$0x10]  }
0x71: {  	v45 =	vshll.u32 v5, $0x4;
	[tilespmem:$0x40] =	vst v43;
	v46 =	vld [tilespmem:$0x20]  }
0x72: {  	v1 =	vshll.u32 v41, $0x4;
	[tilespmem:$0x50] =	vst v45;
	v47 =	vld [tilespmem:$0x30]  }
0x73: {  	[tilespmem:$0x60] =	vst v1;
	v48 =	vld [tilespmem:$0x40]  }
0x74: {  	v0 =	vshll.u32 v42, $0x4;
	[tilespmem:$0x80] =	vst v2;
	v49 =	vld [tilespmem:$0x50]  }
0x75: {  	[tilespmem:$0x70] =	vst v0;
	v50 =	vld [tilespmem:$0x60]  }
0x76: {  	v52 =	vld [tilespmem:$0x0];
	[tilespmem:$0x90] =	vst v44  }
0x77: {  	v51 =	vld [tilespmem:$0x70];
	[tilespmem:$0xA0] =	vst v46  }
0x78: {  	v53 =	vld [tilespmem:$0x10];
	[tilespmem:$0xB0] =	vst v47  }
0x79: {  	v54 =	vld [tilespmem:$0x20];
	[tilespmem:$0xC0] =	vst v48  }
0x7a: {  	v55 =	vld [tilespmem:$0x30];
	[tilespmem:$0xD0] =	vst v49  }
0x7b: {  	v56 =	vld [tilespmem:$0x40];
	[tilespmem:$0xE0] =	vst v50  }
0x7c: {  	v58 =	vld [tilespmem:$0x50];
	v57 =	vadd.s32 $0x1, v52;
	[tilespmem:$0xF0] =	vst v51  }
0x7d: {  	v59 =	vld [tilespmem:$0x60];
	v3 =	vadd.s32 $0x1, v53;
	[tilespmem:$0x100] =	vst v57  }
0x7e: {  	v61 =	vld [tilespmem:$0x0];
	v1 =	vadd.s32 $0x1, v54;
	[tilespmem:$0x110] =	vst v3  }
0x7f: {  	v63 =	vld [tilespmem:$0x10];
	v0 =	vadd.s32 $0x1, v55;
	[tilespmem:$0x120] =	vst v1  }
0x80: {  	v9 =	vld [tilespmem:$0x20];
	v62 =	vadd.s32 $0x1, v56;
	[tilespmem:$0x130] =	vst v0  }
0x81: {  	v11 =	vld [tilespmem:$0x30];
	v8 =	vadd.s32 $0x1, v58;
	[tilespmem:$0x140] =	vst v62  }
0x82: {  	v13 =	vld [tilespmem:$0x40];
	v10 =	vadd.s32 $0x1, v59;
	[tilespmem:$0x150] =	vst v8  }
0x83: {  	v15 =	vld [tilespmem:$0x50];
	v14 =	vadd.s32 $0x2, v61;
	[tilespmem:$0x160] =	vst v10  }
0x84: {  	v17 =	vld [tilespmem:$0x60];
	v16 =	vadd.s32 $0x2, v63;
	[tilespmem:$0x180] =	vst v14  }
0x85: {  	v21 =	vld [tilespmem:$0x0];
	v18 =	vadd.s32 $0x2, v9;
	[tilespmem:$0x190] =	vst v16  }
0x86: {  	v23 =	vld [tilespmem:$0x10];
	v20 =	vadd.s32 $0x2, v11;
	[tilespmem:$0x1A0] =	vst v18  }
0x87: {  	v25 =	vld [tilespmem:$0x20];
	v22 =	vadd.s32 $0x2, v13;
	[tilespmem:$0x1B0] =	vst v20  }
0x88: {  	v27 =	vld [tilespmem:$0x30];
	v24 =	vadd.s32 $0x2, v15;
	[tilespmem:$0x1C0] =	vst v22  }
0x89: {  	v29 =	vld [tilespmem:$0x40];
	v26 =	vadd.s32 $0x2, v17;
	[tilespmem:$0x1D0] =	vst v24  }
0x8a: {  	v31 =	vld [tilespmem:$0x50];
	v30 =	vadd.s32 $0x3, v21;
	[tilespmem:$0x1E0] =	vst v26  }
0x8b: {  	v33 =	vld [tilespmem:$0x60];
	v32 =	vadd.s32 $0x3, v23;
	[tilespmem:$0x200] =	vst v30  }
0x8c: {  	v37 =	vld [tilespmem:$0x0];
	v34 =	vadd.s32 $0x3, v25;
	[tilespmem:$0x210] =	vst v32  }
0x8d: {  	v39 =	vld [tilespmem:$0x10];
	v36 =	vadd.s32 $0x3, v27;
	[tilespmem:$0x220] =	vst v34  }
0x8e: {  	v41 =	vld [tilespmem:$0x20];
	v38 =	vadd.s32 $0x3, v29;
	[tilespmem:$0x230] =	vst v36  }
0x8f: {  	v43 =	vld [tilespmem:$0x30];
	v40 =	vadd.s32 $0x3, v31;
	[tilespmem:$0x240] =	vst v38  }
0x90: {  	v45 =	vld [tilespmem:$0x40];
	v42 =	vadd.s32 $0x3, v33;
	[tilespmem:$0x250] =	vst v40  }
0x91: {  	v60 =	vld [tilespmem:$0x70];
	v46 =	vadd.s32 $0x4, v37;
	[tilespmem:$0x260] =	vst v42  }
0x92: {  	v19 =	vld [tilespmem:$0x70];
	v48 =	vadd.s32 $0x4, v39;
	[tilespmem:$0x280] =	vst v46  }
0x93: {  	v35 =	vld [tilespmem:$0x70];
	v50 =	vadd.s32 $0x4, v41;
	[tilespmem:$0x290] =	vst v48  }
0x94: {  	v47 =	vld [tilespmem:$0x50];
	v52 =	vadd.s32 $0x4, v43;
	[tilespmem:$0x2A0] =	vst v50  }
0x95: {  	v49 =	vld [tilespmem:$0x60];
	v54 =	vadd.s32 $0x4, v45;
	[tilespmem:$0x2B0] =	vst v52  }
0x96: {  	v53 =	vld [tilespmem:$0x0];
	v12 =	vadd.s32 $0x1, v60;
	[tilespmem:$0x2C0] =	vst v54  }
0x97: {  	v55 =	vld [tilespmem:$0x10];
	v28 =	vadd.s32 $0x2, v19;
	[tilespmem:$0x170] =	vst v12  }
0x98: {  	v59 =	vld [tilespmem:$0x30];
	v44 =	vadd.s32 $0x3, v35;
	[tilespmem:$0x1F0] =	vst v28  }
0x99: {  	v61 =	vld [tilespmem:$0x40];
	[tilespmem:$0x270] =	vst v44;
	v56 =	vadd.s32 $0x4, v47  }
0x9a: {  	v63 =	vld [tilespmem:$0x50];
	v58 =	vadd.s32 $0x4, v49;
	[tilespmem:$0x2D0] =	vst v56  }
0x9b: {  	v9 =	vld [tilespmem:$0x60];
	v62 =	vadd.s32 $0x5, v53;
	[tilespmem:$0x2E0] =	vst v58  }
0x9c: {  	v11 =	vld [tilespmem:$0x70];
	v8 =	vadd.s32 $0x5, v55;
	[tilespmem:$0x300] =	vst v62  }
0x9d: {  	v13 =	vld [tilespmem:$0x0];
	v12 =	vadd.s32 $0x5, v59;
	[tilespmem:$0x310] =	vst v8  }
0x9e: {  	v15 =	vld [tilespmem:$0x10];
	v14 =	vadd.s32 $0x5, v61;
	[tilespmem:$0x330] =	vst v12  }
0x9f: {  	v17 =	vld [tilespmem:$0x20];
	v16 =	vadd.s32 $0x5, v63;
	[tilespmem:$0x340] =	vst v14  }
0xa0: {  	v21 =	vld [tilespmem:$0x40];
	v18 =	vadd.s32 $0x5, v9;
	[tilespmem:$0x350] =	vst v16  }
0xa1: {  	v23 =	vld [tilespmem:$0x50];
	v20 =	vadd.s32 $0x5, v11;
	[tilespmem:$0x360] =	vst v18  }
0xa2: {  	v25 =	vld [tilespmem:$0x60];
	v22 =	vadd.s32 $0x6, v13;
	[tilespmem:$0x370] =	vst v20  }
0xa3: {  	v27 =	vld [tilespmem:$0x70];
	v24 =	vadd.s32 $0x6, v15;
	[tilespmem:$0x380] =	vst v22  }
0xa4: {  	v29 =	vld [tilespmem:$0x0];
	v26 =	vadd.s32 $0x6, v17;
	[tilespmem:$0x390] =	vst v24  }
0xa5: {  	v31 =	vld [tilespmem:$0x10];
	v30 =	vadd.s32 $0x6, v21;
	[tilespmem:$0x3A0] =	vst v26  }
0xa6: {  	v33 =	vld [tilespmem:$0x20];
	v32 =	vadd.s32 $0x6, v23;
	[tilespmem:$0x3C0] =	vst v30  }
0xa7: {  	v37 =	vld [tilespmem:$0x40];
	v34 =	vadd.s32 $0x6, v25;
	[tilespmem:$0x3D0] =	vst v32  }
0xa8: {  	v39 =	vld [tilespmem:$0x50];
	v36 =	vadd.s32 $0x6, v27;
	[tilespmem:$0x3E0] =	vst v34  }
0xa9: {  	v41 =	vld [tilespmem:$0x60];
	v38 =	vadd.s32 $0x7, v29;
	[tilespmem:$0x3F0] =	vst v36  }
0xaa: {  	v43 =	vld [tilespmem:$0x70];
	v40 =	vadd.s32 $0x7, v31;
	[tilespmem:$0x400] =	vst v38  }
0xab: {  	v45 =	vld [tilespmem:$0x0];
	v42 =	vadd.s32 $0x7, v33;
	[tilespmem:$0x410] =	vst v40  }
0xac: {  	v51 =	vld [tilespmem:$0x70];
	v46 =	vadd.s32 $0x7, v37;
	[tilespmem:$0x420] =	vst v42  }
0xad: {  	v57 =	vld [tilespmem:$0x20];
	v48 =	vadd.s32 $0x7, v39;
	[tilespmem:$0x440] =	vst v46  }
0xae: {  	v19 =	vld [tilespmem:$0x30];
	v50 =	vadd.s32 $0x7, v41;
	[tilespmem:$0x450] =	vst v48  }
0xaf: {  	v35 =	vld [tilespmem:$0x30];
	v52 =	vadd.s32 $0x7, v43;
	[tilespmem:$0x460] =	vst v50  }
0xb0: {  	v47 =	vld [tilespmem:$0x10];
	v54 =	vadd.s32 $0x8, v45;
	[tilespmem:$0x470] =	vst v52  }
0xb1: {  	v49 =	vld [tilespmem:$0x20];
	v60 =	vadd.s32 $0x4, v51;
	[tilespmem:$0x480] =	vst v54  }
0xb2: {  	v53 =	vld [tilespmem:$0x40];
	v10 =	vadd.s32 $0x5, v57;
	[tilespmem:$0x2F0] =	vst v60  }
0xb3: {  	v55 =	vld [tilespmem:$0x50];
	v28 =	vadd.s32 $0x6, v19;
	[tilespmem:$0x320] =	vst v10  }
0xb4: {  	v59 =	vld [tilespmem:$0x70];
	v44 =	vadd.s32 $0x7, v35;
	[tilespmem:$0x3B0] =	vst v28  }
0xb5: {  	v61 =	vld [tilespmem:$0x0];
	[tilespmem:$0x430] =	vst v44;
	v56 =	vadd.s32 $0x8, v47  }
0xb6: {  	v63 =	vld [tilespmem:$0x10];
	v58 =	vadd.s32 $0x8, v49;
	[tilespmem:$0x490] =	vst v56  }
0xb7: {  	v9 =	vld [tilespmem:$0x20];
	v62 =	vadd.s32 $0x8, v53;
	[tilespmem:$0x4A0] =	vst v58  }
0xb8: {  	v11 =	vld [tilespmem:$0x30];
	v8 =	vadd.s32 $0x8, v55;
	[tilespmem:$0x4C0] =	vst v62  }
0xb9: {  	v13 =	vld [tilespmem:$0x40];
	v12 =	vadd.s32 $0x8, v59;
	[tilespmem:$0x4D0] =	vst v8  }
0xba: {  	v15 =	vld [tilespmem:$0x50];
	v14 =	vadd.s32 $0x9, v61;
	[tilespmem:$0x4F0] =	vst v12  }
0xbb: {  	v17 =	vld [tilespmem:$0x60];
	v16 =	vadd.s32 $0x9, v63;
	[tilespmem:$0x500] =	vst v14  }
0xbc: {  	v21 =	vld [tilespmem:$0x0];
	v18 =	vadd.s32 $0x9, v9;
	[tilespmem:$0x510] =	vst v16  }
0xbd: {  	v23 =	vld [tilespmem:$0x10];
	v20 =	vadd.s32 $0x9, v11;
	[tilespmem:$0x520] =	vst v18  }
0xbe: {  	v25 =	vld [tilespmem:$0x20];
	v22 =	vadd.s32 $0x9, v13;
	[tilespmem:$0x530] =	vst v20  }
0xbf: {  	v27 =	vld [tilespmem:$0x30];
	v24 =	vadd.s32 $0x9, v15;
	[tilespmem:$0x540] =	vst v22  }
0xc0: {  	v29 =	vld [tilespmem:$0x40];
	v26 =	vadd.s32 $0x9, v17;
	[tilespmem:$0x550] =	vst v24  }
0xc1: {  	v31 =	vld [tilespmem:$0x50];
	v30 =	vadd.s32 $0xA, v21;
	[tilespmem:$0x560] =	vst v26  }
0xc2: {  	v33 =	vld [tilespmem:$0x60];
	v32 =	vadd.s32 $0xA, v23;
	[tilespmem:$0x580] =	vst v30  }
0xc3: {  	v37 =	vld [tilespmem:$0x0];
	v34 =	vadd.s32 $0xA, v25;
	[tilespmem:$0x590] =	vst v32  }
0xc4: {  	v39 =	vld [tilespmem:$0x10];
	v36 =	vadd.s32 $0xA, v27;
	[tilespmem:$0x5A0] =	vst v34  }
0xc5: {  	v41 =	vld [tilespmem:$0x20];
	v38 =	vadd.s32 $0xA, v29;
	[tilespmem:$0x5B0] =	vst v36  }
0xc6: {  	v43 =	vld [tilespmem:$0x30];
	v40 =	vadd.s32 $0xA, v31;
	[tilespmem:$0x5C0] =	vst v38  }
0xc7: {  	v45 =	vld [tilespmem:$0x40];
	v42 =	vadd.s32 $0xA, v33;
	[tilespmem:$0x5D0] =	vst v40  }
0xc8: {  	v51 =	vld [tilespmem:$0x30];
	v46 =	vadd.s32 $0xB, v37;
	[tilespmem:$0x5E0] =	vst v42  }
0xc9: {  	v57 =	vld [tilespmem:$0x60];
	v48 =	vadd.s32 $0xB, v39;
	[tilespmem:$0x600] =	vst v46  }
0xca: {  	v19 =	vld [tilespmem:$0x70];
	v50 =	vadd.s32 $0xB, v41;
	[tilespmem:$0x610] =	vst v48  }
0xcb: {  	v35 =	vld [tilespmem:$0x70];
	v52 =	vadd.s32 $0xB, v43;
	[tilespmem:$0x620] =	vst v50  }
0xcc: {  	v47 =	vld [tilespmem:$0x50];
	v54 =	vadd.s32 $0xB, v45;
	[tilespmem:$0x630] =	vst v52  }
0xcd: {  	v49 =	vld [tilespmem:$0x60];
	v60 =	vadd.s32 $0x8, v51;
	[tilespmem:$0x640] =	vst v54  }
0xce: {  	v53 =	vld [tilespmem:$0x0];
	v10 =	vadd.s32 $0x8, v57;
	[tilespmem:$0x4B0] =	vst v60  }
0xcf: {  	v55 =	vld [tilespmem:$0x10];
	v28 =	vadd.s32 $0x9, v19;
	[tilespmem:$0x4E0] =	vst v10  }
0xd0: {  	v59 =	vld [tilespmem:$0x30];
	v44 =	vadd.s32 $0xA, v35;
	[tilespmem:$0x570] =	vst v28  }
0xd1: {  	v61 =	vld [tilespmem:$0x40];
	[tilespmem:$0x5F0] =	vst v44;
	v56 =	vadd.s32 $0xB, v47  }
0xd2: {  	v63 =	vld [tilespmem:$0x50];
	v58 =	vadd.s32 $0xB, v49;
	[tilespmem:$0x650] =	vst v56  }
0xd3: {  	v51 =	vld [tilespmem:$0x70];
	v62 =	vadd.s32 $0xC, v53;
	[tilespmem:$0x660] =	vst v58  }
0xd4: {  	v57 =	vld [tilespmem:$0x20];
	v7 =	vadd.s32 $0xC, v55;
	[tilespmem:$0x680] =	vst v62  }
0xd5: {  	v8 =	vld [tilespmem:$0x60];
	v11 =	vadd.s32 $0xC, v59;
	[tilespmem:$0x690] =	vst v7  }
0xd6: {  	v12 =	vld [tilespmem:$0x0];
	v13 =	vadd.s32 $0xC, v61;
	[tilespmem:$0x6B0] =	vst v11  }
0xd7: {  	v14 =	vld [tilespmem:$0x10];
	v15 =	vadd.s32 $0xC, v63;
	[tilespmem:$0x6C0] =	vst v13  }
0xd8: {  	v16 =	vld [tilespmem:$0x20];
	v60 =	vadd.s32 $0xB, v51;
	[tilespmem:$0x6D0] =	vst v15  }
0xd9: {  	v18 =	vld [tilespmem:$0x30];
	v9 =	vadd.s32 $0xC, v57;
	[tilespmem:$0x670] =	vst v60  }
0xda: {  	v20 =	vld [tilespmem:$0x40];
	v17 =	vadd.s32 $0xC, v8;
	[tilespmem:$0x6A0] =	vst v9  }
0xdb: {  	v22 =	vld [tilespmem:$0x50];
	v21 =	vadd.s32 $0xD, v12;
	[tilespmem:$0x6E0] =	vst v17  }
0xdc: {  	v24 =	vld [tilespmem:$0x60];
	v23 =	vadd.s32 $0xD, v14;
	[tilespmem:$0x700] =	vst v21  }
0xdd: {  	v26 =	vld [tilespmem:$0x70];
	v25 =	vadd.s32 $0xD, v16;
	[tilespmem:$0x710] =	vst v23  }
0xde: {  	v30 =	vld [tilespmem:$0x10];
	v27 =	vadd.s32 $0xD, v18;
	[tilespmem:$0x720] =	vst v25  }
0xdf: {  	v32 =	vld [tilespmem:$0x20];
	v29 =	vadd.s32 $0xD, v20;
	[tilespmem:$0x730] =	vst v27  }
0xe0: {  	v34 =	vld [tilespmem:$0x30];
	v31 =	vadd.s32 $0xD, v22;
	[tilespmem:$0x740] =	vst v29  }
0xe1: {  	v36 =	vld [tilespmem:$0x40];
	v33 =	vadd.s32 $0xD, v24;
	[tilespmem:$0x750] =	vst v31  }
0xe2: {  	v38 =	vld [tilespmem:$0x50];
	v35 =	vadd.s32 $0xD, v26;
	[tilespmem:$0x760] =	vst v33  }
0xe3: {  	v40 =	vld [tilespmem:$0x60];
	v39 =	vadd.s32 $0xE, v30;
	[tilespmem:$0x770] =	vst v35  }
0xe4: {  	v42 =	vld [tilespmem:$0x70];
	v41 =	vadd.s32 $0xE, v32;
	[tilespmem:$0x790] =	vst v39  }
0xe5: {  	v46 =	vld [tilespmem:$0x10];
	v43 =	vadd.s32 $0xE, v34;
	[tilespmem:$0x7A0] =	vst v41  }
0xe6: {  	v48 =	vld [tilespmem:$0x20];
	v45 =	vadd.s32 $0xE, v36;
	[tilespmem:$0x7B0] =	vst v43  }
0xe7: {  	v50 =	vld [tilespmem:$0x30];
	v47 =	vadd.s32 $0xE, v38;
	[tilespmem:$0x7C0] =	vst v45  }
0xe8: {  	v54 =	vld [tilespmem:$0x50];
	v49 =	vadd.s32 $0xE, v40;
	[tilespmem:$0x7D0] =	vst v47  }
0xe9: {  	v10 =	vld [tilespmem:$0x70];
	v51 =	vadd.s32 $0xE, v42;
	[tilespmem:$0x7E0] =	vst v49  }
0xea: {  	v28 =	vld [tilespmem:$0x0];
	v55 =	vadd.s32 $0xF, v46;
	[tilespmem:$0x7F0] =	vst v51  }
0xeb: {  	v44 =	vld [tilespmem:$0x0];
	v57 =	vadd.s32 $0xF, v48;
	[tilespmem:$0x810] =	vst v55  }
0xec: {  	v52 =	vld [tilespmem:$0x40];
	v59 =	vadd.s32 $0xF, v50;
	[tilespmem:$0x820] =	vst v57  }
0xed: {  	v56 =	vld [tilespmem:$0x60];
	v61 =	vadd.s32 $0xF, v54;
	[tilespmem:$0x830] =	vst v59  }
0xee: {  	v58 =	vld [tilespmem:$0x70];
	v19 =	vadd.s32 $0xC, v10;
	[tilespmem:$0x850] =	vst v61  }
0xef: {  	v37 =	vadd.s32 $0xE, v28;
	[tilespmem:$0x6F0] =	vst v19  }
0xf0: {  	v53 =	vadd.s32 $0xF, v44;
	[tilespmem:$0x780] =	vst v37  }
0xf1: {  	v60 =	vadd.s32 $0xF, v52;
	[tilespmem:$0x800] =	vst v53  }
0xf2: {  	s9 =	stileid.u32;
	s21 =	sld [smem:$0x7F4];
	[tilespmem:$0x840] =	vst v60;
	v62 =	vadd.s32 $0xF, v56  }
0xf3: {  	s4 =	sshll.u32 s9, $0x6;
	v63 =	vadd.s32 $0xF, v58;
	[tilespmem:$0x860] =	vst v62  }
0xf4: {  	s18 =	sor.u32 $0x1C01, s4;
	s10 =	rddreg [dreg:$0x6];
	[tilespmem:$0x870] =	vst v63  }
0xf5: {  	[spmem:s21], [sflag:s18] =	dma.local [hbm:s10], $0x100  }
0xf6: {  	s5 =	sld [smem:$0x7F5];
	_ =	sdelay $0x1  }
0xf7: {  	s4 =	rddreg [dreg:$0x7]  }
0xf8: {  	[spmem:s5], [sflag:s18] =	dma.local [hbm:s4], $0x100  }
0xf9: {  	s5 =	sld [smem:$0x7F6];
	_ =	sdelay $0x1  }
0xfa: {  	s4 =	rddreg [dreg:$0x8]  }
0xfb: {  	[spmem:s5], [sflag:s18] =	dma.local [hbm:s4], $0x100  }
0xfc: {  	s5 =	sld [smem:$0x7F7];
	_ =	sdelay $0x1  }
0xfd: {  	s4 =	rddreg [dreg:$0x9]  }
0xfe: {  	[spmem:s5], [sflag:s18] =	dma.local [hbm:s4], $0x100  }
0xff: {  	s5 =	sld [smem:$0x7F8];
	_ =	sdelay $0x1  }
0x100: {  	s4 =	rddreg [dreg:$0xa]  }
0x101: {  	[spmem:s5], [sflag:s18] =	dma.local [hbm:s4], $0x100  }
0x102: {  	s5 =	sld [smem:$0x7F9];
	_ =	sdelay $0x1  }
0x103: {  	s4 =	rddreg [dreg:$0xb]  }
0x104: {  	[spmem:s5], [sflag:s18] =	dma.local [hbm:s4], $0x100  }
0x105: {  	s5 =	sld [smem:$0x7FA];
	_ =	sdelay $0x1  }
0x106: {  	s4 =	rddreg [dreg:$0xc]  }
0x107: {  	[spmem:s5], [sflag:s18] =	dma.local [hbm:s4], $0x100  }
0x108: {  	s5 =	sld [smem:$0x7FB];
	_ =	sdelay $0x1  }
0x109: {  	s4 =	rddreg [dreg:$0xd]  }
0x10a: {  	[spmem:s5], [sflag:s18] =	dma.local [hbm:s4], $0x100  }
0x10b: {  	_ =	swait.ge [sflag:s31], $0x100  }
0x10c: {  	[sflag:s31] =	ssyncset.done $0x0  }
0x10d: {  	[sflag:s31] =	ssyncadd.s32 $0xFFFFFF00  }
0x10e: {  	_ =	swait.ge [sflag:s31], $0x100  }
0x10f: {  	[sflag:s31] =	ssyncset.done $0x0  }
0x110: {  	[sflag:s31] =	ssyncadd.s32 $0xFFFFFF00  }
0x111: {  	_ =	swait.ge [sflag:s31], $0x100  }
0x112: {  	[sflag:s31] =	ssyncset.done $0x0  }
0x113: {  	[sflag:s31] =	ssyncadd.s32 $0xFFFFFF00  }
0x114: {  	_ =	swait.ge [sflag:s31], $0x100  }
0x115: {  	[sflag:s31] =	ssyncset.done $0x0  }
0x116: {  	[sflag:s31] =	ssyncadd.s32 $0xFFFFFF00  }
0x117: {  	_ =	swait.ge [sflag:s31], $0x100  }
0x118: {  	[sflag:s31] =	ssyncset.done $0x0  }
0x119: {  	[sflag:s31] =	ssyncadd.s32 $0xFFFFFF00  }
0x11a: {  	_ =	swait.ge [sflag:s31], $0x100  }
0x11b: {  	[sflag:s31] =	ssyncset.done $0x0  }
0x11c: {  	[sflag:s31] =	ssyncadd.s32 $0xFFFFFF00  }
0x11d: {  	_ =	swait.ge [sflag:s31], $0x100  }
0x11e: {  	[sflag:s31] =	ssyncset.done $0x0  }
0x11f: {  	[sflag:s31] =	ssyncadd.s32 $0xFFFFFF00  }
0x120: {  	_ =	swait.ge [sflag:s31], $0x100  }
0x121: {  	[sflag:s31] =	ssyncset.done $0x0  }
0x122: {  	[sflag:s31] =	ssyncadd.s32 $0xFFFFFF00  }
0x123: {  	s6 =	simm.s32 $0x0;
	[bflag:$0x0] =	sbarrier.arrive $0xFFFF  }
0x124: {  	s9 =	simm.s32 $0x0;
	s7 =	simm.s32 $0x1;
	s4 =	sld [smem:$0x7F3]  }
.LBB2_2:
0x125: {  	p0 =	seq.s32 s6, $0xF00  }
0x126: {  	s5 =	smul.u32 @!p0 $0xAB, s7;
	_ =	sdelay $0x1  }
0x127: {  	s5 =	sshrl.u32 @!p0 s5, $0x9  }
0x128: {  	s5 =	sand.u32 @!p0 $0x7F, s5  }
0x129: {  	s5 =	smul.u32 @!p0 $0x3, s5;
	_ =	sdelay $0x1  }
0x12a: {  	s5 =	ssub.s32 @!p0 s7, s5  }
0x12b: {  	s10 =	sld [smem:$0x7F2];
	s5 =	sand.u32 @!p0 $0xFF, s5  }
0x12c: {  	s5 =	sshll.u32 @!p0 s5, $0x12  }
0x12d: {  	s5 =	sadd.s32 @!p0 s5, s8  }
0x12e: {  	s21 =	sadd.s32 @!p0 s10, s5;
	s10 =	rddreg [dreg:$0x11]  }
0x12f: {  	s10 =	sadd.s32 @!p0 s6, s10;
	s21 =	sshrl.u32 @!p0 s21, $0x3  }
0x130: {  	[spmem:s21], [sflag:s18] =	dma.local @!p0 [hbm:s10], $0x100  }
0x131: {  	s10 =	rddreg [dreg:$0x19]  }
0x132: {  	s21 =	rddreg [dreg:$0x12];
	s10 =	sadd.s32 @!p0 s10, s5  }
0x133: {  	s21 =	sadd.s32 @!p0 s6, s21;
	s10 =	sshrl.u32 @!p0 s10, $0x3  }
0x134: {  	[spmem:s10], [sflag:s18] =	dma.local @!p0 [hbm:s21], $0x100  }
0x135: {  	s10 =	rddreg [dreg:$0x1a]  }
0x136: {  	s21 =	rddreg [dreg:$0x10];
	s10 =	sadd.s32 @!p0 s10, s5  }
0x137: {  	s21 =	sadd.s32 @!p0 s6, s21;
	s10 =	sshrl.u32 @!p0 s10, $0x3  }
0x138: {  	[spmem:s10], [sflag:s18] =	dma.local @!p0 [hbm:s21], $0x100  }
0x139: {  	s10 =	rddreg [dreg:$0x1b]  }
0x13a: {  	s21 =	rddreg [dreg:$0x13];
	s10 =	sadd.s32 @!p0 s10, s5  }
0x13b: {  	s21 =	sadd.s32 @!p0 s6, s21;
	s10 =	sshrl.u32 @!p0 s10, $0x3  }
0x13c: {  	[spmem:s10], [sflag:s18] =	dma.local @!p0 [hbm:s21], $0x100  }
0x13d: {  	s10 =	rddreg [dreg:$0x1c]  }
0x13e: {  	s21 =	rddreg [dreg:$0xf];
	s10 =	sadd.s32 @!p0 s10, s5  }
0x13f: {  	s21 =	sadd.s32 @!p0 s6, s21;
	s10 =	sshrl.u32 @!p0 s10, $0x3  }
0x140: {  	[spmem:s10], [sflag:s18] =	dma.local @!p0 [hbm:s21], $0x100  }
0x141: {  	s10 =	rddreg [dreg:$0x1d]  }
0x142: {  	s21 =	rddreg [dreg:$0x14];
	s10 =	sadd.s32 @!p0 s10, s5  }
0x143: {  	p1 =	sne.s32 @!p0 s6, $0x0;
	s21 =	sadd.s32 @!p0 s6, s21;
	s10 =	sshrl.u32 @!p0 s10, $0x3  }
0x144: {  	[spmem:s10], [sflag:s18] =	dma.local @!p0 [hbm:s21], $0x100  }
0x145: {  	p1 =	por p0, p1;
	s10 =	sadd.s32 @!p0 s2, s5;
	s21 =	rddreg [dreg:$0xe]  }
.Ltmp2:
0x146: {  	s10 =	sshrl.u32 @!p0 s10, $0x3;
	s21 =	sadd.s32 @!p0 s6, s21;
	(pc) =	sbr.rel @!p1 .LBB2_3-.Ltmp2, $4  }
0x147: {  	[spmem:s10], [sflag:s18] =	dma.local @!p0 [hbm:s21], $0x100  }
0x148: {  	s5 =	sadd.s32 @!p0 s1, s5;
	s10 =	rddreg [dreg:$0x15]  }
0x149: {  	s5 =	sshrl.u32 @!p0 s5, $0x3;
	s10 =	sadd.s32 @!p0 s6, s10  }
0x14a: {  	[spmem:s5], [sflag:s18] =	dma.local @!p0 [hbm:s10], $0x100  }
0x14b: {  	s5 =	sadd.s32 $0xFFFFFFFF, s7  }
0x14c: {  	s10 =	smul.u32 $0xAB, s5;
	_ =	sdelay $0x1  }
0x14d: {  	s10 =	sshrl.u32 s10, $0x9  }
0x14e: {  	s10 =	sand.u32 $0x7F, s10  }
0x14f: {  	s10 =	smul.u32 $0x3, s10;
	_ =	sdelay $0x1  }
0x150: {  	_ =	swait.ge [sflag:s24], $0x4000;
	s5 =	ssub.s32 s5, s10  }
0x151: {  	s10 =	sld [smem:$0x7EA];
	s5 =	sand.u32 $0xFF, s5  }
0x152: {  	[sflag:s24] =	ssyncset.done $0x0;
	s5 =	sshll.u32 s5, $0x12  }
0x153: {  	[sflag:s24] =	ssyncadd.s32 $0xFFFFC000;
	s21 =	sadd.s32 s5, s8  }
0x154: {  	[tilespmem:s15], [sflag:$0x2] =	stream.indirect.gather [spmem:s21], $0x80, s10, s14, $0xb8;
	[tilespmem:$0x1C880] =	vst v63  }
0x155: {  	_ =	swait.ge [sflag:s25], $0x4000  }
0x156: {  	s10 =	sld [smem:$0x7FC];
	_ =	sdelay $0x1  }
0x157: {  	s5 =	sand.u32 $0x1FFFC000, s4;
	[sflag:s25] =	ssyncset.done $0x0  }
0x158: {  	[sflag:s25] =	ssyncadd.s32 $0xFFFFC000;
	s10 =	sadd.s32 s5, s10  }
0x159: {  	[hbm4b:s10+s0] =	stream.linear.scatter [tilespmem:s17], [sflag:$0x8], $0x4000, $0x38;
	[tilespmem:$0x1C880] =	vst v63  }
0x15a: {  	_ =	swait.ge [sflag:s26], $0x4000  }
0x15b: {  	s10 =	sld [smem:$0x7EB]  }
0x15c: {  	[sflag:s26] =	ssyncset.done $0x0  }
0x15d: {  	[sflag:s26] =	ssyncadd.s32 $0xFFFFC000  }
0x15e: {  	[tilespmem:s16], [sflag:$0x3] =	stream.indirect.gather [spmem:s21], $0x80, s10, s14, $0xb8;
	[tilespmem:$0x1C880] =	vst v63  }
0x15f: {  	_ =	swait.ge [sflag:s28], $0x4000  }
0x160: {  	s10 =	sld [smem:$0x7FD];
	_ =	sdelay $0x1  }
0x161: {  	[sflag:s28] =	ssyncset.done $0x0  }
.Ltmp3:
0x162: {  	[sflag:s28] =	ssyncadd.s32 $0xFFFFC000;
	s5 =	sadd.s32 s5, s10;
	(pc) =	sbr.rel .LBB2_5-.Ltmp3, $4  }
0x163: {  	[hbm4b:s5+s0] =	stream.linear.scatter [tilespmem:s22], [sflag:$0x9], $0x4000, $0x38;
	[tilespmem:$0x1C880] =	vst v63  }
0x164: {  	_ =	swait.ge [sflag:s29], $0x4000  }
0x165: {  	[sflag:s29] =	ssyncset.done $0x0  }
0x166: {  	p1 =	por $0x0, $0x0;
	s5 =	smov.u32 s9;
	[sflag:s29] =	ssyncadd.s32 $0xFFFFC000  }
.LBB2_3:
0x167: {  	s5 =	sld [smem:$0x7EA];
	_ =	sdelay $0x1  }
0x168: {  	s21 =	sld [smem:$0x7EB]  }
0x169: {  	[tilespmem:s15], [sflag:$0x2] =	stream.indirect.gather [spmem:s8], $0x80, s5, s14, $0xb8;
	[tilespmem:$0x1C880] =	vst v63  }
0x16a: {  	_ = 	snop  }
0x16b: {  	[tilespmem:s16], [sflag:$0x3] =	stream.indirect.gather [spmem:s8], $0x80, s21, s14, $0xb8;
	[tilespmem:$0x1C880] =	vst v63  }
0x16c: {  	p1 =	por $0x1, $0x1;
	s5 =	simm.s32 $0x0;
	s21 =	smov.u32 s8  }
.LBB2_5:
0x16d: {  	s10 =	sld [smem:$0x7EC];
	_ =	sdelay $0x2  }
0x16e: {  	[tilespmem:s17], [sflag:$0x4] =	stream.indirect.gather [spmem:s21], $0x80, s10, s14, $0xb8;
	[tilespmem:$0x1C880] =	vst v63  }
0x16f: {  	s10 =	rddreg [dreg:$0x16]  }
0x170: {  	s5 =	sadd.s32 s10, s5;
	s10 =	rddreg [dreg:$0x17]  }
0x171: {  	s5 =	sor.u32 s5, s10;
	s10 =	rddreg [dreg:$0x18];
	_ =	swait.ge [sflag:s20], $0x4000  }
0x172: {  	s5 =	sor.u32 s10, s5;
	[sflag:s20] =	ssyncset.done $0x0  }
0x173: {  	s5 =	sshll.u32 s5, $0xB;
	[sflag:s20] =	ssyncadd.s32 $0xFFFFC000  }
0x174: {  	s5 =	sand.u32 $0x1FFFC000, s5;
	s10 =	rddreg [dreg:$0x2]  }
0x175: {  	s10 =	sadd.s32 s10, s5  }
0x176: {  	[hbm4b:s10+s0] =	stream.linear.scatter [tilespmem:s15], [sflag:$0x6], $0x4000, $0x38;
	[tilespmem:$0x1C880] =	vst v63  }
0x177: {  	s10 =	simm.s32 @!p1 $0x9  }
0x178: {  	_ =	swait.ge @!p1 [sflag:s10], $0x4000  }
0x179: {  	[sflag:s10] =	ssyncset.done @!p1 $0x0  }
0x17a: {  	[sflag:s10] =	ssyncadd.s32 @!p1 $0xFFFFC000;
	s10 =	sld [smem:$0x7ED];
	_ =	sdelay $0x2  }
0x17b: {  	[tilespmem:s22], [sflag:$0x5] =	stream.indirect.gather [spmem:s21], $0x80, s10, s14, $0xb8;
	[tilespmem:$0x1C880] =	vst v63  }
0x17c: {  	_ =	swait.ge [sflag:s23], $0x4000  }
0x17d: {  	[sflag:s23] =	ssyncset.done $0x0  }
0x17e: {  	s10 =	sadd.s32 s5, s3;
	[sflag:s23] =	ssyncadd.s32 $0xFFFFC000  }
0x17f: {  	[hbm4b:s10+s0] =	stream.linear.scatter [tilespmem:s16], [sflag:$0x7], $0x4000, $0x38;
	[tilespmem:$0x1C880] =	vst v63  }
0x180: {  	_ =	swait.ge [sflag:s24], $0x4000  }
0x181: {  	s10 =	sld [smem:$0x7EE]  }
0x182: {  	[sflag:s24] =	ssyncset.done $0x0  }
0x183: {  	[sflag:s24] =	ssyncadd.s32 $0xFFFFC000  }
0x184: {  	[tilespmem:s15], [sflag:$0x2] =	stream.indirect.gather [spmem:s21], $0x80, s10, s14, $0xb8;
	[tilespmem:$0x1C880] =	vst v63  }
0x185: {  	_ =	swait.ge [sflag:s25], $0x4000  }
0x186: {  	[sflag:s25] =	ssyncset.done $0x0  }
0x187: {  	s10 =	sadd.s32 s5, s19;
	[sflag:s25] =	ssyncadd.s32 $0xFFFFC000  }
0x188: {  	[hbm4b:s10+s0] =	stream.linear.scatter [tilespmem:s17], [sflag:$0x8], $0x4000, $0x38;
	[tilespmem:$0x1C880] =	vst v63  }
0x189: {  	_ =	swait.ge [sflag:s26], $0x4000  }
0x18a: {  	s10 =	sld [smem:$0x7EF]  }
0x18b: {  	[sflag:s26] =	ssyncset.done $0x0  }
0x18c: {  	[sflag:s26] =	ssyncadd.s32 $0xFFFFC000  }
0x18d: {  	[tilespmem:s16], [sflag:$0x3] =	stream.indirect.gather [spmem:s21], $0x80, s10, s14, $0xb8;
	[tilespmem:$0x1C880] =	vst v63  }
0x18e: {  	_ =	swait.ge [sflag:s28], $0x4000  }
0x18f: {  	[sflag:s28] =	ssyncset.done $0x0  }
0x190: {  	s10 =	sadd.s32 s5, s11;
	[sflag:s28] =	ssyncadd.s32 $0xFFFFC000  }
0x191: {  	[hbm4b:s10+s0] =	stream.linear.scatter [tilespmem:s22], [sflag:$0x9], $0x4000, $0x38;
	[tilespmem:$0x1C880] =	vst v63  }
0x192: {  	_ =	swait.ge [sflag:s29], $0x4000  }
0x193: {  	s10 =	sld [smem:$0x7F0]  }
0x194: {  	[sflag:s29] =	ssyncset.done $0x0  }
0x195: {  	[sflag:s29] =	ssyncadd.s32 $0xFFFFC000  }
0x196: {  	[tilespmem:s17], [sflag:$0x4] =	stream.indirect.gather [spmem:s21], $0x80, s10, s14, $0xb8;
	[tilespmem:$0x1C880] =	vst v63  }
0x197: {  	_ =	swait.ge [sflag:s20], $0x4000  }
0x198: {  	[sflag:s20] =	ssyncset.done $0x0  }
0x199: {  	s10 =	sadd.s32 s5, s12;
	[sflag:s20] =	ssyncadd.s32 $0xFFFFC000  }
0x19a: {  	[hbm4b:s10+s0] =	stream.linear.scatter [tilespmem:s15], [sflag:$0x6], $0x4000, $0x38;
	[tilespmem:$0x1C880] =	vst v63  }
0x19b: {  	_ =	swait.ge [sflag:s30], $0x4000  }
0x19c: {  	s10 =	sld [smem:$0x7F1]  }
0x19d: {  	[sflag:s30] =	ssyncset.done $0x0  }
0x19e: {  	[sflag:s30] =	ssyncadd.s32 $0xFFFFC000  }
0x19f: {  	[tilespmem:s22], [sflag:$0x5] =	stream.indirect.gather [spmem:s21], $0x80, s10, s14, $0xb8;
	[tilespmem:$0x1C880] =	vst v63  }
.Ltmp4:
0x1a0: {  	_ = 	snop;
	(pc) =	sbr.rel @p0 .LBB2_7-.Ltmp4, $4  }
0x1a1: {  	_ =	swait.ge [sflag:s23], $0x4000  }
0x1a2: {  	[sflag:s23] =	ssyncset.done $0x0  }
0x1a3: {  	s5 =	sadd.s32 s5, s13;
	[sflag:s23] =	ssyncadd.s32 $0xFFFFC000  }
0x1a4: {  	[hbm4b:s5+s0] =	stream.linear.scatter [tilespmem:s16], [sflag:$0x7], $0x4000, $0x38;
	[tilespmem:$0x1C880] =	vst v63  }
0x1a5: {  	_ =	swait.ge [sflag:s31], $0x100  }
0x1a6: {  	[sflag:s31] =	ssyncset.done $0x0  }
0x1a7: {  	[sflag:s31] =	ssyncadd.s32 $0xFFFFFF00  }
0x1a8: {  	_ =	swait.ge [sflag:s31], $0x100  }
0x1a9: {  	[sflag:s31] =	ssyncset.done $0x0  }
0x1aa: {  	[sflag:s31] =	ssyncadd.s32 $0xFFFFFF00  }
0x1ab: {  	_ =	swait.ge [sflag:s31], $0x100  }
0x1ac: {  	[sflag:s31] =	ssyncset.done $0x0  }
0x1ad: {  	[sflag:s31] =	ssyncadd.s32 $0xFFFFFF00  }
0x1ae: {  	_ =	swait.ge [sflag:s31], $0x100  }
0x1af: {  	[sflag:s31] =	ssyncset.done $0x0  }
0x1b0: {  	[sflag:s31] =	ssyncadd.s32 $0xFFFFFF00  }
0x1b1: {  	_ =	swait.ge [sflag:s31], $0x100  }
0x1b2: {  	[sflag:s31] =	ssyncset.done $0x0  }
0x1b3: {  	[sflag:s31] =	ssyncadd.s32 $0xFFFFFF00  }
0x1b4: {  	_ =	swait.ge [sflag:s31], $0x100  }
0x1b5: {  	[sflag:s31] =	ssyncset.done $0x0  }
0x1b6: {  	[sflag:s31] =	ssyncadd.s32 $0xFFFFFF00  }
0x1b7: {  	_ =	swait.ge [sflag:s31], $0x100  }
0x1b8: {  	[sflag:s31] =	ssyncset.done $0x0  }
0x1b9: {  	[sflag:s31] =	ssyncadd.s32 $0xFFFFFF00  }
.Ltmp5:
0x1ba: {  	_ =	swait.ge [sflag:s31], $0x100;
	(pc) =	sbr.rel .LBB2_2-.Ltmp5, $4  }
0x1bb: {  	[sflag:s31] =	ssyncset.done $0x0  }
0x1bc: {  	[sflag:s31] =	ssyncadd.s32 $0xFFFFFF00  }
0x1bd: {  	s7 =	sadd.s32 $0x1, s7;
	[bflag:$0x0] =	sbarrier.arrive $0xFFFF  }
0x1be: {  	s6 =	sadd.s32 $0x100, s6;
	s9 =	sadd.s32 $0x10, s9;
	s4 =	sadd.s32 $0x8000, s4  }
.LBB2_8:
0x1bf: {  	_ =	sfence.sel $0x180000  }
0x1c0: {  	[bflag:$0x0] =	sbarrier.arrive $0xFFFF  }
0x1c1: {  	_ =	strace $0x9000004A  }
0x1c2: {  	s0 =	stileid.u32;
	[bflag:$0x2] =	sbarrier.arrive $0xFFFF  }
0x1c3: {  	p0 =	sne.s32 s0, $0x0;
	s0 =	rddreg [dreg:$0x4]  }
0x1c4: {  	s0 =	sadd.s32 @!p0 $0x100000, s0  }
0x1c5: {  	[sflag:s0] =	ssyncadd.tile.s32 @!p0 $0x1;
	_ =	shalt  }
.Lfunc_end2:
_tile_overlayer_lowered:
.L_overlay_start_2:
0x1c6: {  	(tag) =	ssettag $0x2  }
0x1c7: {  	s0 =	rddreg [dreg:$0x0];
	s2 =	stileid.u32  }
0x1c8: {  	s1 =	rddreg [dreg:$0x1];
	p0 =	sne.s32 s2, $0x0  }
0x1c9: {  	s3 =	rddreg [dreg:$0x2];
	[bflag:$0x3] =	sbarrier.arrive $0xFFFF;
	s2 =	simm.s32 @!p0 $0x1C0A  }
0x1ca: {  	[timem:s3], [sflag:s2] =	dma.local @!p0 [hbm:s0], s1  }
0x1cb: {  	s0 =	simm.s32 @!p0 $0xA  }
0x1cc: {  	_ =	swait.ge @!p0 [sflag:s0], s1  }
0x1cd: {  	s1 =	ssub.s32 @!p0 $0x0, s1;
	[sflag:s0] =	ssyncset.done @!p0 $0x0  }
0x1ce: {  	[sflag:s0] =	ssyncadd.s32 @!p0 s1  }
0x1cf: {  	[bflag:$0x3] =	sbarrier.arrive $0xFFFF  }
0x1d0: {  	_ =	shalt  }

// kernel: sparse-core-data-format-call.cloned.1.call-start
scs
called_computation_lowered:
.L_overlay_start_0:
0x0: {  	s2 =	sld [smem:$0x3FD9]  }
0x1: {  	s3 =	sld [smem:$0x3FFE];
	_ =	sdelay $0x1  }
0x2: {  	s1 =	srdreg.scid  }
0x3: {  	s0 =	sand.u32 $0x1, s1  }
0x4: {  	s18 =	sshll.u32 s0, $0xA;
	s2 =	sadd.s32 s3, s2  }
0x5: {  	s2 =	sadd.s32 s2, s18  }
0x6: {  	[smem:$0x3FC6] =	sst s2  }
0x7: {  	_ = 	snop  }
0x8: {  	s2 =	sld [smem:$0x3FC8];
	(tm) =	ssettm $0x1  }
0x9: {  	s19 =	sld [smem:$0x3FFB];
	_ =	sdelay $0x3  }
0xa: {  	_ =	strace s19  }
0xb: {  	s3 =	sld [smem:$0x3FFC];
	_ =	sdelay $0x3  }
0xc: {  	_ =	strace s3  }
0xd: {  	s3 =	sld [smem:$0x3FFD];
	_ =	sdelay $0x3  }
0xe: {  	_ =	strace s3  }
0xf: {  	_ =	strace $0x8FFFFFFF  }
0x10: {  	s20 =	sld [smem:$0x3FDB];
	_ =	sdelay $0x1  }
0x11: {  	s4 =	simm.s32 $_scs_section_size  }
0x12: {  	s5 =	simm.s32 $_size__tile_overlayer_lowered;
	s6 =	simm.s32 $_tile_overlayer_lowered  }
0x13: {  	s23 =	simm.s32 $0x1BFF;
	s22 =	sshll.u32 s6, $0x1;
	s3 =	sadd.s32 s4, s20  }
0x14: {  	s7 =	simm.s32 $0x0;
	s21 =	sshll.u32 s5, $0x1;
	s5 =	sadd.s32 s22, s3  }
0x15: {  	[timem:s7], [sflag:s23] =	dma.local [hbm:s5], s21  }
0x16: {  	_ =	swait.ge [sflag:s23], s21  }
0x17: {  	s4 =	ssub.s32 $0x0, s21;
	[sflag:s23] =	ssyncset.done $0x0  }
0x18: {  	[sflag:s23] =	ssyncadd.s32 s4;
	_ =	sdelay $0x1  }
0x19: {  	s24 =	simm.s32 $0x1B8B  }
0x1a: {  	_ =	swait.ge [sflag:s24], $0x1  }
0x1b: {  	[sflag:s24] =	ssyncset.done $0x0  }
0x1c: {  	s26 =	simm.s32 $0x1B8E;
	s25 =	sld [smem:$0x3FFE];
	[sflag:s24] =	ssyncadd.s32 $0xFFFFFFFF  }
0x1d: {  	s27 =	simm.s32 $execute0_lowered;
	[smem:$0x3FD2] =	sst s26  }
0x1e: {  	s5 =	sshll.u32 s27, $0x1;
	_ =	strace $0x80000046;
	[dreg:$0x1] =	wrdreg $0xFFFFFFFF  }
0x1f: {  	s28 =	simm.s32 $_size_execute0_lowered;
	s3 =	sadd.s32 s3, s5;
	[dreg:$0x0] =	wrdreg $0x0  }
0x20: {  	s5 =	sshll.u32 s28, $0x1;
	[dreg:$0x2] =	wrdreg s3  }
0x21: {  	[dreg:$0x3] =	wrdreg s5  }
0x22: {  	[dreg:$0x4] =	wrdreg $0xC0  }
0x23: {  	_ =	task [dreg:s7], $0x5FFFF  }
0x24: {  	[dreg:$0x1] =	wrdreg $0xFFFFFFFF  }
0x25: {  	[dreg:$0x0] =	wrdreg $0x60  }
0x26: {  	[dreg:$0x2] =	wrdreg s2  }
0x27: {  	[dreg:$0x3] =	wrdreg s25  }
0x28: {  	[dreg:$0x4] =	wrdreg $0x9  }
0x29: {  	_ =	task.clear_ibuf [dreg:s7], $0x5FFFF;
	_ =	strace $0x90000046  }
0x2a: {  	s29 =	simm.s32 $0x9;
	_ =	strace $0x80000048  }
0x2b: {  	_ =	swait.ge [sflag:s29], $0x1  }
0x2c: {  	[sflag:s29] =	ssyncadd.s32 $0xFFFFFFFF  }
0x2d: {  	_ =	strace $0x90000048  }
0x2e: {  	_ =	sfence  }
0x2f: {  	s30 =	sld [smem:$0x0];
	_ =	sdelay $0x2  }
0x30: {  	s31 =	sshll.u32 s1, $0xD;
	s1 =	sshrl.u32 s1, $0x2  }
0x31: {  	s3 =	sand.u32 $0x4000, s31;
	s1 =	sadd.s32 s1, s30  }
0x32: {  	s0 =	sor.u32 s3, s0;
	s1 =	sshll.u32 s1, $0x11  }
0x33: {  	s0 =	sor.u32 s1, s0  }
0x34: {  	s0 =	sadd.s32 $0x8F2B, s0  }
0x35: {  	[sflag:s0] =	ssyncadd.remote.s32 $0x1  }
0x36: {  	_ =	sfence.sel $0xFFFF  }
0x37: {  	[dreg:$0x0] =	wrdreg $0xFFFFFFFF;
	(pc) =	sbr.abs _section_cstart, $3  }
0x38: {  	[dreg:$0x1] =	wrdreg $0xFFFFFFFF  }
0x39: {  	_ =	task.clear_ibuf [dreg:s7], $0x2FFFF;
	_ =	strace $0x9FFFFFFF  }
0x3a: {  	(tm) =	ssettm $0x7FFFFFFF  }
0x3b: {  	_ =	shalt  }
tec
execute0_lowered:
.L_overlay_start_1:
0x0: {  	(tag) =	ssettag $0x1  }
0x1: {  	s1 =	rddreg [dreg:$0x0]  }
0x2: {  	s0 =	srdreg.scid;
	s2 =	rddreg [dreg:$0x1];
	s5 =	simm.s32 $0x1  }
0x3: {  	s8 =	simm.s32 $0x2;
	s14 =	simm.s32 $0x0;
	s9 =	simm.s32 $0x10000  }
0x4: {  	s10 =	simm.s32 $0x0;
	s15 =	simm.s32 $0x0;
	s3 =	sshll.u32 s0, $0x4  }
0x5: {  	s12 =	stileid.u32;
	s13 =	simm.s32 $0x0;
	s3 =	sand.u32 $0x10, s3  }
.Ltmp0:
0x6: {  	s0 =	rddreg [dreg:$0x2];
	s6 =	ssub.s32 $0x200, s3;
	(pc) =	sbr.rel .LBB1_1-.Ltmp0, $4  }
0x7: {  	_ =	strace $0x80000047;
	s4 =	sadd.s32 $0x800, s2;
	s7 =	sshrl.u32 s6, $0x4  }
0x8: {  	[sflag:s5] =	ssyncpa.u1 $0x0;
	s6 =	sshrl.u32 s6, $0x5;
	s7 =	sand.u32 $0x1, s7  }
0x9: {  	s2 =	stileid.u32;
	[sflag:s8] =	ssyncpa.u1 $0x0;
	s6 =	sadd.s32 s6, s7  }
0xa: {  	s8 =	simm.s32 $0x800;
	s11 =	smov.u32 s3;
	s7 =	sadd.s32 $0x1, s6  }
.LBB1_7:
0xb: {  	s16 =	sadd.s32 $0x20, s11  }
0xc: {  	s14 =	sadd.s32 $0x10, s12;
	s18 =	smov.u32 s12;
	p1 =	sgt.s32 s16, $0x1FF  }
0xd: {  	s18 =	smov.u32 @p1 s14  }
0xe: {  	s16 =	smov.u32 @p1 s3;
	p1 =	sgt.s32 s18, $0xF  }
0xf: {  	s18 =	smov.u32 @p1 s2;
	p1 =	sne.s32 s13, s7  }
.Ltmp1:
0x10: {  	p0 =	slt.u32 s13, $0x2;
	(pc) =	sbr.rel @!p1 .LBB1_8-.Ltmp1, $4  }
0x11: {  	s17 =	simm.s32 @!p0 $0x2  }
0x12: {  	s15 =	smov.u32 s12;
	s10 =	sadd.s32 $0x4000, s10;
	_ =	swait.ge @!p0 [sflag:s17], $0x4000  }
0x13: {  	s14 =	smov.u32 s11;
	[sflag:s17] =	ssyncset.done @!p0 $0x0;
	s11 =	smov.u32 s16  }
0x14: {  	s13 =	sadd.s32 $0x1, s13;
	[sflag:s17] =	ssyncadd.s32 @!p0 $0xFFFFC000;
	s12 =	smov.u32 s18  }
.LBB1_1:
0x15: {  	p0 =	sge.u32 s13, s6  }
0x16: {  	s31 =	sadd.s32 $0xFFFFFFFF, s13;
	s16 =	sxor.u32 @!p0 $0xFFFFFFFF, s13;
	s17 =	sshll.u32 @!p0 s12, $0x10  }
0x17: {  	s18 =	sshll.u32 @!p0 s11, $0x7;
	s16 =	sshll.u32 @!p0 s16, $0xE;
	s17 =	sadd.s32 @!p0 s1, s17  }
0x18: {  	s16 =	sand.u32 @!p0 $0x4000, s16;
	s17 =	sadd.s32 @!p0 s18, s17;
	s18 =	simm.s32 @!p0 $0x0  }
0x19: {  	[tilespmem:s16], [sflag:$0x1] =	stream.linear.gather @!p0 [hbm4b:s17+s18], $0x4000, $0x38;
	[tilespmem:$0x10000] =	vst v63  }
0x1a: {  	p0 =	sge.u32 s31, s6  }
.Ltmp2:
0x1b: {  	_ = 	snop;
	(pc) =	sbr.rel @p0 .LBB1_7-.Ltmp2, $1  }
0x1c: {  	_ =	sdelay $0x3  }
0x1d: {  	s17 =	sand.u32 $0x4000, s10  }
0x1e: {  	_ =	swait.ge [sflag:s5], $0x4000;
	s19 =	sshll.u32 s13, $0xE;
	s16 =	sor.u32 $0x8040, s17  }
0x1f: {  	s18 =	sor.u32 $0x40, s17;
	[sflag:s5] =	ssyncset.done $0x0;
	s31 =	sand.u32 $0x4000, s19  }
0x20: {  	s19 =	simm.s32 $0x0;
	[sflag:s5] =	ssyncadd.s32 $0xFFFFC000;
	s17 =	sor.u32 $0x8000, s31  }
.LBB1_3:
0x21: {  	v0 =	vmov s18;
	_ =	sdelay $0x3  }
0x22: {  	s21 =	simm.s32 $0x0  }
0x23: {  	v6 =	vld.idx.msk [tilespmem:v0+s21+$0x30 ss:$0x1], $0xffff  }
0x24: {  	v7 =	vld.idx.msk [tilespmem:v0+s21+$0xFFFFFFC0 ss:$0x1], $0xffff  }
0x25: {  	v5 =	vld.idx.msk [tilespmem:v0+s21+$0xFFFFFFD0 ss:$0x1], $0xffff  }
0x26: {  	v4 =	vld.idx.msk [tilespmem:v0+s21+$0xFFFFFFE0 ss:$0x1], $0xffff  }
0x27: {  	v3 =	vld.idx.msk [tilespmem:v0+s21+$0xFFFFFFF0 ss:$0x1], $0xffff  }
0x28: {  	v1 =	vld.idx.msk [tilespmem:v0+s21+$0x0 ss:$0x1], $0xffff  }
0x29: {  	v2 =	vld.idx.msk [tilespmem:v0+s21+$0x10 ss:$0x1], $0xffff;
	[tilespmem:s16+$0x30] =	vst v6  }
0x2a: {  	s20 =	simm.s32 $0x80;
	s22 =	simm.s32 $0x400;
	[tilespmem:s16+$0xFFFFFFC0] =	vst v7;
	v6 =	vld.idx.msk [tilespmem:v0+s21+$0x20 ss:$0x1], $0xffff;
	s21 =	smov.u32 s16  }
.LBB1_4:
0x2b: {  	p0 =	sne.s32 s22, $0xE00;
	v7 =	vld.idx.msk [tilespmem:v0+s20+$0x30 ss:$0x1], $0xffff;
	[tilespmem:s21+$0xFFFFFFD0] =	vst v5  }
0x2c: {  	v8 =	vld.idx.msk [tilespmem:v0+s20+$0xFFFFFFC0 ss:$0x1], $0xffff;
	[tilespmem:s21+$0xFFFFFFE0] =	vst v4  }
0x2d: {  	v5 =	vld.idx.msk [tilespmem:v0+s20+$0xFFFFFFD0 ss:$0x1], $0xffff;
	[tilespmem:s21+$0xFFFFFFF0] =	vst v3  }
.Ltmp3:
0x2e: {  	v4 =	vld.idx.msk [tilespmem:v0+s20+$0xFFFFFFE0 ss:$0x1], $0xffff;
	[tilespmem:s21+$0x0] =	vst v1;
	(pc) =	sbr.rel @p0 .LBB1_4-.Ltmp3, $4  }
0x2f: {  	v3 =	vld.idx.msk [tilespmem:v0+s20+$0xFFFFFFF0 ss:$0x1], $0xffff;
	[tilespmem:s21+$0x10] =	vst v2  }
0x30: {  	v1 =	vld.idx.msk [tilespmem:v0+s20+$0x0 ss:$0x1], $0xffff;
	[tilespmem:s21+$0x20] =	vst v6;
	s21 =	sadd.s32 $0x800, s21  }
0x31: {  	v2 =	vld.idx.msk [tilespmem:v0+s20+$0x10 ss:$0x1], $0xffff;
	[tilespmem:s21+$0x30] =	vst v7  }
0x32: {  	[tilespmem:s21+$0xFFFFFFC0] =	vst v8;
	v6 =	vld.idx.msk [tilespmem:v0+s20+$0x20 ss:$0x1], $0xffff;
	s20 =	sshra.s32 s22, $0x2;
	s22 =	sadd.s32 $0x200, s22  }
0x33: {  	_ =	sdelay $0x2  }
0x34: {  	[tilespmem:s21+$0xFFFFFFD0] =	vst v5  }
0x35: {  	v56 =	vld.idx.msk [tilespmem:v0+s20+$0x30 ss:$0x1], $0xffff;
	[tilespmem:s21+$0xFFFFFFE0] =	vst v4  }
0x36: {  	v57 =	vld.idx.msk [tilespmem:v0+s20+$0xFFFFFFC0 ss:$0x1], $0xffff;
	[tilespmem:s21+$0xFFFFFFF0] =	vst v3  }
0x37: {  	v58 =	vld.idx.msk [tilespmem:v0+s20+$0xFFFFFFD0 ss:$0x1], $0xffff;
	[tilespmem:s21+$0x0] =	vst v1  }
0x38: {  	v59 =	vld.idx.msk [tilespmem:v0+s20+$0xFFFFFFE0 ss:$0x1], $0xffff;
	[tilespmem:s21+$0x10] =	vst v2  }
0x39: {  	v60 =	vld.idx.msk [tilespmem:v0+s20+$0xFFFFFFF0 ss:$0x1], $0xffff;
	s31 =	sadd.s32 $0x800, s21;
	[tilespmem:s21+$0x20] =	vst v6  }
0x3a: {  	v61 =	vld.idx.msk [tilespmem:v0+s20+$0x0 ss:$0x1], $0xffff;
	[tilespmem:s31+$0x30] =	vst v56  }
0x3b: {  	v62 =	vld.idx.msk [tilespmem:v0+s20+$0x10 ss:$0x1], $0xffff;
	s19 =	sadd.s32 $0x1, s19;
	[tilespmem:s31+$0xFFFFFFC0] =	vst v57  }
0x3c: {  	v63 =	vld.idx.msk [tilespmem:v0+s20+$0x20 ss:$0x1], $0xffff;
	p0 =	sne.s32 s19, $0x10;
	[tilespmem:s31+$0xFFFFFFD0] =	vst v58  }
.Ltmp4:
0x3d: {  	[tilespmem:s31+$0xFFFFFFE0] =	vst v59;
	(pc) =	sbr.rel @p0 .LBB1_3-.Ltmp4, $4  }
0x3e: {  	[tilespmem:s31+$0xFFFFFFF0] =	vst v60  }
0x3f: {  	[tilespmem:s31+$0x0] =	vst v61  }
0x40: {  	[tilespmem:s31+$0x10] =	vst v62  }
0x41: {  	s16 =	sadd.s32 $0x80, s16;
	s18 =	sadd.s32 $0x400, s18;
	[tilespmem:s31+$0x20] =	vst v63  }
.Ltmp5:
0x42: {  	(pc) =	sbr.rel .LBB1_7-.Ltmp5, $4  }
0x43: {  	s15 =	sshll.u32 s15, $0x10;
	s14 =	sshll.u32 s14, $0x4  }
0x44: {  	s14 =	sand.u32 $0x1FF0, s14;
	s15 =	sadd.s32 s4, s15  }
0x45: {  	s14 =	sadd.s32 s14, s15  }
0x46: {  	[hbm4b:s14+s8] =	stream.strided.scatter [tilespmem:s17], [sflag:$0x2], $0x4000, s9, s8, $0x38;
	[tilespmem:$0x10000] =	vst v63  }
.LBB1_8:
0x47: {  	_ =	sfence.sel $0x180000  }
0x48: {  	s1 =	simm.s32 $0x1;
	[bflag:$0x0] =	sbarrier.arrive $0xFFFF  }
0x49: {  	s31 =	simm.s32 $0x2;
	[sflag:s1] =	ssyncpa.u1 $0x1  }
0x4a: {  	[sflag:s31] =	ssyncpa.u1 $0x1  }
0x4b: {  	p0 =	sne.s32 s2, $0x0;
	_ =	strace $0x90000047  }
0x4c: {  	s0 =	sadd.s32 @!p0 $0x100000, s0;
	[bflag:$0x2] =	sbarrier.arrive $0xFFFF  }
0x4d: {  	[sflag:s0] =	ssyncadd.tile.s32 @!p0 $0x1;
	_ =	shalt  }
.Lfunc_end1:
_tile_overlayer_lowered:
.L_overlay_start_2:
0x4e: {  	(tag) =	ssettag $0x2  }
0x4f: {  	s0 =	rddreg [dreg:$0x0];
	s2 =	stileid.u32  }
0x50: {  	s1 =	rddreg [dreg:$0x1];
	p0 =	sne.s32 s2, $0x0  }
0x51: {  	s3 =	rddreg [dreg:$0x2];
	[bflag:$0x3] =	sbarrier.arrive $0xFFFF;
	s2 =	simm.s32 @!p0 $0x1C01  }
0x52: {  	[timem:s3], [sflag:s2] =	dma.local @!p0 [hbm:s0], s1  }
0x53: {  	s0 =	simm.s32 @!p0 $0x1  }
0x54: {  	_ =	swait.ge @!p0 [sflag:s0], s1  }
0x55: {  	s1 =	ssub.s32 @!p0 $0x0, s1;
	[sflag:s0] =	ssyncset.done @!p0 $0x0  }
0x56: {  	[sflag:s0] =	ssyncadd.s32 @!p0 s1  }
0x57: {  	[bflag:$0x3] =	sbarrier.arrive $0xFFFF  }
0x58: {  	_ =	shalt  }

</sc_bundles>
